<compile_context>
chip_gen: v7x
topology: tpu7x:2x2x1
jax: 0.10.2.dev20260603
libtpu: 0.0.44.dev20260713+nightly
codegen_flags: <defaults>
</compile_context>

<pallas_src>
import functools
from functools import partial

import jax
import jax.numpy as jnp
import numpy as np
from jax.experimental import pallas as pl
from jax.experimental.pallas import tpu as pltpu
from jax.experimental.pallas import tpu_sc as plsc

_B, _N, _JOINTS = 8, 1024, 3


def _fold_cbr(l):
    s = l['g'] / jnp.sqrt(l['v'] + 1e-5)
    return l['W'] * s[None, :], (l['b'] - l['m']) * s + l['be']


def _fold_lin_bn(lin, bn):
    s = bn['g'] / jnp.sqrt(bn['v'] + 1e-5)
    return lin['W'] * s[None, :], (lin['b'] - bn['m']) * s + bn['be']



def _fps_body(S, x_ref, out_ref, dist_ref, oh_ref):
    B, _, N = x_ref.shape
    iota = jax.lax.broadcasted_iota(jnp.int32, (B, N), 1)
    dist_ref[...] = jnp.full((B, N), 1e10, jnp.float32)
    oh_ref[...] = (iota == 0).astype(jnp.float32)

    def step(i, _):
        oh = oh_ref[...]
        x0 = x_ref[:, 0, :]
        x1 = x_ref[:, 1, :]
        x2 = x_ref[:, 2, :]
        c0 = jnp.sum(oh * x0, axis=1, keepdims=True)
        c1 = jnp.sum(oh * x1, axis=1, keepdims=True)
        c2 = jnp.sum(oh * x2, axis=1, keepdims=True)
        cent = jnp.concatenate(
            [c0, c1, c2, jnp.zeros((B, 5), jnp.float32)], axis=1)
        out_ref[pl.ds(i, 1), :, :] = cent[None]
        d = (x0 - c0) ** 2 + (x1 - c1) ** 2 + (x2 - c2) ** 2
        dist = jnp.minimum(dist_ref[...], d)
        dist_ref[...] = dist
        m = jnp.max(dist, axis=1, keepdims=True)
        cand = jnp.where(dist == m, iota, N)
        far = jnp.min(cand, axis=1, keepdims=True)
        oh_ref[...] = (iota == far).astype(jnp.float32)
        return 0

    jax.lax.fori_loop(0, S, step, 0)


def _fps(xpad, S):
    B, _, N = xpad.shape
    return pl.pallas_call(
        partial(_fps_body, S),
        out_shape=jax.ShapeDtypeStruct((S, B, 8), jnp.float32),
        scratch_shapes=[pltpu.VMEM((B, N), jnp.float32),
                        pltpu.VMEM((B, N), jnp.float32)],
    )(xpad)



def _proj1_body(x_ref, nx_ref, w_ref, b_ref, p_ref, c_ref):
    p_ref[0] = jnp.dot(x_ref[0], w_ref[...],
                       preferred_element_type=jnp.float32) + b_ref[...]
    c_ref[0] = jnp.dot(nx_ref[0], w_ref[...],
                       preferred_element_type=jnp.float32)


def _proj2_body(f_ref, x_ref, nx_ref, wf_ref, wx_ref, b_ref, p_ref, c_ref):
    p = jnp.dot(f_ref[0], wf_ref[...], preferred_element_type=jnp.float32)
    p = p + jnp.dot(x_ref[0], wx_ref[...], preferred_element_type=jnp.float32)
    p_ref[0] = p + b_ref[...]
    c_ref[0] = jnp.dot(nx_ref[0], wx_ref[...],
                       preferred_element_type=jnp.float32)


def _project(feats, xrow, nxrow, Wf, Wx, b):
    B, N, _ = xrow.shape
    S = nxrow.shape[1]
    H = Wx.shape[1]
    if feats is None:
        grid = (B,)
        return pl.pallas_call(
            _proj1_body,
            grid=grid,
            in_specs=[
                pl.BlockSpec((1, N, 8), lambda b_: (b_, 0, 0)),
                pl.BlockSpec((1, S, 8), lambda b_: (b_, 0, 0)),
                pl.BlockSpec((8, H), lambda b_: (0, 0)),
                pl.BlockSpec((1, H), lambda b_: (0, 0)),
            ],
            out_specs=[
                pl.BlockSpec((1, N, H), lambda b_: (b_, 0, 0)),
                pl.BlockSpec((1, S, H), lambda b_: (b_, 0, 0)),
            ],
            out_shape=[
                jax.ShapeDtypeStruct((B, N, H), jnp.float32),
                jax.ShapeDtypeStruct((B, S, H), jnp.float32),
            ],
        )(xrow, nxrow, Wx, b)
    Cf = feats.shape[2]
    return pl.pallas_call(
        _proj2_body,
        grid=(B,),
        in_specs=[
            pl.BlockSpec((1, N, Cf), lambda b_: (b_, 0, 0)),
            pl.BlockSpec((1, N, 8), lambda b_: (b_, 0, 0)),
            pl.BlockSpec((1, S, 8), lambda b_: (b_, 0, 0)),
            pl.BlockSpec((Cf, H), lambda b_: (0, 0)),
            pl.BlockSpec((8, H), lambda b_: (0, 0)),
            pl.BlockSpec((1, H), lambda b_: (0, 0)),
        ],
        out_specs=[
            pl.BlockSpec((1, N, H), lambda b_: (b_, 0, 0)),
            pl.BlockSpec((1, S, H), lambda b_: (b_, 0, 0)),
        ],
        out_shape=[
            jax.ShapeDtypeStruct((B, N, H), jnp.float32),
            jax.ShapeDtypeStruct((B, S, H), jnp.float32),
        ],
    )(feats, xrow, nxrow, Wf, Wx, b)



def _dist_body(nx_ref, xt_ref, out_ref):
    nx = nx_ref[0]
    xt = xt_ref[0]
    out_ref[0] = (jnp.sum(nx * nx, axis=1, keepdims=True)
                  + jnp.sum(xt * xt, axis=0, keepdims=True)
                  - 2.0 * jnp.dot(nx, xt, preferred_element_type=jnp.float32))


def _dist(nxrow, xt):
    B, S, _ = nxrow.shape
    N = xt.shape[2]
    return pl.pallas_call(
        _dist_body,
        grid=(B,),
        in_specs=[pl.BlockSpec((1, S, 8), lambda b_: (b_, 0, 0)),
                  pl.BlockSpec((1, 8, N), lambda b_: (b_, 0, 0))],
        out_specs=pl.BlockSpec((1, S, N), lambda b_: (b_, 0, 0)),
        out_shape=jax.ShapeDtypeStruct((B, S, N), jnp.float32),
    )(nxrow, xt)



_SC_NC, _SC_NS = 2, 16
_SC_NW = _SC_NC * _SC_NS


def _sc_select_gather(dist, P2, r2, K, S, H1):
    ROWS, N = dist.shape
    G = max(1, 128 // K)
    IDXW = G * K
    gpw = (ROWS // G) // _SC_NW
    mesh = plsc.VectorSubcoreMesh(core_axis_name="c", subcore_axis_name="s")

    @functools.partial(
        pl.kernel, mesh=mesh,
        compiler_params=pltpu.CompilerParams(needs_layout_passes=False),
        out_type=jax.ShapeDtypeStruct((ROWS * K, H1), jnp.float32),
        scratch_types=[
            pltpu.VMEM((G * N,), jnp.float32),
            pltpu.VMEM((K + 16,), jnp.int32),
            pltpu.VMEM((IDXW,), jnp.int32),
            pltpu.VMEM((IDXW, H1), jnp.float32),
            pltpu.SemaphoreType.DMA,
        ],
    )
    def k(dist_hbm, p_hbm, out_hbm, dbuf, cbuf, ibuf, rbuf, sem):
        wid = jax.lax.axis_index("s") * _SC_NC + jax.lax.axis_index("c")
        iota16 = jax.lax.broadcasted_iota(jnp.int32, (16,), 0)

        def group_body(gi, _):
            grp = wid * gpw + gi
            row0 = grp * G
            pltpu.sync_copy(dist_hbm.at[pl.ds(row0 * N, G * N)], dbuf)
            for g in range(G):
                row = row0 + g
                base_pt = (row // S) * N

                def body(i, carry):
                    off, fmin = carry
                    d16 = dbuf[pl.ds(g * N + i * 16, 16)]
                    m = d16 <= r2
                    mi = m.astype(jnp.int32)
                    pos = off + plsc.cumsum(mi) - 1
                    m2 = jnp.logical_and(m, pos < K)
                    pos = jnp.clip(jnp.where(m2, pos, 0), 0, K - 1)
                    gidx = base_pt + i * 16 + iota16
                    plsc.store_scatter(cbuf, [pos], gidx, mask=m2)
                    fmin = jnp.minimum(
                        fmin, jnp.min(jnp.where(m, gidx, jnp.int32(2 ** 30))))
                    return (off + jnp.sum(mi), fmin)

                total, first = jax.lax.fori_loop(
                    0, N // 16, body, (jnp.int32(0), jnp.int32(2 ** 30)))
                first = jnp.clip(first, base_pt, base_pt + N - 1)
                count = jnp.clip(total, 0, K)
                for j in range(K // 16):
                    lane = j * 16 + iota16
                    cur = cbuf[pl.ds(j * 16, 16)]
                    ibuf[pl.ds(g * K + j * 16, 16)] = jnp.where(
                        lane < count, cur, first)
            pltpu.async_copy(p_hbm.at[ibuf], rbuf, sem).wait()
            pltpu.sync_copy(rbuf, out_hbm.at[pl.ds(row0 * K, IDXW)])
            return 0

        jax.lax.fori_loop(0, gpw, group_body, 0)

    return k(dist.reshape(ROWS * N), P2)



def _mlp_body(K, Sb, g_ref, cp_ref, w2_ref, b2_ref, w3_ref, b3_ref, out_ref):
    H1 = cp_ref.shape[2]
    g = g_ref[0]
    cp = jnp.broadcast_to(cp_ref[0].reshape(Sb, 1, H1),
                          (Sb, K, H1)).reshape(Sb * K, H1)
    z = jax.nn.relu(g - cp)
    z = jax.nn.relu(jnp.dot(z, w2_ref[...],
                            preferred_element_type=jnp.float32) + b2_ref[...])
    z = jax.nn.relu(jnp.dot(z, w3_ref[...],
                            preferred_element_type=jnp.float32) + b3_ref[...])
    H3 = z.shape[1]
    out_ref[0] = jnp.max(z.reshape(Sb, K, H3), axis=1)


def _mlp_branch(gath, C, W2, b2, W3, b3, K, Sb):
    B, S, H1 = C.shape
    H2 = W2.shape[1]
    H3 = W3.shape[1]
    return pl.pallas_call(
        partial(_mlp_body, K, Sb),
        grid=(B, S // Sb),
        in_specs=[
            pl.BlockSpec((1, Sb * K, H1), lambda b_, s_: (b_, s_, 0)),
            pl.BlockSpec((1, Sb, H1), lambda b_, s_: (b_, s_, 0)),
            pl.BlockSpec((H1, H2), lambda b_, s_: (0, 0)),
            pl.BlockSpec((1, H2), lambda b_, s_: (0, 0)),
            pl.BlockSpec((H2, H3), lambda b_, s_: (0, 0)),
            pl.BlockSpec((1, H3), lambda b_, s_: (0, 0)),
        ],
        out_specs=pl.BlockSpec((1, Sb, H3), lambda b_, s_: (b_, s_, 0)),
        out_shape=jax.ShapeDtypeStruct((B, S, H3), jnp.float32),
    )(gath, C, W2, b2, W3, b3)



def _sa3_body(g_ref, w1_ref, b1_ref, w2_ref, b2_ref, w3_ref, b3_ref, out_ref):
    z = jax.nn.relu(jnp.dot(g_ref[0], w1_ref[...],
                            preferred_element_type=jnp.float32) + b1_ref[...])
    z = jax.nn.relu(jnp.dot(z, w2_ref[...],
                            preferred_element_type=jnp.float32) + b2_ref[...])
    z = jax.nn.relu(jnp.dot(z, w3_ref[...],
                            preferred_element_type=jnp.float32) + b3_ref[...])
    out_ref[0] = jnp.max(z, axis=0, keepdims=True)


def _sa3(g, W1, b1, W2, b2, W3, b3):
    B, S, Cin = g.shape
    H1, H2, H3 = W1.shape[1], W2.shape[1], W3.shape[1]
    return pl.pallas_call(
        _sa3_body,
        grid=(B,),
        in_specs=[
            pl.BlockSpec((1, S, Cin), lambda b_: (b_, 0, 0)),
            pl.BlockSpec((Cin, H1), lambda b_: (0, 0)),
            pl.BlockSpec((1, H1), lambda b_: (0, 0)),
            pl.BlockSpec((H1, H2), lambda b_: (0, 0)),
            pl.BlockSpec((1, H2), lambda b_: (0, 0)),
            pl.BlockSpec((H2, H3), lambda b_: (0, 0)),
            pl.BlockSpec((1, H3), lambda b_: (0, 0)),
        ],
        out_specs=pl.BlockSpec((1, 1, H3), lambda b_: (b_, 0, 0)),
        out_shape=jax.ShapeDtypeStruct((B, 1, H3), jnp.float32),
    )(g, W1, b1, W2, b2, W3, b3)[:, 0, :]


def _fc_body(x_ref, w1_ref, b1_ref, w2_ref, b2_ref, wt_ref, bt_ref,
             wa_ref, ba_ref, trs_ref, axes_ref):
    z = jax.nn.relu(jnp.dot(x_ref[...], w1_ref[...],
                            preferred_element_type=jnp.float32) + b1_ref[...])
    z = jax.nn.relu(jnp.dot(z, w2_ref[...],
                            preferred_element_type=jnp.float32) + b2_ref[...])
    trs_ref[...] = jnp.dot(z, wt_ref[...],
                           preferred_element_type=jnp.float32) + bt_ref[...]
    a = jnp.dot(z, wa_ref[...], preferred_element_type=jnp.float32) + ba_ref[...]
    tp = (1.0 / (1.0 + jnp.exp(-a))) * (2.0 * np.pi)
    t = tp[:, 0:3]
    ph = tp[:, 3:6]
    st, ct = jnp.sin(t), jnp.cos(t)
    sp, cp = jnp.sin(ph), jnp.cos(ph)
    axes_ref[...] = jnp.concatenate([st * cp, st * sp, ct], axis=1)


def _fc(x, W1, b1, W2, b2, Wt, bt, Wa, ba):
    B = x.shape[0]
    return pl.pallas_call(
        _fc_body,
        out_shape=[jax.ShapeDtypeStruct((B, 3 * _JOINTS), jnp.float32),
                   jax.ShapeDtypeStruct((B, 3 * _JOINTS), jnp.float32)],
    )(x, W1, b1, W2, b2, Wt, bt, Wa, ba)



_SA1 = dict(S=512, radii=(0.1, 0.2, 0.4), ks=(16, 32, 128), sbs=(64, 32, 8))
_SA2 = dict(S=128, radii=(0.2, 0.4, 0.8), ks=(32, 64, 128), sbs=(32, 16, 8))


def _sa_level(xpad_t, xrow, feats, S, radii, ks, sbs, branches):
    B = xpad_t.shape[0]
    N = xpad_t.shape[2]
    cent = _fps(xpad_t, S)
    nxrow = jnp.transpose(cent, (1, 0, 2))

    w1s, b1s, offs = [], [], [0]
    for layers in branches:
        W, b = _fold_cbr(layers[0])
        w1s.append(W)
        b1s.append(b)
        offs.append(offs[-1] + W.shape[1])
    Wcat = jnp.concatenate(w1s, axis=1)
    bcat = jnp.concatenate(b1s)[None, :]
    Cin = Wcat.shape[0]
    Wx = Wcat[Cin - 3:, :]
    Wxp = jnp.concatenate([Wx, jnp.zeros((5, Wx.shape[1]), jnp.float32)], 0)
    if feats is None:
        P, C = _project(None, xrow, nxrow, None, Wxp, bcat)
    else:
        Wf = Wcat[:Cin - 3, :]
        P, C = _project(feats, xrow, nxrow, Wf, Wxp, bcat)

    dist = _dist(nxrow, xpad_t).reshape(B * S, N)
    outs = []
    for i, layers in enumerate(branches):
        W2, b2 = _fold_cbr(layers[1])
        W3, b3 = _fold_cbr(layers[2])
        H1 = offs[i + 1] - offs[i]
        pad = 128 - H1
        Pi = P[:, :, offs[i]:offs[i + 1]]
        Ci = C[:, :, offs[i]:offs[i + 1]]
        if pad:
            Pi = jnp.concatenate(
                [Pi, jnp.zeros((B, N, pad), jnp.float32)], axis=2)
            Ci = jnp.concatenate(
                [Ci, jnp.zeros((B, S, pad), jnp.float32)], axis=2)
            W2 = jnp.concatenate(
                [W2, jnp.zeros((pad, W2.shape[1]), jnp.float32)], axis=0)
        gath = _sc_select_gather(dist, Pi.reshape(B * N, 128),
                                 radii[i] ** 2, ks[i], S, 128)
        o = _mlp_branch(gath.reshape(B, S * ks[i], 128), Ci,
                        W2, b2[None, :], W3, b3[None, :], ks[i], sbs[i])
        outs.append(o)
    return cent, nxrow, jnp.concatenate(outs, axis=-1)


def kernel(xyz, params):
    B, _, N = xyz.shape
    xpad1 = jnp.concatenate(
        [xyz, jnp.zeros((B, 5, N), jnp.float32)], axis=1)
    xrow1 = jnp.transpose(xpad1, (0, 2, 1))

    cent1, nx1row, l1_feat = _sa_level(
        xpad1, xrow1, None, _SA1['S'], _SA1['radii'], _SA1['ks'],
        _SA1['sbs'], params['sa1'])

    xpad2 = jnp.transpose(cent1, (1, 2, 0))
    cent2, nx2row, l2_feat = _sa_level(
        xpad2, nx1row, l1_feat, _SA2['S'], _SA2['radii'], _SA2['ks'],
        _SA2['sbs'], params['sa2'])

    l2_xyz = nx2row[:, :, :3]
    g = jnp.concatenate([l2_xyz, l2_feat], axis=-1)
    pad = (-g.shape[2]) % 8
    gpad = jnp.concatenate(
        [g, jnp.zeros((B, g.shape[1], pad), jnp.float32)], axis=2)
    sa3 = params['sa3']
    Ws, bs = zip(*[_fold_cbr(l) for l in sa3])
    W1 = jnp.concatenate([Ws[0], jnp.zeros((pad, Ws[0].shape[1]),
                                           jnp.float32)], 0)
    x = _sa3(gpad, W1, bs[0][None], Ws[1], bs[1][None], Ws[2], bs[2][None])

    Wf1, bf1 = _fold_lin_bn(params['fc1'], params['bn1'])
    Wf2, bf2 = _fold_lin_bn(params['fc2'], params['bn2'])
    Wa = params['fc3_axis']['W']
    ba = params['fc3_axis']['b']
    perm = np.array([0, 2, 4, 1, 3, 5])
    trs, axes_cat = _fc(x, Wf1, bf1[None], Wf2, bf2[None],
                        params['fc3_tr']['W'], params['fc3_tr']['b'][None],
                        Wa[:, perm], ba[perm][None])
    axes = jnp.transpose(axes_cat.reshape(B, 3, _JOINTS),
                         (0, 2, 1)).reshape(B, 3 * _JOINTS)
    l3_points = x[:, :, None]
    return (trs, axes, l3_points)

# --- scband reference (transcript-rebuilt; emitter-appended) ---
"""Pipeline reference for scband-point-net2-43645457662639 (READ-ONLY COPY).

The authoritative reference and input builder live on the scoring server;
editing this copy changes nothing except your own understanding.
"""

import jax, jax.numpy as jnp
import numpy as np

B, N, JOINTS = 8, 1024, 3
SA1_MLPS = [[32, 32, 64], [64, 64, 128], [64, 96, 128]]
SA2_MLPS = [[64, 64, 128], [128, 128, 256], [128, 128, 256]]
SA3_MLP = [256, 512, 1024]


def _init_params(key):
    cnt = [0]
    def nk():
        cnt[0] += 1
        return jax.random.fold_in(key, cnt[0])
    def conv_layer(cin, cout):
        return {'W': jax.random.normal(nk(), (cin, cout), jnp.float32) * 0.02,
                'b': jnp.zeros((cout,), jnp.float32),
                'g': jnp.ones((cout,), jnp.float32), 'be': jnp.zeros((cout,), jnp.float32),
                'm': jnp.zeros((cout,), jnp.float32), 'v': jnp.ones((cout,), jnp.float32)}
    def branch(cin, mlp):
        last = cin + 3
        ls = []
        for c in mlp:
            ls.append(conv_layer(last, c))
            last = c
        return ls
    def lin(cin, cout):
        return {'W': jax.random.normal(nk(), (cin, cout), jnp.float32) * 0.02,
                'b': jnp.zeros((cout,), jnp.float32)}
    def bnp(c):
        return {'g': jnp.ones((c,), jnp.float32), 'be': jnp.zeros((c,), jnp.float32),
                'm': jnp.zeros((c,), jnp.float32), 'v': jnp.ones((c,), jnp.float32)}
    p = {}
    p['sa1'] = [branch(0, m) for m in SA1_MLPS]
    p['sa2'] = [branch(320, m) for m in SA2_MLPS]
    sa3 = []
    last = 640 + 3
    for c in SA3_MLP:
        sa3.append(conv_layer(last, c))
        last = c
    p['sa3'] = sa3
    p['fc1'] = lin(1024, 512); p['bn1'] = bnp(512)
    p['fc2'] = lin(512, 256); p['bn2'] = bnp(256)
    p['fc3_tr'] = lin(256, 3 * JOINTS)
    p['fc3_axis'] = lin(256, 2 * JOINTS)
    return p


def _square_distance(src, dst):
    return (jnp.sum(src ** 2, -1)[:, :, None] + jnp.sum(dst ** 2, -1)[:, None, :]
            - 2.0 * jnp.einsum('bmc,bnc->bmn', src, dst))


def _index_points(points, idx):
    Bn = points.shape[0]
    batch = jnp.arange(Bn).reshape((Bn,) + (1,) * (idx.ndim - 1))
    return points[batch, idx]


def _farthest_point_sample(xyz, npoint):
    Bn, Nn, _ = xyz.shape
    def body(carry, _):
        distance, farthest = carry
        centroid = _index_points(xyz, farthest[:, None])
        d = jnp.sum((xyz - centroid) ** 2, -1)
        distance = jnp.minimum(distance, d)
        return (distance, jnp.argmax(distance, -1).astype(jnp.int32)), farthest
    init = (jnp.full((Bn, Nn), 1e10, jnp.float32), jnp.zeros((Bn,), jnp.int32))
    _, idx = jax.lax.scan(body, init, None, length=npoint)
    return jnp.transpose(idx, (1, 0))


def _query_ball(radius, nsample, xyz, new_xyz):
    Bn, S, _ = new_xyz.shape
    Nn = xyz.shape[1]
    sqr = _square_distance(new_xyz, xyz)
    gi = jnp.broadcast_to(jnp.arange(Nn, dtype=jnp.int32), (Bn, S, Nn))
    gi = jnp.where(sqr > radius ** 2, Nn, gi)
    gi = jnp.sort(gi, axis=-1)[:, :, :nsample]
    first = jnp.broadcast_to(gi[:, :, :1], gi.shape)
    return jnp.where(gi == Nn, first, gi)


def _cbr(x, l):
    x = x @ l['W'] + l['b']
    x = (x - l['m']) / jnp.sqrt(l['v'] + 1e-5) * l['g'] + l['be']
    return jax.nn.relu(x)


def _sa_msg(xyz, points, npoint, radii, ks, branches):
    fps_idx = _farthest_point_sample(xyz, npoint)
    new_xyz = _index_points(xyz, fps_idx)
    outs = []
    for radius, K, layers in zip(radii, ks, branches):
        gidx = _query_ball(radius, K, xyz, new_xyz)
        grouped_xyz = _index_points(xyz, gidx) - new_xyz[:, :, None, :]
        if points is not None:
            grouped = jnp.concatenate([_index_points(points, gidx), grouped_xyz], axis=-1)
        else:
            grouped = grouped_xyz
        for l in layers:
            grouped = _cbr(grouped, l)
        outs.append(jnp.max(grouped, axis=2))
    return new_xyz, jnp.concatenate(outs, axis=-1)


def _bn1d(x, p):
    return (x - p['m']) / jnp.sqrt(p['v'] + 1e-5) * p['g'] + p['be']


def _forward(xyz, p):
    pts = jnp.transpose(xyz, (0, 2, 1))
    l1_xyz, l1_feat = _sa_msg(pts, None, 512, [0.1, 0.2, 0.4], [16, 32, 128], p['sa1'])
    l2_xyz, l2_feat = _sa_msg(l1_xyz, l1_feat, 128, [0.2, 0.4, 0.8], [32, 64, 128], p['sa2'])
    g = jnp.concatenate([l2_xyz, l2_feat], axis=-1)[:, None, :, :]
    for l in p['sa3']:
        g = _cbr(g, l)
    l3 = jnp.max(g, axis=2)
    x = l3.reshape(xyz.shape[0], 1024)
    l3_points = jnp.transpose(l3, (0, 2, 1))
    x = jax.nn.relu(_bn1d(x @ p['fc1']['W'] + p['fc1']['b'], p['bn1']))
    x = jax.nn.relu(_bn1d(x @ p['fc2']['W'] + p['fc2']['b'], p['bn2']))
    trs = x @ p['fc3_tr']['W'] + p['fc3_tr']['b']
    tp = jax.nn.sigmoid(x @ p['fc3_axis']['W'] + p['fc3_axis']['b']) * 2.0 * np.pi
    axes = []
    for j in range(JOINTS):
        t = tp[:, 2 * j]
        ph = tp[:, 2 * j + 1]
        axes.append(jnp.stack([jnp.sin(t) * jnp.cos(ph), jnp.sin(t) * jnp.sin(ph), jnp.cos(t)], axis=-1))
    axes = jnp.concatenate(axes, axis=-1)
    return (trs, axes, l3_points)


def setup_inputs(seed: int = 0):
    key = jax.random.key(seed)
    xyz = jax.random.normal(jax.random.fold_in(key, 0), (B, 3, N), jnp.float32)
    params = _init_params(jax.random.fold_in(key, 1))
    return {'xyz': xyz, 'params': params}


def reference(xyz, params):
    return _forward(xyz, params)

if __name__ == "__main__":
    import jax
    _d = setup_inputs()
    print(jax.jit(kernel)(*tuple(_d.values())))

</pallas_src>

<mosaic_0001>
#map = affine_map<(d0, d1) -> (0)>
#map1 = affine_map<(d0, d1) -> (0, 0)>
module attributes {stable_mosaic.version = 14 : i64} {
  func.func @k(%arg0: i32, %arg1: i32, %arg2: memref<4194304xf32, #tpu.memory_space<hbm>>, %arg3: memref<8192x128xf32, #tpu.memory_space<hbm>>, %arg4: memref<65536x128xf32, #tpu.memory_space<hbm>>, %arg5: memref<8192xf32, #tpu.memory_space<vmem>>, %arg6: memref<32xi32, #tpu.memory_space<vmem>>, %arg7: memref<128xi32, #tpu.memory_space<vmem>>, %arg8: memref<128x128xf32, #tpu.memory_space<vmem>>, %arg9: memref<!tpu.dma_semaphore, #tpu.memory_space<semaphore_mem>>) attributes {dimension_semantics = [#tpu.dimension_semantics<core_parallel>, #tpu.dimension_semantics<subcore_parallel>], iteration_bounds = array<i64: 2, 16>, scalar_prefetch = 0 : i64, scratch_operands = 5 : i64, tpu.core_type = #tpu.core_type<sc_vector_subcore>, window_params = [{transform_indices = #map}, {transform_indices = #map1}, {transform_indices = #map1}]} {
    %mul3A = arith.constant 2 : i32
    %mul3A_0 = arith.muli %arg1, %mul3A : i32
    %add3A = arith.addi %mul3A_0, %arg0 : i32
    %iota3A = tpu.iota {dimensions = array<i32: 0>} : vector<16xi32>
    %scan3A = arith.constant 0 : i32
    %scan3A_1 = arith.constant 0 : i32
    %scan3A_2 = arith.constant 16 : i32
    %scan3A_3 = arith.addi %scan3A_1, %scan3A_2 : i32
    %scan3A_4 = arith.constant 1 : i32
    %scan3A_5 = scf.for %scan3A_7 = %scan3A_1 to %scan3A_3 step %scan3A_4 iter_args(%scan3A_8 = %scan3A) -> (i32)  : i32 {
      %mul3A_9 = arith.constant 16 : i32
      %mul3A_10 = arith.muli %add3A, %mul3A_9 : i32
      %add3A_11 = arith.addi %mul3A_10, %scan3A_7 : i32
      %mul3A_12 = arith.constant 8 : i32
      %mul3A_13 = arith.muli %add3A_11, %mul3A_12 : i32
      %mul3A_14 = arith.constant 1024 : i32
      %mul3A_15 = arith.muli %mul3A_13, %mul3A_14 : i32
      "tpu.region"() ({
        %run_scoped3A = tpu.sem_alloc : memref<!tpu.dma_semaphore, #tpu.memory_space<semaphore_mem>>
        %dma_start3A_465 = tpu.memref_slice %arg2[%mul3A_15] : memref<4194304xf32, #tpu.memory_space<hbm>> -> memref<8192xf32, #tpu.memory_space<hbm>>
        %dma_start3A_466 = tpu.memref_slice %arg2[%mul3A_15] : memref<4194304xf32, #tpu.memory_space<hbm>> -> memref<8192xf32, #tpu.memory_space<hbm>>
        tpu.enqueue_dma source(%dma_start3A_466 : memref<8192xf32, #tpu.memory_space<hbm>>) target(%arg5 : memref<8192xf32, #tpu.memory_space<vmem>>) target_semaphore(%run_scoped3A : memref<!tpu.dma_semaphore, #tpu.memory_space<semaphore_mem>>)
        %dma_wait3A_467 = tpu.memref_slice %arg2[%mul3A_15] : memref<4194304xf32, #tpu.memory_space<hbm>> -> memref<8192xf32, #tpu.memory_space<hbm>>
        %dma_wait3A_468 = tpu.memref_slice %arg2[%mul3A_15] : memref<4194304xf32, #tpu.memory_space<hbm>> -> memref<8192xf32, #tpu.memory_space<hbm>>
        tpu.wait_dma2 semaphore(%run_scoped3A : memref<!tpu.dma_semaphore, #tpu.memory_space<semaphore_mem>>) src(%dma_wait3A_468 : memref<8192xf32, #tpu.memory_space<hbm>>) dst(%arg5 : memref<8192xf32, #tpu.memory_space<vmem>>)
        tpu.yield
      }) : () -> ()
      %add3A_16 = arith.constant 0 : i32
      %add3A_17 = arith.addi %mul3A_13, %add3A_16 : i32
      %jit3A = arith.constant 512 : i32
      %div3A = arith.divsi %add3A_17, %jit3A : i32
      %sign3A = arith.constant 0 : i32
      %sign3A_18 = arith.cmpi sgt, %add3A_17, %sign3A : i32
      %sign3A_19 = arith.extui %sign3A_18 : i1 to i32
      %sign3A_20 = arith.constant 0 : i32
      %sign3A_21 = arith.cmpi slt, %add3A_17, %sign3A_20 : i32
      %sign3A_22 = arith.extui %sign3A_21 : i1 to i32
      %sign3A_23 = arith.subi %sign3A_19, %sign3A_22 : i32
      %sign3A_24 = arith.constant 0 : i32
      %sign3A_25 = arith.cmpi sgt, %jit3A, %sign3A_24 : i32
      %sign3A_26 = arith.extui %sign3A_25 : i1 to i32
      %sign3A_27 = arith.constant 0 : i32
      %sign3A_28 = arith.cmpi slt, %jit3A, %sign3A_27 : i32
      %sign3A_29 = arith.extui %sign3A_28 : i1 to i32
      %sign3A_30 = arith.subi %sign3A_26, %sign3A_29 : i32
      %ne3A = arith.cmpi ne, %sign3A_23, %sign3A_30 : i32
      %rem3A = arith.remsi %add3A_17, %jit3A : i32
      %ne3A_31 = arith.constant 0 : i32
      %ne3A_32 = arith.cmpi ne, %rem3A, %ne3A_31 : i32
      %and3A = arith.andi %ne3A, %ne3A_32 : i1
      %sub3A = arith.constant 1 : i32
      %sub3A_33 = arith.subi %div3A, %sub3A : i32
      %select_n3A = arith.select %and3A, %sub3A_33, %div3A : i32
      %mul3A_34 = arith.constant 1024 : i32
      %mul3A_35 = arith.muli %select_n3A, %mul3A_34 : i32
      %scan3A_36 = arith.constant 0 : i32
      %scan3A_37 = arith.constant 1073741824 : i32
      %scan3A_38 = arith.constant 0 : i32
      %scan3A_39 = arith.constant 64 : i32
      %scan3A_40 = arith.addi %scan3A_38, %scan3A_39 : i32
      %scan3A_41 = arith.constant 1 : i32
      %scan3A_42:2 = scf.for %scan3A_465 = %scan3A_38 to %scan3A_40 step %scan3A_41 iter_args(%scan3A_466 = %scan3A_36, %scan3A_467 = %scan3A_37) -> (i32, i32)  : i32 {
        %mul3A_468 = arith.constant 16 : i32
        %mul3A_469 = arith.muli %scan3A_465, %mul3A_468 : i32
        %add3A_470 = arith.constant 0 : i32
        %add3A_471 = arith.addi %add3A_470, %mul3A_469 : i32
        %get3A_472 = arith.index_cast %add3A_471 : i32 to index
        %get3A_473 = tpu.vector_load %arg5[%get3A_472] {strides = array<i32>} : memref<8192xf32, #tpu.memory_space<vmem>>, vector<16xf32>,
        %le3A = arith.constant 0.00999999977 : f32
        %le3A_474 = vector.broadcast %le3A : f32 to vector<16xf32>
        %le3A_475 = arith.cmpf ole, %get3A_473, %le3A_474 : vector<16xf32>
        %convert_element_type3A = arith.extui %le3A_475 : vector<16xi1> to vector<16xi32>
        %broadcast_in_dim3A_476 = arith.constant true
        %broadcast_in_dim3A_477 = vector.broadcast %broadcast_in_dim3A_476 : i1 to vector<16xi1>
        %masked_cumsum3A = tpu.scan <sum>, %convert_element_type3A masked %broadcast_in_dim3A_477 : vector<16xi32>, vector<16xi1> -> vector<16xi32>
        %add3A_478 = vector.broadcast %scan3A_466 : i32 to vector<16xi32>
        %add3A_479 = arith.addi %add3A_478, %masked_cumsum3A : vector<16xi32>
        %sub3A_480 = arith.constant 1 : i32
        %sub3A_481 = vector.broadcast %sub3A_480 : i32 to vector<16xi32>
        %sub3A_482 = arith.subi %add3A_479, %sub3A_481 : vector<16xi32>
        %lt3A_483 = arith.constant 16 : i32
        %lt3A_484 = vector.broadcast %lt3A_483 : i32 to vector<16xi32>
        %lt3A_485 = arith.cmpi slt, %sub3A_482, %lt3A_484 : vector<16xi32>
        %and3A_486 = arith.andi %le3A_475, %lt3A_485 : vector<16xi1>
        %jit3A_487 = arith.constant 0 : i32
        %broadcast_in_dim3A_488 = vector.broadcast %jit3A_487 : i32 to vector<16xi32>
        %select_n3A_489 = arith.select %and3A_486, %sub3A_482, %broadcast_in_dim3A_488 : vector<16xi1>, vector<16xi32>
        %jit3A_490 = arith.constant 0 : i32
        %jit3A_491 = arith.constant 15 : i32
        %max3A_492 = vector.broadcast %jit3A_490 : i32 to vector<16xi32>
        %max3A_493 = arith.maxsi %max3A_492, %select_n3A_489 : vector<16xi32>
        %min3A_494 = vector.broadcast %jit3A_491 : i32 to vector<16xi32>
        %min3A_495 = arith.minsi %min3A_494, %max3A_493 : vector<16xi32>
        %mul3A_496 = arith.constant 16 : i32
        %mul3A_497 = arith.muli %scan3A_465, %mul3A_496 : i32
        %add3A_498 = arith.addi %mul3A_35, %mul3A_497 : i32
        %add3A_499 = vector.broadcast %add3A_498 : i32 to vector<16xi32>
        %add3A_500 = arith.addi %add3A_499, %iota3A : vector<16xi32>
        tpu.vector_store_idx %arg6[%min3A_495], %add3A_500 masked %and3A_486 : memref<32xi32, #tpu.memory_space<vmem>>[vector<16xi32>], vector<16xi32>, vector<16xi1>
        %jit3A_501 = arith.constant 1073741824 : i32
        %broadcast_in_dim3A_502 = vector.broadcast %jit3A_501 : i32 to vector<16xi32>
        %select_n3A_503 = arith.select %le3A_475, %add3A_500, %broadcast_in_dim3A_502 : vector<16xi1>, vector<16xi32>
        %reduce_min3A = arith.constant true
        %reduce_min3A_504 = vector.broadcast %reduce_min3A : i1 to vector<16xi1>
        %reduce_min3A_505 = arith.constant -2147483648 : i32
        %reduce_min3A_506 = vector.broadcast %reduce_min3A_505 : i32 to vector<16xi32>
        %reduce_min3A_507 = arith.xori %select_n3A_503, %reduce_min3A_506 : vector<16xi32>
        %reduce_min3A_508 = tpu.scan <min>, %reduce_min3A_507 masked %reduce_min3A_504 : vector<16xi32>, vector<16xi1> -> vector<16xi32>
        %reduce_min3A_509 = arith.xori %reduce_min3A_508, %reduce_min3A_506 : vector<16xi32>
        %reduce_min3A_510 = vector.extract %reduce_min3A_509[15] : i32 from vector<16xi32>
        %min3A_511 = arith.minsi %scan3A_467, %reduce_min3A_510 : i32
        %reduce_sum3A = arith.constant true
        %reduce_sum3A_512 = vector.broadcast %reduce_sum3A : i1 to vector<16xi1>
        %reduce_sum3A_513 = tpu.scan <sum>, %convert_element_type3A masked %reduce_sum3A_512 : vector<16xi32>, vector<16xi1> -> vector<16xi32>
        %reduce_sum3A_514 = vector.extract %reduce_sum3A_513[15] : i32 from vector<16xi32>
        %add3A_515 = arith.addi %scan3A_466, %reduce_sum3A_514 : i32
        scf.yield %add3A_515, %min3A_511 : i32, i32
      }
      %scan3A_43 = arith.constant 64 : i32
      %add3A_44 = arith.constant 1024 : i32
      %add3A_45 = arith.addi %mul3A_35, %add3A_44 : i32
      %sub3A_46 = arith.constant 1 : i32
      %sub3A_47 = arith.subi %add3A_45, %sub3A_46 : i32
      %max3A = arith.maxsi %mul3A_35, %scan3A_42#1 : i32
      %min3A = arith.minsi %sub3A_47, %max3A : i32
      %jit3A_48 = arith.constant 0 : i32
      %jit3A_49 = arith.constant 16 : i32
      %max3A_50 = arith.maxsi %jit3A_48, %scan3A_42#0 : i32
      %min3A_51 = arith.minsi %jit3A_49, %max3A_50 : i32
      %add3A_52 = arith.constant 0 : i32
      %add3A_53 = vector.broadcast %add3A_52 : i32 to vector<16xi32>
      %add3A_54 = arith.addi %add3A_53, %iota3A : vector<16xi32>
      %get3A = arith.constant 0 : index
      %get3A_55 = tpu.vector_load %arg6[%get3A] {strides = array<i32>} : memref<32xi32, #tpu.memory_space<vmem>>, vector<16xi32>,
      %lt3A = vector.broadcast %min3A_51 : i32 to vector<16xi32>
      %lt3A_56 = arith.cmpi slt, %add3A_54, %lt3A : vector<16xi32>
      %broadcast_in_dim3A = vector.broadcast %min3A : i32 to vector<16xi32>
      %select_n3A_57 = arith.select %lt3A_56, %get3A_55, %broadcast_in_dim3A : vector<16xi1>, vector<16xi32>
      %swap3A = arith.constant 0 : index
      %swap3A_58 = tpu.vector_load %arg7[%swap3A] {strides = array<i32>} : memref<128xi32, #tpu.memory_space<vmem>>, vector<16xi32>,
      tpu.vector_store %arg7[%swap3A], %select_n3A_57 {strides = array<i32>} : memref<128xi32, #tpu.memory_space<vmem>>, vector<16xi32>,
      %add3A_59 = arith.constant 1 : i32
      %add3A_60 = arith.addi %mul3A_13, %add3A_59 : i32
      %jit3A_61 = arith.constant 512 : i32
      %div3A_62 = arith.divsi %add3A_60, %jit3A_61 : i32
      %sign3A_63 = arith.constant 0 : i32
      %sign3A_64 = arith.cmpi sgt, %add3A_60, %sign3A_63 : i32
      %sign3A_65 = arith.extui %sign3A_64 : i1 to i32
      %sign3A_66 = arith.constant 0 : i32
      %sign3A_67 = arith.cmpi slt, %add3A_60, %sign3A_66 : i32
      %sign3A_68 = arith.extui %sign3A_67 : i1 to i32
      %sign3A_69 = arith.subi %sign3A_65, %sign3A_68 : i32
      %sign3A_70 = arith.constant 0 : i32
      %sign3A_71 = arith.cmpi sgt, %jit3A_61, %sign3A_70 : i32
      %sign3A_72 = arith.extui %sign3A_71 : i1 to i32
      %sign3A_73 = arith.constant 0 : i32
      %sign3A_74 = arith.cmpi slt, %jit3A_61, %sign3A_73 : i32
      %sign3A_75 = arith.extui %sign3A_74 : i1 to i32
      %sign3A_76 = arith.subi %sign3A_72, %sign3A_75 : i32
      %ne3A_77 = arith.cmpi ne, %sign3A_69, %sign3A_76 : i32
      %rem3A_78 = arith.remsi %add3A_60, %jit3A_61 : i32
      %ne3A_79 = arith.constant 0 : i32
      %ne3A_80 = arith.cmpi ne, %rem3A_78, %ne3A_79 : i32
      %and3A_81 = arith.andi %ne3A_77, %ne3A_80 : i1
      %sub3A_82 = arith.constant 1 : i32
      %sub3A_83 = arith.subi %div3A_62, %sub3A_82 : i32
      %select_n3A_84 = arith.select %and3A_81, %sub3A_83, %div3A_62 : i32
      %mul3A_85 = arith.constant 1024 : i32
      %mul3A_86 = arith.muli %select_n3A_84, %mul3A_85 : i32
      %scan3A_87 = arith.constant 0 : i32
      %scan3A_88 = arith.constant 1073741824 : i32
      %scan3A_89 = arith.constant 0 : i32
      %scan3A_90 = arith.constant 64 : i32
      %scan3A_91 = arith.addi %scan3A_89, %scan3A_90 : i32
      %scan3A_92 = arith.constant 1 : i32
      %scan3A_93:2 = scf.for %scan3A_465 = %scan3A_89 to %scan3A_91 step %scan3A_92 iter_args(%scan3A_466 = %scan3A_87, %scan3A_467 = %scan3A_88) -> (i32, i32)  : i32 {
        %mul3A_468 = arith.constant 16 : i32
        %mul3A_469 = arith.muli %scan3A_465, %mul3A_468 : i32
        %add3A_470 = arith.constant 1024 : i32
        %add3A_471 = arith.addi %add3A_470, %mul3A_469 : i32
        %get3A_472 = arith.index_cast %add3A_471 : i32 to index
        %get3A_473 = tpu.vector_load %arg5[%get3A_472] {strides = array<i32>} : memref<8192xf32, #tpu.memory_space<vmem>>, vector<16xf32>,
        %le3A = arith.constant 0.00999999977 : f32
        %le3A_474 = vector.broadcast %le3A : f32 to vector<16xf32>
        %le3A_475 = arith.cmpf ole, %get3A_473, %le3A_474 : vector<16xf32>
        %convert_element_type3A = arith.extui %le3A_475 : vector<16xi1> to vector<16xi32>
        %broadcast_in_dim3A_476 = arith.constant true
        %broadcast_in_dim3A_477 = vector.broadcast %broadcast_in_dim3A_476 : i1 to vector<16xi1>
        %masked_cumsum3A = tpu.scan <sum>, %convert_element_type3A masked %broadcast_in_dim3A_477 : vector<16xi32>, vector<16xi1> -> vector<16xi32>
        %add3A_478 = vector.broadcast %scan3A_466 : i32 to vector<16xi32>
        %add3A_479 = arith.addi %add3A_478, %masked_cumsum3A : vector<16xi32>
        %sub3A_480 = arith.constant 1 : i32
        %sub3A_481 = vector.broadcast %sub3A_480 : i32 to vector<16xi32>
        %sub3A_482 = arith.subi %add3A_479, %sub3A_481 : vector<16xi32>
        %lt3A_483 = arith.constant 16 : i32
        %lt3A_484 = vector.broadcast %lt3A_483 : i32 to vector<16xi32>
        %lt3A_485 = arith.cmpi slt, %sub3A_482, %lt3A_484 : vector<16xi32>
        %and3A_486 = arith.andi %le3A_475, %lt3A_485 : vector<16xi1>
        %jit3A_487 = arith.constant 0 : i32
        %broadcast_in_dim3A_488 = vector.broadcast %jit3A_487 : i32 to vector<16xi32>
        %select_n3A_489 = arith.select %and3A_486, %sub3A_482, %broadcast_in_dim3A_488 : vector<16xi1>, vector<16xi32>
        %jit3A_490 = arith.constant 0 : i32
        %jit3A_491 = arith.constant 15 : i32
        %max3A_492 = vector.broadcast %jit3A_490 : i32 to vector<16xi32>
        %max3A_493 = arith.maxsi %max3A_492, %select_n3A_489 : vector<16xi32>
        %min3A_494 = vector.broadcast %jit3A_491 : i32 to vector<16xi32>
        %min3A_495 = arith.minsi %min3A_494, %max3A_493 : vector<16xi32>
        %mul3A_496 = arith.constant 16 : i32
        %mul3A_497 = arith.muli %scan3A_465, %mul3A_496 : i32
        %add3A_498 = arith.addi %mul3A_86, %mul3A_497 : i32
        %add3A_499 = vector.broadcast %add3A_498 : i32 to vector<16xi32>
        %add3A_500 = arith.addi %add3A_499, %iota3A : vector<16xi32>
        tpu.vector_store_idx %arg6[%min3A_495], %add3A_500 masked %and3A_486 : memref<32xi32, #tpu.memory_space<vmem>>[vector<16xi32>], vector<16xi32>, vector<16xi1>
        %jit3A_501 = arith.constant 1073741824 : i32
        %broadcast_in_dim3A_502 = vector.broadcast %jit3A_501 : i32 to vector<16xi32>
        %select_n3A_503 = arith.select %le3A_475, %add3A_500, %broadcast_in_dim3A_502 : vector<16xi1>, vector<16xi32>
        %reduce_min3A = arith.constant true
        %reduce_min3A_504 = vector.broadcast %reduce_min3A : i1 to vector<16xi1>
        %reduce_min3A_505 = arith.constant -2147483648 : i32
        %reduce_min3A_506 = vector.broadcast %reduce_min3A_505 : i32 to vector<16xi32>
        %reduce_min3A_507 = arith.xori %select_n3A_503, %reduce_min3A_506 : vector<16xi32>
        %reduce_min3A_508 = tpu.scan <min>, %reduce_min3A_507 masked %reduce_min3A_504 : vector<16xi32>, vector<16xi1> -> vector<16xi32>
        %reduce_min3A_509 = arith.xori %reduce_min3A_508, %reduce_min3A_506 : vector<16xi32>
        %reduce_min3A_510 = vector.extract %reduce_min3A_509[15] : i32 from vector<16xi32>
        %min3A_511 = arith.minsi %scan3A_467, %reduce_min3A_510 : i32
        %reduce_sum3A = arith.constant true
        %reduce_sum3A_512 = vector.broadcast %reduce_sum3A : i1 to vector<16xi1>
        %reduce_sum3A_513 = tpu.scan <sum>, %convert_element_type3A masked %reduce_sum3A_512 : vector<16xi32>, vector<16xi1> -> vector<16xi32>
        %reduce_sum3A_514 = vector.extract %reduce_sum3A_513[15] : i32 from vector<16xi32>
        %add3A_515 = arith.addi %scan3A_466, %reduce_sum3A_514 : i32
        scf.yield %add3A_515, %min3A_511 : i32, i32
      }
      %scan3A_94 = arith.constant 64 : i32
      %add3A_95 = arith.constant 1024 : i32
      %add3A_96 = arith.addi %mul3A_86, %add3A_95 : i32
      %sub3A_97 = arith.constant 1 : i32
      %sub3A_98 = arith.subi %add3A_96, %sub3A_97 : i32
      %max3A_99 = arith.maxsi %mul3A_86, %scan3A_93#1 : i32
      %min3A_100 = arith.minsi %sub3A_98, %max3A_99 : i32
      %jit3A_101 = arith.constant 0 : i32
      %jit3A_102 = arith.constant 16 : i32
      %max3A_103 = arith.maxsi %jit3A_101, %scan3A_93#0 : i32
      %min3A_104 = arith.minsi %jit3A_102, %max3A_103 : i32
      %add3A_105 = arith.constant 0 : i32
      %add3A_106 = vector.broadcast %add3A_105 : i32 to vector<16xi32>
      %add3A_107 = arith.addi %add3A_106, %iota3A : vector<16xi32>
      %get3A_108 = arith.constant 0 : index
      %get3A_109 = tpu.vector_load %arg6[%get3A_108] {strides = array<i32>} : memref<32xi32, #tpu.memory_space<vmem>>, vector<16xi32>,
      %lt3A_110 = vector.broadcast %min3A_104 : i32 to vector<16xi32>
      %lt3A_111 = arith.cmpi slt, %add3A_107, %lt3A_110 : vector<16xi32>
      %broadcast_in_dim3A_112 = vector.broadcast %min3A_100 : i32 to vector<16xi32>
      %select_n3A_113 = arith.select %lt3A_111, %get3A_109, %broadcast_in_dim3A_112 : vector<16xi1>, vector<16xi32>
      %swap3A_114 = arith.constant 16 : index
      %swap3A_115 = tpu.vector_load %arg7[%swap3A_114] {strides = array<i32>} : memref<128xi32, #tpu.memory_space<vmem>>, vector<16xi32>,
      tpu.vector_store %arg7[%swap3A_114], %select_n3A_113 {strides = array<i32>} : memref<128xi32, #tpu.memory_space<vmem>>, vector<16xi32>,
      %add3A_116 = arith.constant 2 : i32
      %add3A_117 = arith.addi %mul3A_13, %add3A_116 : i32
      %jit3A_118 = arith.constant 512 : i32
      %div3A_119 = arith.divsi %add3A_117, %jit3A_118 : i32
      %sign3A_120 = arith.constant 0 : i32
      %sign3A_121 = arith.cmpi sgt, %add3A_117, %sign3A_120 : i32
      %sign3A_122 = arith.extui %sign3A_121 : i1 to i32
      %sign3A_123 = arith.constant 0 : i32
      %sign3A_124 = arith.cmpi slt, %add3A_117, %sign3A_123 : i32
      %sign3A_125 = arith.extui %sign3A_124 : i1 to i32
      %sign3A_126 = arith.subi %sign3A_122, %sign3A_125 : i32
      %sign3A_127 = arith.constant 0 : i32
      %sign3A_128 = arith.cmpi sgt, %jit3A_118, %sign3A_127 : i32
      %sign3A_129 = arith.extui %sign3A_128 : i1 to i32
      %sign3A_130 = arith.constant 0 : i32
      %sign3A_131 = arith.cmpi slt, %jit3A_118, %sign3A_130 : i32
      %sign3A_132 = arith.extui %sign3A_131 : i1 to i32
      %sign3A_133 = arith.subi %sign3A_129, %sign3A_132 : i32
      %ne3A_134 = arith.cmpi ne, %sign3A_126, %sign3A_133 : i32
      %rem3A_135 = arith.remsi %add3A_117, %jit3A_118 : i32
      %ne3A_136 = arith.constant 0 : i32
      %ne3A_137 = arith.cmpi ne, %rem3A_135, %ne3A_136 : i32
      %and3A_138 = arith.andi %ne3A_134, %ne3A_137 : i1
      %sub3A_139 = arith.constant 1 : i32
      %sub3A_140 = arith.subi %div3A_119, %sub3A_139 : i32
      %select_n3A_141 = arith.select %and3A_138, %sub3A_140, %div3A_119 : i32
      %mul3A_142 = arith.constant 1024 : i32
      %mul3A_143 = arith.muli %select_n3A_141, %mul3A_142 : i32
      %scan3A_144 = arith.constant 0 : i32
      %scan3A_145 = arith.constant 1073741824 : i32
      %scan3A_146 = arith.constant 0 : i32
      %scan3A_147 = arith.constant 64 : i32
      %scan3A_148 = arith.addi %scan3A_146, %scan3A_147 : i32
      %scan3A_149 = arith.constant 1 : i32
      %scan3A_150:2 = scf.for %scan3A_465 = %scan3A_146 to %scan3A_148 step %scan3A_149 iter_args(%scan3A_466 = %scan3A_144, %scan3A_467 = %scan3A_145) -> (i32, i32)  : i32 {
        %mul3A_468 = arith.constant 16 : i32
        %mul3A_469 = arith.muli %scan3A_465, %mul3A_468 : i32
        %add3A_470 = arith.constant 2048 : i32
        %add3A_471 = arith.addi %add3A_470, %mul3A_469 : i32
        %get3A_472 = arith.index_cast %add3A_471 : i32 to index
        %get3A_473 = tpu.vector_load %arg5[%get3A_472] {strides = array<i32>} : memref<8192xf32, #tpu.memory_space<vmem>>, vector<16xf32>,
        %le3A = arith.constant 0.00999999977 : f32
        %le3A_474 = vector.broadcast %le3A : f32 to vector<16xf32>
        %le3A_475 = arith.cmpf ole, %get3A_473, %le3A_474 : vector<16xf32>
        %convert_element_type3A = arith.extui %le3A_475 : vector<16xi1> to vector<16xi32>
        %broadcast_in_dim3A_476 = arith.constant true
        %broadcast_in_dim3A_477 = vector.broadcast %broadcast_in_dim3A_476 : i1 to vector<16xi1>
        %masked_cumsum3A = tpu.scan <sum>, %convert_element_type3A masked %broadcast_in_dim3A_477 : vector<16xi32>, vector<16xi1> -> vector<16xi32>
        %add3A_478 = vector.broadcast %scan3A_466 : i32 to vector<16xi32>
        %add3A_479 = arith.addi %add3A_478, %masked_cumsum3A : vector<16xi32>
        %sub3A_480 = arith.constant 1 : i32
        %sub3A_481 = vector.broadcast %sub3A_480 : i32 to vector<16xi32>
        %sub3A_482 = arith.subi %add3A_479, %sub3A_481 : vector<16xi32>
        %lt3A_483 = arith.constant 16 : i32
        %lt3A_484 = vector.broadcast %lt3A_483 : i32 to vector<16xi32>
        %lt3A_485 = arith.cmpi slt, %sub3A_482, %lt3A_484 : vector<16xi32>
        %and3A_486 = arith.andi %le3A_475, %lt3A_485 : vector<16xi1>
        %jit3A_487 = arith.constant 0 : i32
        %broadcast_in_dim3A_488 = vector.broadcast %jit3A_487 : i32 to vector<16xi32>
        %select_n3A_489 = arith.select %and3A_486, %sub3A_482, %broadcast_in_dim3A_488 : vector<16xi1>, vector<16xi32>
        %jit3A_490 = arith.constant 0 : i32
        %jit3A_491 = arith.constant 15 : i32
        %max3A_492 = vector.broadcast %jit3A_490 : i32 to vector<16xi32>
        %max3A_493 = arith.maxsi %max3A_492, %select_n3A_489 : vector<16xi32>
        %min3A_494 = vector.broadcast %jit3A_491 : i32 to vector<16xi32>
        %min3A_495 = arith.minsi %min3A_494, %max3A_493 : vector<16xi32>
        %mul3A_496 = arith.constant 16 : i32
        %mul3A_497 = arith.muli %scan3A_465, %mul3A_496 : i32
        %add3A_498 = arith.addi %mul3A_143, %mul3A_497 : i32
        %add3A_499 = vector.broadcast %add3A_498 : i32 to vector<16xi32>
        %add3A_500 = arith.addi %add3A_499, %iota3A : vector<16xi32>
        tpu.vector_store_idx %arg6[%min3A_495], %add3A_500 masked %and3A_486 : memref<32xi32, #tpu.memory_space<vmem>>[vector<16xi32>], vector<16xi32>, vector<16xi1>
        %jit3A_501 = arith.constant 1073741824 : i32
        %broadcast_in_dim3A_502 = vector.broadcast %jit3A_501 : i32 to vector<16xi32>
        %select_n3A_503 = arith.select %le3A_475, %add3A_500, %broadcast_in_dim3A_502 : vector<16xi1>, vector<16xi32>
        %reduce_min3A = arith.constant true
        %reduce_min3A_504 = vector.broadcast %reduce_min3A : i1 to vector<16xi1>
        %reduce_min3A_505 = arith.constant -2147483648 : i32
        %reduce_min3A_506 = vector.broadcast %reduce_min3A_505 : i32 to vector<16xi32>
        %reduce_min3A_507 = arith.xori %select_n3A_503, %reduce_min3A_506 : vector<16xi32>
        %reduce_min3A_508 = tpu.scan <min>, %reduce_min3A_507 masked %reduce_min3A_504 : vector<16xi32>, vector<16xi1> -> vector<16xi32>
        %reduce_min3A_509 = arith.xori %reduce_min3A_508, %reduce_min3A_506 : vector<16xi32>
        %reduce_min3A_510 = vector.extract %reduce_min3A_509[15] : i32 from vector<16xi32>
        %min3A_511 = arith.minsi %scan3A_467, %reduce_min3A_510 : i32
        %reduce_sum3A = arith.constant true
        %reduce_sum3A_512 = vector.broadcast %reduce_sum3A : i1 to vector<16xi1>
        %reduce_sum3A_513 = tpu.scan <sum>, %convert_element_type3A masked %reduce_sum3A_512 : vector<16xi32>, vector<16xi1> -> vector<16xi32>
        %reduce_sum3A_514 = vector.extract %reduce_sum3A_513[15] : i32 from vector<16xi32>
        %add3A_515 = arith.addi %scan3A_466, %reduce_sum3A_514 : i32
        scf.yield %add3A_515, %min3A_511 : i32, i32
      }
      %scan3A_151 = arith.constant 64 : i32
      %add3A_152 = arith.constant 1024 : i32
      %add3A_153 = arith.addi %mul3A_143, %add3A_152 : i32
      %sub3A_154 = arith.constant 1 : i32
      %sub3A_155 = arith.subi %add3A_153, %sub3A_154 : i32
      %max3A_156 = arith.maxsi %mul3A_143, %scan3A_150#1 : i32
      %min3A_157 = arith.minsi %sub3A_155, %max3A_156 : i32
      %jit3A_158 = arith.constant 0 : i32
      %jit3A_159 = arith.constant 16 : i32
      %max3A_160 = arith.maxsi %jit3A_158, %scan3A_150#0 : i32
      %min3A_161 = arith.minsi %jit3A_159, %max3A_160 : i32
      %add3A_162 = arith.constant 0 : i32
      %add3A_163 = vector.broadcast %add3A_162 : i32 to vector<16xi32>
      %add3A_164 = arith.addi %add3A_163, %iota3A : vector<16xi32>
      %get3A_165 = arith.constant 0 : index
      %get3A_166 = tpu.vector_load %arg6[%get3A_165] {strides = array<i32>} : memref<32xi32, #tpu.memory_space<vmem>>, vector<16xi32>,
      %lt3A_167 = vector.broadcast %min3A_161 : i32 to vector<16xi32>
      %lt3A_168 = arith.cmpi slt, %add3A_164, %lt3A_167 : vector<16xi32>
      %broadcast_in_dim3A_169 = vector.broadcast %min3A_157 : i32 to vector<16xi32>
      %select_n3A_170 = arith.select %lt3A_168, %get3A_166, %broadcast_in_dim3A_169 : vector<16xi1>, vector<16xi32>
      %swap3A_171 = arith.constant 32 : index
      %swap3A_172 = tpu.vector_load %arg7[%swap3A_171] {strides = array<i32>} : memref<128xi32, #tpu.memory_space<vmem>>, vector<16xi32>,
      tpu.vector_store %arg7[%swap3A_171], %select_n3A_170 {strides = array<i32>} : memref<128xi32, #tpu.memory_space<vmem>>, vector<16xi32>,
      %add3A_173 = arith.constant 3 : i32
      %add3A_174 = arith.addi %mul3A_13, %add3A_173 : i32
      %jit3A_175 = arith.constant 512 : i32
      %div3A_176 = arith.divsi %add3A_174, %jit3A_175 : i32
      %sign3A_177 = arith.constant 0 : i32
      %sign3A_178 = arith.cmpi sgt, %add3A_174, %sign3A_177 : i32
      %sign3A_179 = arith.extui %sign3A_178 : i1 to i32
      %sign3A_180 = arith.constant 0 : i32
      %sign3A_181 = arith.cmpi slt, %add3A_174, %sign3A_180 : i32
      %sign3A_182 = arith.extui %sign3A_181 : i1 to i32
      %sign3A_183 = arith.subi %sign3A_179, %sign3A_182 : i32
      %sign3A_184 = arith.constant 0 : i32
      %sign3A_185 = arith.cmpi sgt, %jit3A_175, %sign3A_184 : i32
      %sign3A_186 = arith.extui %sign3A_185 : i1 to i32
      %sign3A_187 = arith.constant 0 : i32
      %sign3A_188 = arith.cmpi slt, %jit3A_175, %sign3A_187 : i32
      %sign3A_189 = arith.extui %sign3A_188 : i1 to i32
      %sign3A_190 = arith.subi %sign3A_186, %sign3A_189 : i32
      %ne3A_191 = arith.cmpi ne, %sign3A_183, %sign3A_190 : i32
      %rem3A_192 = arith.remsi %add3A_174, %jit3A_175 : i32
      %ne3A_193 = arith.constant 0 : i32
      %ne3A_194 = arith.cmpi ne, %rem3A_192, %ne3A_193 : i32
      %and3A_195 = arith.andi %ne3A_191, %ne3A_194 : i1
      %sub3A_196 = arith.constant 1 : i32
      %sub3A_197 = arith.subi %div3A_176, %sub3A_196 : i32
      %select_n3A_198 = arith.select %and3A_195, %sub3A_197, %div3A_176 : i32
      %mul3A_199 = arith.constant 1024 : i32
      %mul3A_200 = arith.muli %select_n3A_198, %mul3A_199 : i32
      %scan3A_201 = arith.constant 0 : i32
      %scan3A_202 = arith.constant 1073741824 : i32
      %scan3A_203 = arith.constant 0 : i32
      %scan3A_204 = arith.constant 64 : i32
      %scan3A_205 = arith.addi %scan3A_203, %scan3A_204 : i32
      %scan3A_206 = arith.constant 1 : i32
      %scan3A_207:2 = scf.for %scan3A_465 = %scan3A_203 to %scan3A_205 step %scan3A_206 iter_args(%scan3A_466 = %scan3A_201, %scan3A_467 = %scan3A_202) -> (i32, i32)  : i32 {
        %mul3A_468 = arith.constant 16 : i32
        %mul3A_469 = arith.muli %scan3A_465, %mul3A_468 : i32
        %add3A_470 = arith.constant 3072 : i32
        %add3A_471 = arith.addi %add3A_470, %mul3A_469 : i32
        %get3A_472 = arith.index_cast %add3A_471 : i32 to index
        %get3A_473 = tpu.vector_load %arg5[%get3A_472] {strides = array<i32>} : memref<8192xf32, #tpu.memory_space<vmem>>, vector<16xf32>,
        %le3A = arith.constant 0.00999999977 : f32
        %le3A_474 = vector.broadcast %le3A : f32 to vector<16xf32>
        %le3A_475 = arith.cmpf ole, %get3A_473, %le3A_474 : vector<16xf32>
        %convert_element_type3A = arith.extui %le3A_475 : vector<16xi1> to vector<16xi32>
        %broadcast_in_dim3A_476 = arith.constant true
        %broadcast_in_dim3A_477 = vector.broadcast %broadcast_in_dim3A_476 : i1 to vector<16xi1>
        %masked_cumsum3A = tpu.scan <sum>, %convert_element_type3A masked %broadcast_in_dim3A_477 : vector<16xi32>, vector<16xi1> -> vector<16xi32>
        %add3A_478 = vector.broadcast %scan3A_466 : i32 to vector<16xi32>
        %add3A_479 = arith.addi %add3A_478, %masked_cumsum3A : vector<16xi32>
        %sub3A_480 = arith.constant 1 : i32
        %sub3A_481 = vector.broadcast %sub3A_480 : i32 to vector<16xi32>
        %sub3A_482 = arith.subi %add3A_479, %sub3A_481 : vector<16xi32>
        %lt3A_483 = arith.constant 16 : i32
        %lt3A_484 = vector.broadcast %lt3A_483 : i32 to vector<16xi32>
        %lt3A_485 = arith.cmpi slt, %sub3A_482, %lt3A_484 : vector<16xi32>
        %and3A_486 = arith.andi %le3A_475, %lt3A_485 : vector<16xi1>
        %jit3A_487 = arith.constant 0 : i32
        %broadcast_in_dim3A_488 = vector.broadcast %jit3A_487 : i32 to vector<16xi32>
        %select_n3A_489 = arith.select %and3A_486, %sub3A_482, %broadcast_in_dim3A_488 : vector<16xi1>, vector<16xi32>
        %jit3A_490 = arith.constant 0 : i32
        %jit3A_491 = arith.constant 15 : i32
        %max3A_492 = vector.broadcast %jit3A_490 : i32 to vector<16xi32>
        %max3A_493 = arith.maxsi %max3A_492, %select_n3A_489 : vector<16xi32>
        %min3A_494 = vector.broadcast %jit3A_491 : i32 to vector<16xi32>
        %min3A_495 = arith.minsi %min3A_494, %max3A_493 : vector<16xi32>
        %mul3A_496 = arith.constant 16 : i32
        %mul3A_497 = arith.muli %scan3A_465, %mul3A_496 : i32
        %add3A_498 = arith.addi %mul3A_200, %mul3A_497 : i32
        %add3A_499 = vector.broadcast %add3A_498 : i32 to vector<16xi32>
        %add3A_500 = arith.addi %add3A_499, %iota3A : vector<16xi32>
        tpu.vector_store_idx %arg6[%min3A_495], %add3A_500 masked %and3A_486 : memref<32xi32, #tpu.memory_space<vmem>>[vector<16xi32>], vector<16xi32>, vector<16xi1>
        %jit3A_501 = arith.constant 1073741824 : i32
        %broadcast_in_dim3A_502 = vector.broadcast %jit3A_501 : i32 to vector<16xi32>
        %select_n3A_503 = arith.select %le3A_475, %add3A_500, %broadcast_in_dim3A_502 : vector<16xi1>, vector<16xi32>
        %reduce_min3A = arith.constant true
        %reduce_min3A_504 = vector.broadcast %reduce_min3A : i1 to vector<16xi1>
        %reduce_min3A_505 = arith.constant -2147483648 : i32
        %reduce_min3A_506 = vector.broadcast %reduce_min3A_505 : i32 to vector<16xi32>
        %reduce_min3A_507 = arith.xori %select_n3A_503, %reduce_min3A_506 : vector<16xi32>
        %reduce_min3A_508 = tpu.scan <min>, %reduce_min3A_507 masked %reduce_min3A_504 : vector<16xi32>, vector<16xi1> -> vector<16xi32>
        %reduce_min3A_509 = arith.xori %reduce_min3A_508, %reduce_min3A_506 : vector<16xi32>
        %reduce_min3A_510 = vector.extract %reduce_min3A_509[15] : i32 from vector<16xi32>
        %min3A_511 = arith.minsi %scan3A_467, %reduce_min3A_510 : i32
        %reduce_sum3A = arith.constant true
        %reduce_sum3A_512 = vector.broadcast %reduce_sum3A : i1 to vector<16xi1>
        %reduce_sum3A_513 = tpu.scan <sum>, %convert_element_type3A masked %reduce_sum3A_512 : vector<16xi32>, vector<16xi1> -> vector<16xi32>
        %reduce_sum3A_514 = vector.extract %reduce_sum3A_513[15] : i32 from vector<16xi32>
        %add3A_515 = arith.addi %scan3A_466, %reduce_sum3A_514 : i32
        scf.yield %add3A_515, %min3A_511 : i32, i32
      }
      %scan3A_208 = arith.constant 64 : i32
      %add3A_209 = arith.constant 1024 : i32
      %add3A_210 = arith.addi %mul3A_200, %add3A_209 : i32
      %sub3A_211 = arith.constant 1 : i32
      %sub3A_212 = arith.subi %add3A_210, %sub3A_211 : i32
      %max3A_213 = arith.maxsi %mul3A_200, %scan3A_207#1 : i32
      %min3A_214 = arith.minsi %sub3A_212, %max3A_213 : i32
      %jit3A_215 = arith.constant 0 : i32
      %jit3A_216 = arith.constant 16 : i32
      %max3A_217 = arith.maxsi %jit3A_215, %scan3A_207#0 : i32
      %min3A_218 = arith.minsi %jit3A_216, %max3A_217 : i32
      %add3A_219 = arith.constant 0 : i32
      %add3A_220 = vector.broadcast %add3A_219 : i32 to vector<16xi32>
      %add3A_221 = arith.addi %add3A_220, %iota3A : vector<16xi32>
      %get3A_222 = arith.constant 0 : index
      %get3A_223 = tpu.vector_load %arg6[%get3A_222] {strides = array<i32>} : memref<32xi32, #tpu.memory_space<vmem>>, vector<16xi32>,
      %lt3A_224 = vector.broadcast %min3A_218 : i32 to vector<16xi32>
      %lt3A_225 = arith.cmpi slt, %add3A_221, %lt3A_224 : vector<16xi32>
      %broadcast_in_dim3A_226 = vector.broadcast %min3A_214 : i32 to vector<16xi32>
      %select_n3A_227 = arith.select %lt3A_225, %get3A_223, %broadcast_in_dim3A_226 : vector<16xi1>, vector<16xi32>
      %swap3A_228 = arith.constant 48 : index
      %swap3A_229 = tpu.vector_load %arg7[%swap3A_228] {strides = array<i32>} : memref<128xi32, #tpu.memory_space<vmem>>, vector<16xi32>,
      tpu.vector_store %arg7[%swap3A_228], %select_n3A_227 {strides = array<i32>} : memref<128xi32, #tpu.memory_space<vmem>>, vector<16xi32>,
      %add3A_230 = arith.constant 4 : i32
      %add3A_231 = arith.addi %mul3A_13, %add3A_230 : i32
      %jit3A_232 = arith.constant 512 : i32
      %div3A_233 = arith.divsi %add3A_231, %jit3A_232 : i32
      %sign3A_234 = arith.constant 0 : i32
      %sign3A_235 = arith.cmpi sgt, %add3A_231, %sign3A_234 : i32
      %sign3A_236 = arith.extui %sign3A_235 : i1 to i32
      %sign3A_237 = arith.constant 0 : i32
      %sign3A_238 = arith.cmpi slt, %add3A_231, %sign3A_237 : i32
      %sign3A_239 = arith.extui %sign3A_238 : i1 to i32
      %sign3A_240 = arith.subi %sign3A_236, %sign3A_239 : i32
      %sign3A_241 = arith.constant 0 : i32
      %sign3A_242 = arith.cmpi sgt, %jit3A_232, %sign3A_241 : i32
      %sign3A_243 = arith.extui %sign3A_242 : i1 to i32
      %sign3A_244 = arith.constant 0 : i32
      %sign3A_245 = arith.cmpi slt, %jit3A_232, %sign3A_244 : i32
      %sign3A_246 = arith.extui %sign3A_245 : i1 to i32
      %sign3A_247 = arith.subi %sign3A_243, %sign3A_246 : i32
      %ne3A_248 = arith.cmpi ne, %sign3A_240, %sign3A_247 : i32
      %rem3A_249 = arith.remsi %add3A_231, %jit3A_232 : i32
      %ne3A_250 = arith.constant 0 : i32
      %ne3A_251 = arith.cmpi ne, %rem3A_249, %ne3A_250 : i32
      %and3A_252 = arith.andi %ne3A_248, %ne3A_251 : i1
      %sub3A_253 = arith.constant 1 : i32
      %sub3A_254 = arith.subi %div3A_233, %sub3A_253 : i32
      %select_n3A_255 = arith.select %and3A_252, %sub3A_254, %div3A_233 : i32
      %mul3A_256 = arith.constant 1024 : i32
      %mul3A_257 = arith.muli %select_n3A_255, %mul3A_256 : i32
      %scan3A_258 = arith.constant 0 : i32
      %scan3A_259 = arith.constant 1073741824 : i32
      %scan3A_260 = arith.constant 0 : i32
      %scan3A_261 = arith.constant 64 : i32
      %scan3A_262 = arith.addi %scan3A_260, %scan3A_261 : i32
      %scan3A_263 = arith.constant 1 : i32
      %scan3A_264:2 = scf.for %scan3A_465 = %scan3A_260 to %scan3A_262 step %scan3A_263 iter_args(%scan3A_466 = %scan3A_258, %scan3A_467 = %scan3A_259) -> (i32, i32)  : i32 {
        %mul3A_468 = arith.constant 16 : i32
        %mul3A_469 = arith.muli %scan3A_465, %mul3A_468 : i32
        %add3A_470 = arith.constant 4096 : i32
        %add3A_471 = arith.addi %add3A_470, %mul3A_469 : i32
        %get3A_472 = arith.index_cast %add3A_471 : i32 to index
        %get3A_473 = tpu.vector_load %arg5[%get3A_472] {strides = array<i32>} : memref<8192xf32, #tpu.memory_space<vmem>>, vector<16xf32>,
        %le3A = arith.constant 0.00999999977 : f32
        %le3A_474 = vector.broadcast %le3A : f32 to vector<16xf32>
        %le3A_475 = arith.cmpf ole, %get3A_473, %le3A_474 : vector<16xf32>
        %convert_element_type3A = arith.extui %le3A_475 : vector<16xi1> to vector<16xi32>
        %broadcast_in_dim3A_476 = arith.constant true
        %broadcast_in_dim3A_477 = vector.broadcast %broadcast_in_dim3A_476 : i1 to vector<16xi1>
        %masked_cumsum3A = tpu.scan <sum>, %convert_element_type3A masked %broadcast_in_dim3A_477 : vector<16xi32>, vector<16xi1> -> vector<16xi32>
        %add3A_478 = vector.broadcast %scan3A_466 : i32 to vector<16xi32>
        %add3A_479 = arith.addi %add3A_478, %masked_cumsum3A : vector<16xi32>
        %sub3A_480 = arith.constant 1 : i32
        %sub3A_481 = vector.broadcast %sub3A_480 : i32 to vector<16xi32>
        %sub3A_482 = arith.subi %add3A_479, %sub3A_481 : vector<16xi32>
        %lt3A_483 = arith.constant 16 : i32
        %lt3A_484 = vector.broadcast %lt3A_483 : i32 to vector<16xi32>
        %lt3A_485 = arith.cmpi slt, %sub3A_482, %lt3A_484 : vector<16xi32>
        %and3A_486 = arith.andi %le3A_475, %lt3A_485 : vector<16xi1>
        %jit3A_487 = arith.constant 0 : i32
        %broadcast_in_dim3A_488 = vector.broadcast %jit3A_487 : i32 to vector<16xi32>
        %select_n3A_489 = arith.select %and3A_486, %sub3A_482, %broadcast_in_dim3A_488 : vector<16xi1>, vector<16xi32>
        %jit3A_490 = arith.constant 0 : i32
        %jit3A_491 = arith.constant 15 : i32
        %max3A_492 = vector.broadcast %jit3A_490 : i32 to vector<16xi32>
        %max3A_493 = arith.maxsi %max3A_492, %select_n3A_489 : vector<16xi32>
        %min3A_494 = vector.broadcast %jit3A_491 : i32 to vector<16xi32>
        %min3A_495 = arith.minsi %min3A_494, %max3A_493 : vector<16xi32>
        %mul3A_496 = arith.constant 16 : i32
        %mul3A_497 = arith.muli %scan3A_465, %mul3A_496 : i32
        %add3A_498 = arith.addi %mul3A_257, %mul3A_497 : i32
        %add3A_499 = vector.broadcast %add3A_498 : i32 to vector<16xi32>
        %add3A_500 = arith.addi %add3A_499, %iota3A : vector<16xi32>
        tpu.vector_store_idx %arg6[%min3A_495], %add3A_500 masked %and3A_486 : memref<32xi32, #tpu.memory_space<vmem>>[vector<16xi32>], vector<16xi32>, vector<16xi1>
        %jit3A_501 = arith.constant 1073741824 : i32
        %broadcast_in_dim3A_502 = vector.broadcast %jit3A_501 : i32 to vector<16xi32>
        %select_n3A_503 = arith.select %le3A_475, %add3A_500, %broadcast_in_dim3A_502 : vector<16xi1>, vector<16xi32>
        %reduce_min3A = arith.constant true
        %reduce_min3A_504 = vector.broadcast %reduce_min3A : i1 to vector<16xi1>
        %reduce_min3A_505 = arith.constant -2147483648 : i32
        %reduce_min3A_506 = vector.broadcast %reduce_min3A_505 : i32 to vector<16xi32>
        %reduce_min3A_507 = arith.xori %select_n3A_503, %reduce_min3A_506 : vector<16xi32>
        %reduce_min3A_508 = tpu.scan <min>, %reduce_min3A_507 masked %reduce_min3A_504 : vector<16xi32>, vector<16xi1> -> vector<16xi32>
        %reduce_min3A_509 = arith.xori %reduce_min3A_508, %reduce_min3A_506 : vector<16xi32>
        %reduce_min3A_510 = vector.extract %reduce_min3A_509[15] : i32 from vector<16xi32>
        %min3A_511 = arith.minsi %scan3A_467, %reduce_min3A_510 : i32
        %reduce_sum3A = arith.constant true
        %reduce_sum3A_512 = vector.broadcast %reduce_sum3A : i1 to vector<16xi1>
        %reduce_sum3A_513 = tpu.scan <sum>, %convert_element_type3A masked %reduce_sum3A_512 : vector<16xi32>, vector<16xi1> -> vector<16xi32>
        %reduce_sum3A_514 = vector.extract %reduce_sum3A_513[15] : i32 from vector<16xi32>
        %add3A_515 = arith.addi %scan3A_466, %reduce_sum3A_514 : i32
        scf.yield %add3A_515, %min3A_511 : i32, i32
      }
      %scan3A_265 = arith.constant 64 : i32
      %add3A_266 = arith.constant 1024 : i32
      %add3A_267 = arith.addi %mul3A_257, %add3A_266 : i32
      %sub3A_268 = arith.constant 1 : i32
      %sub3A_269 = arith.subi %add3A_267, %sub3A_268 : i32
      %max3A_270 = arith.maxsi %mul3A_257, %scan3A_264#1 : i32
      %min3A_271 = arith.minsi %sub3A_269, %max3A_270 : i32
      %jit3A_272 = arith.constant 0 : i32
      %jit3A_273 = arith.constant 16 : i32
      %max3A_274 = arith.maxsi %jit3A_272, %scan3A_264#0 : i32
      %min3A_275 = arith.minsi %jit3A_273, %max3A_274 : i32
      %add3A_276 = arith.constant 0 : i32
      %add3A_277 = vector.broadcast %add3A_276 : i32 to vector<16xi32>
      %add3A_278 = arith.addi %add3A_277, %iota3A : vector<16xi32>
      %get3A_279 = arith.constant 0 : index
      %get3A_280 = tpu.vector_load %arg6[%get3A_279] {strides = array<i32>} : memref<32xi32, #tpu.memory_space<vmem>>, vector<16xi32>,
      %lt3A_281 = vector.broadcast %min3A_275 : i32 to vector<16xi32>
      %lt3A_282 = arith.cmpi slt, %add3A_278, %lt3A_281 : vector<16xi32>
      %broadcast_in_dim3A_283 = vector.broadcast %min3A_271 : i32 to vector<16xi32>
      %select_n3A_284 = arith.select %lt3A_282, %get3A_280, %broadcast_in_dim3A_283 : vector<16xi1>, vector<16xi32>
      %swap3A_285 = arith.constant 64 : index
      %swap3A_286 = tpu.vector_load %arg7[%swap3A_285] {strides = array<i32>} : memref<128xi32, #tpu.memory_space<vmem>>, vector<16xi32>,
      tpu.vector_store %arg7[%swap3A_285], %select_n3A_284 {strides = array<i32>} : memref<128xi32, #tpu.memory_space<vmem>>, vector<16xi32>,
      %add3A_287 = arith.constant 5 : i32
      %add3A_288 = arith.addi %mul3A_13, %add3A_287 : i32
      %jit3A_289 = arith.constant 512 : i32
      %div3A_290 = arith.divsi %add3A_288, %jit3A_289 : i32
      %sign3A_291 = arith.constant 0 : i32
      %sign3A_292 = arith.cmpi sgt, %add3A_288, %sign3A_291 : i32
      %sign3A_293 = arith.extui %sign3A_292 : i1 to i32
      %sign3A_294 = arith.constant 0 : i32
      %sign3A_295 = arith.cmpi slt, %add3A_288, %sign3A_294 : i32
      %sign3A_296 = arith.extui %sign3A_295 : i1 to i32
      %sign3A_297 = arith.subi %sign3A_293, %sign3A_296 : i32
      %sign3A_298 = arith.constant 0 : i32
      %sign3A_299 = arith.cmpi sgt, %jit3A_289, %sign3A_298 : i32
      %sign3A_300 = arith.extui %sign3A_299 : i1 to i32
      %sign3A_301 = arith.constant 0 : i32
      %sign3A_302 = arith.cmpi slt, %jit3A_289, %sign3A_301 : i32
      %sign3A_303 = arith.extui %sign3A_302 : i1 to i32
      %sign3A_304 = arith.subi %sign3A_300, %sign3A_303 : i32
      %ne3A_305 = arith.cmpi ne, %sign3A_297, %sign3A_304 : i32
      %rem3A_306 = arith.remsi %add3A_288, %jit3A_289 : i32
      %ne3A_307 = arith.constant 0 : i32
      %ne3A_308 = arith.cmpi ne, %rem3A_306, %ne3A_307 : i32
      %and3A_309 = arith.andi %ne3A_305, %ne3A_308 : i1
      %sub3A_310 = arith.constant 1 : i32
      %sub3A_311 = arith.subi %div3A_290, %sub3A_310 : i32
      %select_n3A_312 = arith.select %and3A_309, %sub3A_311, %div3A_290 : i32
      %mul3A_313 = arith.constant 1024 : i32
      %mul3A_314 = arith.muli %select_n3A_312, %mul3A_313 : i32
      %scan3A_315 = arith.constant 0 : i32
      %scan3A_316 = arith.constant 1073741824 : i32
      %scan3A_317 = arith.constant 0 : i32
      %scan3A_318 = arith.constant 64 : i32
      %scan3A_319 = arith.addi %scan3A_317, %scan3A_318 : i32
      %scan3A_320 = arith.constant 1 : i32
      %scan3A_321:2 = scf.for %scan3A_465 = %scan3A_317 to %scan3A_319 step %scan3A_320 iter_args(%scan3A_466 = %scan3A_315, %scan3A_467 = %scan3A_316) -> (i32, i32)  : i32 {
        %mul3A_468 = arith.constant 16 : i32
        %mul3A_469 = arith.muli %scan3A_465, %mul3A_468 : i32
        %add3A_470 = arith.constant 5120 : i32
        %add3A_471 = arith.addi %add3A_470, %mul3A_469 : i32
        %get3A_472 = arith.index_cast %add3A_471 : i32 to index
        %get3A_473 = tpu.vector_load %arg5[%get3A_472] {strides = array<i32>} : memref<8192xf32, #tpu.memory_space<vmem>>, vector<16xf32>,
        %le3A = arith.constant 0.00999999977 : f32
        %le3A_474 = vector.broadcast %le3A : f32 to vector<16xf32>
        %le3A_475 = arith.cmpf ole, %get3A_473, %le3A_474 : vector<16xf32>
        %convert_element_type3A = arith.extui %le3A_475 : vector<16xi1> to vector<16xi32>
        %broadcast_in_dim3A_476 = arith.constant true
        %broadcast_in_dim3A_477 = vector.broadcast %broadcast_in_dim3A_476 : i1 to vector<16xi1>
        %masked_cumsum3A = tpu.scan <sum>, %convert_element_type3A masked %broadcast_in_dim3A_477 : vector<16xi32>, vector<16xi1> -> vector<16xi32>
        %add3A_478 = vector.broadcast %scan3A_466 : i32 to vector<16xi32>
        %add3A_479 = arith.addi %add3A_478, %masked_cumsum3A : vector<16xi32>
        %sub3A_480 = arith.constant 1 : i32
        %sub3A_481 = vector.broadcast %sub3A_480 : i32 to vector<16xi32>
        %sub3A_482 = arith.subi %add3A_479, %sub3A_481 : vector<16xi32>
        %lt3A_483 = arith.constant 16 : i32
        %lt3A_484 = vector.broadcast %lt3A_483 : i32 to vector<16xi32>
        %lt3A_485 = arith.cmpi slt, %sub3A_482, %lt3A_484 : vector<16xi32>
        %and3A_486 = arith.andi %le3A_475, %lt3A_485 : vector<16xi1>
        %jit3A_487 = arith.constant 0 : i32
        %broadcast_in_dim3A_488 = vector.broadcast %jit3A_487 : i32 to vector<16xi32>
        %select_n3A_489 = arith.select %and3A_486, %sub3A_482, %broadcast_in_dim3A_488 : vector<16xi1>, vector<16xi32>
        %jit3A_490 = arith.constant 0 : i32
        %jit3A_491 = arith.constant 15 : i32
        %max3A_492 = vector.broadcast %jit3A_490 : i32 to vector<16xi32>
        %max3A_493 = arith.maxsi %max3A_492, %select_n3A_489 : vector<16xi32>
        %min3A_494 = vector.broadcast %jit3A_491 : i32 to vector<16xi32>
        %min3A_495 = arith.minsi %min3A_494, %max3A_493 : vector<16xi32>
        %mul3A_496 = arith.constant 16 : i32
        %mul3A_497 = arith.muli %scan3A_465, %mul3A_496 : i32
        %add3A_498 = arith.addi %mul3A_314, %mul3A_497 : i32
        %add3A_499 = vector.broadcast %add3A_498 : i32 to vector<16xi32>
        %add3A_500 = arith.addi %add3A_499, %iota3A : vector<16xi32>
        tpu.vector_store_idx %arg6[%min3A_495], %add3A_500 masked %and3A_486 : memref<32xi32, #tpu.memory_space<vmem>>[vector<16xi32>], vector<16xi32>, vector<16xi1>
        %jit3A_501 = arith.constant 1073741824 : i32
        %broadcast_in_dim3A_502 = vector.broadcast %jit3A_501 : i32 to vector<16xi32>
        %select_n3A_503 = arith.select %le3A_475, %add3A_500, %broadcast_in_dim3A_502 : vector<16xi1>, vector<16xi32>
        %reduce_min3A = arith.constant true
        %reduce_min3A_504 = vector.broadcast %reduce_min3A : i1 to vector<16xi1>
        %reduce_min3A_505 = arith.constant -2147483648 : i32
        %reduce_min3A_506 = vector.broadcast %reduce_min3A_505 : i32 to vector<16xi32>
        %reduce_min3A_507 = arith.xori %select_n3A_503, %reduce_min3A_506 : vector<16xi32>
        %reduce_min3A_508 = tpu.scan <min>, %reduce_min3A_507 masked %reduce_min3A_504 : vector<16xi32>, vector<16xi1> -> vector<16xi32>
        %reduce_min3A_509 = arith.xori %reduce_min3A_508, %reduce_min3A_506 : vector<16xi32>
        %reduce_min3A_510 = vector.extract %reduce_min3A_509[15] : i32 from vector<16xi32>
        %min3A_511 = arith.minsi %scan3A_467, %reduce_min3A_510 : i32
        %reduce_sum3A = arith.constant true
        %reduce_sum3A_512 = vector.broadcast %reduce_sum3A : i1 to vector<16xi1>
        %reduce_sum3A_513 = tpu.scan <sum>, %convert_element_type3A masked %reduce_sum3A_512 : vector<16xi32>, vector<16xi1> -> vector<16xi32>
        %reduce_sum3A_514 = vector.extract %reduce_sum3A_513[15] : i32 from vector<16xi32>
        %add3A_515 = arith.addi %scan3A_466, %reduce_sum3A_514 : i32
        scf.yield %add3A_515, %min3A_511 : i32, i32
      }
      %scan3A_322 = arith.constant 64 : i32
      %add3A_323 = arith.constant 1024 : i32
      %add3A_324 = arith.addi %mul3A_314, %add3A_323 : i32
      %sub3A_325 = arith.constant 1 : i32
      %sub3A_326 = arith.subi %add3A_324, %sub3A_325 : i32
      %max3A_327 = arith.maxsi %mul3A_314, %scan3A_321#1 : i32
      %min3A_328 = arith.minsi %sub3A_326, %max3A_327 : i32
      %jit3A_329 = arith.constant 0 : i32
      %jit3A_330 = arith.constant 16 : i32
      %max3A_331 = arith.maxsi %jit3A_329, %scan3A_321#0 : i32
      %min3A_332 = arith.minsi %jit3A_330, %max3A_331 : i32
      %add3A_333 = arith.constant 0 : i32
      %add3A_334 = vector.broadcast %add3A_333 : i32 to vector<16xi32>
      %add3A_335 = arith.addi %add3A_334, %iota3A : vector<16xi32>
      %get3A_336 = arith.constant 0 : index
      %get3A_337 = tpu.vector_load %arg6[%get3A_336] {strides = array<i32>} : memref<32xi32, #tpu.memory_space<vmem>>, vector<16xi32>,
      %lt3A_338 = vector.broadcast %min3A_332 : i32 to vector<16xi32>
      %lt3A_339 = arith.cmpi slt, %add3A_335, %lt3A_338 : vector<16xi32>
      %broadcast_in_dim3A_340 = vector.broadcast %min3A_328 : i32 to vector<16xi32>
      %select_n3A_341 = arith.select %lt3A_339, %get3A_337, %broadcast_in_dim3A_340 : vector<16xi1>, vector<16xi32>
      %swap3A_342 = arith.constant 80 : index
      %swap3A_343 = tpu.vector_load %arg7[%swap3A_342] {strides = array<i32>} : memref<128xi32, #tpu.memory_space<vmem>>, vector<16xi32>,
      tpu.vector_store %arg7[%swap3A_342], %select_n3A_341 {strides = array<i32>} : memref<128xi32, #tpu.memory_space<vmem>>, vector<16xi32>,
      %add3A_344 = arith.constant 6 : i32
      %add3A_345 = arith.addi %mul3A_13, %add3A_344 : i32
      %jit3A_346 = arith.constant 512 : i32
      %div3A_347 = arith.divsi %add3A_345, %jit3A_346 : i32
      %sign3A_348 = arith.constant 0 : i32
      %sign3A_349 = arith.cmpi sgt, %add3A_345, %sign3A_348 : i32
      %sign3A_350 = arith.extui %sign3A_349 : i1 to i32
      %sign3A_351 = arith.constant 0 : i32
      %sign3A_352 = arith.cmpi slt, %add3A_345, %sign3A_351 : i32
      %sign3A_353 = arith.extui %sign3A_352 : i1 to i32
      %sign3A_354 = arith.subi %sign3A_350, %sign3A_353 : i32
      %sign3A_355 = arith.constant 0 : i32
      %sign3A_356 = arith.cmpi sgt, %jit3A_346, %sign3A_355 : i32
      %sign3A_357 = arith.extui %sign3A_356 : i1 to i32
      %sign3A_358 = arith.constant 0 : i32
      %sign3A_359 = arith.cmpi slt, %jit3A_346, %sign3A_358 : i32
      %sign3A_360 = arith.extui %sign3A_359 : i1 to i32
      %sign3A_361 = arith.subi %sign3A_357, %sign3A_360 : i32
      %ne3A_362 = arith.cmpi ne, %sign3A_354, %sign3A_361 : i32
      %rem3A_363 = arith.remsi %add3A_345, %jit3A_346 : i32
      %ne3A_364 = arith.constant 0 : i32
      %ne3A_365 = arith.cmpi ne, %rem3A_363, %ne3A_364 : i32
      %and3A_366 = arith.andi %ne3A_362, %ne3A_365 : i1
      %sub3A_367 = arith.constant 1 : i32
      %sub3A_368 = arith.subi %div3A_347, %sub3A_367 : i32
      %select_n3A_369 = arith.select %and3A_366, %sub3A_368, %div3A_347 : i32
      %mul3A_370 = arith.constant 1024 : i32
      %mul3A_371 = arith.muli %select_n3A_369, %mul3A_370 : i32
      %scan3A_372 = arith.constant 0 : i32
      %scan3A_373 = arith.constant 1073741824 : i32
      %scan3A_374 = arith.constant 0 : i32
      %scan3A_375 = arith.constant 64 : i32
      %scan3A_376 = arith.addi %scan3A_374, %scan3A_375 : i32
      %scan3A_377 = arith.constant 1 : i32
      %scan3A_378:2 = scf.for %scan3A_465 = %scan3A_374 to %scan3A_376 step %scan3A_377 iter_args(%scan3A_466 = %scan3A_372, %scan3A_467 = %scan3A_373) -> (i32, i32)  : i32 {
        %mul3A_468 = arith.constant 16 : i32
        %mul3A_469 = arith.muli %scan3A_465, %mul3A_468 : i32
        %add3A_470 = arith.constant 6144 : i32
        %add3A_471 = arith.addi %add3A_470, %mul3A_469 : i32
        %get3A_472 = arith.index_cast %add3A_471 : i32 to index
        %get3A_473 = tpu.vector_load %arg5[%get3A_472] {strides = array<i32>} : memref<8192xf32, #tpu.memory_space<vmem>>, vector<16xf32>,
        %le3A = arith.constant 0.00999999977 : f32
        %le3A_474 = vector.broadcast %le3A : f32 to vector<16xf32>
        %le3A_475 = arith.cmpf ole, %get3A_473, %le3A_474 : vector<16xf32>
        %convert_element_type3A = arith.extui %le3A_475 : vector<16xi1> to vector<16xi32>
        %broadcast_in_dim3A_476 = arith.constant true
        %broadcast_in_dim3A_477 = vector.broadcast %broadcast_in_dim3A_476 : i1 to vector<16xi1>
        %masked_cumsum3A = tpu.scan <sum>, %convert_element_type3A masked %broadcast_in_dim3A_477 : vector<16xi32>, vector<16xi1> -> vector<16xi32>
        %add3A_478 = vector.broadcast %scan3A_466 : i32 to vector<16xi32>
        %add3A_479 = arith.addi %add3A_478, %masked_cumsum3A : vector<16xi32>
        %sub3A_480 = arith.constant 1 : i32
        %sub3A_481 = vector.broadcast %sub3A_480 : i32 to vector<16xi32>
        %sub3A_482 = arith.subi %add3A_479, %sub3A_481 : vector<16xi32>
        %lt3A_483 = arith.constant 16 : i32
        %lt3A_484 = vector.broadcast %lt3A_483 : i32 to vector<16xi32>
        %lt3A_485 = arith.cmpi slt, %sub3A_482, %lt3A_484 : vector<16xi32>
        %and3A_486 = arith.andi %le3A_475, %lt3A_485 : vector<16xi1>
        %jit3A_487 = arith.constant 0 : i32
        %broadcast_in_dim3A_488 = vector.broadcast %jit3A_487 : i32 to vector<16xi32>
        %select_n3A_489 = arith.select %and3A_486, %sub3A_482, %broadcast_in_dim3A_488 : vector<16xi1>, vector<16xi32>
        %jit3A_490 = arith.constant 0 : i32
        %jit3A_491 = arith.constant 15 : i32
        %max3A_492 = vector.broadcast %jit3A_490 : i32 to vector<16xi32>
        %max3A_493 = arith.maxsi %max3A_492, %select_n3A_489 : vector<16xi32>
        %min3A_494 = vector.broadcast %jit3A_491 : i32 to vector<16xi32>
        %min3A_495 = arith.minsi %min3A_494, %max3A_493 : vector<16xi32>
        %mul3A_496 = arith.constant 16 : i32
        %mul3A_497 = arith.muli %scan3A_465, %mul3A_496 : i32
        %add3A_498 = arith.addi %mul3A_371, %mul3A_497 : i32
        %add3A_499 = vector.broadcast %add3A_498 : i32 to vector<16xi32>
        %add3A_500 = arith.addi %add3A_499, %iota3A : vector<16xi32>
        tpu.vector_store_idx %arg6[%min3A_495], %add3A_500 masked %and3A_486 : memref<32xi32, #tpu.memory_space<vmem>>[vector<16xi32>], vector<16xi32>, vector<16xi1>
        %jit3A_501 = arith.constant 1073741824 : i32
        %broadcast_in_dim3A_502 = vector.broadcast %jit3A_501 : i32 to vector<16xi32>
        %select_n3A_503 = arith.select %le3A_475, %add3A_500, %broadcast_in_dim3A_502 : vector<16xi1>, vector<16xi32>
        %reduce_min3A = arith.constant true
        %reduce_min3A_504 = vector.broadcast %reduce_min3A : i1 to vector<16xi1>
        %reduce_min3A_505 = arith.constant -2147483648 : i32
        %reduce_min3A_506 = vector.broadcast %reduce_min3A_505 : i32 to vector<16xi32>
        %reduce_min3A_507 = arith.xori %select_n3A_503, %reduce_min3A_506 : vector<16xi32>
        %reduce_min3A_508 = tpu.scan <min>, %reduce_min3A_507 masked %reduce_min3A_504 : vector<16xi32>, vector<16xi1> -> vector<16xi32>
        %reduce_min3A_509 = arith.xori %reduce_min3A_508, %reduce_min3A_506 : vector<16xi32>
        %reduce_min3A_510 = vector.extract %reduce_min3A_509[15] : i32 from vector<16xi32>
        %min3A_511 = arith.minsi %scan3A_467, %reduce_min3A_510 : i32
        %reduce_sum3A = arith.constant true
        %reduce_sum3A_512 = vector.broadcast %reduce_sum3A : i1 to vector<16xi1>
        %reduce_sum3A_513 = tpu.scan <sum>, %convert_element_type3A masked %reduce_sum3A_512 : vector<16xi32>, vector<16xi1> -> vector<16xi32>
        %reduce_sum3A_514 = vector.extract %reduce_sum3A_513[15] : i32 from vector<16xi32>
        %add3A_515 = arith.addi %scan3A_466, %reduce_sum3A_514 : i32
        scf.yield %add3A_515, %min3A_511 : i32, i32
      }
      %scan3A_379 = arith.constant 64 : i32
      %add3A_380 = arith.constant 1024 : i32
      %add3A_381 = arith.addi %mul3A_371, %add3A_380 : i32
      %sub3A_382 = arith.constant 1 : i32
      %sub3A_383 = arith.subi %add3A_381, %sub3A_382 : i32
      %max3A_384 = arith.maxsi %mul3A_371, %scan3A_378#1 : i32
      %min3A_385 = arith.minsi %sub3A_383, %max3A_384 : i32
      %jit3A_386 = arith.constant 0 : i32
      %jit3A_387 = arith.constant 16 : i32
      %max3A_388 = arith.maxsi %jit3A_386, %scan3A_378#0 : i32
      %min3A_389 = arith.minsi %jit3A_387, %max3A_388 : i32
      %add3A_390 = arith.constant 0 : i32
      %add3A_391 = vector.broadcast %add3A_390 : i32 to vector<16xi32>
      %add3A_392 = arith.addi %add3A_391, %iota3A : vector<16xi32>
      %get3A_393 = arith.constant 0 : index
      %get3A_394 = tpu.vector_load %arg6[%get3A_393] {strides = array<i32>} : memref<32xi32, #tpu.memory_space<vmem>>, vector<16xi32>,
      %lt3A_395 = vector.broadcast %min3A_389 : i32 to vector<16xi32>
      %lt3A_396 = arith.cmpi slt, %add3A_392, %lt3A_395 : vector<16xi32>
      %broadcast_in_dim3A_397 = vector.broadcast %min3A_385 : i32 to vector<16xi32>
      %select_n3A_398 = arith.select %lt3A_396, %get3A_394, %broadcast_in_dim3A_397 : vector<16xi1>, vector<16xi32>
      %swap3A_399 = arith.constant 96 : index
      %swap3A_400 = tpu.vector_load %arg7[%swap3A_399] {strides = array<i32>} : memref<128xi32, #tpu.memory_space<vmem>>, vector<16xi32>,
      tpu.vector_store %arg7[%swap3A_399], %select_n3A_398 {strides = array<i32>} : memref<128xi32, #tpu.memory_space<vmem>>, vector<16xi32>,
      %add3A_401 = arith.constant 7 : i32
      %add3A_402 = arith.addi %mul3A_13, %add3A_401 : i32
      %jit3A_403 = arith.constant 512 : i32
      %div3A_404 = arith.divsi %add3A_402, %jit3A_403 : i32
      %sign3A_405 = arith.constant 0 : i32
      %sign3A_406 = arith.cmpi sgt, %add3A_402, %sign3A_405 : i32
      %sign3A_407 = arith.extui %sign3A_406 : i1 to i32
      %sign3A_408 = arith.constant 0 : i32
      %sign3A_409 = arith.cmpi slt, %add3A_402, %sign3A_408 : i32
      %sign3A_410 = arith.extui %sign3A_409 : i1 to i32
      %sign3A_411 = arith.subi %sign3A_407, %sign3A_410 : i32
      %sign3A_412 = arith.constant 0 : i32
      %sign3A_413 = arith.cmpi sgt, %jit3A_403, %sign3A_412 : i32
      %sign3A_414 = arith.extui %sign3A_413 : i1 to i32
      %sign3A_415 = arith.constant 0 : i32
      %sign3A_416 = arith.cmpi slt, %jit3A_403, %sign3A_415 : i32
      %sign3A_417 = arith.extui %sign3A_416 : i1 to i32
      %sign3A_418 = arith.subi %sign3A_414, %sign3A_417 : i32
      %ne3A_419 = arith.cmpi ne, %sign3A_411, %sign3A_418 : i32
      %rem3A_420 = arith.remsi %add3A_402, %jit3A_403 : i32
      %ne3A_421 = arith.constant 0 : i32
      %ne3A_422 = arith.cmpi ne, %rem3A_420, %ne3A_421 : i32
      %and3A_423 = arith.andi %ne3A_419, %ne3A_422 : i1
      %sub3A_424 = arith.constant 1 : i32
      %sub3A_425 = arith.subi %div3A_404, %sub3A_424 : i32
      %select_n3A_426 = arith.select %and3A_423, %sub3A_425, %div3A_404 : i32
      %mul3A_427 = arith.constant 1024 : i32
      %mul3A_428 = arith.muli %select_n3A_426, %mul3A_427 : i32
      %scan3A_429 = arith.constant 0 : i32
      %scan3A_430 = arith.constant 1073741824 : i32
      %scan3A_431 = arith.constant 0 : i32
      %scan3A_432 = arith.constant 64 : i32
      %scan3A_433 = arith.addi %scan3A_431, %scan3A_432 : i32
      %scan3A_434 = arith.constant 1 : i32
      %scan3A_435:2 = scf.for %scan3A_465 = %scan3A_431 to %scan3A_433 step %scan3A_434 iter_args(%scan3A_466 = %scan3A_429, %scan3A_467 = %scan3A_430) -> (i32, i32)  : i32 {
        %mul3A_468 = arith.constant 16 : i32
        %mul3A_469 = arith.muli %scan3A_465, %mul3A_468 : i32
        %add3A_470 = arith.constant 7168 : i32
        %add3A_471 = arith.addi %add3A_470, %mul3A_469 : i32
        %get3A_472 = arith.index_cast %add3A_471 : i32 to index
        %get3A_473 = tpu.vector_load %arg5[%get3A_472] {strides = array<i32>} : memref<8192xf32, #tpu.memory_space<vmem>>, vector<16xf32>,
        %le3A = arith.constant 0.00999999977 : f32
        %le3A_474 = vector.broadcast %le3A : f32 to vector<16xf32>
        %le3A_475 = arith.cmpf ole, %get3A_473, %le3A_474 : vector<16xf32>
        %convert_element_type3A = arith.extui %le3A_475 : vector<16xi1> to vector<16xi32>
        %broadcast_in_dim3A_476 = arith.constant true
        %broadcast_in_dim3A_477 = vector.broadcast %broadcast_in_dim3A_476 : i1 to vector<16xi1>
        %masked_cumsum3A = tpu.scan <sum>, %convert_element_type3A masked %broadcast_in_dim3A_477 : vector<16xi32>, vector<16xi1> -> vector<16xi32>
        %add3A_478 = vector.broadcast %scan3A_466 : i32 to vector<16xi32>
        %add3A_479 = arith.addi %add3A_478, %masked_cumsum3A : vector<16xi32>
        %sub3A_480 = arith.constant 1 : i32
        %sub3A_481 = vector.broadcast %sub3A_480 : i32 to vector<16xi32>
        %sub3A_482 = arith.subi %add3A_479, %sub3A_481 : vector<16xi32>
        %lt3A_483 = arith.constant 16 : i32
        %lt3A_484 = vector.broadcast %lt3A_483 : i32 to vector<16xi32>
        %lt3A_485 = arith.cmpi slt, %sub3A_482, %lt3A_484 : vector<16xi32>
        %and3A_486 = arith.andi %le3A_475, %lt3A_485 : vector<16xi1>
        %jit3A_487 = arith.constant 0 : i32
        %broadcast_in_dim3A_488 = vector.broadcast %jit3A_487 : i32 to vector<16xi32>
        %select_n3A_489 = arith.select %and3A_486, %sub3A_482, %broadcast_in_dim3A_488 : vector<16xi1>, vector<16xi32>
        %jit3A_490 = arith.constant 0 : i32
        %jit3A_491 = arith.constant 15 : i32
        %max3A_492 = vector.broadcast %jit3A_490 : i32 to vector<16xi32>
        %max3A_493 = arith.maxsi %max3A_492, %select_n3A_489 : vector<16xi32>
        %min3A_494 = vector.broadcast %jit3A_491 : i32 to vector<16xi32>
        %min3A_495 = arith.minsi %min3A_494, %max3A_493 : vector<16xi32>
        %mul3A_496 = arith.constant 16 : i32
        %mul3A_497 = arith.muli %scan3A_465, %mul3A_496 : i32
        %add3A_498 = arith.addi %mul3A_428, %mul3A_497 : i32
        %add3A_499 = vector.broadcast %add3A_498 : i32 to vector<16xi32>
        %add3A_500 = arith.addi %add3A_499, %iota3A : vector<16xi32>
        tpu.vector_store_idx %arg6[%min3A_495], %add3A_500 masked %and3A_486 : memref<32xi32, #tpu.memory_space<vmem>>[vector<16xi32>], vector<16xi32>, vector<16xi1>
        %jit3A_501 = arith.constant 1073741824 : i32
        %broadcast_in_dim3A_502 = vector.broadcast %jit3A_501 : i32 to vector<16xi32>
        %select_n3A_503 = arith.select %le3A_475, %add3A_500, %broadcast_in_dim3A_502 : vector<16xi1>, vector<16xi32>
        %reduce_min3A = arith.constant true
        %reduce_min3A_504 = vector.broadcast %reduce_min3A : i1 to vector<16xi1>
        %reduce_min3A_505 = arith.constant -2147483648 : i32
        %reduce_min3A_506 = vector.broadcast %reduce_min3A_505 : i32 to vector<16xi32>
        %reduce_min3A_507 = arith.xori %select_n3A_503, %reduce_min3A_506 : vector<16xi32>
        %reduce_min3A_508 = tpu.scan <min>, %reduce_min3A_507 masked %reduce_min3A_504 : vector<16xi32>, vector<16xi1> -> vector<16xi32>
        %reduce_min3A_509 = arith.xori %reduce_min3A_508, %reduce_min3A_506 : vector<16xi32>
        %reduce_min3A_510 = vector.extract %reduce_min3A_509[15] : i32 from vector<16xi32>
        %min3A_511 = arith.minsi %scan3A_467, %reduce_min3A_510 : i32
        %reduce_sum3A = arith.constant true
        %reduce_sum3A_512 = vector.broadcast %reduce_sum3A : i1 to vector<16xi1>
        %reduce_sum3A_513 = tpu.scan <sum>, %convert_element_type3A masked %reduce_sum3A_512 : vector<16xi32>, vector<16xi1> -> vector<16xi32>
        %reduce_sum3A_514 = vector.extract %reduce_sum3A_513[15] : i32 from vector<16xi32>
        %add3A_515 = arith.addi %scan3A_466, %reduce_sum3A_514 : i32
        scf.yield %add3A_515, %min3A_511 : i32, i32
      }
      %scan3A_436 = arith.constant 64 : i32
      %add3A_437 = arith.constant 1024 : i32
      %add3A_438 = arith.addi %mul3A_428, %add3A_437 : i32
      %sub3A_439 = arith.constant 1 : i32
      %sub3A_440 = arith.subi %add3A_438, %sub3A_439 : i32
      %max3A_441 = arith.maxsi %mul3A_428, %scan3A_435#1 : i32
      %min3A_442 = arith.minsi %sub3A_440, %max3A_441 : i32
      %jit3A_443 = arith.constant 0 : i32
      %jit3A_444 = arith.constant 16 : i32
      %max3A_445 = arith.maxsi %jit3A_443, %scan3A_435#0 : i32
      %min3A_446 = arith.minsi %jit3A_444, %max3A_445 : i32
      %add3A_447 = arith.constant 0 : i32
      %add3A_448 = vector.broadcast %add3A_447 : i32 to vector<16xi32>
      %add3A_449 = arith.addi %add3A_448, %iota3A : vector<16xi32>
      %get3A_450 = arith.constant 0 : index
      %get3A_451 = tpu.vector_load %arg6[%get3A_450] {strides = array<i32>} : memref<32xi32, #tpu.memory_space<vmem>>, vector<16xi32>,
      %lt3A_452 = vector.broadcast %min3A_446 : i32 to vector<16xi32>
      %lt3A_453 = arith.cmpi slt, %add3A_449, %lt3A_452 : vector<16xi32>
      %broadcast_in_dim3A_454 = vector.broadcast %min3A_442 : i32 to vector<16xi32>
      %select_n3A_455 = arith.select %lt3A_453, %get3A_451, %broadcast_in_dim3A_454 : vector<16xi1>, vector<16xi32>
      %swap3A_456 = arith.constant 112 : index
      %swap3A_457 = tpu.vector_load %arg7[%swap3A_456] {strides = array<i32>} : memref<128xi32, #tpu.memory_space<vmem>>, vector<16xi32>,
      tpu.vector_store %arg7[%swap3A_456], %select_n3A_455 {strides = array<i32>} : memref<128xi32, #tpu.memory_space<vmem>>, vector<16xi32>,
      %dma_start3A = arith.constant 0 : i32
      %dma_start3A_458 = arith.constant 0 : i32
      %dma_start3A_459 = tpu.memref_slice %arg3[%dma_start3A, %dma_start3A_458] : memref<8192x128xf32, #tpu.memory_space<hbm>> -> memref<8192x128xf32, #tpu.memory_space<hbm>>
      tpu.enqueue_indirect_dma source(%dma_start3A_459 : memref<8192x128xf32, #tpu.memory_space<hbm>>) target(%arg8 : memref<128x128xf32, #tpu.memory_space<vmem>>) offsets(%arg7 : memref<128xi32, #tpu.memory_space<vmem>>) semaphore(%arg9 : memref<!tpu.dma_semaphore, #tpu.memory_space<semaphore_mem>>)
      %dma_wait3A = arith.constant 0 : i32
      %dma_wait3A_460 = arith.constant 0 : i32
      %dma_wait3A_461 = tpu.memref_slice %arg3[%dma_wait3A, %dma_wait3A_460] : memref<8192x128xf32, #tpu.memory_space<hbm>> -> memref<8192x128xf32, #tpu.memory_space<hbm>>
      tpu.wait_indirect_dma semaphore(%arg9 : memref<!tpu.dma_semaphore, #tpu.memory_space<semaphore_mem>>) src(%dma_wait3A_461 : memref<8192x128xf32, #tpu.memory_space<hbm>>) dst(%arg8 : memref<128x128xf32, #tpu.memory_space<vmem>>)
      %mul3A_462 = arith.constant 16 : i32
      %mul3A_463 = arith.muli %mul3A_13, %mul3A_462 : i32
      "tpu.region"() ({
        %run_scoped3A = tpu.sem_alloc : memref<!tpu.dma_semaphore, #tpu.memory_space<semaphore_mem>>
        %dma_start3A_465 = arith.constant 0 : i32
        %dma_start3A_466 = tpu.memref_slice %arg4[%mul3A_463, %dma_start3A_465] : memref<65536x128xf32, #tpu.memory_space<hbm>> -> memref<128x128xf32, #tpu.memory_space<hbm>>
        %dma_start3A_467 = arith.constant 0 : i32
        %dma_start3A_468 = tpu.memref_slice %arg4[%mul3A_463, %dma_start3A_467] : memref<65536x128xf32, #tpu.memory_space<hbm>> -> memref<128x128xf32, #tpu.memory_space<hbm>>
        tpu.enqueue_dma source(%arg8 : memref<128x128xf32, #tpu.memory_space<vmem>>) target(%dma_start3A_468 : memref<128x128xf32, #tpu.memory_space<hbm>>) target_semaphore(%run_scoped3A : memref<!tpu.dma_semaphore, #tpu.memory_space<semaphore_mem>>)
        %dma_wait3A_469 = arith.constant 0 : i32
        %dma_wait3A_470 = tpu.memref_slice %arg4[%mul3A_463, %dma_wait3A_469] : memref<65536x128xf32, #tpu.memory_space<hbm>> -> memref<128x128xf32, #tpu.memory_space<hbm>>
        %dma_wait3A_471 = arith.constant 0 : i32
        %dma_wait3A_472 = tpu.memref_slice %arg4[%mul3A_463, %dma_wait3A_471] : memref<65536x128xf32, #tpu.memory_space<hbm>> -> memref<128x128xf32, #tpu.memory_space<hbm>>
        tpu.wait_dma2 semaphore(%run_scoped3A : memref<!tpu.dma_semaphore, #tpu.memory_space<semaphore_mem>>) src(%arg8 : memref<128x128xf32, #tpu.memory_space<vmem>>) dst(%dma_wait3A_472 : memref<128x128xf32, #tpu.memory_space<hbm>>)
        tpu.yield
      }) : () -> ()
      %scan3A_464 = arith.constant 0 : i32
      scf.yield %scan3A_464 : i32
    }
    %scan3A_6 = arith.constant 16 : i32
    return
  }
}

#map = affine_map<(d0, d1) -> (0)>
#map1 = affine_map<(d0, d1) -> (0, 0)>
module attributes {stable_mosaic.version = 14 : i64} {
  func.func @k(%arg0: i32, %arg1: i32, %arg2: memref<4194304xf32, #tpu.memory_space<hbm>>, %arg3: memref<8192x128xf32, #tpu.memory_space<hbm>>, %arg4: memref<131072x128xf32, #tpu.memory_space<hbm>>, %arg5: memref<4096xf32, #tpu.memory_space<vmem>>, %arg6: memref<48xi32, #tpu.memory_space<vmem>>, %arg7: memref<128xi32, #tpu.memory_space<vmem>>, %arg8: memref<128x128xf32, #tpu.memory_space<vmem>>, %arg9: memref<!tpu.dma_semaphore, #tpu.memory_space<semaphore_mem>>) attributes {dimension_semantics = [#tpu.dimension_semantics<core_parallel>, #tpu.dimension_semantics<subcore_parallel>], iteration_bounds = array<i64: 2, 16>, scalar_prefetch = 0 : i64, scratch_operands = 5 : i64, tpu.core_type = #tpu.core_type<sc_vector_subcore>, window_params = [{transform_indices = #map}, {transform_indices = #map1}, {transform_indices = #map1}]} {
    %mul3A = arith.constant 2 : i32
    %mul3A_0 = arith.muli %arg1, %mul3A : i32
    %add3A = arith.addi %mul3A_0, %arg0 : i32
    %iota3A = tpu.iota {dimensions = array<i32: 0>} : vector<16xi32>
    %scan3A = arith.constant 0 : i32
    %scan3A_1 = arith.constant 0 : i32
    %scan3A_2 = arith.constant 32 : i32
    %scan3A_3 = arith.addi %scan3A_1, %scan3A_2 : i32
    %scan3A_4 = arith.constant 1 : i32
    %scan3A_5 = scf.for %scan3A_7 = %scan3A_1 to %scan3A_3 step %scan3A_4 iter_args(%scan3A_8 = %scan3A) -> (i32)  : i32 {
      %mul3A_9 = arith.constant 32 : i32
      %mul3A_10 = arith.muli %add3A, %mul3A_9 : i32
      %add3A_11 = arith.addi %mul3A_10, %scan3A_7 : i32
      %mul3A_12 = arith.constant 4 : i32
      %mul3A_13 = arith.muli %add3A_11, %mul3A_12 : i32
      %mul3A_14 = arith.constant 1024 : i32
      %mul3A_15 = arith.muli %mul3A_13, %mul3A_14 : i32
      "tpu.region"() ({
        %run_scoped3A = tpu.sem_alloc : memref<!tpu.dma_semaphore, #tpu.memory_space<semaphore_mem>>
        %dma_start3A_281 = tpu.memref_slice %arg2[%mul3A_15] : memref<4194304xf32, #tpu.memory_space<hbm>> -> memref<4096xf32, #tpu.memory_space<hbm>>
        %dma_start3A_282 = tpu.memref_slice %arg2[%mul3A_15] : memref<4194304xf32, #tpu.memory_space<hbm>> -> memref<4096xf32, #tpu.memory_space<hbm>>
        tpu.enqueue_dma source(%dma_start3A_282 : memref<4096xf32, #tpu.memory_space<hbm>>) target(%arg5 : memref<4096xf32, #tpu.memory_space<vmem>>) target_semaphore(%run_scoped3A : memref<!tpu.dma_semaphore, #tpu.memory_space<semaphore_mem>>)
        %dma_wait3A_283 = tpu.memref_slice %arg2[%mul3A_15] : memref<4194304xf32, #tpu.memory_space<hbm>> -> memref<4096xf32, #tpu.memory_space<hbm>>
        %dma_wait3A_284 = tpu.memref_slice %arg2[%mul3A_15] : memref<4194304xf32, #tpu.memory_space<hbm>> -> memref<4096xf32, #tpu.memory_space<hbm>>
        tpu.wait_dma2 semaphore(%run_scoped3A : memref<!tpu.dma_semaphore, #tpu.memory_space<semaphore_mem>>) src(%dma_wait3A_284 : memref<4096xf32, #tpu.memory_space<hbm>>) dst(%arg5 : memref<4096xf32, #tpu.memory_space<vmem>>)
        tpu.yield
      }) : () -> ()
      %add3A_16 = arith.constant 0 : i32
      %add3A_17 = arith.addi %mul3A_13, %add3A_16 : i32
      %jit3A = arith.constant 512 : i32
      %div3A = arith.divsi %add3A_17, %jit3A : i32
      %sign3A = arith.constant 0 : i32
      %sign3A_18 = arith.cmpi sgt, %add3A_17, %sign3A : i32
      %sign3A_19 = arith.extui %sign3A_18 : i1 to i32
      %sign3A_20 = arith.constant 0 : i32
      %sign3A_21 = arith.cmpi slt, %add3A_17, %sign3A_20 : i32
      %sign3A_22 = arith.extui %sign3A_21 : i1 to i32
      %sign3A_23 = arith.subi %sign3A_19, %sign3A_22 : i32
      %sign3A_24 = arith.constant 0 : i32
      %sign3A_25 = arith.cmpi sgt, %jit3A, %sign3A_24 : i32
      %sign3A_26 = arith.extui %sign3A_25 : i1 to i32
      %sign3A_27 = arith.constant 0 : i32
      %sign3A_28 = arith.cmpi slt, %jit3A, %sign3A_27 : i32
      %sign3A_29 = arith.extui %sign3A_28 : i1 to i32
      %sign3A_30 = arith.subi %sign3A_26, %sign3A_29 : i32
      %ne3A = arith.cmpi ne, %sign3A_23, %sign3A_30 : i32
      %rem3A = arith.remsi %add3A_17, %jit3A : i32
      %ne3A_31 = arith.constant 0 : i32
      %ne3A_32 = arith.cmpi ne, %rem3A, %ne3A_31 : i32
      %and3A = arith.andi %ne3A, %ne3A_32 : i1
      %sub3A = arith.constant 1 : i32
      %sub3A_33 = arith.subi %div3A, %sub3A : i32
      %select_n3A = arith.select %and3A, %sub3A_33, %div3A : i32
      %mul3A_34 = arith.constant 1024 : i32
      %mul3A_35 = arith.muli %select_n3A, %mul3A_34 : i32
      %scan3A_36 = arith.constant 0 : i32
      %scan3A_37 = arith.constant 1073741824 : i32
      %scan3A_38 = arith.constant 0 : i32
      %scan3A_39 = arith.constant 64 : i32
      %scan3A_40 = arith.addi %scan3A_38, %scan3A_39 : i32
      %scan3A_41 = arith.constant 1 : i32
      %scan3A_42:2 = scf.for %scan3A_281 = %scan3A_38 to %scan3A_40 step %scan3A_41 iter_args(%scan3A_282 = %scan3A_36, %scan3A_283 = %scan3A_37) -> (i32, i32)  : i32 {
        %mul3A_284 = arith.constant 16 : i32
        %mul3A_285 = arith.muli %scan3A_281, %mul3A_284 : i32
        %add3A_286 = arith.constant 0 : i32
        %add3A_287 = arith.addi %add3A_286, %mul3A_285 : i32
        %get3A_288 = arith.index_cast %add3A_287 : i32 to index
        %get3A_289 = tpu.vector_load %arg5[%get3A_288] {strides = array<i32>} : memref<4096xf32, #tpu.memory_space<vmem>>, vector<16xf32>,
        %le3A = arith.constant 4.000000e-02 : f32
        %le3A_290 = vector.broadcast %le3A : f32 to vector<16xf32>
        %le3A_291 = arith.cmpf ole, %get3A_289, %le3A_290 : vector<16xf32>
        %convert_element_type3A = arith.extui %le3A_291 : vector<16xi1> to vector<16xi32>
        %broadcast_in_dim3A_292 = arith.constant true
        %broadcast_in_dim3A_293 = vector.broadcast %broadcast_in_dim3A_292 : i1 to vector<16xi1>
        %masked_cumsum3A = tpu.scan <sum>, %convert_element_type3A masked %broadcast_in_dim3A_293 : vector<16xi32>, vector<16xi1> -> vector<16xi32>
        %add3A_294 = vector.broadcast %scan3A_282 : i32 to vector<16xi32>
        %add3A_295 = arith.addi %add3A_294, %masked_cumsum3A : vector<16xi32>
        %sub3A_296 = arith.constant 1 : i32
        %sub3A_297 = vector.broadcast %sub3A_296 : i32 to vector<16xi32>
        %sub3A_298 = arith.subi %add3A_295, %sub3A_297 : vector<16xi32>
        %lt3A_299 = arith.constant 32 : i32
        %lt3A_300 = vector.broadcast %lt3A_299 : i32 to vector<16xi32>
        %lt3A_301 = arith.cmpi slt, %sub3A_298, %lt3A_300 : vector<16xi32>
        %and3A_302 = arith.andi %le3A_291, %lt3A_301 : vector<16xi1>
        %jit3A_303 = arith.constant 0 : i32
        %broadcast_in_dim3A_304 = vector.broadcast %jit3A_303 : i32 to vector<16xi32>
        %select_n3A_305 = arith.select %and3A_302, %sub3A_298, %broadcast_in_dim3A_304 : vector<16xi1>, vector<16xi32>
        %jit3A_306 = arith.constant 0 : i32
        %jit3A_307 = arith.constant 31 : i32
        %max3A_308 = vector.broadcast %jit3A_306 : i32 to vector<16xi32>
        %max3A_309 = arith.maxsi %max3A_308, %select_n3A_305 : vector<16xi32>
        %min3A_310 = vector.broadcast %jit3A_307 : i32 to vector<16xi32>
        %min3A_311 = arith.minsi %min3A_310, %max3A_309 : vector<16xi32>
        %mul3A_312 = arith.constant 16 : i32
        %mul3A_313 = arith.muli %scan3A_281, %mul3A_312 : i32
        %add3A_314 = arith.addi %mul3A_35, %mul3A_313 : i32
        %add3A_315 = vector.broadcast %add3A_314 : i32 to vector<16xi32>
        %add3A_316 = arith.addi %add3A_315, %iota3A : vector<16xi32>
        tpu.vector_store_idx %arg6[%min3A_311], %add3A_316 masked %and3A_302 : memref<48xi32, #tpu.memory_space<vmem>>[vector<16xi32>], vector<16xi32>, vector<16xi1>
        %jit3A_317 = arith.constant 1073741824 : i32
        %broadcast_in_dim3A_318 = vector.broadcast %jit3A_317 : i32 to vector<16xi32>
        %select_n3A_319 = arith.select %le3A_291, %add3A_316, %broadcast_in_dim3A_318 : vector<16xi1>, vector<16xi32>
        %reduce_min3A = arith.constant true
        %reduce_min3A_320 = vector.broadcast %reduce_min3A : i1 to vector<16xi1>
        %reduce_min3A_321 = arith.constant -2147483648 : i32
        %reduce_min3A_322 = vector.broadcast %reduce_min3A_321 : i32 to vector<16xi32>
        %reduce_min3A_323 = arith.xori %select_n3A_319, %reduce_min3A_322 : vector<16xi32>
        %reduce_min3A_324 = tpu.scan <min>, %reduce_min3A_323 masked %reduce_min3A_320 : vector<16xi32>, vector<16xi1> -> vector<16xi32>
        %reduce_min3A_325 = arith.xori %reduce_min3A_324, %reduce_min3A_322 : vector<16xi32>
        %reduce_min3A_326 = vector.extract %reduce_min3A_325[15] : i32 from vector<16xi32>
        %min3A_327 = arith.minsi %scan3A_283, %reduce_min3A_326 : i32
        %reduce_sum3A = arith.constant true
        %reduce_sum3A_328 = vector.broadcast %reduce_sum3A : i1 to vector<16xi1>
        %reduce_sum3A_329 = tpu.scan <sum>, %convert_element_type3A masked %reduce_sum3A_328 : vector<16xi32>, vector<16xi1> -> vector<16xi32>
        %reduce_sum3A_330 = vector.extract %reduce_sum3A_329[15] : i32 from vector<16xi32>
        %add3A_331 = arith.addi %scan3A_282, %reduce_sum3A_330 : i32
        scf.yield %add3A_331, %min3A_327 : i32, i32
      }
      %scan3A_43 = arith.constant 64 : i32
      %add3A_44 = arith.constant 1024 : i32
      %add3A_45 = arith.addi %mul3A_35, %add3A_44 : i32
      %sub3A_46 = arith.constant 1 : i32
      %sub3A_47 = arith.subi %add3A_45, %sub3A_46 : i32
      %max3A = arith.maxsi %mul3A_35, %scan3A_42#1 : i32
      %min3A = arith.minsi %sub3A_47, %max3A : i32
      %jit3A_48 = arith.constant 0 : i32
      %jit3A_49 = arith.constant 32 : i32
      %max3A_50 = arith.maxsi %jit3A_48, %scan3A_42#0 : i32
      %min3A_51 = arith.minsi %jit3A_49, %max3A_50 : i32
      %add3A_52 = arith.constant 0 : i32
      %add3A_53 = vector.broadcast %add3A_52 : i32 to vector<16xi32>
      %add3A_54 = arith.addi %add3A_53, %iota3A : vector<16xi32>
      %get3A = arith.constant 0 : index
      %get3A_55 = tpu.vector_load %arg6[%get3A] {strides = array<i32>} : memref<48xi32, #tpu.memory_space<vmem>>, vector<16xi32>,
      %lt3A = vector.broadcast %min3A_51 : i32 to vector<16xi32>
      %lt3A_56 = arith.cmpi slt, %add3A_54, %lt3A : vector<16xi32>
      %broadcast_in_dim3A = vector.broadcast %min3A : i32 to vector<16xi32>
      %select_n3A_57 = arith.select %lt3A_56, %get3A_55, %broadcast_in_dim3A : vector<16xi1>, vector<16xi32>
      %swap3A = arith.constant 0 : index
      %swap3A_58 = tpu.vector_load %arg7[%swap3A] {strides = array<i32>} : memref<128xi32, #tpu.memory_space<vmem>>, vector<16xi32>,
      tpu.vector_store %arg7[%swap3A], %select_n3A_57 {strides = array<i32>} : memref<128xi32, #tpu.memory_space<vmem>>, vector<16xi32>,
      %add3A_59 = arith.constant 16 : i32
      %add3A_60 = vector.broadcast %add3A_59 : i32 to vector<16xi32>
      %add3A_61 = arith.addi %add3A_60, %iota3A : vector<16xi32>
      %get3A_62 = arith.constant 16 : index
      %get3A_63 = tpu.vector_load %arg6[%get3A_62] {strides = array<i32>} : memref<48xi32, #tpu.memory_space<vmem>>, vector<16xi32>,
      %lt3A_64 = vector.broadcast %min3A_51 : i32 to vector<16xi32>
      %lt3A_65 = arith.cmpi slt, %add3A_61, %lt3A_64 : vector<16xi32>
      %broadcast_in_dim3A_66 = vector.broadcast %min3A : i32 to vector<16xi32>
      %select_n3A_67 = arith.select %lt3A_65, %get3A_63, %broadcast_in_dim3A_66 : vector<16xi1>, vector<16xi32>
      %swap3A_68 = arith.constant 16 : index
      %swap3A_69 = tpu.vector_load %arg7[%swap3A_68] {strides = array<i32>} : memref<128xi32, #tpu.memory_space<vmem>>, vector<16xi32>,
      tpu.vector_store %arg7[%swap3A_68], %select_n3A_67 {strides = array<i32>} : memref<128xi32, #tpu.memory_space<vmem>>, vector<16xi32>,
      %add3A_70 = arith.constant 1 : i32
      %add3A_71 = arith.addi %mul3A_13, %add3A_70 : i32
      %jit3A_72 = arith.constant 512 : i32
      %div3A_73 = arith.divsi %add3A_71, %jit3A_72 : i32
      %sign3A_74 = arith.constant 0 : i32
      %sign3A_75 = arith.cmpi sgt, %add3A_71, %sign3A_74 : i32
      %sign3A_76 = arith.extui %sign3A_75 : i1 to i32
      %sign3A_77 = arith.constant 0 : i32
      %sign3A_78 = arith.cmpi slt, %add3A_71, %sign3A_77 : i32
      %sign3A_79 = arith.extui %sign3A_78 : i1 to i32
      %sign3A_80 = arith.subi %sign3A_76, %sign3A_79 : i32
      %sign3A_81 = arith.constant 0 : i32
      %sign3A_82 = arith.cmpi sgt, %jit3A_72, %sign3A_81 : i32
      %sign3A_83 = arith.extui %sign3A_82 : i1 to i32
      %sign3A_84 = arith.constant 0 : i32
      %sign3A_85 = arith.cmpi slt, %jit3A_72, %sign3A_84 : i32
      %sign3A_86 = arith.extui %sign3A_85 : i1 to i32
      %sign3A_87 = arith.subi %sign3A_83, %sign3A_86 : i32
      %ne3A_88 = arith.cmpi ne, %sign3A_80, %sign3A_87 : i32
      %rem3A_89 = arith.remsi %add3A_71, %jit3A_72 : i32
      %ne3A_90 = arith.constant 0 : i32
      %ne3A_91 = arith.cmpi ne, %rem3A_89, %ne3A_90 : i32
      %and3A_92 = arith.andi %ne3A_88, %ne3A_91 : i1
      %sub3A_93 = arith.constant 1 : i32
      %sub3A_94 = arith.subi %div3A_73, %sub3A_93 : i32
      %select_n3A_95 = arith.select %and3A_92, %sub3A_94, %div3A_73 : i32
      %mul3A_96 = arith.constant 1024 : i32
      %mul3A_97 = arith.muli %select_n3A_95, %mul3A_96 : i32
      %scan3A_98 = arith.constant 0 : i32
      %scan3A_99 = arith.constant 1073741824 : i32
      %scan3A_100 = arith.constant 0 : i32
      %scan3A_101 = arith.constant 64 : i32
      %scan3A_102 = arith.addi %scan3A_100, %scan3A_101 : i32
      %scan3A_103 = arith.constant 1 : i32
      %scan3A_104:2 = scf.for %scan3A_281 = %scan3A_100 to %scan3A_102 step %scan3A_103 iter_args(%scan3A_282 = %scan3A_98, %scan3A_283 = %scan3A_99) -> (i32, i32)  : i32 {
        %mul3A_284 = arith.constant 16 : i32
        %mul3A_285 = arith.muli %scan3A_281, %mul3A_284 : i32
        %add3A_286 = arith.constant 1024 : i32
        %add3A_287 = arith.addi %add3A_286, %mul3A_285 : i32
        %get3A_288 = arith.index_cast %add3A_287 : i32 to index
        %get3A_289 = tpu.vector_load %arg5[%get3A_288] {strides = array<i32>} : memref<4096xf32, #tpu.memory_space<vmem>>, vector<16xf32>,
        %le3A = arith.constant 4.000000e-02 : f32
        %le3A_290 = vector.broadcast %le3A : f32 to vector<16xf32>
        %le3A_291 = arith.cmpf ole, %get3A_289, %le3A_290 : vector<16xf32>
        %convert_element_type3A = arith.extui %le3A_291 : vector<16xi1> to vector<16xi32>
        %broadcast_in_dim3A_292 = arith.constant true
        %broadcast_in_dim3A_293 = vector.broadcast %broadcast_in_dim3A_292 : i1 to vector<16xi1>
        %masked_cumsum3A = tpu.scan <sum>, %convert_element_type3A masked %broadcast_in_dim3A_293 : vector<16xi32>, vector<16xi1> -> vector<16xi32>
        %add3A_294 = vector.broadcast %scan3A_282 : i32 to vector<16xi32>
        %add3A_295 = arith.addi %add3A_294, %masked_cumsum3A : vector<16xi32>
        %sub3A_296 = arith.constant 1 : i32
        %sub3A_297 = vector.broadcast %sub3A_296 : i32 to vector<16xi32>
        %sub3A_298 = arith.subi %add3A_295, %sub3A_297 : vector<16xi32>
        %lt3A_299 = arith.constant 32 : i32
        %lt3A_300 = vector.broadcast %lt3A_299 : i32 to vector<16xi32>
        %lt3A_301 = arith.cmpi slt, %sub3A_298, %lt3A_300 : vector<16xi32>
        %and3A_302 = arith.andi %le3A_291, %lt3A_301 : vector<16xi1>
        %jit3A_303 = arith.constant 0 : i32
        %broadcast_in_dim3A_304 = vector.broadcast %jit3A_303 : i32 to vector<16xi32>
        %select_n3A_305 = arith.select %and3A_302, %sub3A_298, %broadcast_in_dim3A_304 : vector<16xi1>, vector<16xi32>
        %jit3A_306 = arith.constant 0 : i32
        %jit3A_307 = arith.constant 31 : i32
        %max3A_308 = vector.broadcast %jit3A_306 : i32 to vector<16xi32>
        %max3A_309 = arith.maxsi %max3A_308, %select_n3A_305 : vector<16xi32>
        %min3A_310 = vector.broadcast %jit3A_307 : i32 to vector<16xi32>
        %min3A_311 = arith.minsi %min3A_310, %max3A_309 : vector<16xi32>
        %mul3A_312 = arith.constant 16 : i32
        %mul3A_313 = arith.muli %scan3A_281, %mul3A_312 : i32
        %add3A_314 = arith.addi %mul3A_97, %mul3A_313 : i32
        %add3A_315 = vector.broadcast %add3A_314 : i32 to vector<16xi32>
        %add3A_316 = arith.addi %add3A_315, %iota3A : vector<16xi32>
        tpu.vector_store_idx %arg6[%min3A_311], %add3A_316 masked %and3A_302 : memref<48xi32, #tpu.memory_space<vmem>>[vector<16xi32>], vector<16xi32>, vector<16xi1>
        %jit3A_317 = arith.constant 1073741824 : i32
        %broadcast_in_dim3A_318 = vector.broadcast %jit3A_317 : i32 to vector<16xi32>
        %select_n3A_319 = arith.select %le3A_291, %add3A_316, %broadcast_in_dim3A_318 : vector<16xi1>, vector<16xi32>
        %reduce_min3A = arith.constant true
        %reduce_min3A_320 = vector.broadcast %reduce_min3A : i1 to vector<16xi1>
        %reduce_min3A_321 = arith.constant -2147483648 : i32
        %reduce_min3A_322 = vector.broadcast %reduce_min3A_321 : i32 to vector<16xi32>
        %reduce_min3A_323 = arith.xori %select_n3A_319, %reduce_min3A_322 : vector<16xi32>
        %reduce_min3A_324 = tpu.scan <min>, %reduce_min3A_323 masked %reduce_min3A_320 : vector<16xi32>, vector<16xi1> -> vector<16xi32>
        %reduce_min3A_325 = arith.xori %reduce_min3A_324, %reduce_min3A_322 : vector<16xi32>
        %reduce_min3A_326 = vector.extract %reduce_min3A_325[15] : i32 from vector<16xi32>
        %min3A_327 = arith.minsi %scan3A_283, %reduce_min3A_326 : i32
        %reduce_sum3A = arith.constant true
        %reduce_sum3A_328 = vector.broadcast %reduce_sum3A : i1 to vector<16xi1>
        %reduce_sum3A_329 = tpu.scan <sum>, %convert_element_type3A masked %reduce_sum3A_328 : vector<16xi32>, vector<16xi1> -> vector<16xi32>
        %reduce_sum3A_330 = vector.extract %reduce_sum3A_329[15] : i32 from vector<16xi32>
        %add3A_331 = arith.addi %scan3A_282, %reduce_sum3A_330 : i32
        scf.yield %add3A_331, %min3A_327 : i32, i32
      }
      %scan3A_105 = arith.constant 64 : i32
      %add3A_106 = arith.constant 1024 : i32
      %add3A_107 = arith.addi %mul3A_97, %add3A_106 : i32
      %sub3A_108 = arith.constant 1 : i32
      %sub3A_109 = arith.subi %add3A_107, %sub3A_108 : i32
      %max3A_110 = arith.maxsi %mul3A_97, %scan3A_104#1 : i32
      %min3A_111 = arith.minsi %sub3A_109, %max3A_110 : i32
      %jit3A_112 = arith.constant 0 : i32
      %jit3A_113 = arith.constant 32 : i32
      %max3A_114 = arith.maxsi %jit3A_112, %scan3A_104#0 : i32
      %min3A_115 = arith.minsi %jit3A_113, %max3A_114 : i32
      %add3A_116 = arith.constant 0 : i32
      %add3A_117 = vector.broadcast %add3A_116 : i32 to vector<16xi32>
      %add3A_118 = arith.addi %add3A_117, %iota3A : vector<16xi32>
      %get3A_119 = arith.constant 0 : index
      %get3A_120 = tpu.vector_load %arg6[%get3A_119] {strides = array<i32>} : memref<48xi32, #tpu.memory_space<vmem>>, vector<16xi32>,
      %lt3A_121 = vector.broadcast %min3A_115 : i32 to vector<16xi32>
      %lt3A_122 = arith.cmpi slt, %add3A_118, %lt3A_121 : vector<16xi32>
      %broadcast_in_dim3A_123 = vector.broadcast %min3A_111 : i32 to vector<16xi32>
      %select_n3A_124 = arith.select %lt3A_122, %get3A_120, %broadcast_in_dim3A_123 : vector<16xi1>, vector<16xi32>
      %swap3A_125 = arith.constant 32 : index
      %swap3A_126 = tpu.vector_load %arg7[%swap3A_125] {strides = array<i32>} : memref<128xi32, #tpu.memory_space<vmem>>, vector<16xi32>,
      tpu.vector_store %arg7[%swap3A_125], %select_n3A_124 {strides = array<i32>} : memref<128xi32, #tpu.memory_space<vmem>>, vector<16xi32>,
      %add3A_127 = arith.constant 16 : i32
      %add3A_128 = vector.broadcast %add3A_127 : i32 to vector<16xi32>
      %add3A_129 = arith.addi %add3A_128, %iota3A : vector<16xi32>
      %get3A_130 = arith.constant 16 : index
      %get3A_131 = tpu.vector_load %arg6[%get3A_130] {strides = array<i32>} : memref<48xi32, #tpu.memory_space<vmem>>, vector<16xi32>,
      %lt3A_132 = vector.broadcast %min3A_115 : i32 to vector<16xi32>
      %lt3A_133 = arith.cmpi slt, %add3A_129, %lt3A_132 : vector<16xi32>
      %broadcast_in_dim3A_134 = vector.broadcast %min3A_111 : i32 to vector<16xi32>
      %select_n3A_135 = arith.select %lt3A_133, %get3A_131, %broadcast_in_dim3A_134 : vector<16xi1>, vector<16xi32>
      %swap3A_136 = arith.constant 48 : index
      %swap3A_137 = tpu.vector_load %arg7[%swap3A_136] {strides = array<i32>} : memref<128xi32, #tpu.memory_space<vmem>>, vector<16xi32>,
      tpu.vector_store %arg7[%swap3A_136], %select_n3A_135 {strides = array<i32>} : memref<128xi32, #tpu.memory_space<vmem>>, vector<16xi32>,
      %add3A_138 = arith.constant 2 : i32
      %add3A_139 = arith.addi %mul3A_13, %add3A_138 : i32
      %jit3A_140 = arith.constant 512 : i32
      %div3A_141 = arith.divsi %add3A_139, %jit3A_140 : i32
      %sign3A_142 = arith.constant 0 : i32
      %sign3A_143 = arith.cmpi sgt, %add3A_139, %sign3A_142 : i32
      %sign3A_144 = arith.extui %sign3A_143 : i1 to i32
      %sign3A_145 = arith.constant 0 : i32
      %sign3A_146 = arith.cmpi slt, %add3A_139, %sign3A_145 : i32
      %sign3A_147 = arith.extui %sign3A_146 : i1 to i32
      %sign3A_148 = arith.subi %sign3A_144, %sign3A_147 : i32
      %sign3A_149 = arith.constant 0 : i32
      %sign3A_150 = arith.cmpi sgt, %jit3A_140, %sign3A_149 : i32
      %sign3A_151 = arith.extui %sign3A_150 : i1 to i32
      %sign3A_152 = arith.constant 0 : i32
      %sign3A_153 = arith.cmpi slt, %jit3A_140, %sign3A_152 : i32
      %sign3A_154 = arith.extui %sign3A_153 : i1 to i32
      %sign3A_155 = arith.subi %sign3A_151, %sign3A_154 : i32
      %ne3A_156 = arith.cmpi ne, %sign3A_148, %sign3A_155 : i32
      %rem3A_157 = arith.remsi %add3A_139, %jit3A_140 : i32
      %ne3A_158 = arith.constant 0 : i32
      %ne3A_159 = arith.cmpi ne, %rem3A_157, %ne3A_158 : i32
      %and3A_160 = arith.andi %ne3A_156, %ne3A_159 : i1
      %sub3A_161 = arith.constant 1 : i32
      %sub3A_162 = arith.subi %div3A_141, %sub3A_161 : i32
      %select_n3A_163 = arith.select %and3A_160, %sub3A_162, %div3A_141 : i32
      %mul3A_164 = arith.constant 1024 : i32
      %mul3A_165 = arith.muli %select_n3A_163, %mul3A_164 : i32
      %scan3A_166 = arith.constant 0 : i32
      %scan3A_167 = arith.constant 1073741824 : i32
      %scan3A_168 = arith.constant 0 : i32
      %scan3A_169 = arith.constant 64 : i32
      %scan3A_170 = arith.addi %scan3A_168, %scan3A_169 : i32
      %scan3A_171 = arith.constant 1 : i32
      %scan3A_172:2 = scf.for %scan3A_281 = %scan3A_168 to %scan3A_170 step %scan3A_171 iter_args(%scan3A_282 = %scan3A_166, %scan3A_283 = %scan3A_167) -> (i32, i32)  : i32 {
        %mul3A_284 = arith.constant 16 : i32
        %mul3A_285 = arith.muli %scan3A_281, %mul3A_284 : i32
        %add3A_286 = arith.constant 2048 : i32
        %add3A_287 = arith.addi %add3A_286, %mul3A_285 : i32
        %get3A_288 = arith.index_cast %add3A_287 : i32 to index
        %get3A_289 = tpu.vector_load %arg5[%get3A_288] {strides = array<i32>} : memref<4096xf32, #tpu.memory_space<vmem>>, vector<16xf32>,
        %le3A = arith.constant 4.000000e-02 : f32
        %le3A_290 = vector.broadcast %le3A : f32 to vector<16xf32>
        %le3A_291 = arith.cmpf ole, %get3A_289, %le3A_290 : vector<16xf32>
        %convert_element_type3A = arith.extui %le3A_291 : vector<16xi1> to vector<16xi32>
        %broadcast_in_dim3A_292 = arith.constant true
        %broadcast_in_dim3A_293 = vector.broadcast %broadcast_in_dim3A_292 : i1 to vector<16xi1>
        %masked_cumsum3A = tpu.scan <sum>, %convert_element_type3A masked %broadcast_in_dim3A_293 : vector<16xi32>, vector<16xi1> -> vector<16xi32>
        %add3A_294 = vector.broadcast %scan3A_282 : i32 to vector<16xi32>
        %add3A_295 = arith.addi %add3A_294, %masked_cumsum3A : vector<16xi32>
        %sub3A_296 = arith.constant 1 : i32
        %sub3A_297 = vector.broadcast %sub3A_296 : i32 to vector<16xi32>
        %sub3A_298 = arith.subi %add3A_295, %sub3A_297 : vector<16xi32>
        %lt3A_299 = arith.constant 32 : i32
        %lt3A_300 = vector.broadcast %lt3A_299 : i32 to vector<16xi32>
        %lt3A_301 = arith.cmpi slt, %sub3A_298, %lt3A_300 : vector<16xi32>
        %and3A_302 = arith.andi %le3A_291, %lt3A_301 : vector<16xi1>
        %jit3A_303 = arith.constant 0 : i32
        %broadcast_in_dim3A_304 = vector.broadcast %jit3A_303 : i32 to vector<16xi32>
        %select_n3A_305 = arith.select %and3A_302, %sub3A_298, %broadcast_in_dim3A_304 : vector<16xi1>, vector<16xi32>
        %jit3A_306 = arith.constant 0 : i32
        %jit3A_307 = arith.constant 31 : i32
        %max3A_308 = vector.broadcast %jit3A_306 : i32 to vector<16xi32>
        %max3A_309 = arith.maxsi %max3A_308, %select_n3A_305 : vector<16xi32>
        %min3A_310 = vector.broadcast %jit3A_307 : i32 to vector<16xi32>
        %min3A_311 = arith.minsi %min3A_310, %max3A_309 : vector<16xi32>
        %mul3A_312 = arith.constant 16 : i32
        %mul3A_313 = arith.muli %scan3A_281, %mul3A_312 : i32
        %add3A_314 = arith.addi %mul3A_165, %mul3A_313 : i32
        %add3A_315 = vector.broadcast %add3A_314 : i32 to vector<16xi32>
        %add3A_316 = arith.addi %add3A_315, %iota3A : vector<16xi32>
        tpu.vector_store_idx %arg6[%min3A_311], %add3A_316 masked %and3A_302 : memref<48xi32, #tpu.memory_space<vmem>>[vector<16xi32>], vector<16xi32>, vector<16xi1>
        %jit3A_317 = arith.constant 1073741824 : i32
        %broadcast_in_dim3A_318 = vector.broadcast %jit3A_317 : i32 to vector<16xi32>
        %select_n3A_319 = arith.select %le3A_291, %add3A_316, %broadcast_in_dim3A_318 : vector<16xi1>, vector<16xi32>
        %reduce_min3A = arith.constant true
        %reduce_min3A_320 = vector.broadcast %reduce_min3A : i1 to vector<16xi1>
        %reduce_min3A_321 = arith.constant -2147483648 : i32
        %reduce_min3A_322 = vector.broadcast %reduce_min3A_321 : i32 to vector<16xi32>
        %reduce_min3A_323 = arith.xori %select_n3A_319, %reduce_min3A_322 : vector<16xi32>
        %reduce_min3A_324 = tpu.scan <min>, %reduce_min3A_323 masked %reduce_min3A_320 : vector<16xi32>, vector<16xi1> -> vector<16xi32>
        %reduce_min3A_325 = arith.xori %reduce_min3A_324, %reduce_min3A_322 : vector<16xi32>
        %reduce_min3A_326 = vector.extract %reduce_min3A_325[15] : i32 from vector<16xi32>
        %min3A_327 = arith.minsi %scan3A_283, %reduce_min3A_326 : i32
        %reduce_sum3A = arith.constant true
        %reduce_sum3A_328 = vector.broadcast %reduce_sum3A : i1 to vector<16xi1>
        %reduce_sum3A_329 = tpu.scan <sum>, %convert_element_type3A masked %reduce_sum3A_328 : vector<16xi32>, vector<16xi1> -> vector<16xi32>
        %reduce_sum3A_330 = vector.extract %reduce_sum3A_329[15] : i32 from vector<16xi32>
        %add3A_331 = arith.addi %scan3A_282, %reduce_sum3A_330 : i32
        scf.yield %add3A_331, %min3A_327 : i32, i32
      }
      %scan3A_173 = arith.constant 64 : i32
      %add3A_174 = arith.constant 1024 : i32
      %add3A_175 = arith.addi %mul3A_165, %add3A_174 : i32
      %sub3A_176 = arith.constant 1 : i32
      %sub3A_177 = arith.subi %add3A_175, %sub3A_176 : i32
      %max3A_178 = arith.maxsi %mul3A_165, %scan3A_172#1 : i32
      %min3A_179 = arith.minsi %sub3A_177, %max3A_178 : i32
      %jit3A_180 = arith.constant 0 : i32
      %jit3A_181 = arith.constant 32 : i32
      %max3A_182 = arith.maxsi %jit3A_180, %scan3A_172#0 : i32
      %min3A_183 = arith.minsi %jit3A_181, %max3A_182 : i32
      %add3A_184 = arith.constant 0 : i32
      %add3A_185 = vector.broadcast %add3A_184 : i32 to vector<16xi32>
      %add3A_186 = arith.addi %add3A_185, %iota3A : vector<16xi32>
      %get3A_187 = arith.constant 0 : index
      %get3A_188 = tpu.vector_load %arg6[%get3A_187] {strides = array<i32>} : memref<48xi32, #tpu.memory_space<vmem>>, vector<16xi32>,
      %lt3A_189 = vector.broadcast %min3A_183 : i32 to vector<16xi32>
      %lt3A_190 = arith.cmpi slt, %add3A_186, %lt3A_189 : vector<16xi32>
      %broadcast_in_dim3A_191 = vector.broadcast %min3A_179 : i32 to vector<16xi32>
      %select_n3A_192 = arith.select %lt3A_190, %get3A_188, %broadcast_in_dim3A_191 : vector<16xi1>, vector<16xi32>
      %swap3A_193 = arith.constant 64 : index
      %swap3A_194 = tpu.vector_load %arg7[%swap3A_193] {strides = array<i32>} : memref<128xi32, #tpu.memory_space<vmem>>, vector<16xi32>,
      tpu.vector_store %arg7[%swap3A_193], %select_n3A_192 {strides = array<i32>} : memref<128xi32, #tpu.memory_space<vmem>>, vector<16xi32>,
      %add3A_195 = arith.constant 16 : i32
      %add3A_196 = vector.broadcast %add3A_195 : i32 to vector<16xi32>
      %add3A_197 = arith.addi %add3A_196, %iota3A : vector<16xi32>
      %get3A_198 = arith.constant 16 : index
      %get3A_199 = tpu.vector_load %arg6[%get3A_198] {strides = array<i32>} : memref<48xi32, #tpu.memory_space<vmem>>, vector<16xi32>,
      %lt3A_200 = vector.broadcast %min3A_183 : i32 to vector<16xi32>
      %lt3A_201 = arith.cmpi slt, %add3A_197, %lt3A_200 : vector<16xi32>
      %broadcast_in_dim3A_202 = vector.broadcast %min3A_179 : i32 to vector<16xi32>
      %select_n3A_203 = arith.select %lt3A_201, %get3A_199, %broadcast_in_dim3A_202 : vector<16xi1>, vector<16xi32>
      %swap3A_204 = arith.constant 80 : index
      %swap3A_205 = tpu.vector_load %arg7[%swap3A_204] {strides = array<i32>} : memref<128xi32, #tpu.memory_space<vmem>>, vector<16xi32>,
      tpu.vector_store %arg7[%swap3A_204], %select_n3A_203 {strides = array<i32>} : memref<128xi32, #tpu.memory_space<vmem>>, vector<16xi32>,
      %add3A_206 = arith.constant 3 : i32
      %add3A_207 = arith.addi %mul3A_13, %add3A_206 : i32
      %jit3A_208 = arith.constant 512 : i32
      %div3A_209 = arith.divsi %add3A_207, %jit3A_208 : i32
      %sign3A_210 = arith.constant 0 : i32
      %sign3A_211 = arith.cmpi sgt, %add3A_207, %sign3A_210 : i32
      %sign3A_212 = arith.extui %sign3A_211 : i1 to i32
      %sign3A_213 = arith.constant 0 : i32
      %sign3A_214 = arith.cmpi slt, %add3A_207, %sign3A_213 : i32
      %sign3A_215 = arith.extui %sign3A_214 : i1 to i32
      %sign3A_216 = arith.subi %sign3A_212, %sign3A_215 : i32
      %sign3A_217 = arith.constant 0 : i32
      %sign3A_218 = arith.cmpi sgt, %jit3A_208, %sign3A_217 : i32
      %sign3A_219 = arith.extui %sign3A_218 : i1 to i32
      %sign3A_220 = arith.constant 0 : i32
      %sign3A_221 = arith.cmpi slt, %jit3A_208, %sign3A_220 : i32
      %sign3A_222 = arith.extui %sign3A_221 : i1 to i32
      %sign3A_223 = arith.subi %sign3A_219, %sign3A_222 : i32
      %ne3A_224 = arith.cmpi ne, %sign3A_216, %sign3A_223 : i32
      %rem3A_225 = arith.remsi %add3A_207, %jit3A_208 : i32
      %ne3A_226 = arith.constant 0 : i32
      %ne3A_227 = arith.cmpi ne, %rem3A_225, %ne3A_226 : i32
      %and3A_228 = arith.andi %ne3A_224, %ne3A_227 : i1
      %sub3A_229 = arith.constant 1 : i32
      %sub3A_230 = arith.subi %div3A_209, %sub3A_229 : i32
      %select_n3A_231 = arith.select %and3A_228, %sub3A_230, %div3A_209 : i32
      %mul3A_232 = arith.constant 1024 : i32
      %mul3A_233 = arith.muli %select_n3A_231, %mul3A_232 : i32
      %scan3A_234 = arith.constant 0 : i32
      %scan3A_235 = arith.constant 1073741824 : i32
      %scan3A_236 = arith.constant 0 : i32
      %scan3A_237 = arith.constant 64 : i32
      %scan3A_238 = arith.addi %scan3A_236, %scan3A_237 : i32
      %scan3A_239 = arith.constant 1 : i32
      %scan3A_240:2 = scf.for %scan3A_281 = %scan3A_236 to %scan3A_238 step %scan3A_239 iter_args(%scan3A_282 = %scan3A_234, %scan3A_283 = %scan3A_235) -> (i32, i32)  : i32 {
        %mul3A_284 = arith.constant 16 : i32
        %mul3A_285 = arith.muli %scan3A_281, %mul3A_284 : i32
        %add3A_286 = arith.constant 3072 : i32
        %add3A_287 = arith.addi %add3A_286, %mul3A_285 : i32
        %get3A_288 = arith.index_cast %add3A_287 : i32 to index
        %get3A_289 = tpu.vector_load %arg5[%get3A_288] {strides = array<i32>} : memref<4096xf32, #tpu.memory_space<vmem>>, vector<16xf32>,
        %le3A = arith.constant 4.000000e-02 : f32
        %le3A_290 = vector.broadcast %le3A : f32 to vector<16xf32>
        %le3A_291 = arith.cmpf ole, %get3A_289, %le3A_290 : vector<16xf32>
        %convert_element_type3A = arith.extui %le3A_291 : vector<16xi1> to vector<16xi32>
        %broadcast_in_dim3A_292 = arith.constant true
        %broadcast_in_dim3A_293 = vector.broadcast %broadcast_in_dim3A_292 : i1 to vector<16xi1>
        %masked_cumsum3A = tpu.scan <sum>, %convert_element_type3A masked %broadcast_in_dim3A_293 : vector<16xi32>, vector<16xi1> -> vector<16xi32>
        %add3A_294 = vector.broadcast %scan3A_282 : i32 to vector<16xi32>
        %add3A_295 = arith.addi %add3A_294, %masked_cumsum3A : vector<16xi32>
        %sub3A_296 = arith.constant 1 : i32
        %sub3A_297 = vector.broadcast %sub3A_296 : i32 to vector<16xi32>
        %sub3A_298 = arith.subi %add3A_295, %sub3A_297 : vector<16xi32>
        %lt3A_299 = arith.constant 32 : i32
        %lt3A_300 = vector.broadcast %lt3A_299 : i32 to vector<16xi32>
        %lt3A_301 = arith.cmpi slt, %sub3A_298, %lt3A_300 : vector<16xi32>
        %and3A_302 = arith.andi %le3A_291, %lt3A_301 : vector<16xi1>
        %jit3A_303 = arith.constant 0 : i32
        %broadcast_in_dim3A_304 = vector.broadcast %jit3A_303 : i32 to vector<16xi32>
        %select_n3A_305 = arith.select %and3A_302, %sub3A_298, %broadcast_in_dim3A_304 : vector<16xi1>, vector<16xi32>
        %jit3A_306 = arith.constant 0 : i32
        %jit3A_307 = arith.constant 31 : i32
        %max3A_308 = vector.broadcast %jit3A_306 : i32 to vector<16xi32>
        %max3A_309 = arith.maxsi %max3A_308, %select_n3A_305 : vector<16xi32>
        %min3A_310 = vector.broadcast %jit3A_307 : i32 to vector<16xi32>
        %min3A_311 = arith.minsi %min3A_310, %max3A_309 : vector<16xi32>
        %mul3A_312 = arith.constant 16 : i32
        %mul3A_313 = arith.muli %scan3A_281, %mul3A_312 : i32
        %add3A_314 = arith.addi %mul3A_233, %mul3A_313 : i32
        %add3A_315 = vector.broadcast %add3A_314 : i32 to vector<16xi32>
        %add3A_316 = arith.addi %add3A_315, %iota3A : vector<16xi32>
        tpu.vector_store_idx %arg6[%min3A_311], %add3A_316 masked %and3A_302 : memref<48xi32, #tpu.memory_space<vmem>>[vector<16xi32>], vector<16xi32>, vector<16xi1>
        %jit3A_317 = arith.constant 1073741824 : i32
        %broadcast_in_dim3A_318 = vector.broadcast %jit3A_317 : i32 to vector<16xi32>
        %select_n3A_319 = arith.select %le3A_291, %add3A_316, %broadcast_in_dim3A_318 : vector<16xi1>, vector<16xi32>
        %reduce_min3A = arith.constant true
        %reduce_min3A_320 = vector.broadcast %reduce_min3A : i1 to vector<16xi1>
        %reduce_min3A_321 = arith.constant -2147483648 : i32
        %reduce_min3A_322 = vector.broadcast %reduce_min3A_321 : i32 to vector<16xi32>
        %reduce_min3A_323 = arith.xori %select_n3A_319, %reduce_min3A_322 : vector<16xi32>
        %reduce_min3A_324 = tpu.scan <min>, %reduce_min3A_323 masked %reduce_min3A_320 : vector<16xi32>, vector<16xi1> -> vector<16xi32>
        %reduce_min3A_325 = arith.xori %reduce_min3A_324, %reduce_min3A_322 : vector<16xi32>
        %reduce_min3A_326 = vector.extract %reduce_min3A_325[15] : i32 from vector<16xi32>
        %min3A_327 = arith.minsi %scan3A_283, %reduce_min3A_326 : i32
        %reduce_sum3A = arith.constant true
        %reduce_sum3A_328 = vector.broadcast %reduce_sum3A : i1 to vector<16xi1>
        %reduce_sum3A_329 = tpu.scan <sum>, %convert_element_type3A masked %reduce_sum3A_328 : vector<16xi32>, vector<16xi1> -> vector<16xi32>
        %reduce_sum3A_330 = vector.extract %reduce_sum3A_329[15] : i32 from vector<16xi32>
        %add3A_331 = arith.addi %scan3A_282, %reduce_sum3A_330 : i32
        scf.yield %add3A_331, %min3A_327 : i32, i32
      }
      %scan3A_241 = arith.constant 64 : i32
      %add3A_242 = arith.constant 1024 : i32
      %add3A_243 = arith.addi %mul3A_233, %add3A_242 : i32
      %sub3A_244 = arith.constant 1 : i32
      %sub3A_245 = arith.subi %add3A_243, %sub3A_244 : i32
      %max3A_246 = arith.maxsi %mul3A_233, %scan3A_240#1 : i32
      %min3A_247 = arith.minsi %sub3A_245, %max3A_246 : i32
      %jit3A_248 = arith.constant 0 : i32
      %jit3A_249 = arith.constant 32 : i32
      %max3A_250 = arith.maxsi %jit3A_248, %scan3A_240#0 : i32
      %min3A_251 = arith.minsi %jit3A_249, %max3A_250 : i32
      %add3A_252 = arith.constant 0 : i32
      %add3A_253 = vector.broadcast %add3A_252 : i32 to vector<16xi32>
      %add3A_254 = arith.addi %add3A_253, %iota3A : vector<16xi32>
      %get3A_255 = arith.constant 0 : index
      %get3A_256 = tpu.vector_load %arg6[%get3A_255] {strides = array<i32>} : memref<48xi32, #tpu.memory_space<vmem>>, vector<16xi32>,
      %lt3A_257 = vector.broadcast %min3A_251 : i32 to vector<16xi32>
      %lt3A_258 = arith.cmpi slt, %add3A_254, %lt3A_257 : vector<16xi32>
      %broadcast_in_dim3A_259 = vector.broadcast %min3A_247 : i32 to vector<16xi32>
      %select_n3A_260 = arith.select %lt3A_258, %get3A_256, %broadcast_in_dim3A_259 : vector<16xi1>, vector<16xi32>
      %swap3A_261 = arith.constant 96 : index
      %swap3A_262 = tpu.vector_load %arg7[%swap3A_261] {strides = array<i32>} : memref<128xi32, #tpu.memory_space<vmem>>, vector<16xi32>,
      tpu.vector_store %arg7[%swap3A_261], %select_n3A_260 {strides = array<i32>} : memref<128xi32, #tpu.memory_space<vmem>>, vector<16xi32>,
      %add3A_263 = arith.constant 16 : i32
      %add3A_264 = vector.broadcast %add3A_263 : i32 to vector<16xi32>
      %add3A_265 = arith.addi %add3A_264, %iota3A : vector<16xi32>
      %get3A_266 = arith.constant 16 : index
      %get3A_267 = tpu.vector_load %arg6[%get3A_266] {strides = array<i32>} : memref<48xi32, #tpu.memory_space<vmem>>, vector<16xi32>,
      %lt3A_268 = vector.broadcast %min3A_251 : i32 to vector<16xi32>
      %lt3A_269 = arith.cmpi slt, %add3A_265, %lt3A_268 : vector<16xi32>
      %broadcast_in_dim3A_270 = vector.broadcast %min3A_247 : i32 to vector<16xi32>
      %select_n3A_271 = arith.select %lt3A_269, %get3A_267, %broadcast_in_dim3A_270 : vector<16xi1>, vector<16xi32>
      %swap3A_272 = arith.constant 112 : index
      %swap3A_273 = tpu.vector_load %arg7[%swap3A_272] {strides = array<i32>} : memref<128xi32, #tpu.memory_space<vmem>>, vector<16xi32>,
      tpu.vector_store %arg7[%swap3A_272], %select_n3A_271 {strides = array<i32>} : memref<128xi32, #tpu.memory_space<vmem>>, vector<16xi32>,
      %dma_start3A = arith.constant 0 : i32
      %dma_start3A_274 = arith.constant 0 : i32
      %dma_start3A_275 = tpu.memref_slice %arg3[%dma_start3A, %dma_start3A_274] : memref<8192x128xf32, #tpu.memory_space<hbm>> -> memref<8192x128xf32, #tpu.memory_space<hbm>>
      tpu.enqueue_indirect_dma source(%dma_start3A_275 : memref<8192x128xf32, #tpu.memory_space<hbm>>) target(%arg8 : memref<128x128xf32, #tpu.memory_space<vmem>>) offsets(%arg7 : memref<128xi32, #tpu.memory_space<vmem>>) semaphore(%arg9 : memref<!tpu.dma_semaphore, #tpu.memory_space<semaphore_mem>>)
      %dma_wait3A = arith.constant 0 : i32
      %dma_wait3A_276 = arith.constant 0 : i32
      %dma_wait3A_277 = tpu.memref_slice %arg3[%dma_wait3A, %dma_wait3A_276] : memref<8192x128xf32, #tpu.memory_space<hbm>> -> memref<8192x128xf32, #tpu.memory_space<hbm>>
      tpu.wait_indirect_dma semaphore(%arg9 : memref<!tpu.dma_semaphore, #tpu.memory_space<semaphore_mem>>) src(%dma_wait3A_277 : memref<8192x128xf32, #tpu.memory_space<hbm>>) dst(%arg8 : memref<128x128xf32, #tpu.memory_space<vmem>>)
      %mul3A_278 = arith.constant 32 : i32
      %mul3A_279 = arith.muli %mul3A_13, %mul3A_278 : i32
      "tpu.region"() ({
        %run_scoped3A = tpu.sem_alloc : memref<!tpu.dma_semaphore, #tpu.memory_space<semaphore_mem>>
        %dma_start3A_281 = arith.constant 0 : i32
        %dma_start3A_282 = tpu.memref_slice %arg4[%mul3A_279, %dma_start3A_281] : memref<131072x128xf32, #tpu.memory_space<hbm>> -> memref<128x128xf32, #tpu.memory_space<hbm>>
        %dma_start3A_283 = arith.constant 0 : i32
        %dma_start3A_284 = tpu.memref_slice %arg4[%mul3A_279, %dma_start3A_283] : memref<131072x128xf32, #tpu.memory_space<hbm>> -> memref<128x128xf32, #tpu.memory_space<hbm>>
        tpu.enqueue_dma source(%arg8 : memref<128x128xf32, #tpu.memory_space<vmem>>) target(%dma_start3A_284 : memref<128x128xf32, #tpu.memory_space<hbm>>) target_semaphore(%run_scoped3A : memref<!tpu.dma_semaphore, #tpu.memory_space<semaphore_mem>>)
        %dma_wait3A_285 = arith.constant 0 : i32
        %dma_wait3A_286 = tpu.memref_slice %arg4[%mul3A_279, %dma_wait3A_285] : memref<131072x128xf32, #tpu.memory_space<hbm>> -> memref<128x128xf32, #tpu.memory_space<hbm>>
        %dma_wait3A_287 = arith.constant 0 : i32
        %dma_wait3A_288 = tpu.memref_slice %arg4[%mul3A_279, %dma_wait3A_287] : memref<131072x128xf32, #tpu.memory_space<hbm>> -> memref<128x128xf32, #tpu.memory_space<hbm>>
        tpu.wait_dma2 semaphore(%run_scoped3A : memref<!tpu.dma_semaphore, #tpu.memory_space<semaphore_mem>>) src(%arg8 : memref<128x128xf32, #tpu.memory_space<vmem>>) dst(%dma_wait3A_288 : memref<128x128xf32, #tpu.memory_space<hbm>>)
        tpu.yield
      }) : () -> ()
      %scan3A_280 = arith.constant 0 : i32
      scf.yield %scan3A_280 : i32
    }
    %scan3A_6 = arith.constant 32 : i32
    return
  }
}

#map = affine_map<(d0, d1) -> (0)>
#map1 = affine_map<(d0, d1) -> (0, 0)>
module attributes {stable_mosaic.version = 14 : i64} {
  func.func @k(%arg0: i32, %arg1: i32, %arg2: memref<4194304xf32, #tpu.memory_space<hbm>>, %arg3: memref<8192x128xf32, #tpu.memory_space<hbm>>, %arg4: memref<524288x128xf32, #tpu.memory_space<hbm>>, %arg5: memref<1024xf32, #tpu.memory_space<vmem>>, %arg6: memref<144xi32, #tpu.memory_space<vmem>>, %arg7: memref<128xi32, #tpu.memory_space<vmem>>, %arg8: memref<128x128xf32, #tpu.memory_space<vmem>>, %arg9: memref<!tpu.dma_semaphore, #tpu.memory_space<semaphore_mem>>) attributes {dimension_semantics = [#tpu.dimension_semantics<core_parallel>, #tpu.dimension_semantics<subcore_parallel>], iteration_bounds = array<i64: 2, 16>, scalar_prefetch = 0 : i64, scratch_operands = 5 : i64, tpu.core_type = #tpu.core_type<sc_vector_subcore>, window_params = [{transform_indices = #map}, {transform_indices = #map1}, {transform_indices = #map1}]} {
    %mul3A = arith.constant 2 : i32
    %mul3A_0 = arith.muli %arg1, %mul3A : i32
    %add3A = arith.addi %mul3A_0, %arg0 : i32
    %iota3A = tpu.iota {dimensions = array<i32: 0>} : vector<16xi32>
    %scan3A = arith.constant 0 : i32
    %scan3A_1 = arith.constant 0 : i32
    %scan3A_2 = arith.constant 128 : i32
    %scan3A_3 = arith.addi %scan3A_1, %scan3A_2 : i32
    %scan3A_4 = arith.constant 1 : i32
    %scan3A_5 = scf.for %scan3A_7 = %scan3A_1 to %scan3A_3 step %scan3A_4 iter_args(%scan3A_8 = %scan3A) -> (i32)  : i32 {
      %mul3A_9 = arith.constant 128 : i32
      %mul3A_10 = arith.muli %add3A, %mul3A_9 : i32
      %add3A_11 = arith.addi %mul3A_10, %scan3A_7 : i32
      %mul3A_12 = arith.constant 1 : i32
      %mul3A_13 = arith.muli %add3A_11, %mul3A_12 : i32
      %mul3A_14 = arith.constant 1024 : i32
      %mul3A_15 = arith.muli %mul3A_13, %mul3A_14 : i32
      "tpu.region"() ({
        %run_scoped3A = tpu.sem_alloc : memref<!tpu.dma_semaphore, #tpu.memory_space<semaphore_mem>>
        %dma_start3A_143 = tpu.memref_slice %arg2[%mul3A_15] : memref<4194304xf32, #tpu.memory_space<hbm>> -> memref<1024xf32, #tpu.memory_space<hbm>>
        %dma_start3A_144 = tpu.memref_slice %arg2[%mul3A_15] : memref<4194304xf32, #tpu.memory_space<hbm>> -> memref<1024xf32, #tpu.memory_space<hbm>>
        tpu.enqueue_dma source(%dma_start3A_144 : memref<1024xf32, #tpu.memory_space<hbm>>) target(%arg5 : memref<1024xf32, #tpu.memory_space<vmem>>) target_semaphore(%run_scoped3A : memref<!tpu.dma_semaphore, #tpu.memory_space<semaphore_mem>>)
        %dma_wait3A_145 = tpu.memref_slice %arg2[%mul3A_15] : memref<4194304xf32, #tpu.memory_space<hbm>> -> memref<1024xf32, #tpu.memory_space<hbm>>
        %dma_wait3A_146 = tpu.memref_slice %arg2[%mul3A_15] : memref<4194304xf32, #tpu.memory_space<hbm>> -> memref<1024xf32, #tpu.memory_space<hbm>>
        tpu.wait_dma2 semaphore(%run_scoped3A : memref<!tpu.dma_semaphore, #tpu.memory_space<semaphore_mem>>) src(%dma_wait3A_146 : memref<1024xf32, #tpu.memory_space<hbm>>) dst(%arg5 : memref<1024xf32, #tpu.memory_space<vmem>>)
        tpu.yield
      }) : () -> ()
      %add3A_16 = arith.constant 0 : i32
      %add3A_17 = arith.addi %mul3A_13, %add3A_16 : i32
      %jit3A = arith.constant 512 : i32
      %div3A = arith.divsi %add3A_17, %jit3A : i32
      %sign3A = arith.constant 0 : i32
      %sign3A_18 = arith.cmpi sgt, %add3A_17, %sign3A : i32
      %sign3A_19 = arith.extui %sign3A_18 : i1 to i32
      %sign3A_20 = arith.constant 0 : i32
      %sign3A_21 = arith.cmpi slt, %add3A_17, %sign3A_20 : i32
      %sign3A_22 = arith.extui %sign3A_21 : i1 to i32
      %sign3A_23 = arith.subi %sign3A_19, %sign3A_22 : i32
      %sign3A_24 = arith.constant 0 : i32
      %sign3A_25 = arith.cmpi sgt, %jit3A, %sign3A_24 : i32
      %sign3A_26 = arith.extui %sign3A_25 : i1 to i32
      %sign3A_27 = arith.constant 0 : i32
      %sign3A_28 = arith.cmpi slt, %jit3A, %sign3A_27 : i32
      %sign3A_29 = arith.extui %sign3A_28 : i1 to i32
      %sign3A_30 = arith.subi %sign3A_26, %sign3A_29 : i32
      %ne3A = arith.cmpi ne, %sign3A_23, %sign3A_30 : i32
      %rem3A = arith.remsi %add3A_17, %jit3A : i32
      %ne3A_31 = arith.constant 0 : i32
      %ne3A_32 = arith.cmpi ne, %rem3A, %ne3A_31 : i32
      %and3A = arith.andi %ne3A, %ne3A_32 : i1
      %sub3A = arith.constant 1 : i32
      %sub3A_33 = arith.subi %div3A, %sub3A : i32
      %select_n3A = arith.select %and3A, %sub3A_33, %div3A : i32
      %mul3A_34 = arith.constant 1024 : i32
      %mul3A_35 = arith.muli %select_n3A, %mul3A_34 : i32
      %scan3A_36 = arith.constant 0 : i32
      %scan3A_37 = arith.constant 1073741824 : i32
      %scan3A_38 = arith.constant 0 : i32
      %scan3A_39 = arith.constant 64 : i32
      %scan3A_40 = arith.addi %scan3A_38, %scan3A_39 : i32
      %scan3A_41 = arith.constant 1 : i32
      %scan3A_42:2 = scf.for %scan3A_143 = %scan3A_38 to %scan3A_40 step %scan3A_41 iter_args(%scan3A_144 = %scan3A_36, %scan3A_145 = %scan3A_37) -> (i32, i32)  : i32 {
        %mul3A_146 = arith.constant 16 : i32
        %mul3A_147 = arith.muli %scan3A_143, %mul3A_146 : i32
        %add3A_148 = arith.constant 0 : i32
        %add3A_149 = arith.addi %add3A_148, %mul3A_147 : i32
        %get3A_150 = arith.index_cast %add3A_149 : i32 to index
        %get3A_151 = tpu.vector_load %arg5[%get3A_150] {strides = array<i32>} : memref<1024xf32, #tpu.memory_space<vmem>>, vector<16xf32>,
        %le3A = arith.constant 1.600000e-01 : f32
        %le3A_152 = vector.broadcast %le3A : f32 to vector<16xf32>
        %le3A_153 = arith.cmpf ole, %get3A_151, %le3A_152 : vector<16xf32>
        %convert_element_type3A = arith.extui %le3A_153 : vector<16xi1> to vector<16xi32>
        %broadcast_in_dim3A_154 = arith.constant true
        %broadcast_in_dim3A_155 = vector.broadcast %broadcast_in_dim3A_154 : i1 to vector<16xi1>
        %masked_cumsum3A = tpu.scan <sum>, %convert_element_type3A masked %broadcast_in_dim3A_155 : vector<16xi32>, vector<16xi1> -> vector<16xi32>
        %add3A_156 = vector.broadcast %scan3A_144 : i32 to vector<16xi32>
        %add3A_157 = arith.addi %add3A_156, %masked_cumsum3A : vector<16xi32>
        %sub3A_158 = arith.constant 1 : i32
        %sub3A_159 = vector.broadcast %sub3A_158 : i32 to vector<16xi32>
        %sub3A_160 = arith.subi %add3A_157, %sub3A_159 : vector<16xi32>
        %lt3A_161 = arith.constant 128 : i32
        %lt3A_162 = vector.broadcast %lt3A_161 : i32 to vector<16xi32>
        %lt3A_163 = arith.cmpi slt, %sub3A_160, %lt3A_162 : vector<16xi32>
        %and3A_164 = arith.andi %le3A_153, %lt3A_163 : vector<16xi1>
        %jit3A_165 = arith.constant 0 : i32
        %broadcast_in_dim3A_166 = vector.broadcast %jit3A_165 : i32 to vector<16xi32>
        %select_n3A_167 = arith.select %and3A_164, %sub3A_160, %broadcast_in_dim3A_166 : vector<16xi1>, vector<16xi32>
        %jit3A_168 = arith.constant 0 : i32
        %jit3A_169 = arith.constant 127 : i32
        %max3A_170 = vector.broadcast %jit3A_168 : i32 to vector<16xi32>
        %max3A_171 = arith.maxsi %max3A_170, %select_n3A_167 : vector<16xi32>
        %min3A_172 = vector.broadcast %jit3A_169 : i32 to vector<16xi32>
        %min3A_173 = arith.minsi %min3A_172, %max3A_171 : vector<16xi32>
        %mul3A_174 = arith.constant 16 : i32
        %mul3A_175 = arith.muli %scan3A_143, %mul3A_174 : i32
        %add3A_176 = arith.addi %mul3A_35, %mul3A_175 : i32
        %add3A_177 = vector.broadcast %add3A_176 : i32 to vector<16xi32>
        %add3A_178 = arith.addi %add3A_177, %iota3A : vector<16xi32>
        tpu.vector_store_idx %arg6[%min3A_173], %add3A_178 masked %and3A_164 : memref<144xi32, #tpu.memory_space<vmem>>[vector<16xi32>], vector<16xi32>, vector<16xi1>
        %jit3A_179 = arith.constant 1073741824 : i32
        %broadcast_in_dim3A_180 = vector.broadcast %jit3A_179 : i32 to vector<16xi32>
        %select_n3A_181 = arith.select %le3A_153, %add3A_178, %broadcast_in_dim3A_180 : vector<16xi1>, vector<16xi32>
        %reduce_min3A = arith.constant true
        %reduce_min3A_182 = vector.broadcast %reduce_min3A : i1 to vector<16xi1>
        %reduce_min3A_183 = arith.constant -2147483648 : i32
        %reduce_min3A_184 = vector.broadcast %reduce_min3A_183 : i32 to vector<16xi32>
        %reduce_min3A_185 = arith.xori %select_n3A_181, %reduce_min3A_184 : vector<16xi32>
        %reduce_min3A_186 = tpu.scan <min>, %reduce_min3A_185 masked %reduce_min3A_182 : vector<16xi32>, vector<16xi1> -> vector<16xi32>
        %reduce_min3A_187 = arith.xori %reduce_min3A_186, %reduce_min3A_184 : vector<16xi32>
        %reduce_min3A_188 = vector.extract %reduce_min3A_187[15] : i32 from vector<16xi32>
        %min3A_189 = arith.minsi %scan3A_145, %reduce_min3A_188 : i32
        %reduce_sum3A = arith.constant true
        %reduce_sum3A_190 = vector.broadcast %reduce_sum3A : i1 to vector<16xi1>
        %reduce_sum3A_191 = tpu.scan <sum>, %convert_element_type3A masked %reduce_sum3A_190 : vector<16xi32>, vector<16xi1> -> vector<16xi32>
        %reduce_sum3A_192 = vector.extract %reduce_sum3A_191[15] : i32 from vector<16xi32>
        %add3A_193 = arith.addi %scan3A_144, %reduce_sum3A_192 : i32
        scf.yield %add3A_193, %min3A_189 : i32, i32
      }
      %scan3A_43 = arith.constant 64 : i32
      %add3A_44 = arith.constant 1024 : i32
      %add3A_45 = arith.addi %mul3A_35, %add3A_44 : i32
      %sub3A_46 = arith.constant 1 : i32
      %sub3A_47 = arith.subi %add3A_45, %sub3A_46 : i32
      %max3A = arith.maxsi %mul3A_35, %scan3A_42#1 : i32
      %min3A = arith.minsi %sub3A_47, %max3A : i32
      %jit3A_48 = arith.constant 0 : i32
      %jit3A_49 = arith.constant 128 : i32
      %max3A_50 = arith.maxsi %jit3A_48, %scan3A_42#0 : i32
      %min3A_51 = arith.minsi %jit3A_49, %max3A_50 : i32
      %add3A_52 = arith.constant 0 : i32
      %add3A_53 = vector.broadcast %add3A_52 : i32 to vector<16xi32>
      %add3A_54 = arith.addi %add3A_53, %iota3A : vector<16xi32>
      %get3A = arith.constant 0 : index
      %get3A_55 = tpu.vector_load %arg6[%get3A] {strides = array<i32>} : memref<144xi32, #tpu.memory_space<vmem>>, vector<16xi32>,
      %lt3A = vector.broadcast %min3A_51 : i32 to vector<16xi32>
      %lt3A_56 = arith.cmpi slt, %add3A_54, %lt3A : vector<16xi32>
      %broadcast_in_dim3A = vector.broadcast %min3A : i32 to vector<16xi32>
      %select_n3A_57 = arith.select %lt3A_56, %get3A_55, %broadcast_in_dim3A : vector<16xi1>, vector<16xi32>
      %swap3A = arith.constant 0 : index
      %swap3A_58 = tpu.vector_load %arg7[%swap3A] {strides = array<i32>} : memref<128xi32, #tpu.memory_space<vmem>>, vector<16xi32>,
      tpu.vector_store %arg7[%swap3A], %select_n3A_57 {strides = array<i32>} : memref<128xi32, #tpu.memory_space<vmem>>, vector<16xi32>,
      %add3A_59 = arith.constant 16 : i32
      %add3A_60 = vector.broadcast %add3A_59 : i32 to vector<16xi32>
      %add3A_61 = arith.addi %add3A_60, %iota3A : vector<16xi32>
      %get3A_62 = arith.constant 16 : index
      %get3A_63 = tpu.vector_load %arg6[%get3A_62] {strides = array<i32>} : memref<144xi32, #tpu.memory_space<vmem>>, vector<16xi32>,
      %lt3A_64 = vector.broadcast %min3A_51 : i32 to vector<16xi32>
      %lt3A_65 = arith.cmpi slt, %add3A_61, %lt3A_64 : vector<16xi32>
      %broadcast_in_dim3A_66 = vector.broadcast %min3A : i32 to vector<16xi32>
      %select_n3A_67 = arith.select %lt3A_65, %get3A_63, %broadcast_in_dim3A_66 : vector<16xi1>, vector<16xi32>
      %swap3A_68 = arith.constant 16 : index
      %swap3A_69 = tpu.vector_load %arg7[%swap3A_68] {strides = array<i32>} : memref<128xi32, #tpu.memory_space<vmem>>, vector<16xi32>,
      tpu.vector_store %arg7[%swap3A_68], %select_n3A_67 {strides = array<i32>} : memref<128xi32, #tpu.memory_space<vmem>>, vector<16xi32>,
      %add3A_70 = arith.constant 32 : i32
      %add3A_71 = vector.broadcast %add3A_70 : i32 to vector<16xi32>
      %add3A_72 = arith.addi %add3A_71, %iota3A : vector<16xi32>
      %get3A_73 = arith.constant 32 : index
      %get3A_74 = tpu.vector_load %arg6[%get3A_73] {strides = array<i32>} : memref<144xi32, #tpu.memory_space<vmem>>, vector<16xi32>,
      %lt3A_75 = vector.broadcast %min3A_51 : i32 to vector<16xi32>
      %lt3A_76 = arith.cmpi slt, %add3A_72, %lt3A_75 : vector<16xi32>
      %broadcast_in_dim3A_77 = vector.broadcast %min3A : i32 to vector<16xi32>
      %select_n3A_78 = arith.select %lt3A_76, %get3A_74, %broadcast_in_dim3A_77 : vector<16xi1>, vector<16xi32>
      %swap3A_79 = arith.constant 32 : index
      %swap3A_80 = tpu.vector_load %arg7[%swap3A_79] {strides = array<i32>} : memref<128xi32, #tpu.memory_space<vmem>>, vector<16xi32>,
      tpu.vector_store %arg7[%swap3A_79], %select_n3A_78 {strides = array<i32>} : memref<128xi32, #tpu.memory_space<vmem>>, vector<16xi32>,
      %add3A_81 = arith.constant 48 : i32
      %add3A_82 = vector.broadcast %add3A_81 : i32 to vector<16xi32>
      %add3A_83 = arith.addi %add3A_82, %iota3A : vector<16xi32>
      %get3A_84 = arith.constant 48 : index
      %get3A_85 = tpu.vector_load %arg6[%get3A_84] {strides = array<i32>} : memref<144xi32, #tpu.memory_space<vmem>>, vector<16xi32>,
      %lt3A_86 = vector.broadcast %min3A_51 : i32 to vector<16xi32>
      %lt3A_87 = arith.cmpi slt, %add3A_83, %lt3A_86 : vector<16xi32>
      %broadcast_in_dim3A_88 = vector.broadcast %min3A : i32 to vector<16xi32>
      %select_n3A_89 = arith.select %lt3A_87, %get3A_85, %broadcast_in_dim3A_88 : vector<16xi1>, vector<16xi32>
      %swap3A_90 = arith.constant 48 : index
      %swap3A_91 = tpu.vector_load %arg7[%swap3A_90] {strides = array<i32>} : memref<128xi32, #tpu.memory_space<vmem>>, vector<16xi32>,
      tpu.vector_store %arg7[%swap3A_90], %select_n3A_89 {strides = array<i32>} : memref<128xi32, #tpu.memory_space<vmem>>, vector<16xi32>,
      %add3A_92 = arith.constant 64 : i32
      %add3A_93 = vector.broadcast %add3A_92 : i32 to vector<16xi32>
      %add3A_94 = arith.addi %add3A_93, %iota3A : vector<16xi32>
      %get3A_95 = arith.constant 64 : index
      %get3A_96 = tpu.vector_load %arg6[%get3A_95] {strides = array<i32>} : memref<144xi32, #tpu.memory_space<vmem>>, vector<16xi32>,
      %lt3A_97 = vector.broadcast %min3A_51 : i32 to vector<16xi32>
      %lt3A_98 = arith.cmpi slt, %add3A_94, %lt3A_97 : vector<16xi32>
      %broadcast_in_dim3A_99 = vector.broadcast %min3A : i32 to vector<16xi32>
      %select_n3A_100 = arith.select %lt3A_98, %get3A_96, %broadcast_in_dim3A_99 : vector<16xi1>, vector<16xi32>
      %swap3A_101 = arith.constant 64 : index
      %swap3A_102 = tpu.vector_load %arg7[%swap3A_101] {strides = array<i32>} : memref<128xi32, #tpu.memory_space<vmem>>, vector<16xi32>,
      tpu.vector_store %arg7[%swap3A_101], %select_n3A_100 {strides = array<i32>} : memref<128xi32, #tpu.memory_space<vmem>>, vector<16xi32>,
      %add3A_103 = arith.constant 80 : i32
      %add3A_104 = vector.broadcast %add3A_103 : i32 to vector<16xi32>
      %add3A_105 = arith.addi %add3A_104, %iota3A : vector<16xi32>
      %get3A_106 = arith.constant 80 : index
      %get3A_107 = tpu.vector_load %arg6[%get3A_106] {strides = array<i32>} : memref<144xi32, #tpu.memory_space<vmem>>, vector<16xi32>,
      %lt3A_108 = vector.broadcast %min3A_51 : i32 to vector<16xi32>
      %lt3A_109 = arith.cmpi slt, %add3A_105, %lt3A_108 : vector<16xi32>
      %broadcast_in_dim3A_110 = vector.broadcast %min3A : i32 to vector<16xi32>
      %select_n3A_111 = arith.select %lt3A_109, %get3A_107, %broadcast_in_dim3A_110 : vector<16xi1>, vector<16xi32>
      %swap3A_112 = arith.constant 80 : index
      %swap3A_113 = tpu.vector_load %arg7[%swap3A_112] {strides = array<i32>} : memref<128xi32, #tpu.memory_space<vmem>>, vector<16xi32>,
      tpu.vector_store %arg7[%swap3A_112], %select_n3A_111 {strides = array<i32>} : memref<128xi32, #tpu.memory_space<vmem>>, vector<16xi32>,
      %add3A_114 = arith.constant 96 : i32
      %add3A_115 = vector.broadcast %add3A_114 : i32 to vector<16xi32>
      %add3A_116 = arith.addi %add3A_115, %iota3A : vector<16xi32>
      %get3A_117 = arith.constant 96 : index
      %get3A_118 = tpu.vector_load %arg6[%get3A_117] {strides = array<i32>} : memref<144xi32, #tpu.memory_space<vmem>>, vector<16xi32>,
      %lt3A_119 = vector.broadcast %min3A_51 : i32 to vector<16xi32>
      %lt3A_120 = arith.cmpi slt, %add3A_116, %lt3A_119 : vector<16xi32>
      %broadcast_in_dim3A_121 = vector.broadcast %min3A : i32 to vector<16xi32>
      %select_n3A_122 = arith.select %lt3A_120, %get3A_118, %broadcast_in_dim3A_121 : vector<16xi1>, vector<16xi32>
      %swap3A_123 = arith.constant 96 : index
      %swap3A_124 = tpu.vector_load %arg7[%swap3A_123] {strides = array<i32>} : memref<128xi32, #tpu.memory_space<vmem>>, vector<16xi32>,
      tpu.vector_store %arg7[%swap3A_123], %select_n3A_122 {strides = array<i32>} : memref<128xi32, #tpu.memory_space<vmem>>, vector<16xi32>,
      %add3A_125 = arith.constant 112 : i32
      %add3A_126 = vector.broadcast %add3A_125 : i32 to vector<16xi32>
      %add3A_127 = arith.addi %add3A_126, %iota3A : vector<16xi32>
      %get3A_128 = arith.constant 112 : index
      %get3A_129 = tpu.vector_load %arg6[%get3A_128] {strides = array<i32>} : memref<144xi32, #tpu.memory_space<vmem>>, vector<16xi32>,
      %lt3A_130 = vector.broadcast %min3A_51 : i32 to vector<16xi32>
      %lt3A_131 = arith.cmpi slt, %add3A_127, %lt3A_130 : vector<16xi32>
      %broadcast_in_dim3A_132 = vector.broadcast %min3A : i32 to vector<16xi32>
      %select_n3A_133 = arith.select %lt3A_131, %get3A_129, %broadcast_in_dim3A_132 : vector<16xi1>, vector<16xi32>
      %swap3A_134 = arith.constant 112 : index
      %swap3A_135 = tpu.vector_load %arg7[%swap3A_134] {strides = array<i32>} : memref<128xi32, #tpu.memory_space<vmem>>, vector<16xi32>,
      tpu.vector_store %arg7[%swap3A_134], %select_n3A_133 {strides = array<i32>} : memref<128xi32, #tpu.memory_space<vmem>>, vector<16xi32>,
      %dma_start3A = arith.constant 0 : i32
      %dma_start3A_136 = arith.constant 0 : i32
      %dma_start3A_137 = tpu.memref_slice %arg3[%dma_start3A, %dma_start3A_136] : memref<8192x128xf32, #tpu.memory_space<hbm>> -> memref<8192x128xf32, #tpu.memory_space<hbm>>
      tpu.enqueue_indirect_dma source(%dma_start3A_137 : memref<8192x128xf32, #tpu.memory_space<hbm>>) target(%arg8 : memref<128x128xf32, #tpu.memory_space<vmem>>) offsets(%arg7 : memref<128xi32, #tpu.memory_space<vmem>>) semaphore(%arg9 : memref<!tpu.dma_semaphore, #tpu.memory_space<semaphore_mem>>)
      %dma_wait3A = arith.constant 0 : i32
      %dma_wait3A_138 = arith.constant 0 : i32
      %dma_wait3A_139 = tpu.memref_slice %arg3[%dma_wait3A, %dma_wait3A_138] : memref<8192x128xf32, #tpu.memory_space<hbm>> -> memref<8192x128xf32, #tpu.memory_space<hbm>>
      tpu.wait_indirect_dma semaphore(%arg9 : memref<!tpu.dma_semaphore, #tpu.memory_space<semaphore_mem>>) src(%dma_wait3A_139 : memref<8192x128xf32, #tpu.memory_space<hbm>>) dst(%arg8 : memref<128x128xf32, #tpu.memory_space<vmem>>)
      %mul3A_140 = arith.constant 128 : i32
      %mul3A_141 = arith.muli %mul3A_13, %mul3A_140 : i32
      "tpu.region"() ({
        %run_scoped3A = tpu.sem_alloc : memref<!tpu.dma_semaphore, #tpu.memory_space<semaphore_mem>>
        %dma_start3A_143 = arith.constant 0 : i32
        %dma_start3A_144 = tpu.memref_slice %arg4[%mul3A_141, %dma_start3A_143] : memref<524288x128xf32, #tpu.memory_space<hbm>> -> memref<128x128xf32, #tpu.memory_space<hbm>>
        %dma_start3A_145 = arith.constant 0 : i32
        %dma_start3A_146 = tpu.memref_slice %arg4[%mul3A_141, %dma_start3A_145] : memref<524288x128xf32, #tpu.memory_space<hbm>> -> memref<128x128xf32, #tpu.memory_space<hbm>>
        tpu.enqueue_dma source(%arg8 : memref<128x128xf32, #tpu.memory_space<vmem>>) target(%dma_start3A_146 : memref<128x128xf32, #tpu.memory_space<hbm>>) target_semaphore(%run_scoped3A : memref<!tpu.dma_semaphore, #tpu.memory_space<semaphore_mem>>)
        %dma_wait3A_147 = arith.constant 0 : i32
        %dma_wait3A_148 = tpu.memref_slice %arg4[%mul3A_141, %dma_wait3A_147] : memref<524288x128xf32, #tpu.memory_space<hbm>> -> memref<128x128xf32, #tpu.memory_space<hbm>>
        %dma_wait3A_149 = arith.constant 0 : i32
        %dma_wait3A_150 = tpu.memref_slice %arg4[%mul3A_141, %dma_wait3A_149] : memref<524288x128xf32, #tpu.memory_space<hbm>> -> memref<128x128xf32, #tpu.memory_space<hbm>>
        tpu.wait_dma2 semaphore(%run_scoped3A : memref<!tpu.dma_semaphore, #tpu.memory_space<semaphore_mem>>) src(%arg8 : memref<128x128xf32, #tpu.memory_space<vmem>>) dst(%dma_wait3A_150 : memref<128x128xf32, #tpu.memory_space<hbm>>)
        tpu.yield
      }) : () -> ()
      %scan3A_142 = arith.constant 0 : i32
      scf.yield %scan3A_142 : i32
    }
    %scan3A_6 = arith.constant 128 : i32
    return
  }
}

#map = affine_map<(d0, d1) -> (0)>
#map1 = affine_map<(d0, d1) -> (0, 0)>
module attributes {stable_mosaic.version = 14 : i64} {
  func.func @k(%arg0: i32, %arg1: i32, %arg2: memref<524288xf32, #tpu.memory_space<hbm>>, %arg3: memref<4096x128xf32, #tpu.memory_space<hbm>>, %arg4: memref<32768x128xf32, #tpu.memory_space<hbm>>, %arg5: memref<2048xf32, #tpu.memory_space<vmem>>, %arg6: memref<48xi32, #tpu.memory_space<vmem>>, %arg7: memref<128xi32, #tpu.memory_space<vmem>>, %arg8: memref<128x128xf32, #tpu.memory_space<vmem>>, %arg9: memref<!tpu.dma_semaphore, #tpu.memory_space<semaphore_mem>>) attributes {dimension_semantics = [#tpu.dimension_semantics<core_parallel>, #tpu.dimension_semantics<subcore_parallel>], iteration_bounds = array<i64: 2, 16>, scalar_prefetch = 0 : i64, scratch_operands = 5 : i64, tpu.core_type = #tpu.core_type<sc_vector_subcore>, window_params = [{transform_indices = #map}, {transform_indices = #map1}, {transform_indices = #map1}]} {
    %mul3A = arith.constant 2 : i32
    %mul3A_0 = arith.muli %arg1, %mul3A : i32
    %add3A = arith.addi %mul3A_0, %arg0 : i32
    %iota3A = tpu.iota {dimensions = array<i32: 0>} : vector<16xi32>
    %scan3A = arith.constant 0 : i32
    %scan3A_1 = arith.constant 0 : i32
    %scan3A_2 = arith.constant 8 : i32
    %scan3A_3 = arith.addi %scan3A_1, %scan3A_2 : i32
    %scan3A_4 = arith.constant 1 : i32
    %scan3A_5 = scf.for %scan3A_7 = %scan3A_1 to %scan3A_3 step %scan3A_4 iter_args(%scan3A_8 = %scan3A) -> (i32)  : i32 {
      %mul3A_9 = arith.constant 8 : i32
      %mul3A_10 = arith.muli %add3A, %mul3A_9 : i32
      %add3A_11 = arith.addi %mul3A_10, %scan3A_7 : i32
      %mul3A_12 = arith.constant 4 : i32
      %mul3A_13 = arith.muli %add3A_11, %mul3A_12 : i32
      %mul3A_14 = arith.constant 512 : i32
      %mul3A_15 = arith.muli %mul3A_13, %mul3A_14 : i32
      "tpu.region"() ({
        %run_scoped3A = tpu.sem_alloc : memref<!tpu.dma_semaphore, #tpu.memory_space<semaphore_mem>>
        %dma_start3A_281 = tpu.memref_slice %arg2[%mul3A_15] : memref<524288xf32, #tpu.memory_space<hbm>> -> memref<2048xf32, #tpu.memory_space<hbm>>
        %dma_start3A_282 = tpu.memref_slice %arg2[%mul3A_15] : memref<524288xf32, #tpu.memory_space<hbm>> -> memref<2048xf32, #tpu.memory_space<hbm>>
        tpu.enqueue_dma source(%dma_start3A_282 : memref<2048xf32, #tpu.memory_space<hbm>>) target(%arg5 : memref<2048xf32, #tpu.memory_space<vmem>>) target_semaphore(%run_scoped3A : memref<!tpu.dma_semaphore, #tpu.memory_space<semaphore_mem>>)
        %dma_wait3A_283 = tpu.memref_slice %arg2[%mul3A_15] : memref<524288xf32, #tpu.memory_space<hbm>> -> memref<2048xf32, #tpu.memory_space<hbm>>
        %dma_wait3A_284 = tpu.memref_slice %arg2[%mul3A_15] : memref<524288xf32, #tpu.memory_space<hbm>> -> memref<2048xf32, #tpu.memory_space<hbm>>
        tpu.wait_dma2 semaphore(%run_scoped3A : memref<!tpu.dma_semaphore, #tpu.memory_space<semaphore_mem>>) src(%dma_wait3A_284 : memref<2048xf32, #tpu.memory_space<hbm>>) dst(%arg5 : memref<2048xf32, #tpu.memory_space<vmem>>)
        tpu.yield
      }) : () -> ()
      %add3A_16 = arith.constant 0 : i32
      %add3A_17 = arith.addi %mul3A_13, %add3A_16 : i32
      %jit3A = arith.constant 128 : i32
      %div3A = arith.divsi %add3A_17, %jit3A : i32
      %sign3A = arith.constant 0 : i32
      %sign3A_18 = arith.cmpi sgt, %add3A_17, %sign3A : i32
      %sign3A_19 = arith.extui %sign3A_18 : i1 to i32
      %sign3A_20 = arith.constant 0 : i32
      %sign3A_21 = arith.cmpi slt, %add3A_17, %sign3A_20 : i32
      %sign3A_22 = arith.extui %sign3A_21 : i1 to i32
      %sign3A_23 = arith.subi %sign3A_19, %sign3A_22 : i32
      %sign3A_24 = arith.constant 0 : i32
      %sign3A_25 = arith.cmpi sgt, %jit3A, %sign3A_24 : i32
      %sign3A_26 = arith.extui %sign3A_25 : i1 to i32
      %sign3A_27 = arith.constant 0 : i32
      %sign3A_28 = arith.cmpi slt, %jit3A, %sign3A_27 : i32
      %sign3A_29 = arith.extui %sign3A_28 : i1 to i32
      %sign3A_30 = arith.subi %sign3A_26, %sign3A_29 : i32
      %ne3A = arith.cmpi ne, %sign3A_23, %sign3A_30 : i32
      %rem3A = arith.remsi %add3A_17, %jit3A : i32
      %ne3A_31 = arith.constant 0 : i32
      %ne3A_32 = arith.cmpi ne, %rem3A, %ne3A_31 : i32
      %and3A = arith.andi %ne3A, %ne3A_32 : i1
      %sub3A = arith.constant 1 : i32
      %sub3A_33 = arith.subi %div3A, %sub3A : i32
      %select_n3A = arith.select %and3A, %sub3A_33, %div3A : i32
      %mul3A_34 = arith.constant 512 : i32
      %mul3A_35 = arith.muli %select_n3A, %mul3A_34 : i32
      %scan3A_36 = arith.constant 0 : i32
      %scan3A_37 = arith.constant 1073741824 : i32
      %scan3A_38 = arith.constant 0 : i32
      %scan3A_39 = arith.constant 32 : i32
      %scan3A_40 = arith.addi %scan3A_38, %scan3A_39 : i32
      %scan3A_41 = arith.constant 1 : i32
      %scan3A_42:2 = scf.for %scan3A_281 = %scan3A_38 to %scan3A_40 step %scan3A_41 iter_args(%scan3A_282 = %scan3A_36, %scan3A_283 = %scan3A_37) -> (i32, i32)  : i32 {
        %mul3A_284 = arith.constant 16 : i32
        %mul3A_285 = arith.muli %scan3A_281, %mul3A_284 : i32
        %add3A_286 = arith.constant 0 : i32
        %add3A_287 = arith.addi %add3A_286, %mul3A_285 : i32
        %get3A_288 = arith.index_cast %add3A_287 : i32 to index
        %get3A_289 = tpu.vector_load %arg5[%get3A_288] {strides = array<i32>} : memref<2048xf32, #tpu.memory_space<vmem>>, vector<16xf32>,
        %le3A = arith.constant 4.000000e-02 : f32
        %le3A_290 = vector.broadcast %le3A : f32 to vector<16xf32>
        %le3A_291 = arith.cmpf ole, %get3A_289, %le3A_290 : vector<16xf32>
        %convert_element_type3A = arith.extui %le3A_291 : vector<16xi1> to vector<16xi32>
        %broadcast_in_dim3A_292 = arith.constant true
        %broadcast_in_dim3A_293 = vector.broadcast %broadcast_in_dim3A_292 : i1 to vector<16xi1>
        %masked_cumsum3A = tpu.scan <sum>, %convert_element_type3A masked %broadcast_in_dim3A_293 : vector<16xi32>, vector<16xi1> -> vector<16xi32>
        %add3A_294 = vector.broadcast %scan3A_282 : i32 to vector<16xi32>
        %add3A_295 = arith.addi %add3A_294, %masked_cumsum3A : vector<16xi32>
        %sub3A_296 = arith.constant 1 : i32
        %sub3A_297 = vector.broadcast %sub3A_296 : i32 to vector<16xi32>
        %sub3A_298 = arith.subi %add3A_295, %sub3A_297 : vector<16xi32>
        %lt3A_299 = arith.constant 32 : i32
        %lt3A_300 = vector.broadcast %lt3A_299 : i32 to vector<16xi32>
        %lt3A_301 = arith.cmpi slt, %sub3A_298, %lt3A_300 : vector<16xi32>
        %and3A_302 = arith.andi %le3A_291, %lt3A_301 : vector<16xi1>
        %jit3A_303 = arith.constant 0 : i32
        %broadcast_in_dim3A_304 = vector.broadcast %jit3A_303 : i32 to vector<16xi32>
        %select_n3A_305 = arith.select %and3A_302, %sub3A_298, %broadcast_in_dim3A_304 : vector<16xi1>, vector<16xi32>
        %jit3A_306 = arith.constant 0 : i32
        %jit3A_307 = arith.constant 31 : i32
        %max3A_308 = vector.broadcast %jit3A_306 : i32 to vector<16xi32>
        %max3A_309 = arith.maxsi %max3A_308, %select_n3A_305 : vector<16xi32>
        %min3A_310 = vector.broadcast %jit3A_307 : i32 to vector<16xi32>
        %min3A_311 = arith.minsi %min3A_310, %max3A_309 : vector<16xi32>
        %mul3A_312 = arith.constant 16 : i32
        %mul3A_313 = arith.muli %scan3A_281, %mul3A_312 : i32
        %add3A_314 = arith.addi %mul3A_35, %mul3A_313 : i32
        %add3A_315 = vector.broadcast %add3A_314 : i32 to vector<16xi32>
        %add3A_316 = arith.addi %add3A_315, %iota3A : vector<16xi32>
        tpu.vector_store_idx %arg6[%min3A_311], %add3A_316 masked %and3A_302 : memref<48xi32, #tpu.memory_space<vmem>>[vector<16xi32>], vector<16xi32>, vector<16xi1>
        %jit3A_317 = arith.constant 1073741824 : i32
        %broadcast_in_dim3A_318 = vector.broadcast %jit3A_317 : i32 to vector<16xi32>
        %select_n3A_319 = arith.select %le3A_291, %add3A_316, %broadcast_in_dim3A_318 : vector<16xi1>, vector<16xi32>
        %reduce_min3A = arith.constant true
        %reduce_min3A_320 = vector.broadcast %reduce_min3A : i1 to vector<16xi1>
        %reduce_min3A_321 = arith.constant -2147483648 : i32
        %reduce_min3A_322 = vector.broadcast %reduce_min3A_321 : i32 to vector<16xi32>
        %reduce_min3A_323 = arith.xori %select_n3A_319, %reduce_min3A_322 : vector<16xi32>
        %reduce_min3A_324 = tpu.scan <min>, %reduce_min3A_323 masked %reduce_min3A_320 : vector<16xi32>, vector<16xi1> -> vector<16xi32>
        %reduce_min3A_325 = arith.xori %reduce_min3A_324, %reduce_min3A_322 : vector<16xi32>
        %reduce_min3A_326 = vector.extract %reduce_min3A_325[15] : i32 from vector<16xi32>
        %min3A_327 = arith.minsi %scan3A_283, %reduce_min3A_326 : i32
        %reduce_sum3A = arith.constant true
        %reduce_sum3A_328 = vector.broadcast %reduce_sum3A : i1 to vector<16xi1>
        %reduce_sum3A_329 = tpu.scan <sum>, %convert_element_type3A masked %reduce_sum3A_328 : vector<16xi32>, vector<16xi1> -> vector<16xi32>
        %reduce_sum3A_330 = vector.extract %reduce_sum3A_329[15] : i32 from vector<16xi32>
        %add3A_331 = arith.addi %scan3A_282, %reduce_sum3A_330 : i32
        scf.yield %add3A_331, %min3A_327 : i32, i32
      }
      %scan3A_43 = arith.constant 32 : i32
      %add3A_44 = arith.constant 512 : i32
      %add3A_45 = arith.addi %mul3A_35, %add3A_44 : i32
      %sub3A_46 = arith.constant 1 : i32
      %sub3A_47 = arith.subi %add3A_45, %sub3A_46 : i32
      %max3A = arith.maxsi %mul3A_35, %scan3A_42#1 : i32
      %min3A = arith.minsi %sub3A_47, %max3A : i32
      %jit3A_48 = arith.constant 0 : i32
      %jit3A_49 = arith.constant 32 : i32
      %max3A_50 = arith.maxsi %jit3A_48, %scan3A_42#0 : i32
      %min3A_51 = arith.minsi %jit3A_49, %max3A_50 : i32
      %add3A_52 = arith.constant 0 : i32
      %add3A_53 = vector.broadcast %add3A_52 : i32 to vector<16xi32>
      %add3A_54 = arith.addi %add3A_53, %iota3A : vector<16xi32>
      %get3A = arith.constant 0 : index
      %get3A_55 = tpu.vector_load %arg6[%get3A] {strides = array<i32>} : memref<48xi32, #tpu.memory_space<vmem>>, vector<16xi32>,
      %lt3A = vector.broadcast %min3A_51 : i32 to vector<16xi32>
      %lt3A_56 = arith.cmpi slt, %add3A_54, %lt3A : vector<16xi32>
      %broadcast_in_dim3A = vector.broadcast %min3A : i32 to vector<16xi32>
      %select_n3A_57 = arith.select %lt3A_56, %get3A_55, %broadcast_in_dim3A : vector<16xi1>, vector<16xi32>
      %swap3A = arith.constant 0 : index
      %swap3A_58 = tpu.vector_load %arg7[%swap3A] {strides = array<i32>} : memref<128xi32, #tpu.memory_space<vmem>>, vector<16xi32>,
      tpu.vector_store %arg7[%swap3A], %select_n3A_57 {strides = array<i32>} : memref<128xi32, #tpu.memory_space<vmem>>, vector<16xi32>,
      %add3A_59 = arith.constant 16 : i32
      %add3A_60 = vector.broadcast %add3A_59 : i32 to vector<16xi32>
      %add3A_61 = arith.addi %add3A_60, %iota3A : vector<16xi32>
      %get3A_62 = arith.constant 16 : index
      %get3A_63 = tpu.vector_load %arg6[%get3A_62] {strides = array<i32>} : memref<48xi32, #tpu.memory_space<vmem>>, vector<16xi32>,
      %lt3A_64 = vector.broadcast %min3A_51 : i32 to vector<16xi32>
      %lt3A_65 = arith.cmpi slt, %add3A_61, %lt3A_64 : vector<16xi32>
      %broadcast_in_dim3A_66 = vector.broadcast %min3A : i32 to vector<16xi32>
      %select_n3A_67 = arith.select %lt3A_65, %get3A_63, %broadcast_in_dim3A_66 : vector<16xi1>, vector<16xi32>
      %swap3A_68 = arith.constant 16 : index
      %swap3A_69 = tpu.vector_load %arg7[%swap3A_68] {strides = array<i32>} : memref<128xi32, #tpu.memory_space<vmem>>, vector<16xi32>,
      tpu.vector_store %arg7[%swap3A_68], %select_n3A_67 {strides = array<i32>} : memref<128xi32, #tpu.memory_space<vmem>>, vector<16xi32>,
      %add3A_70 = arith.constant 1 : i32
      %add3A_71 = arith.addi %mul3A_13, %add3A_70 : i32
      %jit3A_72 = arith.constant 128 : i32
      %div3A_73 = arith.divsi %add3A_71, %jit3A_72 : i32
      %sign3A_74 = arith.constant 0 : i32
      %sign3A_75 = arith.cmpi sgt, %add3A_71, %sign3A_74 : i32
      %sign3A_76 = arith.extui %sign3A_75 : i1 to i32
      %sign3A_77 = arith.constant 0 : i32
      %sign3A_78 = arith.cmpi slt, %add3A_71, %sign3A_77 : i32
      %sign3A_79 = arith.extui %sign3A_78 : i1 to i32
      %sign3A_80 = arith.subi %sign3A_76, %sign3A_79 : i32
      %sign3A_81 = arith.constant 0 : i32
      %sign3A_82 = arith.cmpi sgt, %jit3A_72, %sign3A_81 : i32
      %sign3A_83 = arith.extui %sign3A_82 : i1 to i32
      %sign3A_84 = arith.constant 0 : i32
      %sign3A_85 = arith.cmpi slt, %jit3A_72, %sign3A_84 : i32
      %sign3A_86 = arith.extui %sign3A_85 : i1 to i32
      %sign3A_87 = arith.subi %sign3A_83, %sign3A_86 : i32
      %ne3A_88 = arith.cmpi ne, %sign3A_80, %sign3A_87 : i32
      %rem3A_89 = arith.remsi %add3A_71, %jit3A_72 : i32
      %ne3A_90 = arith.constant 0 : i32
      %ne3A_91 = arith.cmpi ne, %rem3A_89, %ne3A_90 : i32
      %and3A_92 = arith.andi %ne3A_88, %ne3A_91 : i1
      %sub3A_93 = arith.constant 1 : i32
      %sub3A_94 = arith.subi %div3A_73, %sub3A_93 : i32
      %select_n3A_95 = arith.select %and3A_92, %sub3A_94, %div3A_73 : i32
      %mul3A_96 = arith.constant 512 : i32
      %mul3A_97 = arith.muli %select_n3A_95, %mul3A_96 : i32
      %scan3A_98 = arith.constant 0 : i32
      %scan3A_99 = arith.constant 1073741824 : i32
      %scan3A_100 = arith.constant 0 : i32
      %scan3A_101 = arith.constant 32 : i32
      %scan3A_102 = arith.addi %scan3A_100, %scan3A_101 : i32
      %scan3A_103 = arith.constant 1 : i32
      %scan3A_104:2 = scf.for %scan3A_281 = %scan3A_100 to %scan3A_102 step %scan3A_103 iter_args(%scan3A_282 = %scan3A_98, %scan3A_283 = %scan3A_99) -> (i32, i32)  : i32 {
        %mul3A_284 = arith.constant 16 : i32
        %mul3A_285 = arith.muli %scan3A_281, %mul3A_284 : i32
        %add3A_286 = arith.constant 512 : i32
        %add3A_287 = arith.addi %add3A_286, %mul3A_285 : i32
        %get3A_288 = arith.index_cast %add3A_287 : i32 to index
        %get3A_289 = tpu.vector_load %arg5[%get3A_288] {strides = array<i32>} : memref<2048xf32, #tpu.memory_space<vmem>>, vector<16xf32>,
        %le3A = arith.constant 4.000000e-02 : f32
        %le3A_290 = vector.broadcast %le3A : f32 to vector<16xf32>
        %le3A_291 = arith.cmpf ole, %get3A_289, %le3A_290 : vector<16xf32>
        %convert_element_type3A = arith.extui %le3A_291 : vector<16xi1> to vector<16xi32>
        %broadcast_in_dim3A_292 = arith.constant true
        %broadcast_in_dim3A_293 = vector.broadcast %broadcast_in_dim3A_292 : i1 to vector<16xi1>
        %masked_cumsum3A = tpu.scan <sum>, %convert_element_type3A masked %broadcast_in_dim3A_293 : vector<16xi32>, vector<16xi1> -> vector<16xi32>
        %add3A_294 = vector.broadcast %scan3A_282 : i32 to vector<16xi32>
        %add3A_295 = arith.addi %add3A_294, %masked_cumsum3A : vector<16xi32>
        %sub3A_296 = arith.constant 1 : i32
        %sub3A_297 = vector.broadcast %sub3A_296 : i32 to vector<16xi32>
        %sub3A_298 = arith.subi %add3A_295, %sub3A_297 : vector<16xi32>
        %lt3A_299 = arith.constant 32 : i32
        %lt3A_300 = vector.broadcast %lt3A_299 : i32 to vector<16xi32>
        %lt3A_301 = arith.cmpi slt, %sub3A_298, %lt3A_300 : vector<16xi32>
        %and3A_302 = arith.andi %le3A_291, %lt3A_301 : vector<16xi1>
        %jit3A_303 = arith.constant 0 : i32
        %broadcast_in_dim3A_304 = vector.broadcast %jit3A_303 : i32 to vector<16xi32>
        %select_n3A_305 = arith.select %and3A_302, %sub3A_298, %broadcast_in_dim3A_304 : vector<16xi1>, vector<16xi32>
        %jit3A_306 = arith.constant 0 : i32
        %jit3A_307 = arith.constant 31 : i32
        %max3A_308 = vector.broadcast %jit3A_306 : i32 to vector<16xi32>
        %max3A_309 = arith.maxsi %max3A_308, %select_n3A_305 : vector<16xi32>
        %min3A_310 = vector.broadcast %jit3A_307 : i32 to vector<16xi32>
        %min3A_311 = arith.minsi %min3A_310, %max3A_309 : vector<16xi32>
        %mul3A_312 = arith.constant 16 : i32
        %mul3A_313 = arith.muli %scan3A_281, %mul3A_312 : i32
        %add3A_314 = arith.addi %mul3A_97, %mul3A_313 : i32
        %add3A_315 = vector.broadcast %add3A_314 : i32 to vector<16xi32>
        %add3A_316 = arith.addi %add3A_315, %iota3A : vector<16xi32>
        tpu.vector_store_idx %arg6[%min3A_311], %add3A_316 masked %and3A_302 : memref<48xi32, #tpu.memory_space<vmem>>[vector<16xi32>], vector<16xi32>, vector<16xi1>
        %jit3A_317 = arith.constant 1073741824 : i32
        %broadcast_in_dim3A_318 = vector.broadcast %jit3A_317 : i32 to vector<16xi32>
        %select_n3A_319 = arith.select %le3A_291, %add3A_316, %broadcast_in_dim3A_318 : vector<16xi1>, vector<16xi32>
        %reduce_min3A = arith.constant true
        %reduce_min3A_320 = vector.broadcast %reduce_min3A : i1 to vector<16xi1>
        %reduce_min3A_321 = arith.constant -2147483648 : i32
        %reduce_min3A_322 = vector.broadcast %reduce_min3A_321 : i32 to vector<16xi32>
        %reduce_min3A_323 = arith.xori %select_n3A_319, %reduce_min3A_322 : vector<16xi32>
        %reduce_min3A_324 = tpu.scan <min>, %reduce_min3A_323 masked %reduce_min3A_320 : vector<16xi32>, vector<16xi1> -> vector<16xi32>
        %reduce_min3A_325 = arith.xori %reduce_min3A_324, %reduce_min3A_322 : vector<16xi32>
        %reduce_min3A_326 = vector.extract %reduce_min3A_325[15] : i32 from vector<16xi32>
        %min3A_327 = arith.minsi %scan3A_283, %reduce_min3A_326 : i32
        %reduce_sum3A = arith.constant true
        %reduce_sum3A_328 = vector.broadcast %reduce_sum3A : i1 to vector<16xi1>
        %reduce_sum3A_329 = tpu.scan <sum>, %convert_element_type3A masked %reduce_sum3A_328 : vector<16xi32>, vector<16xi1> -> vector<16xi32>
        %reduce_sum3A_330 = vector.extract %reduce_sum3A_329[15] : i32 from vector<16xi32>
        %add3A_331 = arith.addi %scan3A_282, %reduce_sum3A_330 : i32
        scf.yield %add3A_331, %min3A_327 : i32, i32
      }
      %scan3A_105 = arith.constant 32 : i32
      %add3A_106 = arith.constant 512 : i32
      %add3A_107 = arith.addi %mul3A_97, %add3A_106 : i32
      %sub3A_108 = arith.constant 1 : i32
      %sub3A_109 = arith.subi %add3A_107, %sub3A_108 : i32
      %max3A_110 = arith.maxsi %mul3A_97, %scan3A_104#1 : i32
      %min3A_111 = arith.minsi %sub3A_109, %max3A_110 : i32
      %jit3A_112 = arith.constant 0 : i32
      %jit3A_113 = arith.constant 32 : i32
      %max3A_114 = arith.maxsi %jit3A_112, %scan3A_104#0 : i32
      %min3A_115 = arith.minsi %jit3A_113, %max3A_114 : i32
      %add3A_116 = arith.constant 0 : i32
      %add3A_117 = vector.broadcast %add3A_116 : i32 to vector<16xi32>
      %add3A_118 = arith.addi %add3A_117, %iota3A : vector<16xi32>
      %get3A_119 = arith.constant 0 : index
      %get3A_120 = tpu.vector_load %arg6[%get3A_119] {strides = array<i32>} : memref<48xi32, #tpu.memory_space<vmem>>, vector<16xi32>,
      %lt3A_121 = vector.broadcast %min3A_115 : i32 to vector<16xi32>
      %lt3A_122 = arith.cmpi slt, %add3A_118, %lt3A_121 : vector<16xi32>
      %broadcast_in_dim3A_123 = vector.broadcast %min3A_111 : i32 to vector<16xi32>
      %select_n3A_124 = arith.select %lt3A_122, %get3A_120, %broadcast_in_dim3A_123 : vector<16xi1>, vector<16xi32>
      %swap3A_125 = arith.constant 32 : index
      %swap3A_126 = tpu.vector_load %arg7[%swap3A_125] {strides = array<i32>} : memref<128xi32, #tpu.memory_space<vmem>>, vector<16xi32>,
      tpu.vector_store %arg7[%swap3A_125], %select_n3A_124 {strides = array<i32>} : memref<128xi32, #tpu.memory_space<vmem>>, vector<16xi32>,
      %add3A_127 = arith.constant 16 : i32
      %add3A_128 = vector.broadcast %add3A_127 : i32 to vector<16xi32>
      %add3A_129 = arith.addi %add3A_128, %iota3A : vector<16xi32>
      %get3A_130 = arith.constant 16 : index
      %get3A_131 = tpu.vector_load %arg6[%get3A_130] {strides = array<i32>} : memref<48xi32, #tpu.memory_space<vmem>>, vector<16xi32>,
      %lt3A_132 = vector.broadcast %min3A_115 : i32 to vector<16xi32>
      %lt3A_133 = arith.cmpi slt, %add3A_129, %lt3A_132 : vector<16xi32>
      %broadcast_in_dim3A_134 = vector.broadcast %min3A_111 : i32 to vector<16xi32>
      %select_n3A_135 = arith.select %lt3A_133, %get3A_131, %broadcast_in_dim3A_134 : vector<16xi1>, vector<16xi32>
      %swap3A_136 = arith.constant 48 : index
      %swap3A_137 = tpu.vector_load %arg7[%swap3A_136] {strides = array<i32>} : memref<128xi32, #tpu.memory_space<vmem>>, vector<16xi32>,
      tpu.vector_store %arg7[%swap3A_136], %select_n3A_135 {strides = array<i32>} : memref<128xi32, #tpu.memory_space<vmem>>, vector<16xi32>,
      %add3A_138 = arith.constant 2 : i32
      %add3A_139 = arith.addi %mul3A_13, %add3A_138 : i32
      %jit3A_140 = arith.constant 128 : i32
      %div3A_141 = arith.divsi %add3A_139, %jit3A_140 : i32
      %sign3A_142 = arith.constant 0 : i32
      %sign3A_143 = arith.cmpi sgt, %add3A_139, %sign3A_142 : i32
      %sign3A_144 = arith.extui %sign3A_143 : i1 to i32
      %sign3A_145 = arith.constant 0 : i32
      %sign3A_146 = arith.cmpi slt, %add3A_139, %sign3A_145 : i32
      %sign3A_147 = arith.extui %sign3A_146 : i1 to i32
      %sign3A_148 = arith.subi %sign3A_144, %sign3A_147 : i32
      %sign3A_149 = arith.constant 0 : i32
      %sign3A_150 = arith.cmpi sgt, %jit3A_140, %sign3A_149 : i32
      %sign3A_151 = arith.extui %sign3A_150 : i1 to i32
      %sign3A_152 = arith.constant 0 : i32
      %sign3A_153 = arith.cmpi slt, %jit3A_140, %sign3A_152 : i32
      %sign3A_154 = arith.extui %sign3A_153 : i1 to i32
      %sign3A_155 = arith.subi %sign3A_151, %sign3A_154 : i32
      %ne3A_156 = arith.cmpi ne, %sign3A_148, %sign3A_155 : i32
      %rem3A_157 = arith.remsi %add3A_139, %jit3A_140 : i32
      %ne3A_158 = arith.constant 0 : i32
      %ne3A_159 = arith.cmpi ne, %rem3A_157, %ne3A_158 : i32
      %and3A_160 = arith.andi %ne3A_156, %ne3A_159 : i1
      %sub3A_161 = arith.constant 1 : i32
      %sub3A_162 = arith.subi %div3A_141, %sub3A_161 : i32
      %select_n3A_163 = arith.select %and3A_160, %sub3A_162, %div3A_141 : i32
      %mul3A_164 = arith.constant 512 : i32
      %mul3A_165 = arith.muli %select_n3A_163, %mul3A_164 : i32
      %scan3A_166 = arith.constant 0 : i32
      %scan3A_167 = arith.constant 1073741824 : i32
      %scan3A_168 = arith.constant 0 : i32
      %scan3A_169 = arith.constant 32 : i32
      %scan3A_170 = arith.addi %scan3A_168, %scan3A_169 : i32
      %scan3A_171 = arith.constant 1 : i32
      %scan3A_172:2 = scf.for %scan3A_281 = %scan3A_168 to %scan3A_170 step %scan3A_171 iter_args(%scan3A_282 = %scan3A_166, %scan3A_283 = %scan3A_167) -> (i32, i32)  : i32 {
        %mul3A_284 = arith.constant 16 : i32
        %mul3A_285 = arith.muli %scan3A_281, %mul3A_284 : i32
        %add3A_286 = arith.constant 1024 : i32
        %add3A_287 = arith.addi %add3A_286, %mul3A_285 : i32
        %get3A_288 = arith.index_cast %add3A_287 : i32 to index
        %get3A_289 = tpu.vector_load %arg5[%get3A_288] {strides = array<i32>} : memref<2048xf32, #tpu.memory_space<vmem>>, vector<16xf32>,
        %le3A = arith.constant 4.000000e-02 : f32
        %le3A_290 = vector.broadcast %le3A : f32 to vector<16xf32>
        %le3A_291 = arith.cmpf ole, %get3A_289, %le3A_290 : vector<16xf32>
        %convert_element_type3A = arith.extui %le3A_291 : vector<16xi1> to vector<16xi32>
        %broadcast_in_dim3A_292 = arith.constant true
        %broadcast_in_dim3A_293 = vector.broadcast %broadcast_in_dim3A_292 : i1 to vector<16xi1>
        %masked_cumsum3A = tpu.scan <sum>, %convert_element_type3A masked %broadcast_in_dim3A_293 : vector<16xi32>, vector<16xi1> -> vector<16xi32>
        %add3A_294 = vector.broadcast %scan3A_282 : i32 to vector<16xi32>
        %add3A_295 = arith.addi %add3A_294, %masked_cumsum3A : vector<16xi32>
        %sub3A_296 = arith.constant 1 : i32
        %sub3A_297 = vector.broadcast %sub3A_296 : i32 to vector<16xi32>
        %sub3A_298 = arith.subi %add3A_295, %sub3A_297 : vector<16xi32>
        %lt3A_299 = arith.constant 32 : i32
        %lt3A_300 = vector.broadcast %lt3A_299 : i32 to vector<16xi32>
        %lt3A_301 = arith.cmpi slt, %sub3A_298, %lt3A_300 : vector<16xi32>
        %and3A_302 = arith.andi %le3A_291, %lt3A_301 : vector<16xi1>
        %jit3A_303 = arith.constant 0 : i32
        %broadcast_in_dim3A_304 = vector.broadcast %jit3A_303 : i32 to vector<16xi32>
        %select_n3A_305 = arith.select %and3A_302, %sub3A_298, %broadcast_in_dim3A_304 : vector<16xi1>, vector<16xi32>
        %jit3A_306 = arith.constant 0 : i32
        %jit3A_307 = arith.constant 31 : i32
        %max3A_308 = vector.broadcast %jit3A_306 : i32 to vector<16xi32>
        %max3A_309 = arith.maxsi %max3A_308, %select_n3A_305 : vector<16xi32>
        %min3A_310 = vector.broadcast %jit3A_307 : i32 to vector<16xi32>
        %min3A_311 = arith.minsi %min3A_310, %max3A_309 : vector<16xi32>
        %mul3A_312 = arith.constant 16 : i32
        %mul3A_313 = arith.muli %scan3A_281, %mul3A_312 : i32
        %add3A_314 = arith.addi %mul3A_165, %mul3A_313 : i32
        %add3A_315 = vector.broadcast %add3A_314 : i32 to vector<16xi32>
        %add3A_316 = arith.addi %add3A_315, %iota3A : vector<16xi32>
        tpu.vector_store_idx %arg6[%min3A_311], %add3A_316 masked %and3A_302 : memref<48xi32, #tpu.memory_space<vmem>>[vector<16xi32>], vector<16xi32>, vector<16xi1>
        %jit3A_317 = arith.constant 1073741824 : i32
        %broadcast_in_dim3A_318 = vector.broadcast %jit3A_317 : i32 to vector<16xi32>
        %select_n3A_319 = arith.select %le3A_291, %add3A_316, %broadcast_in_dim3A_318 : vector<16xi1>, vector<16xi32>
        %reduce_min3A = arith.constant true
        %reduce_min3A_320 = vector.broadcast %reduce_min3A : i1 to vector<16xi1>
        %reduce_min3A_321 = arith.constant -2147483648 : i32
        %reduce_min3A_322 = vector.broadcast %reduce_min3A_321 : i32 to vector<16xi32>
        %reduce_min3A_323 = arith.xori %select_n3A_319, %reduce_min3A_322 : vector<16xi32>
        %reduce_min3A_324 = tpu.scan <min>, %reduce_min3A_323 masked %reduce_min3A_320 : vector<16xi32>, vector<16xi1> -> vector<16xi32>
        %reduce_min3A_325 = arith.xori %reduce_min3A_324, %reduce_min3A_322 : vector<16xi32>
        %reduce_min3A_326 = vector.extract %reduce_min3A_325[15] : i32 from vector<16xi32>
        %min3A_327 = arith.minsi %scan3A_283, %reduce_min3A_326 : i32
        %reduce_sum3A = arith.constant true
        %reduce_sum3A_328 = vector.broadcast %reduce_sum3A : i1 to vector<16xi1>
        %reduce_sum3A_329 = tpu.scan <sum>, %convert_element_type3A masked %reduce_sum3A_328 : vector<16xi32>, vector<16xi1> -> vector<16xi32>
        %reduce_sum3A_330 = vector.extract %reduce_sum3A_329[15] : i32 from vector<16xi32>
        %add3A_331 = arith.addi %scan3A_282, %reduce_sum3A_330 : i32
        scf.yield %add3A_331, %min3A_327 : i32, i32
      }
      %scan3A_173 = arith.constant 32 : i32
      %add3A_174 = arith.constant 512 : i32
      %add3A_175 = arith.addi %mul3A_165, %add3A_174 : i32
      %sub3A_176 = arith.constant 1 : i32
      %sub3A_177 = arith.subi %add3A_175, %sub3A_176 : i32
      %max3A_178 = arith.maxsi %mul3A_165, %scan3A_172#1 : i32
      %min3A_179 = arith.minsi %sub3A_177, %max3A_178 : i32
      %jit3A_180 = arith.constant 0 : i32
      %jit3A_181 = arith.constant 32 : i32
      %max3A_182 = arith.maxsi %jit3A_180, %scan3A_172#0 : i32
      %min3A_183 = arith.minsi %jit3A_181, %max3A_182 : i32
      %add3A_184 = arith.constant 0 : i32
      %add3A_185 = vector.broadcast %add3A_184 : i32 to vector<16xi32>
      %add3A_186 = arith.addi %add3A_185, %iota3A : vector<16xi32>
      %get3A_187 = arith.constant 0 : index
      %get3A_188 = tpu.vector_load %arg6[%get3A_187] {strides = array<i32>} : memref<48xi32, #tpu.memory_space<vmem>>, vector<16xi32>,
      %lt3A_189 = vector.broadcast %min3A_183 : i32 to vector<16xi32>
      %lt3A_190 = arith.cmpi slt, %add3A_186, %lt3A_189 : vector<16xi32>
      %broadcast_in_dim3A_191 = vector.broadcast %min3A_179 : i32 to vector<16xi32>
      %select_n3A_192 = arith.select %lt3A_190, %get3A_188, %broadcast_in_dim3A_191 : vector<16xi1>, vector<16xi32>
      %swap3A_193 = arith.constant 64 : index
      %swap3A_194 = tpu.vector_load %arg7[%swap3A_193] {strides = array<i32>} : memref<128xi32, #tpu.memory_space<vmem>>, vector<16xi32>,
      tpu.vector_store %arg7[%swap3A_193], %select_n3A_192 {strides = array<i32>} : memref<128xi32, #tpu.memory_space<vmem>>, vector<16xi32>,
      %add3A_195 = arith.constant 16 : i32
      %add3A_196 = vector.broadcast %add3A_195 : i32 to vector<16xi32>
      %add3A_197 = arith.addi %add3A_196, %iota3A : vector<16xi32>
      %get3A_198 = arith.constant 16 : index
      %get3A_199 = tpu.vector_load %arg6[%get3A_198] {strides = array<i32>} : memref<48xi32, #tpu.memory_space<vmem>>, vector<16xi32>,
      %lt3A_200 = vector.broadcast %min3A_183 : i32 to vector<16xi32>
      %lt3A_201 = arith.cmpi slt, %add3A_197, %lt3A_200 : vector<16xi32>
      %broadcast_in_dim3A_202 = vector.broadcast %min3A_179 : i32 to vector<16xi32>
      %select_n3A_203 = arith.select %lt3A_201, %get3A_199, %broadcast_in_dim3A_202 : vector<16xi1>, vector<16xi32>
      %swap3A_204 = arith.constant 80 : index
      %swap3A_205 = tpu.vector_load %arg7[%swap3A_204] {strides = array<i32>} : memref<128xi32, #tpu.memory_space<vmem>>, vector<16xi32>,
      tpu.vector_store %arg7[%swap3A_204], %select_n3A_203 {strides = array<i32>} : memref<128xi32, #tpu.memory_space<vmem>>, vector<16xi32>,
      %add3A_206 = arith.constant 3 : i32
      %add3A_207 = arith.addi %mul3A_13, %add3A_206 : i32
      %jit3A_208 = arith.constant 128 : i32
      %div3A_209 = arith.divsi %add3A_207, %jit3A_208 : i32
      %sign3A_210 = arith.constant 0 : i32
      %sign3A_211 = arith.cmpi sgt, %add3A_207, %sign3A_210 : i32
      %sign3A_212 = arith.extui %sign3A_211 : i1 to i32
      %sign3A_213 = arith.constant 0 : i32
      %sign3A_214 = arith.cmpi slt, %add3A_207, %sign3A_213 : i32
      %sign3A_215 = arith.extui %sign3A_214 : i1 to i32
      %sign3A_216 = arith.subi %sign3A_212, %sign3A_215 : i32
      %sign3A_217 = arith.constant 0 : i32
      %sign3A_218 = arith.cmpi sgt, %jit3A_208, %sign3A_217 : i32
      %sign3A_219 = arith.extui %sign3A_218 : i1 to i32
      %sign3A_220 = arith.constant 0 : i32
      %sign3A_221 = arith.cmpi slt, %jit3A_208, %sign3A_220 : i32
      %sign3A_222 = arith.extui %sign3A_221 : i1 to i32
      %sign3A_223 = arith.subi %sign3A_219, %sign3A_222 : i32
      %ne3A_224 = arith.cmpi ne, %sign3A_216, %sign3A_223 : i32
      %rem3A_225 = arith.remsi %add3A_207, %jit3A_208 : i32
      %ne3A_226 = arith.constant 0 : i32
      %ne3A_227 = arith.cmpi ne, %rem3A_225, %ne3A_226 : i32
      %and3A_228 = arith.andi %ne3A_224, %ne3A_227 : i1
      %sub3A_229 = arith.constant 1 : i32
      %sub3A_230 = arith.subi %div3A_209, %sub3A_229 : i32
      %select_n3A_231 = arith.select %and3A_228, %sub3A_230, %div3A_209 : i32
      %mul3A_232 = arith.constant 512 : i32
      %mul3A_233 = arith.muli %select_n3A_231, %mul3A_232 : i32
      %scan3A_234 = arith.constant 0 : i32
      %scan3A_235 = arith.constant 1073741824 : i32
      %scan3A_236 = arith.constant 0 : i32
      %scan3A_237 = arith.constant 32 : i32
      %scan3A_238 = arith.addi %scan3A_236, %scan3A_237 : i32
      %scan3A_239 = arith.constant 1 : i32
      %scan3A_240:2 = scf.for %scan3A_281 = %scan3A_236 to %scan3A_238 step %scan3A_239 iter_args(%scan3A_282 = %scan3A_234, %scan3A_283 = %scan3A_235) -> (i32, i32)  : i32 {
        %mul3A_284 = arith.constant 16 : i32
        %mul3A_285 = arith.muli %scan3A_281, %mul3A_284 : i32
        %add3A_286 = arith.constant 1536 : i32
        %add3A_287 = arith.addi %add3A_286, %mul3A_285 : i32
        %get3A_288 = arith.index_cast %add3A_287 : i32 to index
        %get3A_289 = tpu.vector_load %arg5[%get3A_288] {strides = array<i32>} : memref<2048xf32, #tpu.memory_space<vmem>>, vector<16xf32>,
        %le3A = arith.constant 4.000000e-02 : f32
        %le3A_290 = vector.broadcast %le3A : f32 to vector<16xf32>
        %le3A_291 = arith.cmpf ole, %get3A_289, %le3A_290 : vector<16xf32>
        %convert_element_type3A = arith.extui %le3A_291 : vector<16xi1> to vector<16xi32>
        %broadcast_in_dim3A_292 = arith.constant true
        %broadcast_in_dim3A_293 = vector.broadcast %broadcast_in_dim3A_292 : i1 to vector<16xi1>
        %masked_cumsum3A = tpu.scan <sum>, %convert_element_type3A masked %broadcast_in_dim3A_293 : vector<16xi32>, vector<16xi1> -> vector<16xi32>
        %add3A_294 = vector.broadcast %scan3A_282 : i32 to vector<16xi32>
        %add3A_295 = arith.addi %add3A_294, %masked_cumsum3A : vector<16xi32>
        %sub3A_296 = arith.constant 1 : i32
        %sub3A_297 = vector.broadcast %sub3A_296 : i32 to vector<16xi32>
        %sub3A_298 = arith.subi %add3A_295, %sub3A_297 : vector<16xi32>
        %lt3A_299 = arith.constant 32 : i32
        %lt3A_300 = vector.broadcast %lt3A_299 : i32 to vector<16xi32>
        %lt3A_301 = arith.cmpi slt, %sub3A_298, %lt3A_300 : vector<16xi32>
        %and3A_302 = arith.andi %le3A_291, %lt3A_301 : vector<16xi1>
        %jit3A_303 = arith.constant 0 : i32
        %broadcast_in_dim3A_304 = vector.broadcast %jit3A_303 : i32 to vector<16xi32>
        %select_n3A_305 = arith.select %and3A_302, %sub3A_298, %broadcast_in_dim3A_304 : vector<16xi1>, vector<16xi32>
        %jit3A_306 = arith.constant 0 : i32
        %jit3A_307 = arith.constant 31 : i32
        %max3A_308 = vector.broadcast %jit3A_306 : i32 to vector<16xi32>
        %max3A_309 = arith.maxsi %max3A_308, %select_n3A_305 : vector<16xi32>
        %min3A_310 = vector.broadcast %jit3A_307 : i32 to vector<16xi32>
        %min3A_311 = arith.minsi %min3A_310, %max3A_309 : vector<16xi32>
        %mul3A_312 = arith.constant 16 : i32
        %mul3A_313 = arith.muli %scan3A_281, %mul3A_312 : i32
        %add3A_314 = arith.addi %mul3A_233, %mul3A_313 : i32
        %add3A_315 = vector.broadcast %add3A_314 : i32 to vector<16xi32>
        %add3A_316 = arith.addi %add3A_315, %iota3A : vector<16xi32>
        tpu.vector_store_idx %arg6[%min3A_311], %add3A_316 masked %and3A_302 : memref<48xi32, #tpu.memory_space<vmem>>[vector<16xi32>], vector<16xi32>, vector<16xi1>
        %jit3A_317 = arith.constant 1073741824 : i32
        %broadcast_in_dim3A_318 = vector.broadcast %jit3A_317 : i32 to vector<16xi32>
        %select_n3A_319 = arith.select %le3A_291, %add3A_316, %broadcast_in_dim3A_318 : vector<16xi1>, vector<16xi32>
        %reduce_min3A = arith.constant true
        %reduce_min3A_320 = vector.broadcast %reduce_min3A : i1 to vector<16xi1>
        %reduce_min3A_321 = arith.constant -2147483648 : i32
        %reduce_min3A_322 = vector.broadcast %reduce_min3A_321 : i32 to vector<16xi32>
        %reduce_min3A_323 = arith.xori %select_n3A_319, %reduce_min3A_322 : vector<16xi32>
        %reduce_min3A_324 = tpu.scan <min>, %reduce_min3A_323 masked %reduce_min3A_320 : vector<16xi32>, vector<16xi1> -> vector<16xi32>
        %reduce_min3A_325 = arith.xori %reduce_min3A_324, %reduce_min3A_322 : vector<16xi32>
        %reduce_min3A_326 = vector.extract %reduce_min3A_325[15] : i32 from vector<16xi32>
        %min3A_327 = arith.minsi %scan3A_283, %reduce_min3A_326 : i32
        %reduce_sum3A = arith.constant true
        %reduce_sum3A_328 = vector.broadcast %reduce_sum3A : i1 to vector<16xi1>
        %reduce_sum3A_329 = tpu.scan <sum>, %convert_element_type3A masked %reduce_sum3A_328 : vector<16xi32>, vector<16xi1> -> vector<16xi32>
        %reduce_sum3A_330 = vector.extract %reduce_sum3A_329[15] : i32 from vector<16xi32>
        %add3A_331 = arith.addi %scan3A_282, %reduce_sum3A_330 : i32
        scf.yield %add3A_331, %min3A_327 : i32, i32
      }
      %scan3A_241 = arith.constant 32 : i32
      %add3A_242 = arith.constant 512 : i32
      %add3A_243 = arith.addi %mul3A_233, %add3A_242 : i32
      %sub3A_244 = arith.constant 1 : i32
      %sub3A_245 = arith.subi %add3A_243, %sub3A_244 : i32
      %max3A_246 = arith.maxsi %mul3A_233, %scan3A_240#1 : i32
      %min3A_247 = arith.minsi %sub3A_245, %max3A_246 : i32
      %jit3A_248 = arith.constant 0 : i32
      %jit3A_249 = arith.constant 32 : i32
      %max3A_250 = arith.maxsi %jit3A_248, %scan3A_240#0 : i32
      %min3A_251 = arith.minsi %jit3A_249, %max3A_250 : i32
      %add3A_252 = arith.constant 0 : i32
      %add3A_253 = vector.broadcast %add3A_252 : i32 to vector<16xi32>
      %add3A_254 = arith.addi %add3A_253, %iota3A : vector<16xi32>
      %get3A_255 = arith.constant 0 : index
      %get3A_256 = tpu.vector_load %arg6[%get3A_255] {strides = array<i32>} : memref<48xi32, #tpu.memory_space<vmem>>, vector<16xi32>,
      %lt3A_257 = vector.broadcast %min3A_251 : i32 to vector<16xi32>
      %lt3A_258 = arith.cmpi slt, %add3A_254, %lt3A_257 : vector<16xi32>
      %broadcast_in_dim3A_259 = vector.broadcast %min3A_247 : i32 to vector<16xi32>
      %select_n3A_260 = arith.select %lt3A_258, %get3A_256, %broadcast_in_dim3A_259 : vector<16xi1>, vector<16xi32>
      %swap3A_261 = arith.constant 96 : index
      %swap3A_262 = tpu.vector_load %arg7[%swap3A_261] {strides = array<i32>} : memref<128xi32, #tpu.memory_space<vmem>>, vector<16xi32>,
      tpu.vector_store %arg7[%swap3A_261], %select_n3A_260 {strides = array<i32>} : memref<128xi32, #tpu.memory_space<vmem>>, vector<16xi32>,
      %add3A_263 = arith.constant 16 : i32
      %add3A_264 = vector.broadcast %add3A_263 : i32 to vector<16xi32>
      %add3A_265 = arith.addi %add3A_264, %iota3A : vector<16xi32>
      %get3A_266 = arith.constant 16 : index
      %get3A_267 = tpu.vector_load %arg6[%get3A_266] {strides = array<i32>} : memref<48xi32, #tpu.memory_space<vmem>>, vector<16xi32>,
      %lt3A_268 = vector.broadcast %min3A_251 : i32 to vector<16xi32>
      %lt3A_269 = arith.cmpi slt, %add3A_265, %lt3A_268 : vector<16xi32>
      %broadcast_in_dim3A_270 = vector.broadcast %min3A_247 : i32 to vector<16xi32>
      %select_n3A_271 = arith.select %lt3A_269, %get3A_267, %broadcast_in_dim3A_270 : vector<16xi1>, vector<16xi32>
      %swap3A_272 = arith.constant 112 : index
      %swap3A_273 = tpu.vector_load %arg7[%swap3A_272] {strides = array<i32>} : memref<128xi32, #tpu.memory_space<vmem>>, vector<16xi32>,
      tpu.vector_store %arg7[%swap3A_272], %select_n3A_271 {strides = array<i32>} : memref<128xi32, #tpu.memory_space<vmem>>, vector<16xi32>,
      %dma_start3A = arith.constant 0 : i32
      %dma_start3A_274 = arith.constant 0 : i32
      %dma_start3A_275 = tpu.memref_slice %arg3[%dma_start3A, %dma_start3A_274] : memref<4096x128xf32, #tpu.memory_space<hbm>> -> memref<4096x128xf32, #tpu.memory_space<hbm>>
      tpu.enqueue_indirect_dma source(%dma_start3A_275 : memref<4096x128xf32, #tpu.memory_space<hbm>>) target(%arg8 : memref<128x128xf32, #tpu.memory_space<vmem>>) offsets(%arg7 : memref<128xi32, #tpu.memory_space<vmem>>) semaphore(%arg9 : memref<!tpu.dma_semaphore, #tpu.memory_space<semaphore_mem>>)
      %dma_wait3A = arith.constant 0 : i32
      %dma_wait3A_276 = arith.constant 0 : i32
      %dma_wait3A_277 = tpu.memref_slice %arg3[%dma_wait3A, %dma_wait3A_276] : memref<4096x128xf32, #tpu.memory_space<hbm>> -> memref<4096x128xf32, #tpu.memory_space<hbm>>
      tpu.wait_indirect_dma semaphore(%arg9 : memref<!tpu.dma_semaphore, #tpu.memory_space<semaphore_mem>>) src(%dma_wait3A_277 : memref<4096x128xf32, #tpu.memory_space<hbm>>) dst(%arg8 : memref<128x128xf32, #tpu.memory_space<vmem>>)
      %mul3A_278 = arith.constant 32 : i32
      %mul3A_279 = arith.muli %mul3A_13, %mul3A_278 : i32
      "tpu.region"() ({
        %run_scoped3A = tpu.sem_alloc : memref<!tpu.dma_semaphore, #tpu.memory_space<semaphore_mem>>
        %dma_start3A_281 = arith.constant 0 : i32
        %dma_start3A_282 = tpu.memref_slice %arg4[%mul3A_279, %dma_start3A_281] : memref<32768x128xf32, #tpu.memory_space<hbm>> -> memref<128x128xf32, #tpu.memory_space<hbm>>
        %dma_start3A_283 = arith.constant 0 : i32
        %dma_start3A_284 = tpu.memref_slice %arg4[%mul3A_279, %dma_start3A_283] : memref<32768x128xf32, #tpu.memory_space<hbm>> -> memref<128x128xf32, #tpu.memory_space<hbm>>
        tpu.enqueue_dma source(%arg8 : memref<128x128xf32, #tpu.memory_space<vmem>>) target(%dma_start3A_284 : memref<128x128xf32, #tpu.memory_space<hbm>>) target_semaphore(%run_scoped3A : memref<!tpu.dma_semaphore, #tpu.memory_space<semaphore_mem>>)
        %dma_wait3A_285 = arith.constant 0 : i32
        %dma_wait3A_286 = tpu.memref_slice %arg4[%mul3A_279, %dma_wait3A_285] : memref<32768x128xf32, #tpu.memory_space<hbm>> -> memref<128x128xf32, #tpu.memory_space<hbm>>
        %dma_wait3A_287 = arith.constant 0 : i32
        %dma_wait3A_288 = tpu.memref_slice %arg4[%mul3A_279, %dma_wait3A_287] : memref<32768x128xf32, #tpu.memory_space<hbm>> -> memref<128x128xf32, #tpu.memory_space<hbm>>
        tpu.wait_dma2 semaphore(%run_scoped3A : memref<!tpu.dma_semaphore, #tpu.memory_space<semaphore_mem>>) src(%arg8 : memref<128x128xf32, #tpu.memory_space<vmem>>) dst(%dma_wait3A_288 : memref<128x128xf32, #tpu.memory_space<hbm>>)
        tpu.yield
      }) : () -> ()
      %scan3A_280 = arith.constant 0 : i32
      scf.yield %scan3A_280 : i32
    }
    %scan3A_6 = arith.constant 8 : i32
    return
  }
}

#map = affine_map<(d0, d1) -> (0)>
#map1 = affine_map<(d0, d1) -> (0, 0)>
module attributes {stable_mosaic.version = 14 : i64} {
  func.func @k(%arg0: i32, %arg1: i32, %arg2: memref<524288xf32, #tpu.memory_space<hbm>>, %arg3: memref<4096x128xf32, #tpu.memory_space<hbm>>, %arg4: memref<65536x128xf32, #tpu.memory_space<hbm>>, %arg5: memref<1024xf32, #tpu.memory_space<vmem>>, %arg6: memref<80xi32, #tpu.memory_space<vmem>>, %arg7: memref<128xi32, #tpu.memory_space<vmem>>, %arg8: memref<128x128xf32, #tpu.memory_space<vmem>>, %arg9: memref<!tpu.dma_semaphore, #tpu.memory_space<semaphore_mem>>) attributes {dimension_semantics = [#tpu.dimension_semantics<core_parallel>, #tpu.dimension_semantics<subcore_parallel>], iteration_bounds = array<i64: 2, 16>, scalar_prefetch = 0 : i64, scratch_operands = 5 : i64, tpu.core_type = #tpu.core_type<sc_vector_subcore>, window_params = [{transform_indices = #map}, {transform_indices = #map1}, {transform_indices = #map1}]} {
    %mul3A = arith.constant 2 : i32
    %mul3A_0 = arith.muli %arg1, %mul3A : i32
    %add3A = arith.addi %mul3A_0, %arg0 : i32
    %iota3A = tpu.iota {dimensions = array<i32: 0>} : vector<16xi32>
    %scan3A = arith.constant 0 : i32
    %scan3A_1 = arith.constant 0 : i32
    %scan3A_2 = arith.constant 16 : i32
    %scan3A_3 = arith.addi %scan3A_1, %scan3A_2 : i32
    %scan3A_4 = arith.constant 1 : i32
    %scan3A_5 = scf.for %scan3A_7 = %scan3A_1 to %scan3A_3 step %scan3A_4 iter_args(%scan3A_8 = %scan3A) -> (i32)  : i32 {
      %mul3A_9 = arith.constant 16 : i32
      %mul3A_10 = arith.muli %add3A, %mul3A_9 : i32
      %add3A_11 = arith.addi %mul3A_10, %scan3A_7 : i32
      %mul3A_12 = arith.constant 2 : i32
      %mul3A_13 = arith.muli %add3A_11, %mul3A_12 : i32
      %mul3A_14 = arith.constant 512 : i32
      %mul3A_15 = arith.muli %mul3A_13, %mul3A_14 : i32
      "tpu.region"() ({
        %run_scoped3A = tpu.sem_alloc : memref<!tpu.dma_semaphore, #tpu.memory_space<semaphore_mem>>
        %dma_start3A_189 = tpu.memref_slice %arg2[%mul3A_15] : memref<524288xf32, #tpu.memory_space<hbm>> -> memref<1024xf32, #tpu.memory_space<hbm>>
        %dma_start3A_190 = tpu.memref_slice %arg2[%mul3A_15] : memref<524288xf32, #tpu.memory_space<hbm>> -> memref<1024xf32, #tpu.memory_space<hbm>>
        tpu.enqueue_dma source(%dma_start3A_190 : memref<1024xf32, #tpu.memory_space<hbm>>) target(%arg5 : memref<1024xf32, #tpu.memory_space<vmem>>) target_semaphore(%run_scoped3A : memref<!tpu.dma_semaphore, #tpu.memory_space<semaphore_mem>>)
        %dma_wait3A_191 = tpu.memref_slice %arg2[%mul3A_15] : memref<524288xf32, #tpu.memory_space<hbm>> -> memref<1024xf32, #tpu.memory_space<hbm>>
        %dma_wait3A_192 = tpu.memref_slice %arg2[%mul3A_15] : memref<524288xf32, #tpu.memory_space<hbm>> -> memref<1024xf32, #tpu.memory_space<hbm>>
        tpu.wait_dma2 semaphore(%run_scoped3A : memref<!tpu.dma_semaphore, #tpu.memory_space<semaphore_mem>>) src(%dma_wait3A_192 : memref<1024xf32, #tpu.memory_space<hbm>>) dst(%arg5 : memref<1024xf32, #tpu.memory_space<vmem>>)
        tpu.yield
      }) : () -> ()
      %add3A_16 = arith.constant 0 : i32
      %add3A_17 = arith.addi %mul3A_13, %add3A_16 : i32
      %jit3A = arith.constant 128 : i32
      %div3A = arith.divsi %add3A_17, %jit3A : i32
      %sign3A = arith.constant 0 : i32
      %sign3A_18 = arith.cmpi sgt, %add3A_17, %sign3A : i32
      %sign3A_19 = arith.extui %sign3A_18 : i1 to i32
      %sign3A_20 = arith.constant 0 : i32
      %sign3A_21 = arith.cmpi slt, %add3A_17, %sign3A_20 : i32
      %sign3A_22 = arith.extui %sign3A_21 : i1 to i32
      %sign3A_23 = arith.subi %sign3A_19, %sign3A_22 : i32
      %sign3A_24 = arith.constant 0 : i32
      %sign3A_25 = arith.cmpi sgt, %jit3A, %sign3A_24 : i32
      %sign3A_26 = arith.extui %sign3A_25 : i1 to i32
      %sign3A_27 = arith.constant 0 : i32
      %sign3A_28 = arith.cmpi slt, %jit3A, %sign3A_27 : i32
      %sign3A_29 = arith.extui %sign3A_28 : i1 to i32
      %sign3A_30 = arith.subi %sign3A_26, %sign3A_29 : i32
      %ne3A = arith.cmpi ne, %sign3A_23, %sign3A_30 : i32
      %rem3A = arith.remsi %add3A_17, %jit3A : i32
      %ne3A_31 = arith.constant 0 : i32
      %ne3A_32 = arith.cmpi ne, %rem3A, %ne3A_31 : i32
      %and3A = arith.andi %ne3A, %ne3A_32 : i1
      %sub3A = arith.constant 1 : i32
      %sub3A_33 = arith.subi %div3A, %sub3A : i32
      %select_n3A = arith.select %and3A, %sub3A_33, %div3A : i32
      %mul3A_34 = arith.constant 512 : i32
      %mul3A_35 = arith.muli %select_n3A, %mul3A_34 : i32
      %scan3A_36 = arith.constant 0 : i32
      %scan3A_37 = arith.constant 1073741824 : i32
      %scan3A_38 = arith.constant 0 : i32
      %scan3A_39 = arith.constant 32 : i32
      %scan3A_40 = arith.addi %scan3A_38, %scan3A_39 : i32
      %scan3A_41 = arith.constant 1 : i32
      %scan3A_42:2 = scf.for %scan3A_189 = %scan3A_38 to %scan3A_40 step %scan3A_41 iter_args(%scan3A_190 = %scan3A_36, %scan3A_191 = %scan3A_37) -> (i32, i32)  : i32 {
        %mul3A_192 = arith.constant 16 : i32
        %mul3A_193 = arith.muli %scan3A_189, %mul3A_192 : i32
        %add3A_194 = arith.constant 0 : i32
        %add3A_195 = arith.addi %add3A_194, %mul3A_193 : i32
        %get3A_196 = arith.index_cast %add3A_195 : i32 to index
        %get3A_197 = tpu.vector_load %arg5[%get3A_196] {strides = array<i32>} : memref<1024xf32, #tpu.memory_space<vmem>>, vector<16xf32>,
        %le3A = arith.constant 1.600000e-01 : f32
        %le3A_198 = vector.broadcast %le3A : f32 to vector<16xf32>
        %le3A_199 = arith.cmpf ole, %get3A_197, %le3A_198 : vector<16xf32>
        %convert_element_type3A = arith.extui %le3A_199 : vector<16xi1> to vector<16xi32>
        %broadcast_in_dim3A_200 = arith.constant true
        %broadcast_in_dim3A_201 = vector.broadcast %broadcast_in_dim3A_200 : i1 to vector<16xi1>
        %masked_cumsum3A = tpu.scan <sum>, %convert_element_type3A masked %broadcast_in_dim3A_201 : vector<16xi32>, vector<16xi1> -> vector<16xi32>
        %add3A_202 = vector.broadcast %scan3A_190 : i32 to vector<16xi32>
        %add3A_203 = arith.addi %add3A_202, %masked_cumsum3A : vector<16xi32>
        %sub3A_204 = arith.constant 1 : i32
        %sub3A_205 = vector.broadcast %sub3A_204 : i32 to vector<16xi32>
        %sub3A_206 = arith.subi %add3A_203, %sub3A_205 : vector<16xi32>
        %lt3A_207 = arith.constant 64 : i32
        %lt3A_208 = vector.broadcast %lt3A_207 : i32 to vector<16xi32>
        %lt3A_209 = arith.cmpi slt, %sub3A_206, %lt3A_208 : vector<16xi32>
        %and3A_210 = arith.andi %le3A_199, %lt3A_209 : vector<16xi1>
        %jit3A_211 = arith.constant 0 : i32
        %broadcast_in_dim3A_212 = vector.broadcast %jit3A_211 : i32 to vector<16xi32>
        %select_n3A_213 = arith.select %and3A_210, %sub3A_206, %broadcast_in_dim3A_212 : vector<16xi1>, vector<16xi32>
        %jit3A_214 = arith.constant 0 : i32
        %jit3A_215 = arith.constant 63 : i32
        %max3A_216 = vector.broadcast %jit3A_214 : i32 to vector<16xi32>
        %max3A_217 = arith.maxsi %max3A_216, %select_n3A_213 : vector<16xi32>
        %min3A_218 = vector.broadcast %jit3A_215 : i32 to vector<16xi32>
        %min3A_219 = arith.minsi %min3A_218, %max3A_217 : vector<16xi32>
        %mul3A_220 = arith.constant 16 : i32
        %mul3A_221 = arith.muli %scan3A_189, %mul3A_220 : i32
        %add3A_222 = arith.addi %mul3A_35, %mul3A_221 : i32
        %add3A_223 = vector.broadcast %add3A_222 : i32 to vector<16xi32>
        %add3A_224 = arith.addi %add3A_223, %iota3A : vector<16xi32>
        tpu.vector_store_idx %arg6[%min3A_219], %add3A_224 masked %and3A_210 : memref<80xi32, #tpu.memory_space<vmem>>[vector<16xi32>], vector<16xi32>, vector<16xi1>
        %jit3A_225 = arith.constant 1073741824 : i32
        %broadcast_in_dim3A_226 = vector.broadcast %jit3A_225 : i32 to vector<16xi32>
        %select_n3A_227 = arith.select %le3A_199, %add3A_224, %broadcast_in_dim3A_226 : vector<16xi1>, vector<16xi32>
        %reduce_min3A = arith.constant true
        %reduce_min3A_228 = vector.broadcast %reduce_min3A : i1 to vector<16xi1>
        %reduce_min3A_229 = arith.constant -2147483648 : i32
        %reduce_min3A_230 = vector.broadcast %reduce_min3A_229 : i32 to vector<16xi32>
        %reduce_min3A_231 = arith.xori %select_n3A_227, %reduce_min3A_230 : vector<16xi32>
        %reduce_min3A_232 = tpu.scan <min>, %reduce_min3A_231 masked %reduce_min3A_228 : vector<16xi32>, vector<16xi1> -> vector<16xi32>
        %reduce_min3A_233 = arith.xori %reduce_min3A_232, %reduce_min3A_230 : vector<16xi32>
        %reduce_min3A_234 = vector.extract %reduce_min3A_233[15] : i32 from vector<16xi32>
        %min3A_235 = arith.minsi %scan3A_191, %reduce_min3A_234 : i32
        %reduce_sum3A = arith.constant true
        %reduce_sum3A_236 = vector.broadcast %reduce_sum3A : i1 to vector<16xi1>
        %reduce_sum3A_237 = tpu.scan <sum>, %convert_element_type3A masked %reduce_sum3A_236 : vector<16xi32>, vector<16xi1> -> vector<16xi32>
        %reduce_sum3A_238 = vector.extract %reduce_sum3A_237[15] : i32 from vector<16xi32>
        %add3A_239 = arith.addi %scan3A_190, %reduce_sum3A_238 : i32
        scf.yield %add3A_239, %min3A_235 : i32, i32
      }
      %scan3A_43 = arith.constant 32 : i32
      %add3A_44 = arith.constant 512 : i32
      %add3A_45 = arith.addi %mul3A_35, %add3A_44 : i32
      %sub3A_46 = arith.constant 1 : i32
      %sub3A_47 = arith.subi %add3A_45, %sub3A_46 : i32
      %max3A = arith.maxsi %mul3A_35, %scan3A_42#1 : i32
      %min3A = arith.minsi %sub3A_47, %max3A : i32
      %jit3A_48 = arith.constant 0 : i32
      %jit3A_49 = arith.constant 64 : i32
      %max3A_50 = arith.maxsi %jit3A_48, %scan3A_42#0 : i32
      %min3A_51 = arith.minsi %jit3A_49, %max3A_50 : i32
      %add3A_52 = arith.constant 0 : i32
      %add3A_53 = vector.broadcast %add3A_52 : i32 to vector<16xi32>
      %add3A_54 = arith.addi %add3A_53, %iota3A : vector<16xi32>
      %get3A = arith.constant 0 : index
      %get3A_55 = tpu.vector_load %arg6[%get3A] {strides = array<i32>} : memref<80xi32, #tpu.memory_space<vmem>>, vector<16xi32>,
      %lt3A = vector.broadcast %min3A_51 : i32 to vector<16xi32>
      %lt3A_56 = arith.cmpi slt, %add3A_54, %lt3A : vector<16xi32>
      %broadcast_in_dim3A = vector.broadcast %min3A : i32 to vector<16xi32>
      %select_n3A_57 = arith.select %lt3A_56, %get3A_55, %broadcast_in_dim3A : vector<16xi1>, vector<16xi32>
      %swap3A = arith.constant 0 : index
      %swap3A_58 = tpu.vector_load %arg7[%swap3A] {strides = array<i32>} : memref<128xi32, #tpu.memory_space<vmem>>, vector<16xi32>,
      tpu.vector_store %arg7[%swap3A], %select_n3A_57 {strides = array<i32>} : memref<128xi32, #tpu.memory_space<vmem>>, vector<16xi32>,
      %add3A_59 = arith.constant 16 : i32
      %add3A_60 = vector.broadcast %add3A_59 : i32 to vector<16xi32>
      %add3A_61 = arith.addi %add3A_60, %iota3A : vector<16xi32>
      %get3A_62 = arith.constant 16 : index
      %get3A_63 = tpu.vector_load %arg6[%get3A_62] {strides = array<i32>} : memref<80xi32, #tpu.memory_space<vmem>>, vector<16xi32>,
      %lt3A_64 = vector.broadcast %min3A_51 : i32 to vector<16xi32>
      %lt3A_65 = arith.cmpi slt, %add3A_61, %lt3A_64 : vector<16xi32>
      %broadcast_in_dim3A_66 = vector.broadcast %min3A : i32 to vector<16xi32>
      %select_n3A_67 = arith.select %lt3A_65, %get3A_63, %broadcast_in_dim3A_66 : vector<16xi1>, vector<16xi32>
      %swap3A_68 = arith.constant 16 : index
      %swap3A_69 = tpu.vector_load %arg7[%swap3A_68] {strides = array<i32>} : memref<128xi32, #tpu.memory_space<vmem>>, vector<16xi32>,
      tpu.vector_store %arg7[%swap3A_68], %select_n3A_67 {strides = array<i32>} : memref<128xi32, #tpu.memory_space<vmem>>, vector<16xi32>,
      %add3A_70 = arith.constant 32 : i32
      %add3A_71 = vector.broadcast %add3A_70 : i32 to vector<16xi32>
      %add3A_72 = arith.addi %add3A_71, %iota3A : vector<16xi32>
      %get3A_73 = arith.constant 32 : index
      %get3A_74 = tpu.vector_load %arg6[%get3A_73] {strides = array<i32>} : memref<80xi32, #tpu.memory_space<vmem>>, vector<16xi32>,
      %lt3A_75 = vector.broadcast %min3A_51 : i32 to vector<16xi32>
      %lt3A_76 = arith.cmpi slt, %add3A_72, %lt3A_75 : vector<16xi32>
      %broadcast_in_dim3A_77 = vector.broadcast %min3A : i32 to vector<16xi32>
      %select_n3A_78 = arith.select %lt3A_76, %get3A_74, %broadcast_in_dim3A_77 : vector<16xi1>, vector<16xi32>
      %swap3A_79 = arith.constant 32 : index
      %swap3A_80 = tpu.vector_load %arg7[%swap3A_79] {strides = array<i32>} : memref<128xi32, #tpu.memory_space<vmem>>, vector<16xi32>,
      tpu.vector_store %arg7[%swap3A_79], %select_n3A_78 {strides = array<i32>} : memref<128xi32, #tpu.memory_space<vmem>>, vector<16xi32>,
      %add3A_81 = arith.constant 48 : i32
      %add3A_82 = vector.broadcast %add3A_81 : i32 to vector<16xi32>
      %add3A_83 = arith.addi %add3A_82, %iota3A : vector<16xi32>
      %get3A_84 = arith.constant 48 : index
      %get3A_85 = tpu.vector_load %arg6[%get3A_84] {strides = array<i32>} : memref<80xi32, #tpu.memory_space<vmem>>, vector<16xi32>,
      %lt3A_86 = vector.broadcast %min3A_51 : i32 to vector<16xi32>
      %lt3A_87 = arith.cmpi slt, %add3A_83, %lt3A_86 : vector<16xi32>
      %broadcast_in_dim3A_88 = vector.broadcast %min3A : i32 to vector<16xi32>
      %select_n3A_89 = arith.select %lt3A_87, %get3A_85, %broadcast_in_dim3A_88 : vector<16xi1>, vector<16xi32>
      %swap3A_90 = arith.constant 48 : index
      %swap3A_91 = tpu.vector_load %arg7[%swap3A_90] {strides = array<i32>} : memref<128xi32, #tpu.memory_space<vmem>>, vector<16xi32>,
      tpu.vector_store %arg7[%swap3A_90], %select_n3A_89 {strides = array<i32>} : memref<128xi32, #tpu.memory_space<vmem>>, vector<16xi32>,
      %add3A_92 = arith.constant 1 : i32
      %add3A_93 = arith.addi %mul3A_13, %add3A_92 : i32
      %jit3A_94 = arith.constant 128 : i32
      %div3A_95 = arith.divsi %add3A_93, %jit3A_94 : i32
      %sign3A_96 = arith.constant 0 : i32
      %sign3A_97 = arith.cmpi sgt, %add3A_93, %sign3A_96 : i32
      %sign3A_98 = arith.extui %sign3A_97 : i1 to i32
      %sign3A_99 = arith.constant 0 : i32
      %sign3A_100 = arith.cmpi slt, %add3A_93, %sign3A_99 : i32
      %sign3A_101 = arith.extui %sign3A_100 : i1 to i32
      %sign3A_102 = arith.subi %sign3A_98, %sign3A_101 : i32
      %sign3A_103 = arith.constant 0 : i32
      %sign3A_104 = arith.cmpi sgt, %jit3A_94, %sign3A_103 : i32
      %sign3A_105 = arith.extui %sign3A_104 : i1 to i32
      %sign3A_106 = arith.constant 0 : i32
      %sign3A_107 = arith.cmpi slt, %jit3A_94, %sign3A_106 : i32
      %sign3A_108 = arith.extui %sign3A_107 : i1 to i32
      %sign3A_109 = arith.subi %sign3A_105, %sign3A_108 : i32
      %ne3A_110 = arith.cmpi ne, %sign3A_102, %sign3A_109 : i32
      %rem3A_111 = arith.remsi %add3A_93, %jit3A_94 : i32
      %ne3A_112 = arith.constant 0 : i32
      %ne3A_113 = arith.cmpi ne, %rem3A_111, %ne3A_112 : i32
      %and3A_114 = arith.andi %ne3A_110, %ne3A_113 : i1
      %sub3A_115 = arith.constant 1 : i32
      %sub3A_116 = arith.subi %div3A_95, %sub3A_115 : i32
      %select_n3A_117 = arith.select %and3A_114, %sub3A_116, %div3A_95 : i32
      %mul3A_118 = arith.constant 512 : i32
      %mul3A_119 = arith.muli %select_n3A_117, %mul3A_118 : i32
      %scan3A_120 = arith.constant 0 : i32
      %scan3A_121 = arith.constant 1073741824 : i32
      %scan3A_122 = arith.constant 0 : i32
      %scan3A_123 = arith.constant 32 : i32
      %scan3A_124 = arith.addi %scan3A_122, %scan3A_123 : i32
      %scan3A_125 = arith.constant 1 : i32
      %scan3A_126:2 = scf.for %scan3A_189 = %scan3A_122 to %scan3A_124 step %scan3A_125 iter_args(%scan3A_190 = %scan3A_120, %scan3A_191 = %scan3A_121) -> (i32, i32)  : i32 {
        %mul3A_192 = arith.constant 16 : i32
        %mul3A_193 = arith.muli %scan3A_189, %mul3A_192 : i32
        %add3A_194 = arith.constant 512 : i32
        %add3A_195 = arith.addi %add3A_194, %mul3A_193 : i32
        %get3A_196 = arith.index_cast %add3A_195 : i32 to index
        %get3A_197 = tpu.vector_load %arg5[%get3A_196] {strides = array<i32>} : memref<1024xf32, #tpu.memory_space<vmem>>, vector<16xf32>,
        %le3A = arith.constant 1.600000e-01 : f32
        %le3A_198 = vector.broadcast %le3A : f32 to vector<16xf32>
        %le3A_199 = arith.cmpf ole, %get3A_197, %le3A_198 : vector<16xf32>
        %convert_element_type3A = arith.extui %le3A_199 : vector<16xi1> to vector<16xi32>
        %broadcast_in_dim3A_200 = arith.constant true
        %broadcast_in_dim3A_201 = vector.broadcast %broadcast_in_dim3A_200 : i1 to vector<16xi1>
        %masked_cumsum3A = tpu.scan <sum>, %convert_element_type3A masked %broadcast_in_dim3A_201 : vector<16xi32>, vector<16xi1> -> vector<16xi32>
        %add3A_202 = vector.broadcast %scan3A_190 : i32 to vector<16xi32>
        %add3A_203 = arith.addi %add3A_202, %masked_cumsum3A : vector<16xi32>
        %sub3A_204 = arith.constant 1 : i32
        %sub3A_205 = vector.broadcast %sub3A_204 : i32 to vector<16xi32>
        %sub3A_206 = arith.subi %add3A_203, %sub3A_205 : vector<16xi32>
        %lt3A_207 = arith.constant 64 : i32
        %lt3A_208 = vector.broadcast %lt3A_207 : i32 to vector<16xi32>
        %lt3A_209 = arith.cmpi slt, %sub3A_206, %lt3A_208 : vector<16xi32>
        %and3A_210 = arith.andi %le3A_199, %lt3A_209 : vector<16xi1>
        %jit3A_211 = arith.constant 0 : i32
        %broadcast_in_dim3A_212 = vector.broadcast %jit3A_211 : i32 to vector<16xi32>
        %select_n3A_213 = arith.select %and3A_210, %sub3A_206, %broadcast_in_dim3A_212 : vector<16xi1>, vector<16xi32>
        %jit3A_214 = arith.constant 0 : i32
        %jit3A_215 = arith.constant 63 : i32
        %max3A_216 = vector.broadcast %jit3A_214 : i32 to vector<16xi32>
        %max3A_217 = arith.maxsi %max3A_216, %select_n3A_213 : vector<16xi32>
        %min3A_218 = vector.broadcast %jit3A_215 : i32 to vector<16xi32>
        %min3A_219 = arith.minsi %min3A_218, %max3A_217 : vector<16xi32>
        %mul3A_220 = arith.constant 16 : i32
        %mul3A_221 = arith.muli %scan3A_189, %mul3A_220 : i32
        %add3A_222 = arith.addi %mul3A_119, %mul3A_221 : i32
        %add3A_223 = vector.broadcast %add3A_222 : i32 to vector<16xi32>
        %add3A_224 = arith.addi %add3A_223, %iota3A : vector<16xi32>
        tpu.vector_store_idx %arg6[%min3A_219], %add3A_224 masked %and3A_210 : memref<80xi32, #tpu.memory_space<vmem>>[vector<16xi32>], vector<16xi32>, vector<16xi1>
        %jit3A_225 = arith.constant 1073741824 : i32
        %broadcast_in_dim3A_226 = vector.broadcast %jit3A_225 : i32 to vector<16xi32>
        %select_n3A_227 = arith.select %le3A_199, %add3A_224, %broadcast_in_dim3A_226 : vector<16xi1>, vector<16xi32>
        %reduce_min3A = arith.constant true
        %reduce_min3A_228 = vector.broadcast %reduce_min3A : i1 to vector<16xi1>
        %reduce_min3A_229 = arith.constant -2147483648 : i32
        %reduce_min3A_230 = vector.broadcast %reduce_min3A_229 : i32 to vector<16xi32>
        %reduce_min3A_231 = arith.xori %select_n3A_227, %reduce_min3A_230 : vector<16xi32>
        %reduce_min3A_232 = tpu.scan <min>, %reduce_min3A_231 masked %reduce_min3A_228 : vector<16xi32>, vector<16xi1> -> vector<16xi32>
        %reduce_min3A_233 = arith.xori %reduce_min3A_232, %reduce_min3A_230 : vector<16xi32>
        %reduce_min3A_234 = vector.extract %reduce_min3A_233[15] : i32 from vector<16xi32>
        %min3A_235 = arith.minsi %scan3A_191, %reduce_min3A_234 : i32
        %reduce_sum3A = arith.constant true
        %reduce_sum3A_236 = vector.broadcast %reduce_sum3A : i1 to vector<16xi1>
        %reduce_sum3A_237 = tpu.scan <sum>, %convert_element_type3A masked %reduce_sum3A_236 : vector<16xi32>, vector<16xi1> -> vector<16xi32>
        %reduce_sum3A_238 = vector.extract %reduce_sum3A_237[15] : i32 from vector<16xi32>
        %add3A_239 = arith.addi %scan3A_190, %reduce_sum3A_238 : i32
        scf.yield %add3A_239, %min3A_235 : i32, i32
      }
      %scan3A_127 = arith.constant 32 : i32
      %add3A_128 = arith.constant 512 : i32
      %add3A_129 = arith.addi %mul3A_119, %add3A_128 : i32
      %sub3A_130 = arith.constant 1 : i32
      %sub3A_131 = arith.subi %add3A_129, %sub3A_130 : i32
      %max3A_132 = arith.maxsi %mul3A_119, %scan3A_126#1 : i32
      %min3A_133 = arith.minsi %sub3A_131, %max3A_132 : i32
      %jit3A_134 = arith.constant 0 : i32
      %jit3A_135 = arith.constant 64 : i32
      %max3A_136 = arith.maxsi %jit3A_134, %scan3A_126#0 : i32
      %min3A_137 = arith.minsi %jit3A_135, %max3A_136 : i32
      %add3A_138 = arith.constant 0 : i32
      %add3A_139 = vector.broadcast %add3A_138 : i32 to vector<16xi32>
      %add3A_140 = arith.addi %add3A_139, %iota3A : vector<16xi32>
      %get3A_141 = arith.constant 0 : index
      %get3A_142 = tpu.vector_load %arg6[%get3A_141] {strides = array<i32>} : memref<80xi32, #tpu.memory_space<vmem>>, vector<16xi32>,
      %lt3A_143 = vector.broadcast %min3A_137 : i32 to vector<16xi32>
      %lt3A_144 = arith.cmpi slt, %add3A_140, %lt3A_143 : vector<16xi32>
      %broadcast_in_dim3A_145 = vector.broadcast %min3A_133 : i32 to vector<16xi32>
      %select_n3A_146 = arith.select %lt3A_144, %get3A_142, %broadcast_in_dim3A_145 : vector<16xi1>, vector<16xi32>
      %swap3A_147 = arith.constant 64 : index
      %swap3A_148 = tpu.vector_load %arg7[%swap3A_147] {strides = array<i32>} : memref<128xi32, #tpu.memory_space<vmem>>, vector<16xi32>,
      tpu.vector_store %arg7[%swap3A_147], %select_n3A_146 {strides = array<i32>} : memref<128xi32, #tpu.memory_space<vmem>>, vector<16xi32>,
      %add3A_149 = arith.constant 16 : i32
      %add3A_150 = vector.broadcast %add3A_149 : i32 to vector<16xi32>
      %add3A_151 = arith.addi %add3A_150, %iota3A : vector<16xi32>
      %get3A_152 = arith.constant 16 : index
      %get3A_153 = tpu.vector_load %arg6[%get3A_152] {strides = array<i32>} : memref<80xi32, #tpu.memory_space<vmem>>, vector<16xi32>,
      %lt3A_154 = vector.broadcast %min3A_137 : i32 to vector<16xi32>
      %lt3A_155 = arith.cmpi slt, %add3A_151, %lt3A_154 : vector<16xi32>
      %broadcast_in_dim3A_156 = vector.broadcast %min3A_133 : i32 to vector<16xi32>
      %select_n3A_157 = arith.select %lt3A_155, %get3A_153, %broadcast_in_dim3A_156 : vector<16xi1>, vector<16xi32>
      %swap3A_158 = arith.constant 80 : index
      %swap3A_159 = tpu.vector_load %arg7[%swap3A_158] {strides = array<i32>} : memref<128xi32, #tpu.memory_space<vmem>>, vector<16xi32>,
      tpu.vector_store %arg7[%swap3A_158], %select_n3A_157 {strides = array<i32>} : memref<128xi32, #tpu.memory_space<vmem>>, vector<16xi32>,
      %add3A_160 = arith.constant 32 : i32
      %add3A_161 = vector.broadcast %add3A_160 : i32 to vector<16xi32>
      %add3A_162 = arith.addi %add3A_161, %iota3A : vector<16xi32>
      %get3A_163 = arith.constant 32 : index
      %get3A_164 = tpu.vector_load %arg6[%get3A_163] {strides = array<i32>} : memref<80xi32, #tpu.memory_space<vmem>>, vector<16xi32>,
      %lt3A_165 = vector.broadcast %min3A_137 : i32 to vector<16xi32>
      %lt3A_166 = arith.cmpi slt, %add3A_162, %lt3A_165 : vector<16xi32>
      %broadcast_in_dim3A_167 = vector.broadcast %min3A_133 : i32 to vector<16xi32>
      %select_n3A_168 = arith.select %lt3A_166, %get3A_164, %broadcast_in_dim3A_167 : vector<16xi1>, vector<16xi32>
      %swap3A_169 = arith.constant 96 : index
      %swap3A_170 = tpu.vector_load %arg7[%swap3A_169] {strides = array<i32>} : memref<128xi32, #tpu.memory_space<vmem>>, vector<16xi32>,
      tpu.vector_store %arg7[%swap3A_169], %select_n3A_168 {strides = array<i32>} : memref<128xi32, #tpu.memory_space<vmem>>, vector<16xi32>,
      %add3A_171 = arith.constant 48 : i32
      %add3A_172 = vector.broadcast %add3A_171 : i32 to vector<16xi32>
      %add3A_173 = arith.addi %add3A_172, %iota3A : vector<16xi32>
      %get3A_174 = arith.constant 48 : index
      %get3A_175 = tpu.vector_load %arg6[%get3A_174] {strides = array<i32>} : memref<80xi32, #tpu.memory_space<vmem>>, vector<16xi32>,
      %lt3A_176 = vector.broadcast %min3A_137 : i32 to vector<16xi32>
      %lt3A_177 = arith.cmpi slt, %add3A_173, %lt3A_176 : vector<16xi32>
      %broadcast_in_dim3A_178 = vector.broadcast %min3A_133 : i32 to vector<16xi32>
      %select_n3A_179 = arith.select %lt3A_177, %get3A_175, %broadcast_in_dim3A_178 : vector<16xi1>, vector<16xi32>
      %swap3A_180 = arith.constant 112 : index
      %swap3A_181 = tpu.vector_load %arg7[%swap3A_180] {strides = array<i32>} : memref<128xi32, #tpu.memory_space<vmem>>, vector<16xi32>,
      tpu.vector_store %arg7[%swap3A_180], %select_n3A_179 {strides = array<i32>} : memref<128xi32, #tpu.memory_space<vmem>>, vector<16xi32>,
      %dma_start3A = arith.constant 0 : i32
      %dma_start3A_182 = arith.constant 0 : i32
      %dma_start3A_183 = tpu.memref_slice %arg3[%dma_start3A, %dma_start3A_182] : memref<4096x128xf32, #tpu.memory_space<hbm>> -> memref<4096x128xf32, #tpu.memory_space<hbm>>
      tpu.enqueue_indirect_dma source(%dma_start3A_183 : memref<4096x128xf32, #tpu.memory_space<hbm>>) target(%arg8 : memref<128x128xf32, #tpu.memory_space<vmem>>) offsets(%arg7 : memref<128xi32, #tpu.memory_space<vmem>>) semaphore(%arg9 : memref<!tpu.dma_semaphore, #tpu.memory_space<semaphore_mem>>)
      %dma_wait3A = arith.constant 0 : i32
      %dma_wait3A_184 = arith.constant 0 : i32
      %dma_wait3A_185 = tpu.memref_slice %arg3[%dma_wait3A, %dma_wait3A_184] : memref<4096x128xf32, #tpu.memory_space<hbm>> -> memref<4096x128xf32, #tpu.memory_space<hbm>>
      tpu.wait_indirect_dma semaphore(%arg9 : memref<!tpu.dma_semaphore, #tpu.memory_space<semaphore_mem>>) src(%dma_wait3A_185 : memref<4096x128xf32, #tpu.memory_space<hbm>>) dst(%arg8 : memref<128x128xf32, #tpu.memory_space<vmem>>)
      %mul3A_186 = arith.constant 64 : i32
      %mul3A_187 = arith.muli %mul3A_13, %mul3A_186 : i32
      "tpu.region"() ({
        %run_scoped3A = tpu.sem_alloc : memref<!tpu.dma_semaphore, #tpu.memory_space<semaphore_mem>>
        %dma_start3A_189 = arith.constant 0 : i32
        %dma_start3A_190 = tpu.memref_slice %arg4[%mul3A_187, %dma_start3A_189] : memref<65536x128xf32, #tpu.memory_space<hbm>> -> memref<128x128xf32, #tpu.memory_space<hbm>>
        %dma_start3A_191 = arith.constant 0 : i32
        %dma_start3A_192 = tpu.memref_slice %arg4[%mul3A_187, %dma_start3A_191] : memref<65536x128xf32, #tpu.memory_space<hbm>> -> memref<128x128xf32, #tpu.memory_space<hbm>>
        tpu.enqueue_dma source(%arg8 : memref<128x128xf32, #tpu.memory_space<vmem>>) target(%dma_start3A_192 : memref<128x128xf32, #tpu.memory_space<hbm>>) target_semaphore(%run_scoped3A : memref<!tpu.dma_semaphore, #tpu.memory_space<semaphore_mem>>)
        %dma_wait3A_193 = arith.constant 0 : i32
        %dma_wait3A_194 = tpu.memref_slice %arg4[%mul3A_187, %dma_wait3A_193] : memref<65536x128xf32, #tpu.memory_space<hbm>> -> memref<128x128xf32, #tpu.memory_space<hbm>>
        %dma_wait3A_195 = arith.constant 0 : i32
        %dma_wait3A_196 = tpu.memref_slice %arg4[%mul3A_187, %dma_wait3A_195] : memref<65536x128xf32, #tpu.memory_space<hbm>> -> memref<128x128xf32, #tpu.memory_space<hbm>>
        tpu.wait_dma2 semaphore(%run_scoped3A : memref<!tpu.dma_semaphore, #tpu.memory_space<semaphore_mem>>) src(%arg8 : memref<128x128xf32, #tpu.memory_space<vmem>>) dst(%dma_wait3A_196 : memref<128x128xf32, #tpu.memory_space<hbm>>)
        tpu.yield
      }) : () -> ()
      %scan3A_188 = arith.constant 0 : i32
      scf.yield %scan3A_188 : i32
    }
    %scan3A_6 = arith.constant 16 : i32
    return
  }
}

#map = affine_map<(d0, d1) -> (0)>
#map1 = affine_map<(d0, d1) -> (0, 0)>
module attributes {stable_mosaic.version = 14 : i64} {
  func.func @k(%arg0: i32, %arg1: i32, %arg2: memref<524288xf32, #tpu.memory_space<hbm>>, %arg3: memref<4096x128xf32, #tpu.memory_space<hbm>>, %arg4: memref<131072x128xf32, #tpu.memory_space<hbm>>, %arg5: memref<512xf32, #tpu.memory_space<vmem>>, %arg6: memref<144xi32, #tpu.memory_space<vmem>>, %arg7: memref<128xi32, #tpu.memory_space<vmem>>, %arg8: memref<128x128xf32, #tpu.memory_space<vmem>>, %arg9: memref<!tpu.dma_semaphore, #tpu.memory_space<semaphore_mem>>) attributes {dimension_semantics = [#tpu.dimension_semantics<core_parallel>, #tpu.dimension_semantics<subcore_parallel>], iteration_bounds = array<i64: 2, 16>, scalar_prefetch = 0 : i64, scratch_operands = 5 : i64, tpu.core_type = #tpu.core_type<sc_vector_subcore>, window_params = [{transform_indices = #map}, {transform_indices = #map1}, {transform_indices = #map1}]} {
    %mul3A = arith.constant 2 : i32
    %mul3A_0 = arith.muli %arg1, %mul3A : i32
    %add3A = arith.addi %mul3A_0, %arg0 : i32
    %iota3A = tpu.iota {dimensions = array<i32: 0>} : vector<16xi32>
    %scan3A = arith.constant 0 : i32
    %scan3A_1 = arith.constant 0 : i32
    %scan3A_2 = arith.constant 32 : i32
    %scan3A_3 = arith.addi %scan3A_1, %scan3A_2 : i32
    %scan3A_4 = arith.constant 1 : i32
    %scan3A_5 = scf.for %scan3A_7 = %scan3A_1 to %scan3A_3 step %scan3A_4 iter_args(%scan3A_8 = %scan3A) -> (i32)  : i32 {
      %mul3A_9 = arith.constant 32 : i32
      %mul3A_10 = arith.muli %add3A, %mul3A_9 : i32
      %add3A_11 = arith.addi %mul3A_10, %scan3A_7 : i32
      %mul3A_12 = arith.constant 1 : i32
      %mul3A_13 = arith.muli %add3A_11, %mul3A_12 : i32
      %mul3A_14 = arith.constant 512 : i32
      %mul3A_15 = arith.muli %mul3A_13, %mul3A_14 : i32
      "tpu.region"() ({
        %run_scoped3A = tpu.sem_alloc : memref<!tpu.dma_semaphore, #tpu.memory_space<semaphore_mem>>
        %dma_start3A_143 = tpu.memref_slice %arg2[%mul3A_15] : memref<524288xf32, #tpu.memory_space<hbm>> -> memref<512xf32, #tpu.memory_space<hbm>>
        %dma_start3A_144 = tpu.memref_slice %arg2[%mul3A_15] : memref<524288xf32, #tpu.memory_space<hbm>> -> memref<512xf32, #tpu.memory_space<hbm>>
        tpu.enqueue_dma source(%dma_start3A_144 : memref<512xf32, #tpu.memory_space<hbm>>) target(%arg5 : memref<512xf32, #tpu.memory_space<vmem>>) target_semaphore(%run_scoped3A : memref<!tpu.dma_semaphore, #tpu.memory_space<semaphore_mem>>)
        %dma_wait3A_145 = tpu.memref_slice %arg2[%mul3A_15] : memref<524288xf32, #tpu.memory_space<hbm>> -> memref<512xf32, #tpu.memory_space<hbm>>
        %dma_wait3A_146 = tpu.memref_slice %arg2[%mul3A_15] : memref<524288xf32, #tpu.memory_space<hbm>> -> memref<512xf32, #tpu.memory_space<hbm>>
        tpu.wait_dma2 semaphore(%run_scoped3A : memref<!tpu.dma_semaphore, #tpu.memory_space<semaphore_mem>>) src(%dma_wait3A_146 : memref<512xf32, #tpu.memory_space<hbm>>) dst(%arg5 : memref<512xf32, #tpu.memory_space<vmem>>)
        tpu.yield
      }) : () -> ()
      %add3A_16 = arith.constant 0 : i32
      %add3A_17 = arith.addi %mul3A_13, %add3A_16 : i32
      %jit3A = arith.constant 128 : i32
      %div3A = arith.divsi %add3A_17, %jit3A : i32
      %sign3A = arith.constant 0 : i32
      %sign3A_18 = arith.cmpi sgt, %add3A_17, %sign3A : i32
      %sign3A_19 = arith.extui %sign3A_18 : i1 to i32
      %sign3A_20 = arith.constant 0 : i32
      %sign3A_21 = arith.cmpi slt, %add3A_17, %sign3A_20 : i32
      %sign3A_22 = arith.extui %sign3A_21 : i1 to i32
      %sign3A_23 = arith.subi %sign3A_19, %sign3A_22 : i32
      %sign3A_24 = arith.constant 0 : i32
      %sign3A_25 = arith.cmpi sgt, %jit3A, %sign3A_24 : i32
      %sign3A_26 = arith.extui %sign3A_25 : i1 to i32
      %sign3A_27 = arith.constant 0 : i32
      %sign3A_28 = arith.cmpi slt, %jit3A, %sign3A_27 : i32
      %sign3A_29 = arith.extui %sign3A_28 : i1 to i32
      %sign3A_30 = arith.subi %sign3A_26, %sign3A_29 : i32
      %ne3A = arith.cmpi ne, %sign3A_23, %sign3A_30 : i32
      %rem3A = arith.remsi %add3A_17, %jit3A : i32
      %ne3A_31 = arith.constant 0 : i32
      %ne3A_32 = arith.cmpi ne, %rem3A, %ne3A_31 : i32
      %and3A = arith.andi %ne3A, %ne3A_32 : i1
      %sub3A = arith.constant 1 : i32
      %sub3A_33 = arith.subi %div3A, %sub3A : i32
      %select_n3A = arith.select %and3A, %sub3A_33, %div3A : i32
      %mul3A_34 = arith.constant 512 : i32
      %mul3A_35 = arith.muli %select_n3A, %mul3A_34 : i32
      %scan3A_36 = arith.constant 0 : i32
      %scan3A_37 = arith.constant 1073741824 : i32
      %scan3A_38 = arith.constant 0 : i32
      %scan3A_39 = arith.constant 32 : i32
      %scan3A_40 = arith.addi %scan3A_38, %scan3A_39 : i32
      %scan3A_41 = arith.constant 1 : i32
      %scan3A_42:2 = scf.for %scan3A_143 = %scan3A_38 to %scan3A_40 step %scan3A_41 iter_args(%scan3A_144 = %scan3A_36, %scan3A_145 = %scan3A_37) -> (i32, i32)  : i32 {
        %mul3A_146 = arith.constant 16 : i32
        %mul3A_147 = arith.muli %scan3A_143, %mul3A_146 : i32
        %add3A_148 = arith.constant 0 : i32
        %add3A_149 = arith.addi %add3A_148, %mul3A_147 : i32
        %get3A_150 = arith.index_cast %add3A_149 : i32 to index
        %get3A_151 = tpu.vector_load %arg5[%get3A_150] {strides = array<i32>} : memref<512xf32, #tpu.memory_space<vmem>>, vector<16xf32>,
        %le3A = arith.constant 6.400000e-01 : f32
        %le3A_152 = vector.broadcast %le3A : f32 to vector<16xf32>
        %le3A_153 = arith.cmpf ole, %get3A_151, %le3A_152 : vector<16xf32>
        %convert_element_type3A = arith.extui %le3A_153 : vector<16xi1> to vector<16xi32>
        %broadcast_in_dim3A_154 = arith.constant true
        %broadcast_in_dim3A_155 = vector.broadcast %broadcast_in_dim3A_154 : i1 to vector<16xi1>
        %masked_cumsum3A = tpu.scan <sum>, %convert_element_type3A masked %broadcast_in_dim3A_155 : vector<16xi32>, vector<16xi1> -> vector<16xi32>
        %add3A_156 = vector.broadcast %scan3A_144 : i32 to vector<16xi32>
        %add3A_157 = arith.addi %add3A_156, %masked_cumsum3A : vector<16xi32>
        %sub3A_158 = arith.constant 1 : i32
        %sub3A_159 = vector.broadcast %sub3A_158 : i32 to vector<16xi32>
        %sub3A_160 = arith.subi %add3A_157, %sub3A_159 : vector<16xi32>
        %lt3A_161 = arith.constant 128 : i32
        %lt3A_162 = vector.broadcast %lt3A_161 : i32 to vector<16xi32>
        %lt3A_163 = arith.cmpi slt, %sub3A_160, %lt3A_162 : vector<16xi32>
        %and3A_164 = arith.andi %le3A_153, %lt3A_163 : vector<16xi1>
        %jit3A_165 = arith.constant 0 : i32
        %broadcast_in_dim3A_166 = vector.broadcast %jit3A_165 : i32 to vector<16xi32>
        %select_n3A_167 = arith.select %and3A_164, %sub3A_160, %broadcast_in_dim3A_166 : vector<16xi1>, vector<16xi32>
        %jit3A_168 = arith.constant 0 : i32
        %jit3A_169 = arith.constant 127 : i32
        %max3A_170 = vector.broadcast %jit3A_168 : i32 to vector<16xi32>
        %max3A_171 = arith.maxsi %max3A_170, %select_n3A_167 : vector<16xi32>
        %min3A_172 = vector.broadcast %jit3A_169 : i32 to vector<16xi32>
        %min3A_173 = arith.minsi %min3A_172, %max3A_171 : vector<16xi32>
        %mul3A_174 = arith.constant 16 : i32
        %mul3A_175 = arith.muli %scan3A_143, %mul3A_174 : i32
        %add3A_176 = arith.addi %mul3A_35, %mul3A_175 : i32
        %add3A_177 = vector.broadcast %add3A_176 : i32 to vector<16xi32>
        %add3A_178 = arith.addi %add3A_177, %iota3A : vector<16xi32>
        tpu.vector_store_idx %arg6[%min3A_173], %add3A_178 masked %and3A_164 : memref<144xi32, #tpu.memory_space<vmem>>[vector<16xi32>], vector<16xi32>, vector<16xi1>
        %jit3A_179 = arith.constant 1073741824 : i32
        %broadcast_in_dim3A_180 = vector.broadcast %jit3A_179 : i32 to vector<16xi32>
        %select_n3A_181 = arith.select %le3A_153, %add3A_178, %broadcast_in_dim3A_180 : vector<16xi1>, vector<16xi32>
        %reduce_min3A = arith.constant true
        %reduce_min3A_182 = vector.broadcast %reduce_min3A : i1 to vector<16xi1>
        %reduce_min3A_183 = arith.constant -2147483648 : i32
        %reduce_min3A_184 = vector.broadcast %reduce_min3A_183 : i32 to vector<16xi32>
        %reduce_min3A_185 = arith.xori %select_n3A_181, %reduce_min3A_184 : vector<16xi32>
        %reduce_min3A_186 = tpu.scan <min>, %reduce_min3A_185 masked %reduce_min3A_182 : vector<16xi32>, vector<16xi1> -> vector<16xi32>
        %reduce_min3A_187 = arith.xori %reduce_min3A_186, %reduce_min3A_184 : vector<16xi32>
        %reduce_min3A_188 = vector.extract %reduce_min3A_187[15] : i32 from vector<16xi32>
        %min3A_189 = arith.minsi %scan3A_145, %reduce_min3A_188 : i32
        %reduce_sum3A = arith.constant true
        %reduce_sum3A_190 = vector.broadcast %reduce_sum3A : i1 to vector<16xi1>
        %reduce_sum3A_191 = tpu.scan <sum>, %convert_element_type3A masked %reduce_sum3A_190 : vector<16xi32>, vector<16xi1> -> vector<16xi32>
        %reduce_sum3A_192 = vector.extract %reduce_sum3A_191[15] : i32 from vector<16xi32>
        %add3A_193 = arith.addi %scan3A_144, %reduce_sum3A_192 : i32
        scf.yield %add3A_193, %min3A_189 : i32, i32
      }
      %scan3A_43 = arith.constant 32 : i32
      %add3A_44 = arith.constant 512 : i32
      %add3A_45 = arith.addi %mul3A_35, %add3A_44 : i32
      %sub3A_46 = arith.constant 1 : i32
      %sub3A_47 = arith.subi %add3A_45, %sub3A_46 : i32
      %max3A = arith.maxsi %mul3A_35, %scan3A_42#1 : i32
      %min3A = arith.minsi %sub3A_47, %max3A : i32
      %jit3A_48 = arith.constant 0 : i32
      %jit3A_49 = arith.constant 128 : i32
      %max3A_50 = arith.maxsi %jit3A_48, %scan3A_42#0 : i32
      %min3A_51 = arith.minsi %jit3A_49, %max3A_50 : i32
      %add3A_52 = arith.constant 0 : i32
      %add3A_53 = vector.broadcast %add3A_52 : i32 to vector<16xi32>
      %add3A_54 = arith.addi %add3A_53, %iota3A : vector<16xi32>
      %get3A = arith.constant 0 : index
      %get3A_55 = tpu.vector_load %arg6[%get3A] {strides = array<i32>} : memref<144xi32, #tpu.memory_space<vmem>>, vector<16xi32>,
      %lt3A = vector.broadcast %min3A_51 : i32 to vector<16xi32>
      %lt3A_56 = arith.cmpi slt, %add3A_54, %lt3A : vector<16xi32>
      %broadcast_in_dim3A = vector.broadcast %min3A : i32 to vector<16xi32>
      %select_n3A_57 = arith.select %lt3A_56, %get3A_55, %broadcast_in_dim3A : vector<16xi1>, vector<16xi32>
      %swap3A = arith.constant 0 : index
      %swap3A_58 = tpu.vector_load %arg7[%swap3A] {strides = array<i32>} : memref<128xi32, #tpu.memory_space<vmem>>, vector<16xi32>,
      tpu.vector_store %arg7[%swap3A], %select_n3A_57 {strides = array<i32>} : memref<128xi32, #tpu.memory_space<vmem>>, vector<16xi32>,
      %add3A_59 = arith.constant 16 : i32
      %add3A_60 = vector.broadcast %add3A_59 : i32 to vector<16xi32>
      %add3A_61 = arith.addi %add3A_60, %iota3A : vector<16xi32>
      %get3A_62 = arith.constant 16 : index
      %get3A_63 = tpu.vector_load %arg6[%get3A_62] {strides = array<i32>} : memref<144xi32, #tpu.memory_space<vmem>>, vector<16xi32>,
      %lt3A_64 = vector.broadcast %min3A_51 : i32 to vector<16xi32>
      %lt3A_65 = arith.cmpi slt, %add3A_61, %lt3A_64 : vector<16xi32>
      %broadcast_in_dim3A_66 = vector.broadcast %min3A : i32 to vector<16xi32>
      %select_n3A_67 = arith.select %lt3A_65, %get3A_63, %broadcast_in_dim3A_66 : vector<16xi1>, vector<16xi32>
      %swap3A_68 = arith.constant 16 : index
      %swap3A_69 = tpu.vector_load %arg7[%swap3A_68] {strides = array<i32>} : memref<128xi32, #tpu.memory_space<vmem>>, vector<16xi32>,
      tpu.vector_store %arg7[%swap3A_68], %select_n3A_67 {strides = array<i32>} : memref<128xi32, #tpu.memory_space<vmem>>, vector<16xi32>,
      %add3A_70 = arith.constant 32 : i32
      %add3A_71 = vector.broadcast %add3A_70 : i32 to vector<16xi32>
      %add3A_72 = arith.addi %add3A_71, %iota3A : vector<16xi32>
      %get3A_73 = arith.constant 32 : index
      %get3A_74 = tpu.vector_load %arg6[%get3A_73] {strides = array<i32>} : memref<144xi32, #tpu.memory_space<vmem>>, vector<16xi32>,
      %lt3A_75 = vector.broadcast %min3A_51 : i32 to vector<16xi32>
      %lt3A_76 = arith.cmpi slt, %add3A_72, %lt3A_75 : vector<16xi32>
      %broadcast_in_dim3A_77 = vector.broadcast %min3A : i32 to vector<16xi32>
      %select_n3A_78 = arith.select %lt3A_76, %get3A_74, %broadcast_in_dim3A_77 : vector<16xi1>, vector<16xi32>
      %swap3A_79 = arith.constant 32 : index
      %swap3A_80 = tpu.vector_load %arg7[%swap3A_79] {strides = array<i32>} : memref<128xi32, #tpu.memory_space<vmem>>, vector<16xi32>,
      tpu.vector_store %arg7[%swap3A_79], %select_n3A_78 {strides = array<i32>} : memref<128xi32, #tpu.memory_space<vmem>>, vector<16xi32>,
      %add3A_81 = arith.constant 48 : i32
      %add3A_82 = vector.broadcast %add3A_81 : i32 to vector<16xi32>
      %add3A_83 = arith.addi %add3A_82, %iota3A : vector<16xi32>
      %get3A_84 = arith.constant 48 : index
      %get3A_85 = tpu.vector_load %arg6[%get3A_84] {strides = array<i32>} : memref<144xi32, #tpu.memory_space<vmem>>, vector<16xi32>,
      %lt3A_86 = vector.broadcast %min3A_51 : i32 to vector<16xi32>
      %lt3A_87 = arith.cmpi slt, %add3A_83, %lt3A_86 : vector<16xi32>
      %broadcast_in_dim3A_88 = vector.broadcast %min3A : i32 to vector<16xi32>
      %select_n3A_89 = arith.select %lt3A_87, %get3A_85, %broadcast_in_dim3A_88 : vector<16xi1>, vector<16xi32>
      %swap3A_90 = arith.constant 48 : index
      %swap3A_91 = tpu.vector_load %arg7[%swap3A_90] {strides = array<i32>} : memref<128xi32, #tpu.memory_space<vmem>>, vector<16xi32>,
      tpu.vector_store %arg7[%swap3A_90], %select_n3A_89 {strides = array<i32>} : memref<128xi32, #tpu.memory_space<vmem>>, vector<16xi32>,
      %add3A_92 = arith.constant 64 : i32
      %add3A_93 = vector.broadcast %add3A_92 : i32 to vector<16xi32>
      %add3A_94 = arith.addi %add3A_93, %iota3A : vector<16xi32>
      %get3A_95 = arith.constant 64 : index
      %get3A_96 = tpu.vector_load %arg6[%get3A_95] {strides = array<i32>} : memref<144xi32, #tpu.memory_space<vmem>>, vector<16xi32>,
      %lt3A_97 = vector.broadcast %min3A_51 : i32 to vector<16xi32>
      %lt3A_98 = arith.cmpi slt, %add3A_94, %lt3A_97 : vector<16xi32>
      %broadcast_in_dim3A_99 = vector.broadcast %min3A : i32 to vector<16xi32>
      %select_n3A_100 = arith.select %lt3A_98, %get3A_96, %broadcast_in_dim3A_99 : vector<16xi1>, vector<16xi32>
      %swap3A_101 = arith.constant 64 : index
      %swap3A_102 = tpu.vector_load %arg7[%swap3A_101] {strides = array<i32>} : memref<128xi32, #tpu.memory_space<vmem>>, vector<16xi32>,
      tpu.vector_store %arg7[%swap3A_101], %select_n3A_100 {strides = array<i32>} : memref<128xi32, #tpu.memory_space<vmem>>, vector<16xi32>,
      %add3A_103 = arith.constant 80 : i32
      %add3A_104 = vector.broadcast %add3A_103 : i32 to vector<16xi32>
      %add3A_105 = arith.addi %add3A_104, %iota3A : vector<16xi32>
      %get3A_106 = arith.constant 80 : index
      %get3A_107 = tpu.vector_load %arg6[%get3A_106] {strides = array<i32>} : memref<144xi32, #tpu.memory_space<vmem>>, vector<16xi32>,
      %lt3A_108 = vector.broadcast %min3A_51 : i32 to vector<16xi32>
      %lt3A_109 = arith.cmpi slt, %add3A_105, %lt3A_108 : vector<16xi32>
      %broadcast_in_dim3A_110 = vector.broadcast %min3A : i32 to vector<16xi32>
      %select_n3A_111 = arith.select %lt3A_109, %get3A_107, %broadcast_in_dim3A_110 : vector<16xi1>, vector<16xi32>
      %swap3A_112 = arith.constant 80 : index
      %swap3A_113 = tpu.vector_load %arg7[%swap3A_112] {strides = array<i32>} : memref<128xi32, #tpu.memory_space<vmem>>, vector<16xi32>,
      tpu.vector_store %arg7[%swap3A_112], %select_n3A_111 {strides = array<i32>} : memref<128xi32, #tpu.memory_space<vmem>>, vector<16xi32>,
      %add3A_114 = arith.constant 96 : i32
      %add3A_115 = vector.broadcast %add3A_114 : i32 to vector<16xi32>
      %add3A_116 = arith.addi %add3A_115, %iota3A : vector<16xi32>
      %get3A_117 = arith.constant 96 : index
      %get3A_118 = tpu.vector_load %arg6[%get3A_117] {strides = array<i32>} : memref<144xi32, #tpu.memory_space<vmem>>, vector<16xi32>,
      %lt3A_119 = vector.broadcast %min3A_51 : i32 to vector<16xi32>
      %lt3A_120 = arith.cmpi slt, %add3A_116, %lt3A_119 : vector<16xi32>
      %broadcast_in_dim3A_121 = vector.broadcast %min3A : i32 to vector<16xi32>
      %select_n3A_122 = arith.select %lt3A_120, %get3A_118, %broadcast_in_dim3A_121 : vector<16xi1>, vector<16xi32>
      %swap3A_123 = arith.constant 96 : index
      %swap3A_124 = tpu.vector_load %arg7[%swap3A_123] {strides = array<i32>} : memref<128xi32, #tpu.memory_space<vmem>>, vector<16xi32>,
      tpu.vector_store %arg7[%swap3A_123], %select_n3A_122 {strides = array<i32>} : memref<128xi32, #tpu.memory_space<vmem>>, vector<16xi32>,
      %add3A_125 = arith.constant 112 : i32
      %add3A_126 = vector.broadcast %add3A_125 : i32 to vector<16xi32>
      %add3A_127 = arith.addi %add3A_126, %iota3A : vector<16xi32>
      %get3A_128 = arith.constant 112 : index
      %get3A_129 = tpu.vector_load %arg6[%get3A_128] {strides = array<i32>} : memref<144xi32, #tpu.memory_space<vmem>>, vector<16xi32>,
      %lt3A_130 = vector.broadcast %min3A_51 : i32 to vector<16xi32>
      %lt3A_131 = arith.cmpi slt, %add3A_127, %lt3A_130 : vector<16xi32>
      %broadcast_in_dim3A_132 = vector.broadcast %min3A : i32 to vector<16xi32>
      %select_n3A_133 = arith.select %lt3A_131, %get3A_129, %broadcast_in_dim3A_132 : vector<16xi1>, vector<16xi32>
      %swap3A_134 = arith.constant 112 : index
      %swap3A_135 = tpu.vector_load %arg7[%swap3A_134] {strides = array<i32>} : memref<128xi32, #tpu.memory_space<vmem>>, vector<16xi32>,
      tpu.vector_store %arg7[%swap3A_134], %select_n3A_133 {strides = array<i32>} : memref<128xi32, #tpu.memory_space<vmem>>, vector<16xi32>,
      %dma_start3A = arith.constant 0 : i32
      %dma_start3A_136 = arith.constant 0 : i32
      %dma_start3A_137 = tpu.memref_slice %arg3[%dma_start3A, %dma_start3A_136] : memref<4096x128xf32, #tpu.memory_space<hbm>> -> memref<4096x128xf32, #tpu.memory_space<hbm>>
      tpu.enqueue_indirect_dma source(%dma_start3A_137 : memref<4096x128xf32, #tpu.memory_space<hbm>>) target(%arg8 : memref<128x128xf32, #tpu.memory_space<vmem>>) offsets(%arg7 : memref<128xi32, #tpu.memory_space<vmem>>) semaphore(%arg9 : memref<!tpu.dma_semaphore, #tpu.memory_space<semaphore_mem>>)
      %dma_wait3A = arith.constant 0 : i32
      %dma_wait3A_138 = arith.constant 0 : i32
      %dma_wait3A_139 = tpu.memref_slice %arg3[%dma_wait3A, %dma_wait3A_138] : memref<4096x128xf32, #tpu.memory_space<hbm>> -> memref<4096x128xf32, #tpu.memory_space<hbm>>
      tpu.wait_indirect_dma semaphore(%arg9 : memref<!tpu.dma_semaphore, #tpu.memory_space<semaphore_mem>>) src(%dma_wait3A_139 : memref<4096x128xf32, #tpu.memory_space<hbm>>) dst(%arg8 : memref<128x128xf32, #tpu.memory_space<vmem>>)
      %mul3A_140 = arith.constant 128 : i32
      %mul3A_141 = arith.muli %mul3A_13, %mul3A_140 : i32
      "tpu.region"() ({
        %run_scoped3A = tpu.sem_alloc : memref<!tpu.dma_semaphore, #tpu.memory_space<semaphore_mem>>
        %dma_start3A_143 = arith.constant 0 : i32
        %dma_start3A_144 = tpu.memref_slice %arg4[%mul3A_141, %dma_start3A_143] : memref<131072x128xf32, #tpu.memory_space<hbm>> -> memref<128x128xf32, #tpu.memory_space<hbm>>
        %dma_start3A_145 = arith.constant 0 : i32
        %dma_start3A_146 = tpu.memref_slice %arg4[%mul3A_141, %dma_start3A_145] : memref<131072x128xf32, #tpu.memory_space<hbm>> -> memref<128x128xf32, #tpu.memory_space<hbm>>
        tpu.enqueue_dma source(%arg8 : memref<128x128xf32, #tpu.memory_space<vmem>>) target(%dma_start3A_146 : memref<128x128xf32, #tpu.memory_space<hbm>>) target_semaphore(%run_scoped3A : memref<!tpu.dma_semaphore, #tpu.memory_space<semaphore_mem>>)
        %dma_wait3A_147 = arith.constant 0 : i32
        %dma_wait3A_148 = tpu.memref_slice %arg4[%mul3A_141, %dma_wait3A_147] : memref<131072x128xf32, #tpu.memory_space<hbm>> -> memref<128x128xf32, #tpu.memory_space<hbm>>
        %dma_wait3A_149 = arith.constant 0 : i32
        %dma_wait3A_150 = tpu.memref_slice %arg4[%mul3A_141, %dma_wait3A_149] : memref<131072x128xf32, #tpu.memory_space<hbm>> -> memref<128x128xf32, #tpu.memory_space<hbm>>
        tpu.wait_dma2 semaphore(%run_scoped3A : memref<!tpu.dma_semaphore, #tpu.memory_space<semaphore_mem>>) src(%arg8 : memref<128x128xf32, #tpu.memory_space<vmem>>) dst(%dma_wait3A_150 : memref<128x128xf32, #tpu.memory_space<hbm>>)
        tpu.yield
      }) : () -> ()
      %scan3A_142 = arith.constant 0 : i32
      scf.yield %scan3A_142 : i32
    }
    %scan3A_6 = arith.constant 32 : i32
    return
  }
}

module attributes {stable_mosaic.version = 14 : i64} {
  func.func @_fps_body(%arg0: memref<8x8x1024xf32, #tpu.memory_space<vmem>>, %arg1: memref<512x8x8xf32, #tpu.memory_space<vmem>>, %arg2: memref<8x1024xf32, #tpu.memory_space<vmem>>, %arg3: memref<8x1024xf32, #tpu.memory_space<vmem>>) attributes {dimension_semantics = [], scalar_prefetch = 0 : i64, scratch_operands = 2 : i64, tpu.core_type = #tpu.core_type<tc>} {
    %iota3A = tpu.iota {dimensions = array<i32: 1>} : vector<8x1024xi32>
    %broadcast_in_dim3A = arith.constant 1.000000e+10 : f32
    %broadcast_in_dim3A_0 = vector.broadcast %broadcast_in_dim3A : f32 to vector<8x1024xf32>
    %swap3A = arith.constant 0 : index
    %swap3A_1 = arith.constant 0 : index
    %swap3A_2 = vector.load %arg2[%swap3A, %swap3A_1] : memref<8x1024xf32, #tpu.memory_space<vmem>>, vector<8x1024xf32>
    tpu.vector_store %arg2[%swap3A, %swap3A_1], %broadcast_in_dim3A_0 {strides = array<i32>} : memref<8x1024xf32, #tpu.memory_space<vmem>>, vector<8x1024xf32>,
    %eq3A = arith.constant 0 : i32
    %eq3A_3 = vector.broadcast %eq3A : i32 to vector<8x1024xi32>
    %eq3A_4 = arith.cmpi eq, %iota3A, %eq3A_3 : vector<8x1024xi32>
    %convert_element_type3A = arith.extui %eq3A_4 : vector<8x1024xi1> to vector<8x1024xi32>
    %convert_element_type3A_5 = arith.sitofp %convert_element_type3A : vector<8x1024xi32> to vector<8x1024xf32>
    %swap3A_6 = arith.constant 0 : index
    %swap3A_7 = arith.constant 0 : index
    %swap3A_8 = vector.load %arg3[%swap3A_6, %swap3A_7] : memref<8x1024xf32, #tpu.memory_space<vmem>>, vector<8x1024xf32>
    tpu.vector_store %arg3[%swap3A_6, %swap3A_7], %convert_element_type3A_5 {strides = array<i32>} : memref<8x1024xf32, #tpu.memory_space<vmem>>, vector<8x1024xf32>,
    %scan3A = arith.constant 0 : i32
    %scan3A_9 = arith.constant 512 : i32
    %scan3A_10 = arith.addi %scan3A, %scan3A_9 : i32
    %scan3A_11 = arith.constant 1 : i32
    scf.for %scan3A_13 = %scan3A to %scan3A_10 step %scan3A_11  : i32 {
      %get3A = arith.constant 0 : index
      %get3A_14 = arith.constant 0 : index
      %get3A_15 = vector.load %arg3[%get3A, %get3A_14] : memref<8x1024xf32, #tpu.memory_space<vmem>>, vector<8x1024xf32>
      %get3A_16 = arith.constant 0 : index
      %get3A_17 = arith.constant 0 : index
      %get3A_18 = arith.constant 0 : index
      %get3A_19 = vector.load %arg0[%get3A_16, %get3A_17, %get3A_18] : memref<8x8x1024xf32, #tpu.memory_space<vmem>>, vector<8x1x1024xf32>
      %get3A_20 = vector.shape_cast %get3A_19 : vector<8x1x1024xf32> to vector<8x1024xf32>
      %get3A_21 = arith.constant 0 : index
      %get3A_22 = arith.constant 1 : index
      %get3A_23 = arith.constant 0 : index
      %get3A_24 = vector.load %arg0[%get3A_21, %get3A_22, %get3A_23] : memref<8x8x1024xf32, #tpu.memory_space<vmem>>, vector<8x1x1024xf32>
      %get3A_25 = vector.shape_cast %get3A_24 : vector<8x1x1024xf32> to vector<8x1024xf32>
      %get3A_26 = arith.constant 0 : index
      %get3A_27 = arith.constant 2 : index
      %get3A_28 = arith.constant 0 : index
      %get3A_29 = vector.load %arg0[%get3A_26, %get3A_27, %get3A_28] : memref<8x8x1024xf32, #tpu.memory_space<vmem>>, vector<8x1x1024xf32>
      %get3A_30 = vector.shape_cast %get3A_29 : vector<8x1x1024xf32> to vector<8x1024xf32>
      %mul3A = arith.mulf %get3A_15, %get3A_20 : vector<8x1024xf32>
      %reduce_sum3A = arith.constant dense<0.000000e+00> : vector<8xf32>
      %reduce_sum3A_31 = vector.multi_reduction <add>, %mul3A, %reduce_sum3A [1] : vector<8x1024xf32> to vector<8xf32>
      %broadcast_in_dim3A_32 = vector.shape_cast %reduce_sum3A_31 : vector<8xf32> to vector<8x1xf32>
      %mul3A_33 = arith.mulf %get3A_15, %get3A_25 : vector<8x1024xf32>
      %reduce_sum3A_34 = arith.constant dense<0.000000e+00> : vector<8xf32>
      %reduce_sum3A_35 = vector.multi_reduction <add>, %mul3A_33, %reduce_sum3A_34 [1] : vector<8x1024xf32> to vector<8xf32>
      %broadcast_in_dim3A_36 = vector.shape_cast %reduce_sum3A_35 : vector<8xf32> to vector<8x1xf32>
      %mul3A_37 = arith.mulf %get3A_15, %get3A_30 : vector<8x1024xf32>
      %reduce_sum3A_38 = arith.constant dense<0.000000e+00> : vector<8xf32>
      %reduce_sum3A_39 = vector.multi_reduction <add>, %mul3A_37, %reduce_sum3A_38 [1] : vector<8x1024xf32> to vector<8xf32>
      %broadcast_in_dim3A_40 = vector.shape_cast %reduce_sum3A_39 : vector<8xf32> to vector<8x1xf32>
      %broadcast_in_dim3A_41 = arith.constant 0.000000e+00 : f32
      %broadcast_in_dim3A_42 = vector.broadcast %broadcast_in_dim3A_41 : f32 to vector<8x5xf32>
      %concatenate3A = tpu.concatenate %broadcast_in_dim3A_32, %broadcast_in_dim3A_36, %broadcast_in_dim3A_40, %broadcast_in_dim3A_42 in 1 : vector<8x1xf32>, vector<8x1xf32>, vector<8x1xf32>, vector<8x5xf32> -> vector<8x8xf32>
      %broadcast_in_dim3A_43 = vector.shape_cast %concatenate3A : vector<8x8xf32> to vector<1x8x8xf32>
      %swap3A_44 = arith.index_cast %scan3A_13 : i32 to index
      %swap3A_45 = arith.constant 0 : index
      %swap3A_46 = arith.constant 0 : index
      %swap3A_47 = vector.load %arg1[%swap3A_44, %swap3A_45, %swap3A_46] : memref<512x8x8xf32, #tpu.memory_space<vmem>>, vector<1x8x8xf32>
      tpu.vector_store %arg1[%swap3A_44, %swap3A_45, %swap3A_46], %broadcast_in_dim3A_43 {strides = array<i32>} : memref<512x8x8xf32, #tpu.memory_space<vmem>>, vector<1x8x8xf32>,
      %sub3A = vector.broadcast %broadcast_in_dim3A_32 : vector<8x1xf32> to vector<8x1024xf32>
      %sub3A_48 = arith.subf %get3A_20, %sub3A : vector<8x1024xf32>
      %integer_pow3A = arith.mulf %sub3A_48, %sub3A_48 : vector<8x1024xf32>
      %sub3A_49 = vector.broadcast %broadcast_in_dim3A_36 : vector<8x1xf32> to vector<8x1024xf32>
      %sub3A_50 = arith.subf %get3A_25, %sub3A_49 : vector<8x1024xf32>
      %integer_pow3A_51 = arith.mulf %sub3A_50, %sub3A_50 : vector<8x1024xf32>
      %add3A = arith.addf %integer_pow3A, %integer_pow3A_51 : vector<8x1024xf32>
      %sub3A_52 = vector.broadcast %broadcast_in_dim3A_40 : vector<8x1xf32> to vector<8x1024xf32>
      %sub3A_53 = arith.subf %get3A_30, %sub3A_52 : vector<8x1024xf32>
      %integer_pow3A_54 = arith.mulf %sub3A_53, %sub3A_53 : vector<8x1024xf32>
      %add3A_55 = arith.addf %add3A, %integer_pow3A_54 : vector<8x1024xf32>
      %get3A_56 = arith.constant 0 : index
      %get3A_57 = arith.constant 0 : index
      %get3A_58 = vector.load %arg2[%get3A_56, %get3A_57] : memref<8x1024xf32, #tpu.memory_space<vmem>>, vector<8x1024xf32>
      %min3A = arith.minimumf %get3A_58, %add3A_55 : vector<8x1024xf32>
      %swap3A_59 = arith.constant 0 : index
      %swap3A_60 = arith.constant 0 : index
      %swap3A_61 = vector.load %arg2[%swap3A_59, %swap3A_60] : memref<8x1024xf32, #tpu.memory_space<vmem>>, vector<8x1024xf32>
      tpu.vector_store %arg2[%swap3A_59, %swap3A_60], %min3A {strides = array<i32>} : memref<8x1024xf32, #tpu.memory_space<vmem>>, vector<8x1024xf32>,
      %reduce_max3A = arith.constant dense<0xFF800000> : vector<8xf32>
      %reduce_max3A_62 = vector.multi_reduction <maximumf>, %min3A, %reduce_max3A [1] : vector<8x1024xf32> to vector<8xf32>
      %broadcast_in_dim3A_63 = vector.shape_cast %reduce_max3A_62 : vector<8xf32> to vector<8x1xf32>
      %eq3A_64 = vector.broadcast %broadcast_in_dim3A_63 : vector<8x1xf32> to vector<8x1024xf32>
      %eq3A_65 = arith.cmpf oeq, %min3A, %eq3A_64 : vector<8x1024xf32>
      %jit3A = arith.constant 1024 : i32
      %broadcast_in_dim3A_66 = vector.broadcast %jit3A : i32 to vector<8x1024xi32>
      %select_n3A = arith.select %eq3A_65, %iota3A, %broadcast_in_dim3A_66 : vector<8x1024xi1>, vector<8x1024xi32>
      %reduce_min3A = arith.constant dense<2147483647> : vector<8xi32>
      %reduce_min3A_67 = vector.multi_reduction <minsi>, %select_n3A, %reduce_min3A [1] : vector<8x1024xi32> to vector<8xi32>
      %broadcast_in_dim3A_68 = vector.shape_cast %reduce_min3A_67 : vector<8xi32> to vector<8x1xi32>
      %eq3A_69 = vector.broadcast %broadcast_in_dim3A_68 : vector<8x1xi32> to vector<8x1024xi32>
      %eq3A_70 = arith.cmpi eq, %iota3A, %eq3A_69 : vector<8x1024xi32>
      %convert_element_type3A_71 = arith.extui %eq3A_70 : vector<8x1024xi1> to vector<8x1024xi32>
      %convert_element_type3A_72 = arith.sitofp %convert_element_type3A_71 : vector<8x1024xi32> to vector<8x1024xf32>
      %swap3A_73 = arith.constant 0 : index
      %swap3A_74 = arith.constant 0 : index
      %swap3A_75 = vector.load %arg3[%swap3A_73, %swap3A_74] : memref<8x1024xf32, #tpu.memory_space<vmem>>, vector<8x1024xf32>
      tpu.vector_store %arg3[%swap3A_73, %swap3A_74], %convert_element_type3A_72 {strides = array<i32>} : memref<8x1024xf32, #tpu.memory_space<vmem>>, vector<8x1024xf32>,
    }
    %scan3A_12 = arith.constant 512 : i32
    return
  }
}

module attributes {stable_mosaic.version = 14 : i64} {
  func.func @_dist_body(%arg0: i32, %arg1: memref<1x512x8xf32, #tpu.memory_space<vmem>>, %arg2: memref<1x8x1024xf32, #tpu.memory_space<vmem>>, %arg3: memref<1x512x1024xf32, #tpu.memory_space<vmem>>) attributes {dimension_semantics = [#tpu.dimension_semantics<arbitrary>], iteration_bounds = array<i64: 8>, scalar_prefetch = 0 : i64, scratch_operands = 0 : i64, tpu.core_type = #tpu.core_type<tc>, window_params = [{transform_indices = @transform_0, window_bounds = array<i64: 1, 512, 8>}, {transform_indices = @transform_1, window_bounds = array<i64: 1, 8, 1024>}, {transform_indices = @transform_2, window_bounds = array<i64: 1, 512, 1024>}]} {
    %get3A = arith.constant 0 : index
    %get3A_0 = arith.constant 0 : index
    %get3A_1 = arith.constant 0 : index
    %get3A_2 = vector.load %arg1[%get3A, %get3A_0, %get3A_1] : memref<1x512x8xf32, #tpu.memory_space<vmem>>, vector<1x512x8xf32>
    %get3A_3 = vector.shape_cast %get3A_2 : vector<1x512x8xf32> to vector<512x8xf32>
    %get3A_4 = arith.constant 0 : index
    %get3A_5 = arith.constant 0 : index
    %get3A_6 = arith.constant 0 : index
    %get3A_7 = vector.load %arg2[%get3A_4, %get3A_5, %get3A_6] : memref<1x8x1024xf32, #tpu.memory_space<vmem>>, vector<1x8x1024xf32>
    %get3A_8 = vector.shape_cast %get3A_7 : vector<1x8x1024xf32> to vector<8x1024xf32>
    %mul3A = arith.mulf %get3A_3, %get3A_3 : vector<512x8xf32>
    %reduce_sum3A = arith.constant dense<0.000000e+00> : vector<512xf32>
    %reduce_sum3A_9 = vector.multi_reduction <add>, %mul3A, %reduce_sum3A [1] : vector<512x8xf32> to vector<512xf32>
    %broadcast_in_dim3A = vector.shape_cast %reduce_sum3A_9 : vector<512xf32> to vector<512x1xf32>
    %mul3A_10 = arith.mulf %get3A_8, %get3A_8 : vector<8x1024xf32>
    %reduce_sum3A_11 = arith.constant dense<0.000000e+00> : vector<1024xf32>
    %reduce_sum3A_12 = vector.multi_reduction <add>, %mul3A_10, %reduce_sum3A_11 [0] : vector<8x1024xf32> to vector<1024xf32>
    %broadcast_in_dim3A_13 = vector.shape_cast %reduce_sum3A_12 : vector<1024xf32> to vector<1x1024xf32>
    %add3A = vector.broadcast %broadcast_in_dim3A : vector<512x1xf32> to vector<512x1024xf32>
    %add3A_14 = vector.broadcast %broadcast_in_dim3A_13 : vector<1x1024xf32> to vector<512x1024xf32>
    %add3A_15 = arith.addf %add3A, %add3A_14 : vector<512x1024xf32>
    %dot_general3A = arith.constant dense<0.000000e+00> : vector<512x1024xf32>
    %dot_general3A_16 = tpu.matmul %get3A_3, %get3A_8, %dot_general3A {dimension_numbers = #tpu.dot_dimension_numbers<[1], [0], [0], [1], [0, 0, 1, 1], [], []>, transpose_lhs_hint = false} : vector<512x8xf32>, vector<8x1024xf32>, vector<512x1024xf32> -> vector<512x1024xf32>
    %mul3A_17 = arith.constant 2.000000e+00 : f32
    %mul3A_18 = vector.broadcast %mul3A_17 : f32 to vector<512x1024xf32>
    %mul3A_19 = arith.mulf %mul3A_18, %dot_general3A_16 : vector<512x1024xf32>
    %sub3A = arith.subf %add3A_15, %mul3A_19 : vector<512x1024xf32>
    %swap3A = arith.constant 0 : index
    %swap3A_20 = arith.constant 0 : index
    %swap3A_21 = arith.constant 0 : index
    %swap3A_22 = vector.load %arg3[%swap3A, %swap3A_20, %swap3A_21] : memref<1x512x1024xf32, #tpu.memory_space<vmem>>, vector<1x512x1024xf32>
    %swap3A_23 = vector.shape_cast %swap3A_22 : vector<1x512x1024xf32> to vector<512x1024xf32>
    %swap3A_24 = vector.shape_cast %sub3A : vector<512x1024xf32> to vector<1x512x1024xf32>
    tpu.vector_store %arg3[%swap3A, %swap3A_20, %swap3A_21], %swap3A_24 {strides = array<i32>} : memref<1x512x1024xf32, #tpu.memory_space<vmem>>, vector<1x512x1024xf32>,
    return
  }
  func.func @transform_0(%arg0: i32) -> (i32, i32, i32) {
    %c0_i32 = arith.constant 0 : i32
    %c0_i32_0 = arith.constant 0 : i32
    %c0_i32_1 = arith.constant 0 : i32
    return %arg0, %c0_i32, %c0_i32_0 : i32, i32, i32
  }
  func.func @transform_1(%arg0: i32) -> (i32, i32, i32) {
    %c0_i32 = arith.constant 0 : i32
    %c0_i32_0 = arith.constant 0 : i32
    %c0_i32_1 = arith.constant 0 : i32
    return %arg0, %c0_i32, %c0_i32_0 : i32, i32, i32
  }
  func.func @transform_2(%arg0: i32) -> (i32, i32, i32) {
    %c0_i32 = arith.constant 0 : i32
    %c0_i32_0 = arith.constant 0 : i32
    %c0_i32_1 = arith.constant 0 : i32
    return %arg0, %c0_i32, %c0_i32_0 : i32, i32, i32
  }
}

module attributes {stable_mosaic.version = 14 : i64} {
  func.func @_proj1_body(%arg0: i32, %arg1: memref<1x1024x8xf32, #tpu.memory_space<vmem>>, %arg2: memref<1x512x8xf32, #tpu.memory_space<vmem>>, %arg3: memref<8x160xf32, #tpu.memory_space<vmem>>, %arg4: memref<1x160xf32, #tpu.memory_space<vmem>>, %arg5: memref<1x1024x160xf32, #tpu.memory_space<vmem>>, %arg6: memref<1x512x160xf32, #tpu.memory_space<vmem>>) attributes {dimension_semantics = [#tpu.dimension_semantics<arbitrary>], iteration_bounds = array<i64: 8>, scalar_prefetch = 0 : i64, scratch_operands = 0 : i64, tpu.core_type = #tpu.core_type<tc>, window_params = [{transform_indices = @transform_0, window_bounds = array<i64: 1, 1024, 8>}, {transform_indices = @transform_1, window_bounds = array<i64: 1, 512, 8>}, {pipeline_mode = #tpu.pipeline_mode<synchronous>, transform_indices = @transform_2, window_bounds = array<i64: 8, 160>}, {pipeline_mode = #tpu.pipeline_mode<synchronous>, transform_indices = @transform_3, window_bounds = array<i64: 1, 160>}, {transform_indices = @transform_4, window_bounds = array<i64: 1, 1024, 160>}, {transform_indices = @transform_5, window_bounds = array<i64: 1, 512, 160>}]} {
    %get3A = arith.constant 0 : index
    %get3A_0 = arith.constant 0 : index
    %get3A_1 = arith.constant 0 : index
    %get3A_2 = vector.load %arg1[%get3A, %get3A_0, %get3A_1] : memref<1x1024x8xf32, #tpu.memory_space<vmem>>, vector<1x1024x8xf32>
    %get3A_3 = vector.shape_cast %get3A_2 : vector<1x1024x8xf32> to vector<1024x8xf32>
    %get3A_4 = arith.constant 0 : index
    %get3A_5 = arith.constant 0 : index
    %get3A_6 = vector.load %arg3[%get3A_4, %get3A_5] : memref<8x160xf32, #tpu.memory_space<vmem>>, vector<8x160xf32>
    %dot_general3A = arith.constant dense<0.000000e+00> : vector<1024x160xf32>
    %dot_general3A_7 = tpu.matmul %get3A_3, %get3A_6, %dot_general3A {dimension_numbers = #tpu.dot_dimension_numbers<[1], [0], [0], [1], [0, 0, 1, 1], [], []>, transpose_lhs_hint = false} : vector<1024x8xf32>, vector<8x160xf32>, vector<1024x160xf32> -> vector<1024x160xf32>
    %get3A_8 = arith.constant 0 : index
    %get3A_9 = arith.constant 0 : index
    %get3A_10 = vector.load %arg4[%get3A_8, %get3A_9] : memref<1x160xf32, #tpu.memory_space<vmem>>, vector<1x160xf32>
    %add3A = vector.broadcast %get3A_10 : vector<1x160xf32> to vector<1024x160xf32>
    %add3A_11 = arith.addf %dot_general3A_7, %add3A : vector<1024x160xf32>
    %swap3A = arith.constant 0 : index
    %swap3A_12 = arith.constant 0 : index
    %swap3A_13 = arith.constant 0 : index
    %swap3A_14 = vector.load %arg5[%swap3A, %swap3A_12, %swap3A_13] : memref<1x1024x160xf32, #tpu.memory_space<vmem>>, vector<1x1024x160xf32>
    %swap3A_15 = vector.shape_cast %swap3A_14 : vector<1x1024x160xf32> to vector<1024x160xf32>
    %swap3A_16 = vector.shape_cast %add3A_11 : vector<1024x160xf32> to vector<1x1024x160xf32>
    tpu.vector_store %arg5[%swap3A, %swap3A_12, %swap3A_13], %swap3A_16 {strides = array<i32>} : memref<1x1024x160xf32, #tpu.memory_space<vmem>>, vector<1x1024x160xf32>,
    %get3A_17 = arith.constant 0 : index
    %get3A_18 = arith.constant 0 : index
    %get3A_19 = arith.constant 0 : index
    %get3A_20 = vector.load %arg2[%get3A_17, %get3A_18, %get3A_19] : memref<1x512x8xf32, #tpu.memory_space<vmem>>, vector<1x512x8xf32>
    %get3A_21 = vector.shape_cast %get3A_20 : vector<1x512x8xf32> to vector<512x8xf32>
    %get3A_22 = arith.constant 0 : index
    %get3A_23 = arith.constant 0 : index
    %get3A_24 = vector.load %arg3[%get3A_22, %get3A_23] : memref<8x160xf32, #tpu.memory_space<vmem>>, vector<8x160xf32>
    %dot_general3A_25 = arith.constant dense<0.000000e+00> : vector<512x160xf32>
    %dot_general3A_26 = tpu.matmul %get3A_21, %get3A_24, %dot_general3A_25 {dimension_numbers = #tpu.dot_dimension_numbers<[1], [0], [0], [1], [0, 0, 1, 1], [], []>, transpose_lhs_hint = false} : vector<512x8xf32>, vector<8x160xf32>, vector<512x160xf32> -> vector<512x160xf32>
    %swap3A_27 = arith.constant 0 : index
    %swap3A_28 = arith.constant 0 : index
    %swap3A_29 = arith.constant 0 : index
    %swap3A_30 = vector.load %arg6[%swap3A_27, %swap3A_28, %swap3A_29] : memref<1x512x160xf32, #tpu.memory_space<vmem>>, vector<1x512x160xf32>
    %swap3A_31 = vector.shape_cast %swap3A_30 : vector<1x512x160xf32> to vector<512x160xf32>
    %swap3A_32 = vector.shape_cast %dot_general3A_26 : vector<512x160xf32> to vector<1x512x160xf32>
    tpu.vector_store %arg6[%swap3A_27, %swap3A_28, %swap3A_29], %swap3A_32 {strides = array<i32>} : memref<1x512x160xf32, #tpu.memory_space<vmem>>, vector<1x512x160xf32>,
    return
  }
  func.func @transform_0(%arg0: i32) -> (i32, i32, i32) {
    %c0_i32 = arith.constant 0 : i32
    %c0_i32_0 = arith.constant 0 : i32
    %c0_i32_1 = arith.constant 0 : i32
    return %arg0, %c0_i32, %c0_i32_0 : i32, i32, i32
  }
  func.func @transform_1(%arg0: i32) -> (i32, i32, i32) {
    %c0_i32 = arith.constant 0 : i32
    %c0_i32_0 = arith.constant 0 : i32
    %c0_i32_1 = arith.constant 0 : i32
    return %arg0, %c0_i32, %c0_i32_0 : i32, i32, i32
  }
  func.func @transform_2(%arg0: i32) -> (i32, i32) {
    %c0_i32 = arith.constant 0 : i32
    %c0_i32_0 = arith.constant 0 : i32
    %c0_i32_1 = arith.constant 0 : i32
    return %c0_i32, %c0_i32_0 : i32, i32
  }
  func.func @transform_3(%arg0: i32) -> (i32, i32) {
    %c0_i32 = arith.constant 0 : i32
    %c0_i32_0 = arith.constant 0 : i32
    %c0_i32_1 = arith.constant 0 : i32
    return %c0_i32, %c0_i32_0 : i32, i32
  }
  func.func @transform_4(%arg0: i32) -> (i32, i32, i32) {
    %c0_i32 = arith.constant 0 : i32
    %c0_i32_0 = arith.constant 0 : i32
    %c0_i32_1 = arith.constant 0 : i32
    return %arg0, %c0_i32, %c0_i32_0 : i32, i32, i32
  }
  func.func @transform_5(%arg0: i32) -> (i32, i32, i32) {
    %c0_i32 = arith.constant 0 : i32
    %c0_i32_0 = arith.constant 0 : i32
    %c0_i32_1 = arith.constant 0 : i32
    return %arg0, %c0_i32, %c0_i32_0 : i32, i32, i32
  }
}

module attributes {stable_mosaic.version = 14 : i64} {
  func.func @_fps_body(%arg0: memref<8x8x512xf32, #tpu.memory_space<vmem>>, %arg1: memref<128x8x8xf32, #tpu.memory_space<vmem>>, %arg2: memref<8x512xf32, #tpu.memory_space<vmem>>, %arg3: memref<8x512xf32, #tpu.memory_space<vmem>>) attributes {dimension_semantics = [], scalar_prefetch = 0 : i64, scratch_operands = 2 : i64, tpu.core_type = #tpu.core_type<tc>} {
    %iota3A = tpu.iota {dimensions = array<i32: 1>} : vector<8x512xi32>
    %broadcast_in_dim3A = arith.constant 1.000000e+10 : f32
    %broadcast_in_dim3A_0 = vector.broadcast %broadcast_in_dim3A : f32 to vector<8x512xf32>
    %swap3A = arith.constant 0 : index
    %swap3A_1 = arith.constant 0 : index
    %swap3A_2 = vector.load %arg2[%swap3A, %swap3A_1] : memref<8x512xf32, #tpu.memory_space<vmem>>, vector<8x512xf32>
    tpu.vector_store %arg2[%swap3A, %swap3A_1], %broadcast_in_dim3A_0 {strides = array<i32>} : memref<8x512xf32, #tpu.memory_space<vmem>>, vector<8x512xf32>,
    %eq3A = arith.constant 0 : i32
    %eq3A_3 = vector.broadcast %eq3A : i32 to vector<8x512xi32>
    %eq3A_4 = arith.cmpi eq, %iota3A, %eq3A_3 : vector<8x512xi32>
    %convert_element_type3A = arith.extui %eq3A_4 : vector<8x512xi1> to vector<8x512xi32>
    %convert_element_type3A_5 = arith.sitofp %convert_element_type3A : vector<8x512xi32> to vector<8x512xf32>
    %swap3A_6 = arith.constant 0 : index
    %swap3A_7 = arith.constant 0 : index
    %swap3A_8 = vector.load %arg3[%swap3A_6, %swap3A_7] : memref<8x512xf32, #tpu.memory_space<vmem>>, vector<8x512xf32>
    tpu.vector_store %arg3[%swap3A_6, %swap3A_7], %convert_element_type3A_5 {strides = array<i32>} : memref<8x512xf32, #tpu.memory_space<vmem>>, vector<8x512xf32>,
    %scan3A = arith.constant 0 : i32
    %scan3A_9 = arith.constant 128 : i32
    %scan3A_10 = arith.addi %scan3A, %scan3A_9 : i32
    %scan3A_11 = arith.constant 1 : i32
    scf.for %scan3A_13 = %scan3A to %scan3A_10 step %scan3A_11  : i32 {
      %get3A = arith.constant 0 : index
      %get3A_14 = arith.constant 0 : index
      %get3A_15 = vector.load %arg3[%get3A, %get3A_14] : memref<8x512xf32, #tpu.memory_space<vmem>>, vector<8x512xf32>
      %get3A_16 = arith.constant 0 : index
      %get3A_17 = arith.constant 0 : index
      %get3A_18 = arith.constant 0 : index
      %get3A_19 = vector.load %arg0[%get3A_16, %get3A_17, %get3A_18] : memref<8x8x512xf32, #tpu.memory_space<vmem>>, vector<8x1x512xf32>
      %get3A_20 = vector.shape_cast %get3A_19 : vector<8x1x512xf32> to vector<8x512xf32>
      %get3A_21 = arith.constant 0 : index
      %get3A_22 = arith.constant 1 : index
      %get3A_23 = arith.constant 0 : index
      %get3A_24 = vector.load %arg0[%get3A_21, %get3A_22, %get3A_23] : memref<8x8x512xf32, #tpu.memory_space<vmem>>, vector<8x1x512xf32>
      %get3A_25 = vector.shape_cast %get3A_24 : vector<8x1x512xf32> to vector<8x512xf32>
      %get3A_26 = arith.constant 0 : index
      %get3A_27 = arith.constant 2 : index
      %get3A_28 = arith.constant 0 : index
      %get3A_29 = vector.load %arg0[%get3A_26, %get3A_27, %get3A_28] : memref<8x8x512xf32, #tpu.memory_space<vmem>>, vector<8x1x512xf32>
      %get3A_30 = vector.shape_cast %get3A_29 : vector<8x1x512xf32> to vector<8x512xf32>
      %mul3A = arith.mulf %get3A_15, %get3A_20 : vector<8x512xf32>
      %reduce_sum3A = arith.constant dense<0.000000e+00> : vector<8xf32>
      %reduce_sum3A_31 = vector.multi_reduction <add>, %mul3A, %reduce_sum3A [1] : vector<8x512xf32> to vector<8xf32>
      %broadcast_in_dim3A_32 = vector.shape_cast %reduce_sum3A_31 : vector<8xf32> to vector<8x1xf32>
      %mul3A_33 = arith.mulf %get3A_15, %get3A_25 : vector<8x512xf32>
      %reduce_sum3A_34 = arith.constant dense<0.000000e+00> : vector<8xf32>
      %reduce_sum3A_35 = vector.multi_reduction <add>, %mul3A_33, %reduce_sum3A_34 [1] : vector<8x512xf32> to vector<8xf32>
      %broadcast_in_dim3A_36 = vector.shape_cast %reduce_sum3A_35 : vector<8xf32> to vector<8x1xf32>
      %mul3A_37 = arith.mulf %get3A_15, %get3A_30 : vector<8x512xf32>
      %reduce_sum3A_38 = arith.constant dense<0.000000e+00> : vector<8xf32>
      %reduce_sum3A_39 = vector.multi_reduction <add>, %mul3A_37, %reduce_sum3A_38 [1] : vector<8x512xf32> to vector<8xf32>
      %broadcast_in_dim3A_40 = vector.shape_cast %reduce_sum3A_39 : vector<8xf32> to vector<8x1xf32>
      %broadcast_in_dim3A_41 = arith.constant 0.000000e+00 : f32
      %broadcast_in_dim3A_42 = vector.broadcast %broadcast_in_dim3A_41 : f32 to vector<8x5xf32>
      %concatenate3A = tpu.concatenate %broadcast_in_dim3A_32, %broadcast_in_dim3A_36, %broadcast_in_dim3A_40, %broadcast_in_dim3A_42 in 1 : vector<8x1xf32>, vector<8x1xf32>, vector<8x1xf32>, vector<8x5xf32> -> vector<8x8xf32>
      %broadcast_in_dim3A_43 = vector.shape_cast %concatenate3A : vector<8x8xf32> to vector<1x8x8xf32>
      %swap3A_44 = arith.index_cast %scan3A_13 : i32 to index
      %swap3A_45 = arith.constant 0 : index
      %swap3A_46 = arith.constant 0 : index
      %swap3A_47 = vector.load %arg1[%swap3A_44, %swap3A_45, %swap3A_46] : memref<128x8x8xf32, #tpu.memory_space<vmem>>, vector<1x8x8xf32>
      tpu.vector_store %arg1[%swap3A_44, %swap3A_45, %swap3A_46], %broadcast_in_dim3A_43 {strides = array<i32>} : memref<128x8x8xf32, #tpu.memory_space<vmem>>, vector<1x8x8xf32>,
      %sub3A = vector.broadcast %broadcast_in_dim3A_32 : vector<8x1xf32> to vector<8x512xf32>
      %sub3A_48 = arith.subf %get3A_20, %sub3A : vector<8x512xf32>
      %integer_pow3A = arith.mulf %sub3A_48, %sub3A_48 : vector<8x512xf32>
      %sub3A_49 = vector.broadcast %broadcast_in_dim3A_36 : vector<8x1xf32> to vector<8x512xf32>
      %sub3A_50 = arith.subf %get3A_25, %sub3A_49 : vector<8x512xf32>
      %integer_pow3A_51 = arith.mulf %sub3A_50, %sub3A_50 : vector<8x512xf32>
      %add3A = arith.addf %integer_pow3A, %integer_pow3A_51 : vector<8x512xf32>
      %sub3A_52 = vector.broadcast %broadcast_in_dim3A_40 : vector<8x1xf32> to vector<8x512xf32>
      %sub3A_53 = arith.subf %get3A_30, %sub3A_52 : vector<8x512xf32>
      %integer_pow3A_54 = arith.mulf %sub3A_53, %sub3A_53 : vector<8x512xf32>
      %add3A_55 = arith.addf %add3A, %integer_pow3A_54 : vector<8x512xf32>
      %get3A_56 = arith.constant 0 : index
      %get3A_57 = arith.constant 0 : index
      %get3A_58 = vector.load %arg2[%get3A_56, %get3A_57] : memref<8x512xf32, #tpu.memory_space<vmem>>, vector<8x512xf32>
      %min3A = arith.minimumf %get3A_58, %add3A_55 : vector<8x512xf32>
      %swap3A_59 = arith.constant 0 : index
      %swap3A_60 = arith.constant 0 : index
      %swap3A_61 = vector.load %arg2[%swap3A_59, %swap3A_60] : memref<8x512xf32, #tpu.memory_space<vmem>>, vector<8x512xf32>
      tpu.vector_store %arg2[%swap3A_59, %swap3A_60], %min3A {strides = array<i32>} : memref<8x512xf32, #tpu.memory_space<vmem>>, vector<8x512xf32>,
      %reduce_max3A = arith.constant dense<0xFF800000> : vector<8xf32>
      %reduce_max3A_62 = vector.multi_reduction <maximumf>, %min3A, %reduce_max3A [1] : vector<8x512xf32> to vector<8xf32>
      %broadcast_in_dim3A_63 = vector.shape_cast %reduce_max3A_62 : vector<8xf32> to vector<8x1xf32>
      %eq3A_64 = vector.broadcast %broadcast_in_dim3A_63 : vector<8x1xf32> to vector<8x512xf32>
      %eq3A_65 = arith.cmpf oeq, %min3A, %eq3A_64 : vector<8x512xf32>
      %jit3A = arith.constant 512 : i32
      %broadcast_in_dim3A_66 = vector.broadcast %jit3A : i32 to vector<8x512xi32>
      %select_n3A = arith.select %eq3A_65, %iota3A, %broadcast_in_dim3A_66 : vector<8x512xi1>, vector<8x512xi32>
      %reduce_min3A = arith.constant dense<2147483647> : vector<8xi32>
      %reduce_min3A_67 = vector.multi_reduction <minsi>, %select_n3A, %reduce_min3A [1] : vector<8x512xi32> to vector<8xi32>
      %broadcast_in_dim3A_68 = vector.shape_cast %reduce_min3A_67 : vector<8xi32> to vector<8x1xi32>
      %eq3A_69 = vector.broadcast %broadcast_in_dim3A_68 : vector<8x1xi32> to vector<8x512xi32>
      %eq3A_70 = arith.cmpi eq, %iota3A, %eq3A_69 : vector<8x512xi32>
      %convert_element_type3A_71 = arith.extui %eq3A_70 : vector<8x512xi1> to vector<8x512xi32>
      %convert_element_type3A_72 = arith.sitofp %convert_element_type3A_71 : vector<8x512xi32> to vector<8x512xf32>
      %swap3A_73 = arith.constant 0 : index
      %swap3A_74 = arith.constant 0 : index
      %swap3A_75 = vector.load %arg3[%swap3A_73, %swap3A_74] : memref<8x512xf32, #tpu.memory_space<vmem>>, vector<8x512xf32>
      tpu.vector_store %arg3[%swap3A_73, %swap3A_74], %convert_element_type3A_72 {strides = array<i32>} : memref<8x512xf32, #tpu.memory_space<vmem>>, vector<8x512xf32>,
    }
    %scan3A_12 = arith.constant 128 : i32
    return
  }
}

module attributes {stable_mosaic.version = 14 : i64} {
  func.func @_dist_body(%arg0: i32, %arg1: memref<1x128x8xf32, #tpu.memory_space<vmem>>, %arg2: memref<1x8x512xf32, #tpu.memory_space<vmem>>, %arg3: memref<1x128x512xf32, #tpu.memory_space<vmem>>) attributes {dimension_semantics = [#tpu.dimension_semantics<arbitrary>], iteration_bounds = array<i64: 8>, scalar_prefetch = 0 : i64, scratch_operands = 0 : i64, tpu.core_type = #tpu.core_type<tc>, window_params = [{transform_indices = @transform_0, window_bounds = array<i64: 1, 128, 8>}, {transform_indices = @transform_1, window_bounds = array<i64: 1, 8, 512>}, {transform_indices = @transform_2, window_bounds = array<i64: 1, 128, 512>}]} {
    %get3A = arith.constant 0 : index
    %get3A_0 = arith.constant 0 : index
    %get3A_1 = arith.constant 0 : index
    %get3A_2 = vector.load %arg1[%get3A, %get3A_0, %get3A_1] : memref<1x128x8xf32, #tpu.memory_space<vmem>>, vector<1x128x8xf32>
    %get3A_3 = vector.shape_cast %get3A_2 : vector<1x128x8xf32> to vector<128x8xf32>
    %get3A_4 = arith.constant 0 : index
    %get3A_5 = arith.constant 0 : index
    %get3A_6 = arith.constant 0 : index
    %get3A_7 = vector.load %arg2[%get3A_4, %get3A_5, %get3A_6] : memref<1x8x512xf32, #tpu.memory_space<vmem>>, vector<1x8x512xf32>
    %get3A_8 = vector.shape_cast %get3A_7 : vector<1x8x512xf32> to vector<8x512xf32>
    %mul3A = arith.mulf %get3A_3, %get3A_3 : vector<128x8xf32>
    %reduce_sum3A = arith.constant dense<0.000000e+00> : vector<128xf32>
    %reduce_sum3A_9 = vector.multi_reduction <add>, %mul3A, %reduce_sum3A [1] : vector<128x8xf32> to vector<128xf32>
    %broadcast_in_dim3A = vector.shape_cast %reduce_sum3A_9 : vector<128xf32> to vector<128x1xf32>
    %mul3A_10 = arith.mulf %get3A_8, %get3A_8 : vector<8x512xf32>
    %reduce_sum3A_11 = arith.constant dense<0.000000e+00> : vector<512xf32>
    %reduce_sum3A_12 = vector.multi_reduction <add>, %mul3A_10, %reduce_sum3A_11 [0] : vector<8x512xf32> to vector<512xf32>
    %broadcast_in_dim3A_13 = vector.shape_cast %reduce_sum3A_12 : vector<512xf32> to vector<1x512xf32>
    %add3A = vector.broadcast %broadcast_in_dim3A : vector<128x1xf32> to vector<128x512xf32>
    %add3A_14 = vector.broadcast %broadcast_in_dim3A_13 : vector<1x512xf32> to vector<128x512xf32>
    %add3A_15 = arith.addf %add3A, %add3A_14 : vector<128x512xf32>
    %dot_general3A = arith.constant dense<0.000000e+00> : vector<128x512xf32>
    %dot_general3A_16 = tpu.matmul %get3A_3, %get3A_8, %dot_general3A {dimension_numbers = #tpu.dot_dimension_numbers<[1], [0], [0], [1], [0, 0, 1, 1], [], []>, transpose_lhs_hint = false} : vector<128x8xf32>, vector<8x512xf32>, vector<128x512xf32> -> vector<128x512xf32>
    %mul3A_17 = arith.constant 2.000000e+00 : f32
    %mul3A_18 = vector.broadcast %mul3A_17 : f32 to vector<128x512xf32>
    %mul3A_19 = arith.mulf %mul3A_18, %dot_general3A_16 : vector<128x512xf32>
    %sub3A = arith.subf %add3A_15, %mul3A_19 : vector<128x512xf32>
    %swap3A = arith.constant 0 : index
    %swap3A_20 = arith.constant 0 : index
    %swap3A_21 = arith.constant 0 : index
    %swap3A_22 = vector.load %arg3[%swap3A, %swap3A_20, %swap3A_21] : memref<1x128x512xf32, #tpu.memory_space<vmem>>, vector<1x128x512xf32>
    %swap3A_23 = vector.shape_cast %swap3A_22 : vector<1x128x512xf32> to vector<128x512xf32>
    %swap3A_24 = vector.shape_cast %sub3A : vector<128x512xf32> to vector<1x128x512xf32>
    tpu.vector_store %arg3[%swap3A, %swap3A_20, %swap3A_21], %swap3A_24 {strides = array<i32>} : memref<1x128x512xf32, #tpu.memory_space<vmem>>, vector<1x128x512xf32>,
    return
  }
  func.func @transform_0(%arg0: i32) -> (i32, i32, i32) {
    %c0_i32 = arith.constant 0 : i32
    %c0_i32_0 = arith.constant 0 : i32
    %c0_i32_1 = arith.constant 0 : i32
    return %arg0, %c0_i32, %c0_i32_0 : i32, i32, i32
  }
  func.func @transform_1(%arg0: i32) -> (i32, i32, i32) {
    %c0_i32 = arith.constant 0 : i32
    %c0_i32_0 = arith.constant 0 : i32
    %c0_i32_1 = arith.constant 0 : i32
    return %arg0, %c0_i32, %c0_i32_0 : i32, i32, i32
  }
  func.func @transform_2(%arg0: i32) -> (i32, i32, i32) {
    %c0_i32 = arith.constant 0 : i32
    %c0_i32_0 = arith.constant 0 : i32
    %c0_i32_1 = arith.constant 0 : i32
    return %arg0, %c0_i32, %c0_i32_0 : i32, i32, i32
  }
}

module attributes {stable_mosaic.version = 14 : i64} {
  func.func @_mlp_body(%arg0: i32, %arg1: i32, %arg2: memref<1x1024x128xf32, #tpu.memory_space<vmem>>, %arg3: memref<1x64x128xf32, #tpu.memory_space<vmem>>, %arg4: memref<128x32xf32, #tpu.memory_space<vmem>>, %arg5: memref<1x32xf32, #tpu.memory_space<vmem>>, %arg6: memref<32x64xf32, #tpu.memory_space<vmem>>, %arg7: memref<1x64xf32, #tpu.memory_space<vmem>>, %arg8: memref<1x64x64xf32, #tpu.memory_space<vmem>>) attributes {dimension_semantics = [#tpu.dimension_semantics<arbitrary>, #tpu.dimension_semantics<arbitrary>], iteration_bounds = array<i64: 8, 8>, scalar_prefetch = 0 : i64, scratch_operands = 0 : i64, tpu.core_type = #tpu.core_type<tc>, window_params = [{transform_indices = @transform_0, window_bounds = array<i64: 1, 1024, 128>}, {transform_indices = @transform_1, window_bounds = array<i64: 1, 64, 128>}, {pipeline_mode = #tpu.pipeline_mode<synchronous>, transform_indices = @transform_2, window_bounds = array<i64: 128, 32>}, {pipeline_mode = #tpu.pipeline_mode<synchronous>, transform_indices = @transform_3, window_bounds = array<i64: 1, 32>}, {pipeline_mode = #tpu.pipeline_mode<synchronous>, transform_indices = @transform_4, window_bounds = array<i64: 32, 64>}, {pipeline_mode = #tpu.pipeline_mode<synchronous>, transform_indices = @transform_5, window_bounds = array<i64: 1, 64>}, {transform_indices = @transform_6, window_bounds = array<i64: 1, 64, 64>}]} {
    %get3A = arith.constant 0 : index
    %get3A_0 = arith.constant 0 : index
    %get3A_1 = arith.constant 0 : index
    %get3A_2 = vector.load %arg2[%get3A, %get3A_0, %get3A_1] : memref<1x1024x128xf32, #tpu.memory_space<vmem>>, vector<1x1024x128xf32>
    %get3A_3 = vector.shape_cast %get3A_2 : vector<1x1024x128xf32> to vector<1024x128xf32>
    %get3A_4 = arith.constant 0 : index
    %get3A_5 = arith.constant 0 : index
    %get3A_6 = arith.constant 0 : index
    %get3A_7 = vector.load %arg3[%get3A_4, %get3A_5, %get3A_6] : memref<1x64x128xf32, #tpu.memory_space<vmem>>, vector<1x64x128xf32>
    %get3A_8 = vector.shape_cast %get3A_7 : vector<1x64x128xf32> to vector<64x128xf32>
    %reshape3A = vector.shape_cast %get3A_8 : vector<64x128xf32> to vector<64x1x128xf32>
    %broadcast_in_dim3A = vector.shape_cast %reshape3A : vector<64x1x128xf32> to vector<64x1x128xf32>
    %broadcast_in_dim3A_9 = vector.broadcast %broadcast_in_dim3A : vector<64x1x128xf32> to vector<64x16x128xf32>
    %reshape3A_10 = vector.shape_cast %broadcast_in_dim3A_9 : vector<64x16x128xf32> to vector<1024x128xf32>
    %sub3A = arith.subf %get3A_3, %reshape3A_10 : vector<1024x128xf32>
    %max3A = arith.constant 0.000000e+00 : f32
    %max3A_11 = vector.broadcast %max3A : f32 to vector<1024x128xf32>
    %max3A_12 = arith.maximumf %sub3A, %max3A_11 : vector<1024x128xf32>
    %get3A_13 = arith.constant 0 : index
    %get3A_14 = arith.constant 0 : index
    %get3A_15 = vector.load %arg4[%get3A_13, %get3A_14] : memref<128x32xf32, #tpu.memory_space<vmem>>, vector<128x32xf32>
    %dot_general3A = arith.constant dense<0.000000e+00> : vector<1024x32xf32>
    %dot_general3A_16 = tpu.matmul %max3A_12, %get3A_15, %dot_general3A {dimension_numbers = #tpu.dot_dimension_numbers<[1], [0], [0], [1], [0, 0, 1, 1], [], []>, transpose_lhs_hint = false} : vector<1024x128xf32>, vector<128x32xf32>, vector<1024x32xf32> -> vector<1024x32xf32>
    %get3A_17 = arith.constant 0 : index
    %get3A_18 = arith.constant 0 : index
    %get3A_19 = vector.load %arg5[%get3A_17, %get3A_18] : memref<1x32xf32, #tpu.memory_space<vmem>>, vector<1x32xf32>
    %add3A = vector.broadcast %get3A_19 : vector<1x32xf32> to vector<1024x32xf32>
    %add3A_20 = arith.addf %dot_general3A_16, %add3A : vector<1024x32xf32>
    %max3A_21 = arith.constant 0.000000e+00 : f32
    %max3A_22 = vector.broadcast %max3A_21 : f32 to vector<1024x32xf32>
    %max3A_23 = arith.maximumf %add3A_20, %max3A_22 : vector<1024x32xf32>
    %get3A_24 = arith.constant 0 : index
    %get3A_25 = arith.constant 0 : index
    %get3A_26 = vector.load %arg6[%get3A_24, %get3A_25] : memref<32x64xf32, #tpu.memory_space<vmem>>, vector<32x64xf32>
    %dot_general3A_27 = arith.constant dense<0.000000e+00> : vector<1024x64xf32>
    %dot_general3A_28 = tpu.matmul %max3A_23, %get3A_26, %dot_general3A_27 {dimension_numbers = #tpu.dot_dimension_numbers<[1], [0], [0], [1], [0, 0, 1, 1], [], []>, transpose_lhs_hint = false} : vector<1024x32xf32>, vector<32x64xf32>, vector<1024x64xf32> -> vector<1024x64xf32>
    %get3A_29 = arith.constant 0 : index
    %get3A_30 = arith.constant 0 : index
    %get3A_31 = vector.load %arg7[%get3A_29, %get3A_30] : memref<1x64xf32, #tpu.memory_space<vmem>>, vector<1x64xf32>
    %add3A_32 = vector.broadcast %get3A_31 : vector<1x64xf32> to vector<1024x64xf32>
    %add3A_33 = arith.addf %dot_general3A_28, %add3A_32 : vector<1024x64xf32>
    %max3A_34 = arith.constant 0.000000e+00 : f32
    %max3A_35 = vector.broadcast %max3A_34 : f32 to vector<1024x64xf32>
    %max3A_36 = arith.maximumf %add3A_33, %max3A_35 : vector<1024x64xf32>
    %reshape3A_37 = vector.shape_cast %max3A_36 : vector<1024x64xf32> to vector<64x16x64xf32>
    %reduce_max3A = arith.constant dense<0xFF800000> : vector<64x64xf32>
    %reduce_max3A_38 = vector.multi_reduction <maximumf>, %reshape3A_37, %reduce_max3A [1] : vector<64x16x64xf32> to vector<64x64xf32>
    %swap3A = arith.constant 0 : index
    %swap3A_39 = arith.constant 0 : index
    %swap3A_40 = arith.constant 0 : index
    %swap3A_41 = vector.load %arg8[%swap3A, %swap3A_39, %swap3A_40] : memref<1x64x64xf32, #tpu.memory_space<vmem>>, vector<1x64x64xf32>
    %swap3A_42 = vector.shape_cast %swap3A_41 : vector<1x64x64xf32> to vector<64x64xf32>
    %swap3A_43 = vector.shape_cast %reduce_max3A_38 : vector<64x64xf32> to vector<1x64x64xf32>
    tpu.vector_store %arg8[%swap3A, %swap3A_39, %swap3A_40], %swap3A_43 {strides = array<i32>} : memref<1x64x64xf32, #tpu.memory_space<vmem>>, vector<1x64x64xf32>,
    return
  }
  func.func @transform_0(%arg0: i32, %arg1: i32) -> (i32, i32, i32) {
    %c0_i32 = arith.constant 0 : i32
    %c0_i32_0 = arith.constant 0 : i32
    return %arg0, %arg1, %c0_i32 : i32, i32, i32
  }
  func.func @transform_1(%arg0: i32, %arg1: i32) -> (i32, i32, i32) {
    %c0_i32 = arith.constant 0 : i32
    %c0_i32_0 = arith.constant 0 : i32
    return %arg0, %arg1, %c0_i32 : i32, i32, i32
  }
  func.func @transform_2(%arg0: i32, %arg1: i32) -> (i32, i32) {
    %c0_i32 = arith.constant 0 : i32
    %c0_i32_0 = arith.constant 0 : i32
    %c0_i32_1 = arith.constant 0 : i32
    return %c0_i32, %c0_i32_0 : i32, i32
  }
  func.func @transform_3(%arg0: i32, %arg1: i32) -> (i32, i32) {
    %c0_i32 = arith.constant 0 : i32
    %c0_i32_0 = arith.constant 0 : i32
    %c0_i32_1 = arith.constant 0 : i32
    return %c0_i32, %c0_i32_0 : i32, i32
  }
  func.func @transform_4(%arg0: i32, %arg1: i32) -> (i32, i32) {
    %c0_i32 = arith.constant 0 : i32
    %c0_i32_0 = arith.constant 0 : i32
    %c0_i32_1 = arith.constant 0 : i32
    return %c0_i32, %c0_i32_0 : i32, i32
  }
  func.func @transform_5(%arg0: i32, %arg1: i32) -> (i32, i32) {
    %c0_i32 = arith.constant 0 : i32
    %c0_i32_0 = arith.constant 0 : i32
    %c0_i32_1 = arith.constant 0 : i32
    return %c0_i32, %c0_i32_0 : i32, i32
  }
  func.func @transform_6(%arg0: i32, %arg1: i32) -> (i32, i32, i32) {
    %c0_i32 = arith.constant 0 : i32
    %c0_i32_0 = arith.constant 0 : i32
    return %arg0, %arg1, %c0_i32 : i32, i32, i32
  }
}

module attributes {stable_mosaic.version = 14 : i64} {
  func.func @_mlp_body(%arg0: i32, %arg1: i32, %arg2: memref<1x1024x128xf32, #tpu.memory_space<vmem>>, %arg3: memref<1x32x128xf32, #tpu.memory_space<vmem>>, %arg4: memref<128x64xf32, #tpu.memory_space<vmem>>, %arg5: memref<1x64xf32, #tpu.memory_space<vmem>>, %arg6: memref<64x128xf32, #tpu.memory_space<vmem>>, %arg7: memref<1x128xf32, #tpu.memory_space<vmem>>, %arg8: memref<1x32x128xf32, #tpu.memory_space<vmem>>) attributes {dimension_semantics = [#tpu.dimension_semantics<arbitrary>, #tpu.dimension_semantics<arbitrary>], iteration_bounds = array<i64: 8, 16>, scalar_prefetch = 0 : i64, scratch_operands = 0 : i64, tpu.core_type = #tpu.core_type<tc>, window_params = [{transform_indices = @transform_0, window_bounds = array<i64: 1, 1024, 128>}, {transform_indices = @transform_1, window_bounds = array<i64: 1, 32, 128>}, {pipeline_mode = #tpu.pipeline_mode<synchronous>, transform_indices = @transform_2, window_bounds = array<i64: 128, 64>}, {pipeline_mode = #tpu.pipeline_mode<synchronous>, transform_indices = @transform_3, window_bounds = array<i64: 1, 64>}, {pipeline_mode = #tpu.pipeline_mode<synchronous>, transform_indices = @transform_4, window_bounds = array<i64: 64, 128>}, {pipeline_mode = #tpu.pipeline_mode<synchronous>, transform_indices = @transform_5, window_bounds = array<i64: 1, 128>}, {transform_indices = @transform_6, window_bounds = array<i64: 1, 32, 128>}]} {
    %get3A = arith.constant 0 : index
    %get3A_0 = arith.constant 0 : index
    %get3A_1 = arith.constant 0 : index
    %get3A_2 = vector.load %arg2[%get3A, %get3A_0, %get3A_1] : memref<1x1024x128xf32, #tpu.memory_space<vmem>>, vector<1x1024x128xf32>
    %get3A_3 = vector.shape_cast %get3A_2 : vector<1x1024x128xf32> to vector<1024x128xf32>
    %get3A_4 = arith.constant 0 : index
    %get3A_5 = arith.constant 0 : index
    %get3A_6 = arith.constant 0 : index
    %get3A_7 = vector.load %arg3[%get3A_4, %get3A_5, %get3A_6] : memref<1x32x128xf32, #tpu.memory_space<vmem>>, vector<1x32x128xf32>
    %get3A_8 = vector.shape_cast %get3A_7 : vector<1x32x128xf32> to vector<32x128xf32>
    %reshape3A = vector.shape_cast %get3A_8 : vector<32x128xf32> to vector<32x1x128xf32>
    %broadcast_in_dim3A = vector.shape_cast %reshape3A : vector<32x1x128xf32> to vector<32x1x128xf32>
    %broadcast_in_dim3A_9 = vector.broadcast %broadcast_in_dim3A : vector<32x1x128xf32> to vector<32x32x128xf32>
    %reshape3A_10 = vector.shape_cast %broadcast_in_dim3A_9 : vector<32x32x128xf32> to vector<1024x128xf32>
    %sub3A = arith.subf %get3A_3, %reshape3A_10 : vector<1024x128xf32>
    %max3A = arith.constant 0.000000e+00 : f32
    %max3A_11 = vector.broadcast %max3A : f32 to vector<1024x128xf32>
    %max3A_12 = arith.maximumf %sub3A, %max3A_11 : vector<1024x128xf32>
    %get3A_13 = arith.constant 0 : index
    %get3A_14 = arith.constant 0 : index
    %get3A_15 = vector.load %arg4[%get3A_13, %get3A_14] : memref<128x64xf32, #tpu.memory_space<vmem>>, vector<128x64xf32>
    %dot_general3A = arith.constant dense<0.000000e+00> : vector<1024x64xf32>
    %dot_general3A_16 = tpu.matmul %max3A_12, %get3A_15, %dot_general3A {dimension_numbers = #tpu.dot_dimension_numbers<[1], [0], [0], [1], [0, 0, 1, 1], [], []>, transpose_lhs_hint = false} : vector<1024x128xf32>, vector<128x64xf32>, vector<1024x64xf32> -> vector<1024x64xf32>
    %get3A_17 = arith.constant 0 : index
    %get3A_18 = arith.constant 0 : index
    %get3A_19 = vector.load %arg5[%get3A_17, %get3A_18] : memref<1x64xf32, #tpu.memory_space<vmem>>, vector<1x64xf32>
    %add3A = vector.broadcast %get3A_19 : vector<1x64xf32> to vector<1024x64xf32>
    %add3A_20 = arith.addf %dot_general3A_16, %add3A : vector<1024x64xf32>
    %max3A_21 = arith.constant 0.000000e+00 : f32
    %max3A_22 = vector.broadcast %max3A_21 : f32 to vector<1024x64xf32>
    %max3A_23 = arith.maximumf %add3A_20, %max3A_22 : vector<1024x64xf32>
    %get3A_24 = arith.constant 0 : index
    %get3A_25 = arith.constant 0 : index
    %get3A_26 = vector.load %arg6[%get3A_24, %get3A_25] : memref<64x128xf32, #tpu.memory_space<vmem>>, vector<64x128xf32>
    %dot_general3A_27 = arith.constant dense<0.000000e+00> : vector<1024x128xf32>
    %dot_general3A_28 = tpu.matmul %max3A_23, %get3A_26, %dot_general3A_27 {dimension_numbers = #tpu.dot_dimension_numbers<[1], [0], [0], [1], [0, 0, 1, 1], [], []>, transpose_lhs_hint = false} : vector<1024x64xf32>, vector<64x128xf32>, vector<1024x128xf32> -> vector<1024x128xf32>
    %get3A_29 = arith.constant 0 : index
    %get3A_30 = arith.constant 0 : index
    %get3A_31 = vector.load %arg7[%get3A_29, %get3A_30] : memref<1x128xf32, #tpu.memory_space<vmem>>, vector<1x128xf32>
    %add3A_32 = vector.broadcast %get3A_31 : vector<1x128xf32> to vector<1024x128xf32>
    %add3A_33 = arith.addf %dot_general3A_28, %add3A_32 : vector<1024x128xf32>
    %max3A_34 = arith.constant 0.000000e+00 : f32
    %max3A_35 = vector.broadcast %max3A_34 : f32 to vector<1024x128xf32>
    %max3A_36 = arith.maximumf %add3A_33, %max3A_35 : vector<1024x128xf32>
    %reshape3A_37 = vector.shape_cast %max3A_36 : vector<1024x128xf32> to vector<32x32x128xf32>
    %reduce_max3A = arith.constant dense<0xFF800000> : vector<32x128xf32>
    %reduce_max3A_38 = vector.multi_reduction <maximumf>, %reshape3A_37, %reduce_max3A [1] : vector<32x32x128xf32> to vector<32x128xf32>
    %swap3A = arith.constant 0 : index
    %swap3A_39 = arith.constant 0 : index
    %swap3A_40 = arith.constant 0 : index
    %swap3A_41 = vector.load %arg8[%swap3A, %swap3A_39, %swap3A_40] : memref<1x32x128xf32, #tpu.memory_space<vmem>>, vector<1x32x128xf32>
    %swap3A_42 = vector.shape_cast %swap3A_41 : vector<1x32x128xf32> to vector<32x128xf32>
    %swap3A_43 = vector.shape_cast %reduce_max3A_38 : vector<32x128xf32> to vector<1x32x128xf32>
    tpu.vector_store %arg8[%swap3A, %swap3A_39, %swap3A_40], %swap3A_43 {strides = array<i32>} : memref<1x32x128xf32, #tpu.memory_space<vmem>>, vector<1x32x128xf32>,
    return
  }
  func.func @transform_0(%arg0: i32, %arg1: i32) -> (i32, i32, i32) {
    %c0_i32 = arith.constant 0 : i32
    %c0_i32_0 = arith.constant 0 : i32
    return %arg0, %arg1, %c0_i32 : i32, i32, i32
  }
  func.func @transform_1(%arg0: i32, %arg1: i32) -> (i32, i32, i32) {
    %c0_i32 = arith.constant 0 : i32
    %c0_i32_0 = arith.constant 0 : i32
    return %arg0, %arg1, %c0_i32 : i32, i32, i32
  }
  func.func @transform_2(%arg0: i32, %arg1: i32) -> (i32, i32) {
    %c0_i32 = arith.constant 0 : i32
    %c0_i32_0 = arith.constant 0 : i32
    %c0_i32_1 = arith.constant 0 : i32
    return %c0_i32, %c0_i32_0 : i32, i32
  }
  func.func @transform_3(%arg0: i32, %arg1: i32) -> (i32, i32) {
    %c0_i32 = arith.constant 0 : i32
    %c0_i32_0 = arith.constant 0 : i32
    %c0_i32_1 = arith.constant 0 : i32
    return %c0_i32, %c0_i32_0 : i32, i32
  }
  func.func @transform_4(%arg0: i32, %arg1: i32) -> (i32, i32) {
    %c0_i32 = arith.constant 0 : i32
    %c0_i32_0 = arith.constant 0 : i32
    %c0_i32_1 = arith.constant 0 : i32
    return %c0_i32, %c0_i32_0 : i32, i32
  }
  func.func @transform_5(%arg0: i32, %arg1: i32) -> (i32, i32) {
    %c0_i32 = arith.constant 0 : i32
    %c0_i32_0 = arith.constant 0 : i32
    %c0_i32_1 = arith.constant 0 : i32
    return %c0_i32, %c0_i32_0 : i32, i32
  }
  func.func @transform_6(%arg0: i32, %arg1: i32) -> (i32, i32, i32) {
    %c0_i32 = arith.constant 0 : i32
    %c0_i32_0 = arith.constant 0 : i32
    return %arg0, %arg1, %c0_i32 : i32, i32, i32
  }
}

module attributes {stable_mosaic.version = 14 : i64} {
  func.func @_mlp_body(%arg0: i32, %arg1: i32, %arg2: memref<1x1024x128xf32, #tpu.memory_space<vmem>>, %arg3: memref<1x8x128xf32, #tpu.memory_space<vmem>>, %arg4: memref<128x96xf32, #tpu.memory_space<vmem>>, %arg5: memref<1x96xf32, #tpu.memory_space<vmem>>, %arg6: memref<96x128xf32, #tpu.memory_space<vmem>>, %arg7: memref<1x128xf32, #tpu.memory_space<vmem>>, %arg8: memref<1x8x128xf32, #tpu.memory_space<vmem>>) attributes {dimension_semantics = [#tpu.dimension_semantics<arbitrary>, #tpu.dimension_semantics<arbitrary>], iteration_bounds = array<i64: 8, 64>, scalar_prefetch = 0 : i64, scratch_operands = 0 : i64, tpu.core_type = #tpu.core_type<tc>, window_params = [{transform_indices = @transform_0, window_bounds = array<i64: 1, 1024, 128>}, {transform_indices = @transform_1, window_bounds = array<i64: 1, 8, 128>}, {pipeline_mode = #tpu.pipeline_mode<synchronous>, transform_indices = @transform_2, window_bounds = array<i64: 128, 96>}, {pipeline_mode = #tpu.pipeline_mode<synchronous>, transform_indices = @transform_3, window_bounds = array<i64: 1, 96>}, {pipeline_mode = #tpu.pipeline_mode<synchronous>, transform_indices = @transform_4, window_bounds = array<i64: 96, 128>}, {pipeline_mode = #tpu.pipeline_mode<synchronous>, transform_indices = @transform_5, window_bounds = array<i64: 1, 128>}, {transform_indices = @transform_6, window_bounds = array<i64: 1, 8, 128>}]} {
    %get3A = arith.constant 0 : index
    %get3A_0 = arith.constant 0 : index
    %get3A_1 = arith.constant 0 : index
    %get3A_2 = vector.load %arg2[%get3A, %get3A_0, %get3A_1] : memref<1x1024x128xf32, #tpu.memory_space<vmem>>, vector<1x1024x128xf32>
    %get3A_3 = vector.shape_cast %get3A_2 : vector<1x1024x128xf32> to vector<1024x128xf32>
    %get3A_4 = arith.constant 0 : index
    %get3A_5 = arith.constant 0 : index
    %get3A_6 = arith.constant 0 : index
    %get3A_7 = vector.load %arg3[%get3A_4, %get3A_5, %get3A_6] : memref<1x8x128xf32, #tpu.memory_space<vmem>>, vector<1x8x128xf32>
    %get3A_8 = vector.shape_cast %get3A_7 : vector<1x8x128xf32> to vector<8x128xf32>
    %reshape3A = vector.shape_cast %get3A_8 : vector<8x128xf32> to vector<8x1x128xf32>
    %broadcast_in_dim3A = vector.shape_cast %reshape3A : vector<8x1x128xf32> to vector<8x1x128xf32>
    %broadcast_in_dim3A_9 = vector.broadcast %broadcast_in_dim3A : vector<8x1x128xf32> to vector<8x128x128xf32>
    %reshape3A_10 = vector.shape_cast %broadcast_in_dim3A_9 : vector<8x128x128xf32> to vector<1024x128xf32>
    %sub3A = arith.subf %get3A_3, %reshape3A_10 : vector<1024x128xf32>
    %max3A = arith.constant 0.000000e+00 : f32
    %max3A_11 = vector.broadcast %max3A : f32 to vector<1024x128xf32>
    %max3A_12 = arith.maximumf %sub3A, %max3A_11 : vector<1024x128xf32>
    %get3A_13 = arith.constant 0 : index
    %get3A_14 = arith.constant 0 : index
    %get3A_15 = vector.load %arg4[%get3A_13, %get3A_14] : memref<128x96xf32, #tpu.memory_space<vmem>>, vector<128x96xf32>
    %dot_general3A = arith.constant dense<0.000000e+00> : vector<1024x96xf32>
    %dot_general3A_16 = tpu.matmul %max3A_12, %get3A_15, %dot_general3A {dimension_numbers = #tpu.dot_dimension_numbers<[1], [0], [0], [1], [0, 0, 1, 1], [], []>, transpose_lhs_hint = false} : vector<1024x128xf32>, vector<128x96xf32>, vector<1024x96xf32> -> vector<1024x96xf32>
    %get3A_17 = arith.constant 0 : index
    %get3A_18 = arith.constant 0 : index
    %get3A_19 = vector.load %arg5[%get3A_17, %get3A_18] : memref<1x96xf32, #tpu.memory_space<vmem>>, vector<1x96xf32>
    %add3A = vector.broadcast %get3A_19 : vector<1x96xf32> to vector<1024x96xf32>
    %add3A_20 = arith.addf %dot_general3A_16, %add3A : vector<1024x96xf32>
    %max3A_21 = arith.constant 0.000000e+00 : f32
    %max3A_22 = vector.broadcast %max3A_21 : f32 to vector<1024x96xf32>
    %max3A_23 = arith.maximumf %add3A_20, %max3A_22 : vector<1024x96xf32>
    %get3A_24 = arith.constant 0 : index
    %get3A_25 = arith.constant 0 : index
    %get3A_26 = vector.load %arg6[%get3A_24, %get3A_25] : memref<96x128xf32, #tpu.memory_space<vmem>>, vector<96x128xf32>
    %dot_general3A_27 = arith.constant dense<0.000000e+00> : vector<1024x128xf32>
    %dot_general3A_28 = tpu.matmul %max3A_23, %get3A_26, %dot_general3A_27 {dimension_numbers = #tpu.dot_dimension_numbers<[1], [0], [0], [1], [0, 0, 1, 1], [], []>, transpose_lhs_hint = false} : vector<1024x96xf32>, vector<96x128xf32>, vector<1024x128xf32> -> vector<1024x128xf32>
    %get3A_29 = arith.constant 0 : index
    %get3A_30 = arith.constant 0 : index
    %get3A_31 = vector.load %arg7[%get3A_29, %get3A_30] : memref<1x128xf32, #tpu.memory_space<vmem>>, vector<1x128xf32>
    %add3A_32 = vector.broadcast %get3A_31 : vector<1x128xf32> to vector<1024x128xf32>
    %add3A_33 = arith.addf %dot_general3A_28, %add3A_32 : vector<1024x128xf32>
    %max3A_34 = arith.constant 0.000000e+00 : f32
    %max3A_35 = vector.broadcast %max3A_34 : f32 to vector<1024x128xf32>
    %max3A_36 = arith.maximumf %add3A_33, %max3A_35 : vector<1024x128xf32>
    %reshape3A_37 = vector.shape_cast %max3A_36 : vector<1024x128xf32> to vector<8x128x128xf32>
    %reduce_max3A = arith.constant dense<0xFF800000> : vector<8x128xf32>
    %reduce_max3A_38 = vector.multi_reduction <maximumf>, %reshape3A_37, %reduce_max3A [1] : vector<8x128x128xf32> to vector<8x128xf32>
    %swap3A = arith.constant 0 : index
    %swap3A_39 = arith.constant 0 : index
    %swap3A_40 = arith.constant 0 : index
    %swap3A_41 = vector.load %arg8[%swap3A, %swap3A_39, %swap3A_40] : memref<1x8x128xf32, #tpu.memory_space<vmem>>, vector<1x8x128xf32>
    %swap3A_42 = vector.shape_cast %swap3A_41 : vector<1x8x128xf32> to vector<8x128xf32>
    %swap3A_43 = vector.shape_cast %reduce_max3A_38 : vector<8x128xf32> to vector<1x8x128xf32>
    tpu.vector_store %arg8[%swap3A, %swap3A_39, %swap3A_40], %swap3A_43 {strides = array<i32>} : memref<1x8x128xf32, #tpu.memory_space<vmem>>, vector<1x8x128xf32>,
    return
  }
  func.func @transform_0(%arg0: i32, %arg1: i32) -> (i32, i32, i32) {
    %c0_i32 = arith.constant 0 : i32
    %c0_i32_0 = arith.constant 0 : i32
    return %arg0, %arg1, %c0_i32 : i32, i32, i32
  }
  func.func @transform_1(%arg0: i32, %arg1: i32) -> (i32, i32, i32) {
    %c0_i32 = arith.constant 0 : i32
    %c0_i32_0 = arith.constant 0 : i32
    return %arg0, %arg1, %c0_i32 : i32, i32, i32
  }
  func.func @transform_2(%arg0: i32, %arg1: i32) -> (i32, i32) {
    %c0_i32 = arith.constant 0 : i32
    %c0_i32_0 = arith.constant 0 : i32
    %c0_i32_1 = arith.constant 0 : i32
    return %c0_i32, %c0_i32_0 : i32, i32
  }
  func.func @transform_3(%arg0: i32, %arg1: i32) -> (i32, i32) {
    %c0_i32 = arith.constant 0 : i32
    %c0_i32_0 = arith.constant 0 : i32
    %c0_i32_1 = arith.constant 0 : i32
    return %c0_i32, %c0_i32_0 : i32, i32
  }
  func.func @transform_4(%arg0: i32, %arg1: i32) -> (i32, i32) {
    %c0_i32 = arith.constant 0 : i32
    %c0_i32_0 = arith.constant 0 : i32
    %c0_i32_1 = arith.constant 0 : i32
    return %c0_i32, %c0_i32_0 : i32, i32
  }
  func.func @transform_5(%arg0: i32, %arg1: i32) -> (i32, i32) {
    %c0_i32 = arith.constant 0 : i32
    %c0_i32_0 = arith.constant 0 : i32
    %c0_i32_1 = arith.constant 0 : i32
    return %c0_i32, %c0_i32_0 : i32, i32
  }
  func.func @transform_6(%arg0: i32, %arg1: i32) -> (i32, i32, i32) {
    %c0_i32 = arith.constant 0 : i32
    %c0_i32_0 = arith.constant 0 : i32
    return %arg0, %arg1, %c0_i32 : i32, i32, i32
  }
}

module attributes {stable_mosaic.version = 14 : i64} {
  func.func @_proj2_body(%arg0: i32, %arg1: memref<1x512x320xf32, #tpu.memory_space<vmem>>, %arg2: memref<1x512x8xf32, #tpu.memory_space<vmem>>, %arg3: memref<1x128x8xf32, #tpu.memory_space<vmem>>, %arg4: memref<320x320xf32, #tpu.memory_space<vmem>>, %arg5: memref<8x320xf32, #tpu.memory_space<vmem>>, %arg6: memref<1x320xf32, #tpu.memory_space<vmem>>, %arg7: memref<1x512x320xf32, #tpu.memory_space<vmem>>, %arg8: memref<1x128x320xf32, #tpu.memory_space<vmem>>) attributes {dimension_semantics = [#tpu.dimension_semantics<arbitrary>], iteration_bounds = array<i64: 8>, scalar_prefetch = 0 : i64, scratch_operands = 0 : i64, tpu.core_type = #tpu.core_type<tc>, window_params = [{transform_indices = @transform_0, window_bounds = array<i64: 1, 512, 320>}, {transform_indices = @transform_1, window_bounds = array<i64: 1, 512, 8>}, {transform_indices = @transform_2, window_bounds = array<i64: 1, 128, 8>}, {pipeline_mode = #tpu.pipeline_mode<synchronous>, transform_indices = @transform_3, window_bounds = array<i64: 320, 320>}, {pipeline_mode = #tpu.pipeline_mode<synchronous>, transform_indices = @transform_4, window_bounds = array<i64: 8, 320>}, {pipeline_mode = #tpu.pipeline_mode<synchronous>, transform_indices = @transform_5, window_bounds = array<i64: 1, 320>}, {transform_indices = @transform_6, window_bounds = array<i64: 1, 512, 320>}, {transform_indices = @transform_7, window_bounds = array<i64: 1, 128, 320>}]} {
    %get3A = arith.constant 0 : index
    %get3A_0 = arith.constant 0 : index
    %get3A_1 = arith.constant 0 : index
    %get3A_2 = vector.load %arg1[%get3A, %get3A_0, %get3A_1] : memref<1x512x320xf32, #tpu.memory_space<vmem>>, vector<1x512x320xf32>
    %get3A_3 = vector.shape_cast %get3A_2 : vector<1x512x320xf32> to vector<512x320xf32>
    %get3A_4 = arith.constant 0 : index
    %get3A_5 = arith.constant 0 : index
    %get3A_6 = vector.load %arg4[%get3A_4, %get3A_5] : memref<320x320xf32, #tpu.memory_space<vmem>>, vector<320x320xf32>
    %dot_general3A = arith.constant dense<0.000000e+00> : vector<512x320xf32>
    %dot_general3A_7 = tpu.matmul %get3A_3, %get3A_6, %dot_general3A {dimension_numbers = #tpu.dot_dimension_numbers<[1], [0], [0], [1], [0, 0, 1, 1], [], []>, transpose_lhs_hint = false} : vector<512x320xf32>, vector<320x320xf32>, vector<512x320xf32> -> vector<512x320xf32>
    %get3A_8 = arith.constant 0 : index
    %get3A_9 = arith.constant 0 : index
    %get3A_10 = arith.constant 0 : index
    %get3A_11 = vector.load %arg2[%get3A_8, %get3A_9, %get3A_10] : memref<1x512x8xf32, #tpu.memory_space<vmem>>, vector<1x512x8xf32>
    %get3A_12 = vector.shape_cast %get3A_11 : vector<1x512x8xf32> to vector<512x8xf32>
    %get3A_13 = arith.constant 0 : index
    %get3A_14 = arith.constant 0 : index
    %get3A_15 = vector.load %arg5[%get3A_13, %get3A_14] : memref<8x320xf32, #tpu.memory_space<vmem>>, vector<8x320xf32>
    %dot_general3A_16 = arith.constant dense<0.000000e+00> : vector<512x320xf32>
    %dot_general3A_17 = tpu.matmul %get3A_12, %get3A_15, %dot_general3A_16 {dimension_numbers = #tpu.dot_dimension_numbers<[1], [0], [0], [1], [0, 0, 1, 1], [], []>, transpose_lhs_hint = false} : vector<512x8xf32>, vector<8x320xf32>, vector<512x320xf32> -> vector<512x320xf32>
    %add3A = arith.addf %dot_general3A_7, %dot_general3A_17 : vector<512x320xf32>
    %get3A_18 = arith.constant 0 : index
    %get3A_19 = arith.constant 0 : index
    %get3A_20 = vector.load %arg6[%get3A_18, %get3A_19] : memref<1x320xf32, #tpu.memory_space<vmem>>, vector<1x320xf32>
    %add3A_21 = vector.broadcast %get3A_20 : vector<1x320xf32> to vector<512x320xf32>
    %add3A_22 = arith.addf %add3A, %add3A_21 : vector<512x320xf32>
    %swap3A = arith.constant 0 : index
    %swap3A_23 = arith.constant 0 : index
    %swap3A_24 = arith.constant 0 : index
    %swap3A_25 = vector.load %arg7[%swap3A, %swap3A_23, %swap3A_24] : memref<1x512x320xf32, #tpu.memory_space<vmem>>, vector<1x512x320xf32>
    %swap3A_26 = vector.shape_cast %swap3A_25 : vector<1x512x320xf32> to vector<512x320xf32>
    %swap3A_27 = vector.shape_cast %add3A_22 : vector<512x320xf32> to vector<1x512x320xf32>
    tpu.vector_store %arg7[%swap3A, %swap3A_23, %swap3A_24], %swap3A_27 {strides = array<i32>} : memref<1x512x320xf32, #tpu.memory_space<vmem>>, vector<1x512x320xf32>,
    %get3A_28 = arith.constant 0 : index
    %get3A_29 = arith.constant 0 : index
    %get3A_30 = arith.constant 0 : index
    %get3A_31 = vector.load %arg3[%get3A_28, %get3A_29, %get3A_30] : memref<1x128x8xf32, #tpu.memory_space<vmem>>, vector<1x128x8xf32>
    %get3A_32 = vector.shape_cast %get3A_31 : vector<1x128x8xf32> to vector<128x8xf32>
    %get3A_33 = arith.constant 0 : index
    %get3A_34 = arith.constant 0 : index
    %get3A_35 = vector.load %arg5[%get3A_33, %get3A_34] : memref<8x320xf32, #tpu.memory_space<vmem>>, vector<8x320xf32>
    %dot_general3A_36 = arith.constant dense<0.000000e+00> : vector<128x320xf32>
    %dot_general3A_37 = tpu.matmul %get3A_32, %get3A_35, %dot_general3A_36 {dimension_numbers = #tpu.dot_dimension_numbers<[1], [0], [0], [1], [0, 0, 1, 1], [], []>, transpose_lhs_hint = false} : vector<128x8xf32>, vector<8x320xf32>, vector<128x320xf32> -> vector<128x320xf32>
    %swap3A_38 = arith.constant 0 : index
    %swap3A_39 = arith.constant 0 : index
    %swap3A_40 = arith.constant 0 : index
    %swap3A_41 = vector.load %arg8[%swap3A_38, %swap3A_39, %swap3A_40] : memref<1x128x320xf32, #tpu.memory_space<vmem>>, vector<1x128x320xf32>
    %swap3A_42 = vector.shape_cast %swap3A_41 : vector<1x128x320xf32> to vector<128x320xf32>
    %swap3A_43 = vector.shape_cast %dot_general3A_37 : vector<128x320xf32> to vector<1x128x320xf32>
    tpu.vector_store %arg8[%swap3A_38, %swap3A_39, %swap3A_40], %swap3A_43 {strides = array<i32>} : memref<1x128x320xf32, #tpu.memory_space<vmem>>, vector<1x128x320xf32>,
    return
  }
  func.func @transform_0(%arg0: i32) -> (i32, i32, i32) {
    %c0_i32 = arith.constant 0 : i32
    %c0_i32_0 = arith.constant 0 : i32
    %c0_i32_1 = arith.constant 0 : i32
    return %arg0, %c0_i32, %c0_i32_0 : i32, i32, i32
  }
  func.func @transform_1(%arg0: i32) -> (i32, i32, i32) {
    %c0_i32 = arith.constant 0 : i32
    %c0_i32_0 = arith.constant 0 : i32
    %c0_i32_1 = arith.constant 0 : i32
    return %arg0, %c0_i32, %c0_i32_0 : i32, i32, i32
  }
  func.func @transform_2(%arg0: i32) -> (i32, i32, i32) {
    %c0_i32 = arith.constant 0 : i32
    %c0_i32_0 = arith.constant 0 : i32
    %c0_i32_1 = arith.constant 0 : i32
    return %arg0, %c0_i32, %c0_i32_0 : i32, i32, i32
  }
  func.func @transform_3(%arg0: i32) -> (i32, i32) {
    %c0_i32 = arith.constant 0 : i32
    %c0_i32_0 = arith.constant 0 : i32
    %c0_i32_1 = arith.constant 0 : i32
    return %c0_i32, %c0_i32_0 : i32, i32
  }
  func.func @transform_4(%arg0: i32) -> (i32, i32) {
    %c0_i32 = arith.constant 0 : i32
    %c0_i32_0 = arith.constant 0 : i32
    %c0_i32_1 = arith.constant 0 : i32
    return %c0_i32, %c0_i32_0 : i32, i32
  }
  func.func @transform_5(%arg0: i32) -> (i32, i32) {
    %c0_i32 = arith.constant 0 : i32
    %c0_i32_0 = arith.constant 0 : i32
    %c0_i32_1 = arith.constant 0 : i32
    return %c0_i32, %c0_i32_0 : i32, i32
  }
  func.func @transform_6(%arg0: i32) -> (i32, i32, i32) {
    %c0_i32 = arith.constant 0 : i32
    %c0_i32_0 = arith.constant 0 : i32
    %c0_i32_1 = arith.constant 0 : i32
    return %arg0, %c0_i32, %c0_i32_0 : i32, i32, i32
  }
  func.func @transform_7(%arg0: i32) -> (i32, i32, i32) {
    %c0_i32 = arith.constant 0 : i32
    %c0_i32_0 = arith.constant 0 : i32
    %c0_i32_1 = arith.constant 0 : i32
    return %arg0, %c0_i32, %c0_i32_0 : i32, i32, i32
  }
}

module attributes {stable_mosaic.version = 14 : i64} {
  func.func @_mlp_body(%arg0: i32, %arg1: i32, %arg2: memref<1x1024x128xf32, #tpu.memory_space<vmem>>, %arg3: memref<1x32x128xf32, #tpu.memory_space<vmem>>, %arg4: memref<128x64xf32, #tpu.memory_space<vmem>>, %arg5: memref<1x64xf32, #tpu.memory_space<vmem>>, %arg6: memref<64x128xf32, #tpu.memory_space<vmem>>, %arg7: memref<1x128xf32, #tpu.memory_space<vmem>>, %arg8: memref<1x32x128xf32, #tpu.memory_space<vmem>>) attributes {dimension_semantics = [#tpu.dimension_semantics<arbitrary>, #tpu.dimension_semantics<arbitrary>], iteration_bounds = array<i64: 8, 4>, scalar_prefetch = 0 : i64, scratch_operands = 0 : i64, tpu.core_type = #tpu.core_type<tc>, window_params = [{transform_indices = @transform_0, window_bounds = array<i64: 1, 1024, 128>}, {transform_indices = @transform_1, window_bounds = array<i64: 1, 32, 128>}, {pipeline_mode = #tpu.pipeline_mode<synchronous>, transform_indices = @transform_2, window_bounds = array<i64: 128, 64>}, {pipeline_mode = #tpu.pipeline_mode<synchronous>, transform_indices = @transform_3, window_bounds = array<i64: 1, 64>}, {pipeline_mode = #tpu.pipeline_mode<synchronous>, transform_indices = @transform_4, window_bounds = array<i64: 64, 128>}, {pipeline_mode = #tpu.pipeline_mode<synchronous>, transform_indices = @transform_5, window_bounds = array<i64: 1, 128>}, {transform_indices = @transform_6, window_bounds = array<i64: 1, 32, 128>}]} {
    %get3A = arith.constant 0 : index
    %get3A_0 = arith.constant 0 : index
    %get3A_1 = arith.constant 0 : index
    %get3A_2 = vector.load %arg2[%get3A, %get3A_0, %get3A_1] : memref<1x1024x128xf32, #tpu.memory_space<vmem>>, vector<1x1024x128xf32>
    %get3A_3 = vector.shape_cast %get3A_2 : vector<1x1024x128xf32> to vector<1024x128xf32>
    %get3A_4 = arith.constant 0 : index
    %get3A_5 = arith.constant 0 : index
    %get3A_6 = arith.constant 0 : index
    %get3A_7 = vector.load %arg3[%get3A_4, %get3A_5, %get3A_6] : memref<1x32x128xf32, #tpu.memory_space<vmem>>, vector<1x32x128xf32>
    %get3A_8 = vector.shape_cast %get3A_7 : vector<1x32x128xf32> to vector<32x128xf32>
    %reshape3A = vector.shape_cast %get3A_8 : vector<32x128xf32> to vector<32x1x128xf32>
    %broadcast_in_dim3A = vector.shape_cast %reshape3A : vector<32x1x128xf32> to vector<32x1x128xf32>
    %broadcast_in_dim3A_9 = vector.broadcast %broadcast_in_dim3A : vector<32x1x128xf32> to vector<32x32x128xf32>
    %reshape3A_10 = vector.shape_cast %broadcast_in_dim3A_9 : vector<32x32x128xf32> to vector<1024x128xf32>
    %sub3A = arith.subf %get3A_3, %reshape3A_10 : vector<1024x128xf32>
    %max3A = arith.constant 0.000000e+00 : f32
    %max3A_11 = vector.broadcast %max3A : f32 to vector<1024x128xf32>
    %max3A_12 = arith.maximumf %sub3A, %max3A_11 : vector<1024x128xf32>
    %get3A_13 = arith.constant 0 : index
    %get3A_14 = arith.constant 0 : index
    %get3A_15 = vector.load %arg4[%get3A_13, %get3A_14] : memref<128x64xf32, #tpu.memory_space<vmem>>, vector<128x64xf32>
    %dot_general3A = arith.constant dense<0.000000e+00> : vector<1024x64xf32>
    %dot_general3A_16 = tpu.matmul %max3A_12, %get3A_15, %dot_general3A {dimension_numbers = #tpu.dot_dimension_numbers<[1], [0], [0], [1], [0, 0, 1, 1], [], []>, transpose_lhs_hint = false} : vector<1024x128xf32>, vector<128x64xf32>, vector<1024x64xf32> -> vector<1024x64xf32>
    %get3A_17 = arith.constant 0 : index
    %get3A_18 = arith.constant 0 : index
    %get3A_19 = vector.load %arg5[%get3A_17, %get3A_18] : memref<1x64xf32, #tpu.memory_space<vmem>>, vector<1x64xf32>
    %add3A = vector.broadcast %get3A_19 : vector<1x64xf32> to vector<1024x64xf32>
    %add3A_20 = arith.addf %dot_general3A_16, %add3A : vector<1024x64xf32>
    %max3A_21 = arith.constant 0.000000e+00 : f32
    %max3A_22 = vector.broadcast %max3A_21 : f32 to vector<1024x64xf32>
    %max3A_23 = arith.maximumf %add3A_20, %max3A_22 : vector<1024x64xf32>
    %get3A_24 = arith.constant 0 : index
    %get3A_25 = arith.constant 0 : index
    %get3A_26 = vector.load %arg6[%get3A_24, %get3A_25] : memref<64x128xf32, #tpu.memory_space<vmem>>, vector<64x128xf32>
    %dot_general3A_27 = arith.constant dense<0.000000e+00> : vector<1024x128xf32>
    %dot_general3A_28 = tpu.matmul %max3A_23, %get3A_26, %dot_general3A_27 {dimension_numbers = #tpu.dot_dimension_numbers<[1], [0], [0], [1], [0, 0, 1, 1], [], []>, transpose_lhs_hint = false} : vector<1024x64xf32>, vector<64x128xf32>, vector<1024x128xf32> -> vector<1024x128xf32>
    %get3A_29 = arith.constant 0 : index
    %get3A_30 = arith.constant 0 : index
    %get3A_31 = vector.load %arg7[%get3A_29, %get3A_30] : memref<1x128xf32, #tpu.memory_space<vmem>>, vector<1x128xf32>
    %add3A_32 = vector.broadcast %get3A_31 : vector<1x128xf32> to vector<1024x128xf32>
    %add3A_33 = arith.addf %dot_general3A_28, %add3A_32 : vector<1024x128xf32>
    %max3A_34 = arith.constant 0.000000e+00 : f32
    %max3A_35 = vector.broadcast %max3A_34 : f32 to vector<1024x128xf32>
    %max3A_36 = arith.maximumf %add3A_33, %max3A_35 : vector<1024x128xf32>
    %reshape3A_37 = vector.shape_cast %max3A_36 : vector<1024x128xf32> to vector<32x32x128xf32>
    %reduce_max3A = arith.constant dense<0xFF800000> : vector<32x128xf32>
    %reduce_max3A_38 = vector.multi_reduction <maximumf>, %reshape3A_37, %reduce_max3A [1] : vector<32x32x128xf32> to vector<32x128xf32>
    %swap3A = arith.constant 0 : index
    %swap3A_39 = arith.constant 0 : index
    %swap3A_40 = arith.constant 0 : index
    %swap3A_41 = vector.load %arg8[%swap3A, %swap3A_39, %swap3A_40] : memref<1x32x128xf32, #tpu.memory_space<vmem>>, vector<1x32x128xf32>
    %swap3A_42 = vector.shape_cast %swap3A_41 : vector<1x32x128xf32> to vector<32x128xf32>
    %swap3A_43 = vector.shape_cast %reduce_max3A_38 : vector<32x128xf32> to vector<1x32x128xf32>
    tpu.vector_store %arg8[%swap3A, %swap3A_39, %swap3A_40], %swap3A_43 {strides = array<i32>} : memref<1x32x128xf32, #tpu.memory_space<vmem>>, vector<1x32x128xf32>,
    return
  }
  func.func @transform_0(%arg0: i32, %arg1: i32) -> (i32, i32, i32) {
    %c0_i32 = arith.constant 0 : i32
    %c0_i32_0 = arith.constant 0 : i32
    return %arg0, %arg1, %c0_i32 : i32, i32, i32
  }
  func.func @transform_1(%arg0: i32, %arg1: i32) -> (i32, i32, i32) {
    %c0_i32 = arith.constant 0 : i32
    %c0_i32_0 = arith.constant 0 : i32
    return %arg0, %arg1, %c0_i32 : i32, i32, i32
  }
  func.func @transform_2(%arg0: i32, %arg1: i32) -> (i32, i32) {
    %c0_i32 = arith.constant 0 : i32
    %c0_i32_0 = arith.constant 0 : i32
    %c0_i32_1 = arith.constant 0 : i32
    return %c0_i32, %c0_i32_0 : i32, i32
  }
  func.func @transform_3(%arg0: i32, %arg1: i32) -> (i32, i32) {
    %c0_i32 = arith.constant 0 : i32
    %c0_i32_0 = arith.constant 0 : i32
    %c0_i32_1 = arith.constant 0 : i32
    return %c0_i32, %c0_i32_0 : i32, i32
  }
  func.func @transform_4(%arg0: i32, %arg1: i32) -> (i32, i32) {
    %c0_i32 = arith.constant 0 : i32
    %c0_i32_0 = arith.constant 0 : i32
    %c0_i32_1 = arith.constant 0 : i32
    return %c0_i32, %c0_i32_0 : i32, i32
  }
  func.func @transform_5(%arg0: i32, %arg1: i32) -> (i32, i32) {
    %c0_i32 = arith.constant 0 : i32
    %c0_i32_0 = arith.constant 0 : i32
    %c0_i32_1 = arith.constant 0 : i32
    return %c0_i32, %c0_i32_0 : i32, i32
  }
  func.func @transform_6(%arg0: i32, %arg1: i32) -> (i32, i32, i32) {
    %c0_i32 = arith.constant 0 : i32
    %c0_i32_0 = arith.constant 0 : i32
    return %arg0, %arg1, %c0_i32 : i32, i32, i32
  }
}

module attributes {stable_mosaic.version = 14 : i64} {
  func.func @_mlp_body(%arg0: i32, %arg1: i32, %arg2: memref<1x1024x128xf32, #tpu.memory_space<vmem>>, %arg3: memref<1x16x128xf32, #tpu.memory_space<vmem>>, %arg4: memref<128x128xf32, #tpu.memory_space<vmem>>, %arg5: memref<1x128xf32, #tpu.memory_space<vmem>>, %arg6: memref<128x256xf32, #tpu.memory_space<vmem>>, %arg7: memref<1x256xf32, #tpu.memory_space<vmem>>, %arg8: memref<1x16x256xf32, #tpu.memory_space<vmem>>) attributes {dimension_semantics = [#tpu.dimension_semantics<arbitrary>, #tpu.dimension_semantics<arbitrary>], iteration_bounds = array<i64: 8, 8>, scalar_prefetch = 0 : i64, scratch_operands = 0 : i64, tpu.core_type = #tpu.core_type<tc>, window_params = [{transform_indices = @transform_0, window_bounds = array<i64: 1, 1024, 128>}, {transform_indices = @transform_1, window_bounds = array<i64: 1, 16, 128>}, {pipeline_mode = #tpu.pipeline_mode<synchronous>, transform_indices = @transform_2, window_bounds = array<i64: 128, 128>}, {pipeline_mode = #tpu.pipeline_mode<synchronous>, transform_indices = @transform_3, window_bounds = array<i64: 1, 128>}, {pipeline_mode = #tpu.pipeline_mode<synchronous>, transform_indices = @transform_4, window_bounds = array<i64: 128, 256>}, {pipeline_mode = #tpu.pipeline_mode<synchronous>, transform_indices = @transform_5, window_bounds = array<i64: 1, 256>}, {transform_indices = @transform_6, window_bounds = array<i64: 1, 16, 256>}]} {
    %get3A = arith.constant 0 : index
    %get3A_0 = arith.constant 0 : index
    %get3A_1 = arith.constant 0 : index
    %get3A_2 = vector.load %arg2[%get3A, %get3A_0, %get3A_1] : memref<1x1024x128xf32, #tpu.memory_space<vmem>>, vector<1x1024x128xf32>
    %get3A_3 = vector.shape_cast %get3A_2 : vector<1x1024x128xf32> to vector<1024x128xf32>
    %get3A_4 = arith.constant 0 : index
    %get3A_5 = arith.constant 0 : index
    %get3A_6 = arith.constant 0 : index
    %get3A_7 = vector.load %arg3[%get3A_4, %get3A_5, %get3A_6] : memref<1x16x128xf32, #tpu.memory_space<vmem>>, vector<1x16x128xf32>
    %get3A_8 = vector.shape_cast %get3A_7 : vector<1x16x128xf32> to vector<16x128xf32>
    %reshape3A = vector.shape_cast %get3A_8 : vector<16x128xf32> to vector<16x1x128xf32>
    %broadcast_in_dim3A = vector.shape_cast %reshape3A : vector<16x1x128xf32> to vector<16x1x128xf32>
    %broadcast_in_dim3A_9 = vector.broadcast %broadcast_in_dim3A : vector<16x1x128xf32> to vector<16x64x128xf32>
    %reshape3A_10 = vector.shape_cast %broadcast_in_dim3A_9 : vector<16x64x128xf32> to vector<1024x128xf32>
    %sub3A = arith.subf %get3A_3, %reshape3A_10 : vector<1024x128xf32>
    %max3A = arith.constant 0.000000e+00 : f32
    %max3A_11 = vector.broadcast %max3A : f32 to vector<1024x128xf32>
    %max3A_12 = arith.maximumf %sub3A, %max3A_11 : vector<1024x128xf32>
    %get3A_13 = arith.constant 0 : index
    %get3A_14 = arith.constant 0 : index
    %get3A_15 = vector.load %arg4[%get3A_13, %get3A_14] : memref<128x128xf32, #tpu.memory_space<vmem>>, vector<128x128xf32>
    %dot_general3A = arith.constant dense<0.000000e+00> : vector<1024x128xf32>
    %dot_general3A_16 = tpu.matmul %max3A_12, %get3A_15, %dot_general3A {dimension_numbers = #tpu.dot_dimension_numbers<[1], [0], [0], [1], [0, 0, 1, 1], [], []>, transpose_lhs_hint = false} : vector<1024x128xf32>, vector<128x128xf32>, vector<1024x128xf32> -> vector<1024x128xf32>
    %get3A_17 = arith.constant 0 : index
    %get3A_18 = arith.constant 0 : index
    %get3A_19 = vector.load %arg5[%get3A_17, %get3A_18] : memref<1x128xf32, #tpu.memory_space<vmem>>, vector<1x128xf32>
    %add3A = vector.broadcast %get3A_19 : vector<1x128xf32> to vector<1024x128xf32>
    %add3A_20 = arith.addf %dot_general3A_16, %add3A : vector<1024x128xf32>
    %max3A_21 = arith.constant 0.000000e+00 : f32
    %max3A_22 = vector.broadcast %max3A_21 : f32 to vector<1024x128xf32>
    %max3A_23 = arith.maximumf %add3A_20, %max3A_22 : vector<1024x128xf32>
    %get3A_24 = arith.constant 0 : index
    %get3A_25 = arith.constant 0 : index
    %get3A_26 = vector.load %arg6[%get3A_24, %get3A_25] : memref<128x256xf32, #tpu.memory_space<vmem>>, vector<128x256xf32>
    %dot_general3A_27 = arith.constant dense<0.000000e+00> : vector<1024x256xf32>
    %dot_general3A_28 = tpu.matmul %max3A_23, %get3A_26, %dot_general3A_27 {dimension_numbers = #tpu.dot_dimension_numbers<[1], [0], [0], [1], [0, 0, 1, 1], [], []>, transpose_lhs_hint = false} : vector<1024x128xf32>, vector<128x256xf32>, vector<1024x256xf32> -> vector<1024x256xf32>
    %get3A_29 = arith.constant 0 : index
    %get3A_30 = arith.constant 0 : index
    %get3A_31 = vector.load %arg7[%get3A_29, %get3A_30] : memref<1x256xf32, #tpu.memory_space<vmem>>, vector<1x256xf32>
    %add3A_32 = vector.broadcast %get3A_31 : vector<1x256xf32> to vector<1024x256xf32>
    %add3A_33 = arith.addf %dot_general3A_28, %add3A_32 : vector<1024x256xf32>
    %max3A_34 = arith.constant 0.000000e+00 : f32
    %max3A_35 = vector.broadcast %max3A_34 : f32 to vector<1024x256xf32>
    %max3A_36 = arith.maximumf %add3A_33, %max3A_35 : vector<1024x256xf32>
    %reshape3A_37 = vector.shape_cast %max3A_36 : vector<1024x256xf32> to vector<16x64x256xf32>
    %reduce_max3A = arith.constant dense<0xFF800000> : vector<16x256xf32>
    %reduce_max3A_38 = vector.multi_reduction <maximumf>, %reshape3A_37, %reduce_max3A [1] : vector<16x64x256xf32> to vector<16x256xf32>
    %swap3A = arith.constant 0 : index
    %swap3A_39 = arith.constant 0 : index
    %swap3A_40 = arith.constant 0 : index
    %swap3A_41 = vector.load %arg8[%swap3A, %swap3A_39, %swap3A_40] : memref<1x16x256xf32, #tpu.memory_space<vmem>>, vector<1x16x256xf32>
    %swap3A_42 = vector.shape_cast %swap3A_41 : vector<1x16x256xf32> to vector<16x256xf32>
    %swap3A_43 = vector.shape_cast %reduce_max3A_38 : vector<16x256xf32> to vector<1x16x256xf32>
    tpu.vector_store %arg8[%swap3A, %swap3A_39, %swap3A_40], %swap3A_43 {strides = array<i32>} : memref<1x16x256xf32, #tpu.memory_space<vmem>>, vector<1x16x256xf32>,
    return
  }
  func.func @transform_0(%arg0: i32, %arg1: i32) -> (i32, i32, i32) {
    %c0_i32 = arith.constant 0 : i32
    %c0_i32_0 = arith.constant 0 : i32
    return %arg0, %arg1, %c0_i32 : i32, i32, i32
  }
  func.func @transform_1(%arg0: i32, %arg1: i32) -> (i32, i32, i32) {
    %c0_i32 = arith.constant 0 : i32
    %c0_i32_0 = arith.constant 0 : i32
    return %arg0, %arg1, %c0_i32 : i32, i32, i32
  }
  func.func @transform_2(%arg0: i32, %arg1: i32) -> (i32, i32) {
    %c0_i32 = arith.constant 0 : i32
    %c0_i32_0 = arith.constant 0 : i32
    %c0_i32_1 = arith.constant 0 : i32
    return %c0_i32, %c0_i32_0 : i32, i32
  }
  func.func @transform_3(%arg0: i32, %arg1: i32) -> (i32, i32) {
    %c0_i32 = arith.constant 0 : i32
    %c0_i32_0 = arith.constant 0 : i32
    %c0_i32_1 = arith.constant 0 : i32
    return %c0_i32, %c0_i32_0 : i32, i32
  }
  func.func @transform_4(%arg0: i32, %arg1: i32) -> (i32, i32) {
    %c0_i32 = arith.constant 0 : i32
    %c0_i32_0 = arith.constant 0 : i32
    %c0_i32_1 = arith.constant 0 : i32
    return %c0_i32, %c0_i32_0 : i32, i32
  }
  func.func @transform_5(%arg0: i32, %arg1: i32) -> (i32, i32) {
    %c0_i32 = arith.constant 0 : i32
    %c0_i32_0 = arith.constant 0 : i32
    %c0_i32_1 = arith.constant 0 : i32
    return %c0_i32, %c0_i32_0 : i32, i32
  }
  func.func @transform_6(%arg0: i32, %arg1: i32) -> (i32, i32, i32) {
    %c0_i32 = arith.constant 0 : i32
    %c0_i32_0 = arith.constant 0 : i32
    return %arg0, %arg1, %c0_i32 : i32, i32, i32
  }
}

module attributes {stable_mosaic.version = 14 : i64} {
  func.func @_mlp_body(%arg0: i32, %arg1: i32, %arg2: memref<1x1024x128xf32, #tpu.memory_space<vmem>>, %arg3: memref<1x8x128xf32, #tpu.memory_space<vmem>>, %arg4: memref<128x128xf32, #tpu.memory_space<vmem>>, %arg5: memref<1x128xf32, #tpu.memory_space<vmem>>, %arg6: memref<128x256xf32, #tpu.memory_space<vmem>>, %arg7: memref<1x256xf32, #tpu.memory_space<vmem>>, %arg8: memref<1x8x256xf32, #tpu.memory_space<vmem>>) attributes {dimension_semantics = [#tpu.dimension_semantics<arbitrary>, #tpu.dimension_semantics<arbitrary>], iteration_bounds = array<i64: 8, 16>, scalar_prefetch = 0 : i64, scratch_operands = 0 : i64, tpu.core_type = #tpu.core_type<tc>, window_params = [{transform_indices = @transform_0, window_bounds = array<i64: 1, 1024, 128>}, {transform_indices = @transform_1, window_bounds = array<i64: 1, 8, 128>}, {pipeline_mode = #tpu.pipeline_mode<synchronous>, transform_indices = @transform_2, window_bounds = array<i64: 128, 128>}, {pipeline_mode = #tpu.pipeline_mode<synchronous>, transform_indices = @transform_3, window_bounds = array<i64: 1, 128>}, {pipeline_mode = #tpu.pipeline_mode<synchronous>, transform_indices = @transform_4, window_bounds = array<i64: 128, 256>}, {pipeline_mode = #tpu.pipeline_mode<synchronous>, transform_indices = @transform_5, window_bounds = array<i64: 1, 256>}, {transform_indices = @transform_6, window_bounds = array<i64: 1, 8, 256>}]} {
    %get3A = arith.constant 0 : index
    %get3A_0 = arith.constant 0 : index
    %get3A_1 = arith.constant 0 : index
    %get3A_2 = vector.load %arg2[%get3A, %get3A_0, %get3A_1] : memref<1x1024x128xf32, #tpu.memory_space<vmem>>, vector<1x1024x128xf32>
    %get3A_3 = vector.shape_cast %get3A_2 : vector<1x1024x128xf32> to vector<1024x128xf32>
    %get3A_4 = arith.constant 0 : index
    %get3A_5 = arith.constant 0 : index
    %get3A_6 = arith.constant 0 : index
    %get3A_7 = vector.load %arg3[%get3A_4, %get3A_5, %get3A_6] : memref<1x8x128xf32, #tpu.memory_space<vmem>>, vector<1x8x128xf32>
    %get3A_8 = vector.shape_cast %get3A_7 : vector<1x8x128xf32> to vector<8x128xf32>
    %reshape3A = vector.shape_cast %get3A_8 : vector<8x128xf32> to vector<8x1x128xf32>
    %broadcast_in_dim3A = vector.shape_cast %reshape3A : vector<8x1x128xf32> to vector<8x1x128xf32>
    %broadcast_in_dim3A_9 = vector.broadcast %broadcast_in_dim3A : vector<8x1x128xf32> to vector<8x128x128xf32>
    %reshape3A_10 = vector.shape_cast %broadcast_in_dim3A_9 : vector<8x128x128xf32> to vector<1024x128xf32>
    %sub3A = arith.subf %get3A_3, %reshape3A_10 : vector<1024x128xf32>
    %max3A = arith.constant 0.000000e+00 : f32
    %max3A_11 = vector.broadcast %max3A : f32 to vector<1024x128xf32>
    %max3A_12 = arith.maximumf %sub3A, %max3A_11 : vector<1024x128xf32>
    %get3A_13 = arith.constant 0 : index
    %get3A_14 = arith.constant 0 : index
    %get3A_15 = vector.load %arg4[%get3A_13, %get3A_14] : memref<128x128xf32, #tpu.memory_space<vmem>>, vector<128x128xf32>
    %dot_general3A = arith.constant dense<0.000000e+00> : vector<1024x128xf32>
    %dot_general3A_16 = tpu.matmul %max3A_12, %get3A_15, %dot_general3A {dimension_numbers = #tpu.dot_dimension_numbers<[1], [0], [0], [1], [0, 0, 1, 1], [], []>, transpose_lhs_hint = false} : vector<1024x128xf32>, vector<128x128xf32>, vector<1024x128xf32> -> vector<1024x128xf32>
    %get3A_17 = arith.constant 0 : index
    %get3A_18 = arith.constant 0 : index
    %get3A_19 = vector.load %arg5[%get3A_17, %get3A_18] : memref<1x128xf32, #tpu.memory_space<vmem>>, vector<1x128xf32>
    %add3A = vector.broadcast %get3A_19 : vector<1x128xf32> to vector<1024x128xf32>
    %add3A_20 = arith.addf %dot_general3A_16, %add3A : vector<1024x128xf32>
    %max3A_21 = arith.constant 0.000000e+00 : f32
    %max3A_22 = vector.broadcast %max3A_21 : f32 to vector<1024x128xf32>
    %max3A_23 = arith.maximumf %add3A_20, %max3A_22 : vector<1024x128xf32>
    %get3A_24 = arith.constant 0 : index
    %get3A_25 = arith.constant 0 : index
    %get3A_26 = vector.load %arg6[%get3A_24, %get3A_25] : memref<128x256xf32, #tpu.memory_space<vmem>>, vector<128x256xf32>
    %dot_general3A_27 = arith.constant dense<0.000000e+00> : vector<1024x256xf32>
    %dot_general3A_28 = tpu.matmul %max3A_23, %get3A_26, %dot_general3A_27 {dimension_numbers = #tpu.dot_dimension_numbers<[1], [0], [0], [1], [0, 0, 1, 1], [], []>, transpose_lhs_hint = false} : vector<1024x128xf32>, vector<128x256xf32>, vector<1024x256xf32> -> vector<1024x256xf32>
    %get3A_29 = arith.constant 0 : index
    %get3A_30 = arith.constant 0 : index
    %get3A_31 = vector.load %arg7[%get3A_29, %get3A_30] : memref<1x256xf32, #tpu.memory_space<vmem>>, vector<1x256xf32>
    %add3A_32 = vector.broadcast %get3A_31 : vector<1x256xf32> to vector<1024x256xf32>
    %add3A_33 = arith.addf %dot_general3A_28, %add3A_32 : vector<1024x256xf32>
    %max3A_34 = arith.constant 0.000000e+00 : f32
    %max3A_35 = vector.broadcast %max3A_34 : f32 to vector<1024x256xf32>
    %max3A_36 = arith.maximumf %add3A_33, %max3A_35 : vector<1024x256xf32>
    %reshape3A_37 = vector.shape_cast %max3A_36 : vector<1024x256xf32> to vector<8x128x256xf32>
    %reduce_max3A = arith.constant dense<0xFF800000> : vector<8x256xf32>
    %reduce_max3A_38 = vector.multi_reduction <maximumf>, %reshape3A_37, %reduce_max3A [1] : vector<8x128x256xf32> to vector<8x256xf32>
    %swap3A = arith.constant 0 : index
    %swap3A_39 = arith.constant 0 : index
    %swap3A_40 = arith.constant 0 : index
    %swap3A_41 = vector.load %arg8[%swap3A, %swap3A_39, %swap3A_40] : memref<1x8x256xf32, #tpu.memory_space<vmem>>, vector<1x8x256xf32>
    %swap3A_42 = vector.shape_cast %swap3A_41 : vector<1x8x256xf32> to vector<8x256xf32>
    %swap3A_43 = vector.shape_cast %reduce_max3A_38 : vector<8x256xf32> to vector<1x8x256xf32>
    tpu.vector_store %arg8[%swap3A, %swap3A_39, %swap3A_40], %swap3A_43 {strides = array<i32>} : memref<1x8x256xf32, #tpu.memory_space<vmem>>, vector<1x8x256xf32>,
    return
  }
  func.func @transform_0(%arg0: i32, %arg1: i32) -> (i32, i32, i32) {
    %c0_i32 = arith.constant 0 : i32
    %c0_i32_0 = arith.constant 0 : i32
    return %arg0, %arg1, %c0_i32 : i32, i32, i32
  }
  func.func @transform_1(%arg0: i32, %arg1: i32) -> (i32, i32, i32) {
    %c0_i32 = arith.constant 0 : i32
    %c0_i32_0 = arith.constant 0 : i32
    return %arg0, %arg1, %c0_i32 : i32, i32, i32
  }
  func.func @transform_2(%arg0: i32, %arg1: i32) -> (i32, i32) {
    %c0_i32 = arith.constant 0 : i32
    %c0_i32_0 = arith.constant 0 : i32
    %c0_i32_1 = arith.constant 0 : i32
    return %c0_i32, %c0_i32_0 : i32, i32
  }
  func.func @transform_3(%arg0: i32, %arg1: i32) -> (i32, i32) {
    %c0_i32 = arith.constant 0 : i32
    %c0_i32_0 = arith.constant 0 : i32
    %c0_i32_1 = arith.constant 0 : i32
    return %c0_i32, %c0_i32_0 : i32, i32
  }
  func.func @transform_4(%arg0: i32, %arg1: i32) -> (i32, i32) {
    %c0_i32 = arith.constant 0 : i32
    %c0_i32_0 = arith.constant 0 : i32
    %c0_i32_1 = arith.constant 0 : i32
    return %c0_i32, %c0_i32_0 : i32, i32
  }
  func.func @transform_5(%arg0: i32, %arg1: i32) -> (i32, i32) {
    %c0_i32 = arith.constant 0 : i32
    %c0_i32_0 = arith.constant 0 : i32
    %c0_i32_1 = arith.constant 0 : i32
    return %c0_i32, %c0_i32_0 : i32, i32
  }
  func.func @transform_6(%arg0: i32, %arg1: i32) -> (i32, i32, i32) {
    %c0_i32 = arith.constant 0 : i32
    %c0_i32_0 = arith.constant 0 : i32
    return %arg0, %arg1, %c0_i32 : i32, i32, i32
  }
}

module attributes {stable_mosaic.version = 14 : i64} {
  func.func @_sa3_body(%arg0: i32, %arg1: memref<1x128x648xf32, #tpu.memory_space<vmem>>, %arg2: memref<648x256xf32, #tpu.memory_space<vmem>>, %arg3: memref<1x256xf32, #tpu.memory_space<vmem>>, %arg4: memref<256x512xf32, #tpu.memory_space<vmem>>, %arg5: memref<1x512xf32, #tpu.memory_space<vmem>>, %arg6: memref<512x1024xf32, #tpu.memory_space<vmem>>, %arg7: memref<1x1024xf32, #tpu.memory_space<vmem>>, %arg8: memref<1x1x1024xf32, #tpu.memory_space<vmem>>) attributes {dimension_semantics = [#tpu.dimension_semantics<arbitrary>], iteration_bounds = array<i64: 8>, scalar_prefetch = 0 : i64, scratch_operands = 0 : i64, tpu.core_type = #tpu.core_type<tc>, window_params = [{transform_indices = @transform_0, window_bounds = array<i64: 1, 128, 648>}, {pipeline_mode = #tpu.pipeline_mode<synchronous>, transform_indices = @transform_1, window_bounds = array<i64: 648, 256>}, {pipeline_mode = #tpu.pipeline_mode<synchronous>, transform_indices = @transform_2, window_bounds = array<i64: 1, 256>}, {pipeline_mode = #tpu.pipeline_mode<synchronous>, transform_indices = @transform_3, window_bounds = array<i64: 256, 512>}, {pipeline_mode = #tpu.pipeline_mode<synchronous>, transform_indices = @transform_4, window_bounds = array<i64: 1, 512>}, {pipeline_mode = #tpu.pipeline_mode<synchronous>, transform_indices = @transform_5, window_bounds = array<i64: 512, 1024>}, {pipeline_mode = #tpu.pipeline_mode<synchronous>, transform_indices = @transform_6, window_bounds = array<i64: 1, 1024>}, {transform_indices = @transform_7, window_bounds = array<i64: 1, 1, 1024>}]} {
    %get3A = arith.constant 0 : index
    %get3A_0 = arith.constant 0 : index
    %get3A_1 = arith.constant 0 : index
    %get3A_2 = vector.load %arg1[%get3A, %get3A_0, %get3A_1] : memref<1x128x648xf32, #tpu.memory_space<vmem>>, vector<1x128x648xf32>
    %get3A_3 = vector.shape_cast %get3A_2 : vector<1x128x648xf32> to vector<128x648xf32>
    %get3A_4 = arith.constant 0 : index
    %get3A_5 = arith.constant 0 : index
    %get3A_6 = vector.load %arg2[%get3A_4, %get3A_5] : memref<648x256xf32, #tpu.memory_space<vmem>>, vector<648x256xf32>
    %dot_general3A = arith.constant dense<0.000000e+00> : vector<128x256xf32>
    %dot_general3A_7 = tpu.matmul %get3A_3, %get3A_6, %dot_general3A {dimension_numbers = #tpu.dot_dimension_numbers<[1], [0], [0], [1], [0, 0, 1, 1], [], []>, transpose_lhs_hint = false} : vector<128x648xf32>, vector<648x256xf32>, vector<128x256xf32> -> vector<128x256xf32>
    %get3A_8 = arith.constant 0 : index
    %get3A_9 = arith.constant 0 : index
    %get3A_10 = vector.load %arg3[%get3A_8, %get3A_9] : memref<1x256xf32, #tpu.memory_space<vmem>>, vector<1x256xf32>
    %add3A = vector.broadcast %get3A_10 : vector<1x256xf32> to vector<128x256xf32>
    %add3A_11 = arith.addf %dot_general3A_7, %add3A : vector<128x256xf32>
    %max3A = arith.constant 0.000000e+00 : f32
    %max3A_12 = vector.broadcast %max3A : f32 to vector<128x256xf32>
    %max3A_13 = arith.maximumf %add3A_11, %max3A_12 : vector<128x256xf32>
    %get3A_14 = arith.constant 0 : index
    %get3A_15 = arith.constant 0 : index
    %get3A_16 = vector.load %arg4[%get3A_14, %get3A_15] : memref<256x512xf32, #tpu.memory_space<vmem>>, vector<256x512xf32>
    %dot_general3A_17 = arith.constant dense<0.000000e+00> : vector<128x512xf32>
    %dot_general3A_18 = tpu.matmul %max3A_13, %get3A_16, %dot_general3A_17 {dimension_numbers = #tpu.dot_dimension_numbers<[1], [0], [0], [1], [0, 0, 1, 1], [], []>, transpose_lhs_hint = false} : vector<128x256xf32>, vector<256x512xf32>, vector<128x512xf32> -> vector<128x512xf32>
    %get3A_19 = arith.constant 0 : index
    %get3A_20 = arith.constant 0 : index
    %get3A_21 = vector.load %arg5[%get3A_19, %get3A_20] : memref<1x512xf32, #tpu.memory_space<vmem>>, vector<1x512xf32>
    %add3A_22 = vector.broadcast %get3A_21 : vector<1x512xf32> to vector<128x512xf32>
    %add3A_23 = arith.addf %dot_general3A_18, %add3A_22 : vector<128x512xf32>
    %max3A_24 = arith.constant 0.000000e+00 : f32
    %max3A_25 = vector.broadcast %max3A_24 : f32 to vector<128x512xf32>
    %max3A_26 = arith.maximumf %add3A_23, %max3A_25 : vector<128x512xf32>
    %get3A_27 = arith.constant 0 : index
    %get3A_28 = arith.constant 0 : index
    %get3A_29 = vector.load %arg6[%get3A_27, %get3A_28] : memref<512x1024xf32, #tpu.memory_space<vmem>>, vector<512x1024xf32>
    %dot_general3A_30 = arith.constant dense<0.000000e+00> : vector<128x1024xf32>
    %dot_general3A_31 = tpu.matmul %max3A_26, %get3A_29, %dot_general3A_30 {dimension_numbers = #tpu.dot_dimension_numbers<[1], [0], [0], [1], [0, 0, 1, 1], [], []>, transpose_lhs_hint = false} : vector<128x512xf32>, vector<512x1024xf32>, vector<128x1024xf32> -> vector<128x1024xf32>
    %get3A_32 = arith.constant 0 : index
    %get3A_33 = arith.constant 0 : index
    %get3A_34 = vector.load %arg7[%get3A_32, %get3A_33] : memref<1x1024xf32, #tpu.memory_space<vmem>>, vector<1x1024xf32>
    %add3A_35 = vector.broadcast %get3A_34 : vector<1x1024xf32> to vector<128x1024xf32>
    %add3A_36 = arith.addf %dot_general3A_31, %add3A_35 : vector<128x1024xf32>
    %max3A_37 = arith.constant 0.000000e+00 : f32
    %max3A_38 = vector.broadcast %max3A_37 : f32 to vector<128x1024xf32>
    %max3A_39 = arith.maximumf %add3A_36, %max3A_38 : vector<128x1024xf32>
    %reduce_max3A = arith.constant dense<0xFF800000> : vector<1024xf32>
    %reduce_max3A_40 = vector.multi_reduction <maximumf>, %max3A_39, %reduce_max3A [0] : vector<128x1024xf32> to vector<1024xf32>
    %broadcast_in_dim3A = vector.shape_cast %reduce_max3A_40 : vector<1024xf32> to vector<1x1024xf32>
    %swap3A = arith.constant 0 : index
    %swap3A_41 = arith.constant 0 : index
    %swap3A_42 = arith.constant 0 : index
    %swap3A_43 = vector.load %arg8[%swap3A, %swap3A_41, %swap3A_42] : memref<1x1x1024xf32, #tpu.memory_space<vmem>>, vector<1x1x1024xf32>
    %swap3A_44 = vector.shape_cast %swap3A_43 : vector<1x1x1024xf32> to vector<1x1024xf32>
    %swap3A_45 = vector.shape_cast %broadcast_in_dim3A : vector<1x1024xf32> to vector<1x1x1024xf32>
    tpu.vector_store %arg8[%swap3A, %swap3A_41, %swap3A_42], %swap3A_45 {strides = array<i32>} : memref<1x1x1024xf32, #tpu.memory_space<vmem>>, vector<1x1x1024xf32>,
    return
  }
  func.func @transform_0(%arg0: i32) -> (i32, i32, i32) {
    %c0_i32 = arith.constant 0 : i32
    %c0_i32_0 = arith.constant 0 : i32
    %c0_i32_1 = arith.constant 0 : i32
    return %arg0, %c0_i32, %c0_i32_0 : i32, i32, i32
  }
  func.func @transform_1(%arg0: i32) -> (i32, i32) {
    %c0_i32 = arith.constant 0 : i32
    %c0_i32_0 = arith.constant 0 : i32
    %c0_i32_1 = arith.constant 0 : i32
    return %c0_i32, %c0_i32_0 : i32, i32
  }
  func.func @transform_2(%arg0: i32) -> (i32, i32) {
    %c0_i32 = arith.constant 0 : i32
    %c0_i32_0 = arith.constant 0 : i32
    %c0_i32_1 = arith.constant 0 : i32
    return %c0_i32, %c0_i32_0 : i32, i32
  }
  func.func @transform_3(%arg0: i32) -> (i32, i32) {
    %c0_i32 = arith.constant 0 : i32
    %c0_i32_0 = arith.constant 0 : i32
    %c0_i32_1 = arith.constant 0 : i32
    return %c0_i32, %c0_i32_0 : i32, i32
  }
  func.func @transform_4(%arg0: i32) -> (i32, i32) {
    %c0_i32 = arith.constant 0 : i32
    %c0_i32_0 = arith.constant 0 : i32
    %c0_i32_1 = arith.constant 0 : i32
    return %c0_i32, %c0_i32_0 : i32, i32
  }
  func.func @transform_5(%arg0: i32) -> (i32, i32) {
    %c0_i32 = arith.constant 0 : i32
    %c0_i32_0 = arith.constant 0 : i32
    %c0_i32_1 = arith.constant 0 : i32
    return %c0_i32, %c0_i32_0 : i32, i32
  }
  func.func @transform_6(%arg0: i32) -> (i32, i32) {
    %c0_i32 = arith.constant 0 : i32
    %c0_i32_0 = arith.constant 0 : i32
    %c0_i32_1 = arith.constant 0 : i32
    return %c0_i32, %c0_i32_0 : i32, i32
  }
  func.func @transform_7(%arg0: i32) -> (i32, i32, i32) {
    %c0_i32 = arith.constant 0 : i32
    %c0_i32_0 = arith.constant 0 : i32
    %c0_i32_1 = arith.constant 0 : i32
    return %arg0, %c0_i32, %c0_i32_0 : i32, i32, i32
  }
}

module attributes {stable_mosaic.version = 14 : i64} {
  func.func @_fc_body(%arg0: memref<8x1024xf32, #tpu.memory_space<vmem>>, %arg1: memref<1024x512xf32, #tpu.memory_space<vmem>>, %arg2: memref<1x512xf32, #tpu.memory_space<vmem>>, %arg3: memref<512x256xf32, #tpu.memory_space<vmem>>, %arg4: memref<1x256xf32, #tpu.memory_space<vmem>>, %arg5: memref<256x9xf32, #tpu.memory_space<vmem>>, %arg6: memref<1x9xf32, #tpu.memory_space<vmem>>, %arg7: memref<256x6xf32, #tpu.memory_space<vmem>>, %arg8: memref<1x6xf32, #tpu.memory_space<vmem>>, %arg9: memref<8x9xf32, #tpu.memory_space<vmem>>, %arg10: memref<8x9xf32, #tpu.memory_space<vmem>>) attributes {dimension_semantics = [], scalar_prefetch = 0 : i64, scratch_operands = 0 : i64, tpu.core_type = #tpu.core_type<tc>} {
    %get3A = arith.constant 0 : index
    %get3A_0 = arith.constant 0 : index
    %get3A_1 = vector.load %arg0[%get3A, %get3A_0] : memref<8x1024xf32, #tpu.memory_space<vmem>>, vector<8x1024xf32>
    %get3A_2 = arith.constant 0 : index
    %get3A_3 = arith.constant 0 : index
    %get3A_4 = vector.load %arg1[%get3A_2, %get3A_3] : memref<1024x512xf32, #tpu.memory_space<vmem>>, vector<1024x512xf32>
    %dot_general3A = arith.constant dense<0.000000e+00> : vector<8x512xf32>
    %dot_general3A_5 = tpu.matmul %get3A_1, %get3A_4, %dot_general3A {dimension_numbers = #tpu.dot_dimension_numbers<[1], [0], [0], [1], [0, 0, 1, 1], [], []>, transpose_lhs_hint = false} : vector<8x1024xf32>, vector<1024x512xf32>, vector<8x512xf32> -> vector<8x512xf32>
    %get3A_6 = arith.constant 0 : index
    %get3A_7 = arith.constant 0 : index
    %get3A_8 = vector.load %arg2[%get3A_6, %get3A_7] : memref<1x512xf32, #tpu.memory_space<vmem>>, vector<1x512xf32>
    %add3A = vector.broadcast %get3A_8 : vector<1x512xf32> to vector<8x512xf32>
    %add3A_9 = arith.addf %dot_general3A_5, %add3A : vector<8x512xf32>
    %max3A = arith.constant 0.000000e+00 : f32
    %max3A_10 = vector.broadcast %max3A : f32 to vector<8x512xf32>
    %max3A_11 = arith.maximumf %add3A_9, %max3A_10 : vector<8x512xf32>
    %get3A_12 = arith.constant 0 : index
    %get3A_13 = arith.constant 0 : index
    %get3A_14 = vector.load %arg3[%get3A_12, %get3A_13] : memref<512x256xf32, #tpu.memory_space<vmem>>, vector<512x256xf32>
    %dot_general3A_15 = arith.constant dense<0.000000e+00> : vector<8x256xf32>
    %dot_general3A_16 = tpu.matmul %max3A_11, %get3A_14, %dot_general3A_15 {dimension_numbers = #tpu.dot_dimension_numbers<[1], [0], [0], [1], [0, 0, 1, 1], [], []>, transpose_lhs_hint = false} : vector<8x512xf32>, vector<512x256xf32>, vector<8x256xf32> -> vector<8x256xf32>
    %get3A_17 = arith.constant 0 : index
    %get3A_18 = arith.constant 0 : index
    %get3A_19 = vector.load %arg4[%get3A_17, %get3A_18] : memref<1x256xf32, #tpu.memory_space<vmem>>, vector<1x256xf32>
    %add3A_20 = vector.broadcast %get3A_19 : vector<1x256xf32> to vector<8x256xf32>
    %add3A_21 = arith.addf %dot_general3A_16, %add3A_20 : vector<8x256xf32>
    %max3A_22 = arith.constant 0.000000e+00 : f32
    %max3A_23 = vector.broadcast %max3A_22 : f32 to vector<8x256xf32>
    %max3A_24 = arith.maximumf %add3A_21, %max3A_23 : vector<8x256xf32>
    %get3A_25 = arith.constant 0 : index
    %get3A_26 = arith.constant 0 : index
    %get3A_27 = vector.load %arg5[%get3A_25, %get3A_26] : memref<256x9xf32, #tpu.memory_space<vmem>>, vector<256x9xf32>
    %dot_general3A_28 = arith.constant dense<0.000000e+00> : vector<8x9xf32>
    %dot_general3A_29 = tpu.matmul %max3A_24, %get3A_27, %dot_general3A_28 {dimension_numbers = #tpu.dot_dimension_numbers<[1], [0], [0], [1], [0, 0, 1, 1], [], []>, transpose_lhs_hint = false} : vector<8x256xf32>, vector<256x9xf32>, vector<8x9xf32> -> vector<8x9xf32>
    %get3A_30 = arith.constant 0 : index
    %get3A_31 = arith.constant 0 : index
    %get3A_32 = vector.load %arg6[%get3A_30, %get3A_31] : memref<1x9xf32, #tpu.memory_space<vmem>>, vector<1x9xf32>
    %add3A_33 = vector.broadcast %get3A_32 : vector<1x9xf32> to vector<8x9xf32>
    %add3A_34 = arith.addf %dot_general3A_29, %add3A_33 : vector<8x9xf32>
    %swap3A = arith.constant 0 : index
    %swap3A_35 = arith.constant 0 : index
    %swap3A_36 = vector.load %arg9[%swap3A, %swap3A_35] : memref<8x9xf32, #tpu.memory_space<vmem>>, vector<8x9xf32>
    tpu.vector_store %arg9[%swap3A, %swap3A_35], %add3A_34 {strides = array<i32>} : memref<8x9xf32, #tpu.memory_space<vmem>>, vector<8x9xf32>,
    %get3A_37 = arith.constant 0 : index
    %get3A_38 = arith.constant 0 : index
    %get3A_39 = vector.load %arg7[%get3A_37, %get3A_38] : memref<256x6xf32, #tpu.memory_space<vmem>>, vector<256x6xf32>
    %dot_general3A_40 = arith.constant dense<0.000000e+00> : vector<8x6xf32>
    %dot_general3A_41 = tpu.matmul %max3A_24, %get3A_39, %dot_general3A_40 {dimension_numbers = #tpu.dot_dimension_numbers<[1], [0], [0], [1], [0, 0, 1, 1], [], []>, transpose_lhs_hint = false} : vector<8x256xf32>, vector<256x6xf32>, vector<8x6xf32> -> vector<8x6xf32>
    %get3A_42 = arith.constant 0 : index
    %get3A_43 = arith.constant 0 : index
    %get3A_44 = vector.load %arg8[%get3A_42, %get3A_43] : memref<1x6xf32, #tpu.memory_space<vmem>>, vector<1x6xf32>
    %add3A_45 = vector.broadcast %get3A_44 : vector<1x6xf32> to vector<8x6xf32>
    %add3A_46 = arith.addf %dot_general3A_41, %add3A_45 : vector<8x6xf32>
    %neg3A = arith.constant 0.000000e+00 : f32
    %neg3A_47 = vector.broadcast %neg3A : f32 to vector<8x6xf32>
    %neg3A_48 = arith.subf %neg3A_47, %add3A_46 : vector<8x6xf32>
    %exp3A = math.exp %neg3A_48 : vector<8x6xf32>
    %add3A_49 = arith.constant 1.000000e+00 : f32
    %add3A_50 = vector.broadcast %add3A_49 : f32 to vector<8x6xf32>
    %add3A_51 = arith.addf %add3A_50, %exp3A : vector<8x6xf32>
    %div3A = arith.constant 1.000000e+00 : f32
    %div3A_52 = vector.broadcast %div3A : f32 to vector<8x6xf32>
    %div3A_53 = arith.divf %div3A_52, %add3A_51 : vector<8x6xf32>
    %mul3A = arith.constant 6.28318548 : f32
    %mul3A_54 = vector.broadcast %mul3A : f32 to vector<8x6xf32>
    %mul3A_55 = arith.mulf %div3A_53, %mul3A_54 : vector<8x6xf32>
    %slice3A = vector.extract_strided_slice %mul3A_55 {offsets = [0, 0], sizes = [8, 3], strides = [1, 1]} : vector<8x6xf32> to vector<8x3xf32>
    %slice3A_56 = vector.extract_strided_slice %mul3A_55 {offsets = [0, 3], sizes = [8, 3], strides = [1, 1]} : vector<8x6xf32> to vector<8x3xf32>
    %sin3A = math.sin %slice3A : vector<8x3xf32>
    %cos3A = math.cos %slice3A : vector<8x3xf32>
    %sin3A_57 = math.sin %slice3A_56 : vector<8x3xf32>
    %cos3A_58 = math.cos %slice3A_56 : vector<8x3xf32>
    %mul3A_59 = arith.mulf %sin3A, %cos3A_58 : vector<8x3xf32>
    %mul3A_60 = arith.mulf %sin3A, %sin3A_57 : vector<8x3xf32>
    %concatenate3A = tpu.concatenate %mul3A_59, %mul3A_60, %cos3A in 1 : vector<8x3xf32>, vector<8x3xf32>, vector<8x3xf32> -> vector<8x9xf32>
    %swap3A_61 = arith.constant 0 : index
    %swap3A_62 = arith.constant 0 : index
    %swap3A_63 = vector.load %arg10[%swap3A_61, %swap3A_62] : memref<8x9xf32, #tpu.memory_space<vmem>>, vector<8x9xf32>
    tpu.vector_store %arg10[%swap3A_61, %swap3A_62], %concatenate3A {strides = array<i32>} : memref<8x9xf32, #tpu.memory_space<vmem>>, vector<8x9xf32>,
    return
  }
}

</mosaic_0001>

<sc_bundles>
// kernel: kernel.22.cloned.1.call-start
scs
__scs_entry_jumppad:
0x0: {  	(pc) =	sbr.rel $0x88, $3  }
0x1: {  	(tag) =	ssettag $0x0;
	lr =	simm.s32 $0x1  }
0x2: {  	[smem:$0x3F12] =	sst lr;
	_ =	strace $0xD0000000  }
0x3: {  	_ = 	snop  }
0x4: {  	_ = 	snop  }
0x5: {  	_ = 	snop  }
0x6: {  	_ = 	snop  }
0x7: {  	_ = 	snop  }
__scs_overlays_trampoline_lowered:
0x8: {  	[smem:$0x3F21] =	sst s0  }
0x9: {  	[smem:$0x3F22] =	sst s1  }
0xa: {  	[smem:$0x3F23] =	sst s2  }
0xb: {  	[smem:$0x3F24] =	sst s3  }
0xc: {  	[smem:$0x3F25] =	sst s4  }
0xd: {  	[smem:$0x3F26] =	sst s5  }
0xe: {  	[smem:$0x3F27] =	sst s6  }
0xf: {  	[smem:$0x3F28] =	sst s7  }
0x10: {  	[smem:$0x3F29] =	sst s8  }
0x11: {  	[smem:$0x3F2A] =	sst s9;
	s0 =	simm.s32 @!p0 $0x0  }
0x12: {  	s1 =	sld [smem:$0x3F10];
	s0 =	simm.s32 @p0 $0x1  }
0x13: {  	[smem:$0x3F2B] =	sst s0;
	s0 =	simm.s32 @!p1 $0x0  }
0x14: {  	s2 =	sld [smem:$0x3F0F];
	s0 =	simm.s32 @p1 $0x1  }
0x15: {  	[smem:$0x3F2C] =	sst s0;
	s0 =	simm.s32 @!p2 $0x0  }
0x16: {  	s3 =	sld [smem:$0x3FDB];
	s0 =	simm.s32 @p2 $0x1  }
0x17: {  	s4 =	simm.s32 $0x1BF5;
	[smem:$0x3F2E] =	sst s0  }
0x18: {  	s0 =	sld [smem:$0x3F11];
	_ =	swait.ge [sflag:s4], $0x0  }
0x19: {  	s7 =	sld [smem:$0x3F12]  }
0x1a: {  	s8 =	sadd.s32 $0xFFFFE003, lr  }
0x1b: {  	s9 =	sadd.s32 $0xFFFFFEF7, lr;
	s5 =	simm.s32 $0xFFFFFFFF;
	p2 =	slt.u32 s8, $0xFFFFF086  }
0x1c: {  	p1 =	slt.u32 s9, $0xF7A;
	s5 =	simm.s32 @!p2 $0x0  }
0x1d: {  	s5 =	simm.s32 @p1 $0x1;
	p0 =	seq.s32 s7, s2  }
0x1e: {  	s7 =	smul.u32 @!p0 $0xF7A, s2;
	p2 =	seq.s32 @!p0 s5, $0x0  }
0x1f: {  	s9 =	smul.u32 $0xF7A, s1;
	s8 =	simm.s32 @!p0 $0x1BF5;
	p2 =	por !p2, p0  }
0x20: {  	[sflag:s8] =	ssyncset.s32 @!p0 $0xFFFFF086;
	s6 =	sadd.s32 @!p0 s3, s7;
	s7 =	simm.s32 @!p0 $0x108  }
0x21: {  	s3 =	sadd.s32 s3, s9;
	s6 =	sadd.s32 @!p0 $0x88, s6;
	s7 =	simm.s32 @p2 $0x1082  }
0x22: {  	[simem:s7], [sflag:s8] =	dma.local @!p0 [hbm:s6], $0xF7A  }
0x23: {  	s9 =	sor.u32 $0xD0000000, s2;
	s6 =	simm.s32 $0x108;
	_ =	swait.ge @!p0 [sflag:s8], $0x0  }
0x24: {  	s3 =	sadd.s32 $0x88, s3;
	s6 =	simm.s32 @!p1 $0x1082;
	[sflag:s4] =	ssyncset.s32 $0xFFFFF086  }
0x25: {  	[simem:s6], [sflag:s4] =	dma.local [hbm:s3], $0xF7A  }
0x26: {  	[smem:$0x3F12] =	sst s1;
	(tag) =	ssettag s2;
	_ =	strace s9  }
0x27: {  	s1 =	sld [smem:$0x3F22]  }
0x28: {  	s2 =	sld [smem:$0x3F23]  }
0x29: {  	s4 =	sld [smem:$0x3F25]  }
0x2a: {  	p0 =	seq.s32 s5, $0x0;
	s5 =	sld [smem:$0x3F26]  }
0x2b: {  	s6 =	sld [smem:$0x3F27]  }
0x2c: {  	s7 =	sld [smem:$0x3F28]  }
0x2d: {  	s3 =	simm.s32 $0x108;
	s8 =	sld [smem:$0x3F29]  }
0x2e: {  	s3 =	simm.s32 @!p0 $0x1082;
	s9 =	sld [smem:$0x3F2A]  }
0x2f: {  	lr =	sadd.s32 s0, s3;
	s0 =	sld [smem:$0x3F21]  }
0x30: {  	s3 =	sld [smem:$0x3F24]  }
0x31: {  	[smem:$0x3F2D] =	sst s10  }
0x32: {  	s10 =	sld [smem:$0x3F2B];
	_ =	sdelay $0x3  }
0x33: {  	p0 =	seq.s32 s10, $0x1;
	s10 =	sld [smem:$0x3F2D];
	_ =	sdelay $0x3  }
0x34: {  	[smem:$0x3F2D] =	sst s10  }
0x35: {  	s10 =	sld [smem:$0x3F2C];
	_ =	sdelay $0x3  }
0x36: {  	p1 =	seq.s32 s10, $0x1;
	s10 =	sld [smem:$0x3F2D];
	_ =	sdelay $0x3  }
0x37: {  	[smem:$0x3F2D] =	sst s10  }
0x38: {  	s10 =	sld [smem:$0x3F2E]  }
0x39: {  	_ = 	snop;
	(pc) =	sbr.ind lr, $3  }
0x3a: {  	_ = 	snop  }
0x3b: {  	_ = 	snop  }
0x3c: {  	p2 =	seq.s32 s10, $0x1;
	s10 =	sld [smem:$0x3F2D]  }
0x3d: {  	_ =	shalt  }
0x3e: {  	_ =	shalt  }
0x3f: {  	_ =	shalt  }
0x40: {  	_ =	shalt  }
0x41: {  	_ =	shalt  }
0x42: {  	_ =	shalt  }
0x43: {  	_ =	shalt  }
0x44: {  	_ =	shalt  }
0x45: {  	_ =	shalt  }
0x46: {  	_ =	shalt  }
0x47: {  	_ =	shalt  }
0x48: {  	_ =	shalt  }
0x49: {  	_ =	shalt  }
0x4a: {  	_ =	shalt  }
0x4b: {  	_ =	shalt  }
0x4c: {  	_ =	shalt  }
0x4d: {  	_ =	shalt  }
0x4e: {  	_ =	shalt  }
0x4f: {  	_ =	shalt  }
0x50: {  	_ =	shalt  }
0x51: {  	_ =	shalt  }
0x52: {  	_ =	shalt  }
0x53: {  	_ =	shalt  }
0x54: {  	_ =	shalt  }
0x55: {  	_ =	shalt  }
0x56: {  	_ =	shalt  }
0x57: {  	_ =	shalt  }
0x58: {  	_ =	shalt  }
0x59: {  	_ =	shalt  }
0x5a: {  	_ =	shalt  }
0x5b: {  	_ =	shalt  }
0x5c: {  	_ =	shalt  }
0x5d: {  	_ =	shalt  }
0x5e: {  	_ =	shalt  }
0x5f: {  	_ =	shalt  }
0x60: {  	_ =	shalt  }
0x61: {  	_ =	shalt  }
0x62: {  	_ =	shalt  }
0x63: {  	_ =	shalt  }
0x64: {  	_ =	shalt  }
0x65: {  	_ =	shalt  }
0x66: {  	_ =	shalt  }
0x67: {  	_ =	shalt  }
0x68: {  	_ =	shalt  }
0x69: {  	_ =	shalt  }
0x6a: {  	_ =	shalt  }
0x6b: {  	_ =	shalt  }
0x6c: {  	_ =	shalt  }
0x6d: {  	_ =	shalt  }
0x6e: {  	_ =	shalt  }
0x6f: {  	_ =	shalt  }
0x70: {  	_ =	shalt  }
0x71: {  	_ =	shalt  }
0x72: {  	_ =	shalt  }
0x73: {  	_ =	shalt  }
0x74: {  	_ =	shalt  }
0x75: {  	_ =	shalt  }
0x76: {  	_ =	shalt  }
0x77: {  	_ =	shalt  }
0x78: {  	_ =	shalt  }
0x79: {  	_ =	shalt  }
0x7a: {  	_ =	shalt  }
0x7b: {  	_ =	shalt  }
0x7c: {  	_ =	shalt  }
0x7d: {  	_ =	shalt  }
0x7e: {  	_ =	shalt  }
0x7f: {  	_ =	shalt  }
0x80: {  	_ =	shalt  }
0x81: {  	_ =	shalt  }
0x82: {  	_ =	shalt  }
0x83: {  	_ =	shalt  }
0x84: {  	_ =	shalt  }
0x85: {  	_ =	shalt  }
0x86: {  	_ =	shalt  }
0x87: {  	_ =	shalt  }
.Lfunc_end0:
.L_simem_size_0:
called_computation_lowered:
.L_overlay_start_0:
0x88: {  	s2 =	sld [smem:$0x3FD9]  }
0x89: {  	s3 =	sld [smem:$0x3FFE];
	_ =	sdelay $0x1  }
0x8a: {  	s1 =	srdreg.scid  }
0x8b: {  	s0 =	sand.u32 $0x1, s1  }
0x8c: {  	s16 =	sshll.u32 s0, $0xA;
	s2 =	sadd.s32 s3, s2  }
0x8d: {  	s2 =	sadd.s32 s2, s16  }
0x8e: {  	[smem:$0x3F39] =	sst s2  }
0x8f: {  	_ = 	snop  }
0x90: {  	(tm) =	ssettm $0x1  }
0x91: {  	s17 =	sld [smem:$0x3FFB];
	_ =	sdelay $0x3  }
0x92: {  	_ =	strace s17  }
0x93: {  	s2 =	sld [smem:$0x3FFC];
	_ =	sdelay $0x3  }
0x94: {  	_ =	strace s2  }
0x95: {  	s2 =	sld [smem:$0x3FFD];
	_ =	sdelay $0x3  }
0x96: {  	_ =	strace s2  }
0x97: {  	_ =	strace $0x8FFFFFFF  }
0x98: {  	s18 =	sld [smem:$0x3FDB];
	_ =	sdelay $0x1  }
0x99: {  	s19 =	simm.s32 $_scs_section_size  }
0x9a: {  	s4 =	simm.s32 $_size__tile_overlayer_lowered;
	s5 =	simm.s32 $_tile_overlayer_lowered  }
0x9b: {  	s22 =	simm.s32 $0x1BFF;
	s21 =	sshll.u32 s5, $0x1;
	s2 =	sadd.s32 s19, s18  }
0x9c: {  	s6 =	simm.s32 $0x0;
	s20 =	sshll.u32 s4, $0x1;
	s4 =	sadd.s32 s21, s2  }
0x9d: {  	[timem:s6], [sflag:s22] =	dma.local [hbm:s4], s20  }
0x9e: {  	_ =	swait.ge [sflag:s22], s20  }
0x9f: {  	s3 =	ssub.s32 $0x0, s20;
	[sflag:s22] =	ssyncset.done $0x0  }
0xa0: {  	[sflag:s22] =	ssyncadd.s32 s3;
	_ =	sdelay $0x1  }
0xa1: {  	s23 =	simm.s32 $0x1B8B  }
0xa2: {  	_ =	swait.ge [sflag:s23], $0x1  }
0xa3: {  	[sflag:s23] =	ssyncset.done $0x0  }
0xa4: {  	s25 =	simm.s32 $0x1B8E;
	s24 =	sld [smem:$0x3FFE];
	[sflag:s23] =	ssyncadd.s32 $0xFFFFFFFF  }
0xa5: {  	s26 =	simm.s32 $execute0_lowered;
	[smem:$0x3FD2] =	sst s25  }
0xa6: {  	s4 =	sshll.u32 s26, $0x1;
	_ =	strace $0x80000046;
	[dreg:$0x1] =	wrdreg $0xFFFFFFFF  }
0xa7: {  	s28 =	simm.s32 $_size_execute0_lowered;
	s2 =	sadd.s32 s2, s4;
	[dreg:$0x0] =	wrdreg $0x0  }
0xa8: {  	s4 =	sshll.u32 s28, $0x1;
	[dreg:$0x2] =	wrdreg s2  }
0xa9: {  	[dreg:$0x3] =	wrdreg s4  }
0xaa: {  	[dreg:$0x4] =	wrdreg $0xC0  }
0xab: {  	_ =	task [dreg:s6], $0x5FFFF  }
0xac: {  	[dreg:$0x1] =	wrdreg $0xFFFFFFFF  }
0xad: {  	[dreg:$0x0] =	wrdreg $0x60  }
0xae: {  	[dreg:$0x2] =	wrdreg s24  }
0xaf: {  	[dreg:$0x3] =	wrdreg $0x9  }
0xb0: {  	_ =	task.clear_ibuf [dreg:s6], $0x4FFFF;
	_ =	strace $0x90000046  }
0xb1: {  	s29 =	simm.s32 $0x9;
	_ =	strace $0x80000048  }
0xb2: {  	_ =	swait.ge [sflag:s29], $0x1  }
0xb3: {  	[sflag:s29] =	ssyncadd.s32 $0xFFFFFFFF  }
0xb4: {  	_ =	strace $0x90000048  }
0xb5: {  	_ =	sfence  }
0xb6: {  	s30 =	sld [smem:$0x0];
	_ =	sdelay $0x2  }
0xb7: {  	s31 =	sshll.u32 s1, $0xD;
	s1 =	sshrl.u32 s1, $0x2  }
0xb8: {  	s3 =	sand.u32 $0x4000, s31;
	s1 =	sadd.s32 s1, s30  }
0xb9: {  	s0 =	sor.u32 s3, s0;
	s1 =	sshll.u32 s1, $0x11  }
0xba: {  	s0 =	sor.u32 s1, s0  }
0xbb: {  	s0 =	sadd.s32 $0x8F2B, s0  }
0xbc: {  	[sflag:s0] =	ssyncadd.remote.s32 $0x1  }
0xbd: {  	_ =	sfence.sel $0xFFFF  }
0xbe: {  	[dreg:$0x0] =	wrdreg $0xFFFFFFFF;
	(pc) =	sbr.abs _section_cstart, $3  }
0xbf: {  	[dreg:$0x1] =	wrdreg $0xFFFFFFFF  }
0xc0: {  	_ =	task.clear_ibuf [dreg:s6], $0x2FFFF;
	_ =	strace $0x9FFFFFFF  }
0xc1: {  	(tm) =	ssettm $0x7FFFFFFF  }
tec
execute0_lowered:
.L_overlay_start_1:
0x0: {  	(tag) =	ssettag $0x1  }
0x1: {  	s2 =	rddreg [dreg:$0x0]  }
0x2: {  	s0 =	rddreg [dreg:$0x1];
	s1 =	simm.s32 $0x0;
	s3 =	srdreg.scid  }
0x3: {  	s12 =	simm.s32 $0x80;
	s13 =	simm.s32 $0x2080;
	s14 =	simm.s32 $0x2100  }
0x4: {  	s15 =	simm.s32 $0x1;
	s16 =	simm.s32 $0x0;
	[smem:$0x7FF] =	sst s1  }
0x5: {  	s6 =	sand.u32 $0x1, s3;
	s3 =	sadd.s32 $0x36E00, s2;
	s4 =	sadd.s32 $0xD6E00, s2  }
0x6: {  	s5 =	sadd.s32 $0xF6E00, s2;
	s2 =	stileid.u32;
	_ =	strace $0x80000047  }
0x7: {  	s7 =	ssub.s32 $0x2, s6;
	s9 =	sshll.u32 s2, $0x5;
	s6 =	sshll.u32 s6, $0x4  }
0x8: {  	s10 =	sshll.u32 s2, $0x9;
	s8 =	sshrl.u32 s7, $0x1;
	s6 =	sor.u32 s6, s9  }
0x9: {  	v0 =	vlaneseq.u32;
	s11 =	ssub.s32 s7, s8;
	s7 =	sand.u32 $0x1C00, s10;
	s8 =	sor.u32 $0x3FF, s10  }
0xa: {  	v1 =	vimm.s32 $0x0;
	v2 =	vor.u32 $0x80000000, v0;
	s10 =	simm.s32 $0x2;
	s9 =	smax.u32 s11, $0x1;
	s11 =	simm.s32 $0x2000  }
.LBB2_1:
0xb: {  	s17 =	simm.s32 $0x0  }
.LBB2_2:
0xc: {  	s18 =	sadd.s32 s6, s17  }
0xd: {  	s19 =	sshll.u32 s18, $0xA  }
0xe: {  	s20 =	sadd.s32 s3, s19;
	s19 =	simm.s32 $0x0  }
0xf: {  	[tilespmem:s19], [sflag:$0x2] =	stream.linear.gather [hbm4b:s20+s19], $0x2000, $0x38;
	[tilespmem:$0x6100] =	vst v63  }
0x10: {  	_ =	swait.ge [sflag:s10], $0x2000  }
0x11: {  	[sflag:s10] =	ssyncset.done $0x0  }
0x12: {  	s31 =	simm.s32 $0x0;
	[sflag:s10] =	ssyncadd.s32 $0xFFFFE000  }
0x13: {  	v3 =	vld [tilespmem:s31+$0x0];
	_ =	sdelay $0x4  }
0x14: {  	vm0 =	vle.f32 v3, $9.999999770e-03  }
0x15: {  	v3 =	vsel vm0, $0x1, v1  }
0x16: {  	(xrf0) =	vadd.scan.msk.s32 $0xffff, v3;
	v3 =	vor.u32 s7, v2  }
0x17: {  	v3 =	vnsel vm0, $0xC0000000, v3  }
0x18: {  	(xrf0) =	vmin.scan.msk.u32 $0xffff, v3  }
0x19: {  	v4 =	vmov s19  }
0x1a: {  	v4 =	vadd.s32 $0xFFFFFFFF, v4;
	_ =	sdelay $0x1  }
0x1b: {  	v3 =	vbroadcast v4, $0x0  }
0x1c: {  	v4, _, _ =	vpop (xrf0)  }
0x1d: {  	v3 =	vadd.s32 v4, v3;
	(v2sf) =	vpush v4, $0xF;
	v5, _, _ =	vpop (xrf0)  }
0x1e: {  	vm1 =	vgt.s32 v3, $0x0;
	(v2sf) =	vpush v5, $0xF  }
0x1f: {  	vm2 =	vlt.s32 v3, $0x10;
	v3 =	vnsel vm1, $0x0, v3  }
0x20: {  	vm0 =	vmand vm0, vm2;
	v3 =	vmin.u32 v3, $0xF  }
0x21: {  	v3 =	vnsel vm0, $0x0, v3  }
0x22: {  	s22 =	simm.s32 $0x40  }
0x23: {  	s23 =	simm.s32 $0x80;
	s21 =	smov.u32 s7;
	s20 =	simm.s32 $0x40000000  }
.LBB2_3:
0x24: {  	s24 =	smov.u32 s20  }
0x25: {  	p0 =	sne.s32 s23, $0xFC0;
	v4 =	vor.u32 s21, v0  }
0x26: {  	s20 =	sshra.s32 s22, $0x2;
	s22 =	smov.u32 s23;
	[tilespmem:v3+s11+$0x0] =	vst.idx.msk vm0, v4  }
0x27: {  	v3 =	vld [tilespmem:s20+$0x0];
	_ =	sdelay $0x3  }
0x28: {  	s21 =	sadd.s32 $0x10, s21  }
0x29: {  	vm0 =	vle.f32 v3, $9.999999770e-03;
	v3 =	vor.u32 s21, v2;
	s20 =	spop (v2sf)  }
0x2a: {  	v4 =	vsel vm0, $0x1, v1;
	v3 =	vnsel vm0, $0xC0000000, v3;
	s19 =	sadd.s32 s19, s20;
	s20 =	spop (v2sf)  }
0x2b: {  	v5 =	vmov s19;
	(xrf0) =	vadd.scan.msk.s32 $0xffff, v4;
	s20 =	sxor.u32 $0x80000000, s20  }
0x2c: {  	v4 =	vadd.s32 $0xFFFFFFFF, v5;
	(xrf0) =	vmin.scan.msk.u32 $0xffff, v3;
	p1 =	slt.s32 s24, s20  }
0x2d: {  	v3 =	vbroadcast v4, $0x0;
	s20 =	smov.u32 @p1 s24;
	_ =	sdelay $0x3  }
0x2e: {  	v4, _, _ =	vpop (xrf0)  }
0x2f: {  	v3 =	vadd.s32 v4, v3;
	v5, _, _ =	vpop (xrf0);
	(v2sf) =	vpush v4, $0xF  }
0x30: {  	vm1 =	vlt.s32 v3, $0x10;
	vm2 =	vgt.s32 v3, $0x0;
	(v2sf) =	vpush v5, $0xF  }
0x31: {  	vm0 =	vmand vm0, vm1;
	v3 =	vnsel vm2, $0x0, v3  }
.Ltmp0:
0x32: {  	v3 =	vmin.u32 v3, $0xF;
	(pc) =	sbr.rel @p0 .LBB2_3-.Ltmp0, $2  }
0x33: {  	v3 =	vnsel vm0, $0x0, v3;
	_ =	sdelay $0x2  }
0x34: {  	s23 =	sadd.s32 $0x40, s23  }
0x35: {  	_ =	sdelay $0x3  }
0x36: {  	v4 =	vor.u32 s21, v0  }
0x37: {  	s22 =	sshra.s32 s22, $0x2;
	[tilespmem:v3+s11+$0x0] =	vst.idx.msk vm0, v4  }
0x38: {  	v3 =	vld [tilespmem:s22+$0x0];
	_ =	sdelay $0x4  }
0x39: {  	s25 =	sadd.s32 $0x10, s21;
	vm0 =	vle.f32 v3, $9.999999770e-03  }
0x3a: {  	v3 =	vor.u32 s25, v2;
	v4 =	vsel vm0, $0x1, v1  }
0x3b: {  	v3 =	vnsel vm0, $0xC0000000, v3;
	(xrf0) =	vadd.scan.msk.s32 $0xffff, v4  }
0x3c: {  	(xrf0) =	vmin.scan.msk.u32 $0xffff, v3;
	_ =	sdelay $0x4  }
0x3d: {  	v3, _, _ =	vpop (xrf0)  }
0x3e: {  	v4, _, _ =	vpop (xrf0);
	(v2sf) =	vpush v3, $0xF  }
0x3f: {  	(v2sf) =	vpush v4, $0xF  }
0x40: {  	s26 =	spop (v2sf)  }
0x41: {  	s19 =	sadd.s32 s19, s26  }
0x42: {  	v4 =	vmov s19  }
0x43: {  	v4 =	vadd.s32 $0xFFFFFFFF, v4  }
0x44: {  	v4 =	vbroadcast v4, $0x0;
	_ =	sdelay $0x1  }
0x45: {  	v3 =	vadd.s32 v3, v4  }
0x46: {  	vm1 =	vgt.s32 v3, $0x0  }
0x47: {  	vm2 =	vlt.s32 v3, $0x10;
	v3 =	vnsel vm1, $0x0, v3  }
0x48: {  	vm0 =	vmand vm0, vm2;
	v3 =	vmin.u32 v3, $0xF  }
0x49: {  	v3 =	vnsel vm0, $0x0, v3;
	_ =	sdelay $0x1  }
0x4a: {  	s28 =	spop (v2sf)  }
0x4b: {  	s22 =	sxor.u32 $0x80000000, s28;
	s23 =	spop (v2sf)  }
0x4c: {  	p0 =	slt.s32 s20, s22;
	v4 =	vor.u32 s25, v0;
	s29 =	spop (v2sf)  }
0x4d: {  	s22 =	smov.u32 @p0 s20;
	[tilespmem:v3+s11+$0x0] =	vst.idx.msk vm0, v4;
	s19 =	sadd.s32 s19, s23;
	s20 =	sxor.u32 $0x80000000, s29  }
0x4e: {  	v3 =	vld [tilespmem:$0x2000];
	p1 =	sgt.s32 s19, $0x0;
	p0 =	slt.s32 s22, s20  }
0x4f: {  	s19 =	simm.s32 @!p1 $0x0;
	s20 =	smov.u32 @p0 s22  }
0x50: {  	s19 =	smin.u32 s19, $0x10;
	p0 =	sgt.s32 s7, s20  }
0x51: {  	v4 =	vmov s19;
	s20 =	smov.u32 @p0 s7  }
0x52: {  	vm0 =	vgt.u32 v4, v0;
	s30 =	smin.u32 s8, s20  }
0x53: {  	s19 =	simm.s32 $0x0;
	v3 =	vnsel vm0, s30, v3  }
0x54: {  	s31 =	sand.u32 $0x3F0, s19;
	[tilespmem:$0x2080] =	vst v3  }
0x55: {  	v3 =	vld [tilespmem:s31+$0x400];
	_ =	sdelay $0x4  }
0x56: {  	vm0 =	vle.f32 v3, $9.999999770e-03  }
0x57: {  	s20 =	sadd.s32 $0x0, s7;
	v3 =	vsel vm0, $0x1, v1  }
0x58: {  	(xrf0) =	vadd.scan.msk.s32 $0xffff, v3;
	v3 =	vor.u32 s20, v2  }
0x59: {  	v3 =	vnsel vm0, $0xC0000000, v3  }
0x5a: {  	(xrf0) =	vmin.scan.msk.u32 $0xffff, v3  }
0x5b: {  	v4 =	vmov s19  }
0x5c: {  	v4 =	vadd.s32 $0xFFFFFFFF, v4;
	_ =	sdelay $0x1  }
0x5d: {  	v3 =	vbroadcast v4, $0x0  }
0x5e: {  	v4, _, _ =	vpop (xrf0)  }
0x5f: {  	v3 =	vadd.s32 v4, v3;
	(v2sf) =	vpush v4, $0xF;
	v5, _, _ =	vpop (xrf0)  }
0x60: {  	vm1 =	vgt.s32 v3, $0x0;
	(v2sf) =	vpush v5, $0xF  }
0x61: {  	vm2 =	vlt.s32 v3, $0x10;
	v3 =	vnsel vm1, $0x0, v3  }
0x62: {  	vm0 =	vmand vm0, vm2;
	v3 =	vmin.u32 v3, $0xF  }
0x63: {  	v3 =	vnsel vm0, $0x0, v3;
	_ =	sdelay $0x1  }
0x64: {  	s21 =	simm.s32 $0x40000000;
	s23 =	simm.s32 $0x20;
	s22 =	simm.s32 $0x10  }
.LBB2_5:
0x65: {  	s24 =	smov.u32 s21  }
0x66: {  	p0 =	sne.s32 s23, $0x3F0;
	v4 =	vor.u32 s20, v0  }
0x67: {  	s20 =	sand.u32 $0x3F0, s22;
	[tilespmem:v3+s11+$0x0] =	vst.idx.msk vm0, v4  }
0x68: {  	v3 =	vld [tilespmem:s20+$0x400];
	_ =	sdelay $0x3  }
0x69: {  	s20 =	sadd.s32 s22, s7;
	s22 =	smov.u32 s23  }
0x6a: {  	vm0 =	vle.f32 v3, $9.999999770e-03;
	v3 =	vor.u32 s20, v2;
	s21 =	spop (v2sf)  }
0x6b: {  	v4 =	vsel vm0, $0x1, v1;
	v3 =	vnsel vm0, $0xC0000000, v3;
	s19 =	sadd.s32 s19, s21;
	s21 =	spop (v2sf)  }
0x6c: {  	v5 =	vmov s19;
	(xrf0) =	vadd.scan.msk.s32 $0xffff, v4;
	s21 =	sxor.u32 $0x80000000, s21  }
0x6d: {  	v4 =	vadd.s32 $0xFFFFFFFF, v5;
	(xrf0) =	vmin.scan.msk.u32 $0xffff, v3;
	p1 =	slt.s32 s24, s21  }
0x6e: {  	v3 =	vbroadcast v4, $0x0;
	s21 =	smov.u32 @p1 s24;
	_ =	sdelay $0x3  }
0x6f: {  	v4, _, _ =	vpop (xrf0)  }
0x70: {  	v3 =	vadd.s32 v4, v3;
	v5, _, _ =	vpop (xrf0);
	(v2sf) =	vpush v4, $0xF  }
0x71: {  	vm1 =	vlt.s32 v3, $0x10;
	vm2 =	vgt.s32 v3, $0x0;
	(v2sf) =	vpush v5, $0xF  }
0x72: {  	vm0 =	vmand vm0, vm1;
	v3 =	vnsel vm2, $0x0, v3  }
.Ltmp1:
0x73: {  	v3 =	vmin.u32 v3, $0xF;
	(pc) =	sbr.rel @p0 .LBB2_5-.Ltmp1, $2  }
0x74: {  	v3 =	vnsel vm0, $0x0, v3;
	_ =	sdelay $0x2  }
0x75: {  	s23 =	sadd.s32 $0x10, s23  }
0x76: {  	_ =	sdelay $0x3  }
0x77: {  	v4 =	vor.u32 s20, v0  }
0x78: {  	s24 =	sand.u32 $0x3F0, s22;
	[tilespmem:v3+s11+$0x0] =	vst.idx.msk vm0, v4  }
0x79: {  	v3 =	vld [tilespmem:s24+$0x400];
	_ =	sdelay $0x4  }
0x7a: {  	s25 =	sadd.s32 s22, s7;
	vm0 =	vle.f32 v3, $9.999999770e-03  }
0x7b: {  	v3 =	vor.u32 s25, v2;
	v4 =	vsel vm0, $0x1, v1  }
0x7c: {  	v3 =	vnsel vm0, $0xC0000000, v3;
	(xrf0) =	vadd.scan.msk.s32 $0xffff, v4  }
0x7d: {  	(xrf0) =	vmin.scan.msk.u32 $0xffff, v3;
	_ =	sdelay $0x4  }
0x7e: {  	v3, _, _ =	vpop (xrf0)  }
0x7f: {  	v4, _, _ =	vpop (xrf0);
	(v2sf) =	vpush v3, $0xF  }
0x80: {  	(v2sf) =	vpush v4, $0xF  }
0x81: {  	s26 =	spop (v2sf)  }
0x82: {  	s19 =	sadd.s32 s19, s26  }
0x83: {  	v4 =	vmov s19  }
0x84: {  	v4 =	vadd.s32 $0xFFFFFFFF, v4  }
0x85: {  	v4 =	vbroadcast v4, $0x0;
	_ =	sdelay $0x1  }
0x86: {  	v3 =	vadd.s32 v3, v4  }
0x87: {  	vm1 =	vgt.s32 v3, $0x0  }
0x88: {  	vm2 =	vlt.s32 v3, $0x10;
	v3 =	vnsel vm1, $0x0, v3  }
0x89: {  	vm0 =	vmand vm0, vm2;
	v3 =	vmin.u32 v3, $0xF  }
0x8a: {  	v3 =	vnsel vm0, $0x0, v3;
	_ =	sdelay $0x1  }
0x8b: {  	s28 =	spop (v2sf)  }
0x8c: {  	s22 =	sxor.u32 $0x80000000, s28;
	s23 =	spop (v2sf)  }
0x8d: {  	p0 =	slt.s32 s21, s22;
	v4 =	vor.u32 s25, v0;
	s29 =	spop (v2sf)  }
0x8e: {  	s22 =	smov.u32 @p0 s21;
	[tilespmem:v3+s11+$0x0] =	vst.idx.msk vm0, v4;
	s19 =	sadd.s32 s19, s23;
	s20 =	sxor.u32 $0x80000000, s29  }
0x8f: {  	v3 =	vld [tilespmem:$0x2000];
	p1 =	sgt.s32 s19, $0x0;
	p0 =	slt.s32 s22, s20  }
0x90: {  	s19 =	simm.s32 @!p1 $0x0;
	s20 =	smov.u32 @p0 s22  }
0x91: {  	s19 =	smin.u32 s19, $0x10;
	p0 =	sgt.s32 s7, s20  }
0x92: {  	v4 =	vmov s19;
	s20 =	smov.u32 @p0 s7  }
0x93: {  	vm0 =	vgt.u32 v4, v0;
	s30 =	smin.u32 s8, s20  }
0x94: {  	s19 =	simm.s32 $0x0;
	v3 =	vnsel vm0, s30, v3  }
0x95: {  	s31 =	sand.u32 $0x3F0, s19;
	[tilespmem:$0x2090] =	vst v3  }
0x96: {  	v3 =	vld [tilespmem:s31+$0x800];
	_ =	sdelay $0x4  }
0x97: {  	vm0 =	vle.f32 v3, $9.999999770e-03  }
0x98: {  	s20 =	sadd.s32 $0x0, s7;
	v3 =	vsel vm0, $0x1, v1  }
0x99: {  	(xrf0) =	vadd.scan.msk.s32 $0xffff, v3;
	v3 =	vor.u32 s20, v2  }
0x9a: {  	v3 =	vnsel vm0, $0xC0000000, v3  }
0x9b: {  	(xrf0) =	vmin.scan.msk.u32 $0xffff, v3  }
0x9c: {  	v4 =	vmov s19  }
0x9d: {  	v4 =	vadd.s32 $0xFFFFFFFF, v4;
	_ =	sdelay $0x1  }
0x9e: {  	v3 =	vbroadcast v4, $0x0  }
0x9f: {  	v4, _, _ =	vpop (xrf0)  }
0xa0: {  	v3 =	vadd.s32 v4, v3;
	(v2sf) =	vpush v4, $0xF;
	v5, _, _ =	vpop (xrf0)  }
0xa1: {  	vm1 =	vgt.s32 v3, $0x0;
	(v2sf) =	vpush v5, $0xF  }
0xa2: {  	vm2 =	vlt.s32 v3, $0x10;
	v3 =	vnsel vm1, $0x0, v3  }
0xa3: {  	vm0 =	vmand vm0, vm2;
	v3 =	vmin.u32 v3, $0xF  }
0xa4: {  	v3 =	vnsel vm0, $0x0, v3;
	_ =	sdelay $0x1  }
0xa5: {  	s21 =	simm.s32 $0x40000000;
	s23 =	simm.s32 $0x20;
	s22 =	simm.s32 $0x10  }
.LBB2_7:
0xa6: {  	s24 =	smov.u32 s21  }
0xa7: {  	p0 =	sne.s32 s23, $0x3F0;
	v4 =	vor.u32 s20, v0  }
0xa8: {  	s20 =	sand.u32 $0x3F0, s22;
	[tilespmem:v3+s11+$0x0] =	vst.idx.msk vm0, v4  }
0xa9: {  	v3 =	vld [tilespmem:s20+$0x800];
	_ =	sdelay $0x3  }
0xaa: {  	s20 =	sadd.s32 s22, s7;
	s22 =	smov.u32 s23  }
0xab: {  	vm0 =	vle.f32 v3, $9.999999770e-03;
	v3 =	vor.u32 s20, v2;
	s21 =	spop (v2sf)  }
0xac: {  	v4 =	vsel vm0, $0x1, v1;
	v3 =	vnsel vm0, $0xC0000000, v3;
	s19 =	sadd.s32 s19, s21;
	s21 =	spop (v2sf)  }
0xad: {  	v5 =	vmov s19;
	(xrf0) =	vadd.scan.msk.s32 $0xffff, v4;
	s21 =	sxor.u32 $0x80000000, s21  }
0xae: {  	v4 =	vadd.s32 $0xFFFFFFFF, v5;
	(xrf0) =	vmin.scan.msk.u32 $0xffff, v3;
	p1 =	slt.s32 s24, s21  }
0xaf: {  	v3 =	vbroadcast v4, $0x0;
	s21 =	smov.u32 @p1 s24;
	_ =	sdelay $0x3  }
0xb0: {  	v4, _, _ =	vpop (xrf0)  }
0xb1: {  	v3 =	vadd.s32 v4, v3;
	v5, _, _ =	vpop (xrf0);
	(v2sf) =	vpush v4, $0xF  }
0xb2: {  	vm1 =	vlt.s32 v3, $0x10;
	vm2 =	vgt.s32 v3, $0x0;
	(v2sf) =	vpush v5, $0xF  }
0xb3: {  	vm0 =	vmand vm0, vm1;
	v3 =	vnsel vm2, $0x0, v3  }
.Ltmp2:
0xb4: {  	v3 =	vmin.u32 v3, $0xF;
	(pc) =	sbr.rel @p0 .LBB2_7-.Ltmp2, $2  }
0xb5: {  	v3 =	vnsel vm0, $0x0, v3;
	_ =	sdelay $0x2  }
0xb6: {  	s23 =	sadd.s32 $0x10, s23  }
0xb7: {  	_ =	sdelay $0x3  }
0xb8: {  	v4 =	vor.u32 s20, v0  }
0xb9: {  	s24 =	sand.u32 $0x3F0, s22;
	[tilespmem:v3+s11+$0x0] =	vst.idx.msk vm0, v4  }
0xba: {  	v3 =	vld [tilespmem:s24+$0x800];
	_ =	sdelay $0x4  }
0xbb: {  	s25 =	sadd.s32 s22, s7;
	vm0 =	vle.f32 v3, $9.999999770e-03  }
0xbc: {  	v3 =	vor.u32 s25, v2;
	v4 =	vsel vm0, $0x1, v1  }
0xbd: {  	v3 =	vnsel vm0, $0xC0000000, v3;
	(xrf0) =	vadd.scan.msk.s32 $0xffff, v4  }
0xbe: {  	(xrf0) =	vmin.scan.msk.u32 $0xffff, v3;
	_ =	sdelay $0x4  }
0xbf: {  	v3, _, _ =	vpop (xrf0)  }
0xc0: {  	v4, _, _ =	vpop (xrf0);
	(v2sf) =	vpush v3, $0xF  }
0xc1: {  	(v2sf) =	vpush v4, $0xF  }
0xc2: {  	s26 =	spop (v2sf)  }
0xc3: {  	s19 =	sadd.s32 s19, s26  }
0xc4: {  	v4 =	vmov s19  }
0xc5: {  	v4 =	vadd.s32 $0xFFFFFFFF, v4  }
0xc6: {  	v4 =	vbroadcast v4, $0x0;
	_ =	sdelay $0x1  }
0xc7: {  	v3 =	vadd.s32 v3, v4  }
0xc8: {  	vm1 =	vgt.s32 v3, $0x0  }
0xc9: {  	vm2 =	vlt.s32 v3, $0x10;
	v3 =	vnsel vm1, $0x0, v3  }
0xca: {  	vm0 =	vmand vm0, vm2;
	v3 =	vmin.u32 v3, $0xF  }
0xcb: {  	v3 =	vnsel vm0, $0x0, v3;
	_ =	sdelay $0x1  }
0xcc: {  	s28 =	spop (v2sf)  }
0xcd: {  	s22 =	sxor.u32 $0x80000000, s28;
	s23 =	spop (v2sf)  }
0xce: {  	p0 =	slt.s32 s21, s22;
	v4 =	vor.u32 s25, v0;
	s29 =	spop (v2sf)  }
0xcf: {  	s22 =	smov.u32 @p0 s21;
	[tilespmem:v3+s11+$0x0] =	vst.idx.msk vm0, v4;
	s19 =	sadd.s32 s19, s23;
	s20 =	sxor.u32 $0x80000000, s29  }
0xd0: {  	v3 =	vld [tilespmem:$0x2000];
	p1 =	sgt.s32 s19, $0x0;
	p0 =	slt.s32 s22, s20  }
0xd1: {  	s19 =	simm.s32 @!p1 $0x0;
	s20 =	smov.u32 @p0 s22  }
0xd2: {  	s19 =	smin.u32 s19, $0x10;
	p0 =	sgt.s32 s7, s20  }
0xd3: {  	v4 =	vmov s19;
	s20 =	smov.u32 @p0 s7  }
0xd4: {  	vm0 =	vgt.u32 v4, v0;
	s30 =	smin.u32 s8, s20  }
0xd5: {  	s19 =	simm.s32 $0x0;
	v3 =	vnsel vm0, s30, v3  }
0xd6: {  	s31 =	sand.u32 $0x3F0, s19;
	[tilespmem:$0x20A0] =	vst v3  }
0xd7: {  	v3 =	vld [tilespmem:s31+$0xC00];
	_ =	sdelay $0x4  }
0xd8: {  	vm0 =	vle.f32 v3, $9.999999770e-03  }
0xd9: {  	s20 =	sadd.s32 $0x0, s7;
	v3 =	vsel vm0, $0x1, v1  }
0xda: {  	(xrf0) =	vadd.scan.msk.s32 $0xffff, v3;
	v3 =	vor.u32 s20, v2  }
0xdb: {  	v3 =	vnsel vm0, $0xC0000000, v3  }
0xdc: {  	(xrf0) =	vmin.scan.msk.u32 $0xffff, v3  }
0xdd: {  	v4 =	vmov s19  }
0xde: {  	v4 =	vadd.s32 $0xFFFFFFFF, v4;
	_ =	sdelay $0x1  }
0xdf: {  	v3 =	vbroadcast v4, $0x0  }
0xe0: {  	v4, _, _ =	vpop (xrf0)  }
0xe1: {  	v3 =	vadd.s32 v4, v3;
	(v2sf) =	vpush v4, $0xF;
	v5, _, _ =	vpop (xrf0)  }
0xe2: {  	vm1 =	vgt.s32 v3, $0x0;
	(v2sf) =	vpush v5, $0xF  }
0xe3: {  	vm2 =	vlt.s32 v3, $0x10;
	v3 =	vnsel vm1, $0x0, v3  }
0xe4: {  	vm0 =	vmand vm0, vm2;
	v3 =	vmin.u32 v3, $0xF  }
0xe5: {  	v3 =	vnsel vm0, $0x0, v3;
	_ =	sdelay $0x1  }
0xe6: {  	s21 =	simm.s32 $0x40000000;
	s23 =	simm.s32 $0x20;
	s22 =	simm.s32 $0x10  }
.LBB2_9:
0xe7: {  	s24 =	smov.u32 s21  }
0xe8: {  	p0 =	sne.s32 s23, $0x3F0;
	v4 =	vor.u32 s20, v0  }
0xe9: {  	s20 =	sand.u32 $0x3F0, s22;
	[tilespmem:v3+s11+$0x0] =	vst.idx.msk vm0, v4  }
0xea: {  	v3 =	vld [tilespmem:s20+$0xC00];
	_ =	sdelay $0x3  }
0xeb: {  	s20 =	sadd.s32 s22, s7;
	s22 =	smov.u32 s23  }
0xec: {  	vm0 =	vle.f32 v3, $9.999999770e-03;
	v3 =	vor.u32 s20, v2;
	s21 =	spop (v2sf)  }
0xed: {  	v4 =	vsel vm0, $0x1, v1;
	v3 =	vnsel vm0, $0xC0000000, v3;
	s19 =	sadd.s32 s19, s21;
	s21 =	spop (v2sf)  }
0xee: {  	v5 =	vmov s19;
	(xrf0) =	vadd.scan.msk.s32 $0xffff, v4;
	s21 =	sxor.u32 $0x80000000, s21  }
0xef: {  	v4 =	vadd.s32 $0xFFFFFFFF, v5;
	(xrf0) =	vmin.scan.msk.u32 $0xffff, v3;
	p1 =	slt.s32 s24, s21  }
0xf0: {  	v3 =	vbroadcast v4, $0x0;
	s21 =	smov.u32 @p1 s24;
	_ =	sdelay $0x3  }
0xf1: {  	v4, _, _ =	vpop (xrf0)  }
0xf2: {  	v3 =	vadd.s32 v4, v3;
	v5, _, _ =	vpop (xrf0);
	(v2sf) =	vpush v4, $0xF  }
0xf3: {  	vm1 =	vlt.s32 v3, $0x10;
	vm2 =	vgt.s32 v3, $0x0;
	(v2sf) =	vpush v5, $0xF  }
0xf4: {  	vm0 =	vmand vm0, vm1;
	v3 =	vnsel vm2, $0x0, v3  }
.Ltmp3:
0xf5: {  	v3 =	vmin.u32 v3, $0xF;
	(pc) =	sbr.rel @p0 .LBB2_9-.Ltmp3, $2  }
0xf6: {  	v3 =	vnsel vm0, $0x0, v3;
	_ =	sdelay $0x2  }
0xf7: {  	s23 =	sadd.s32 $0x10, s23  }
0xf8: {  	_ =	sdelay $0x3  }
0xf9: {  	v4 =	vor.u32 s20, v0  }
0xfa: {  	s24 =	sand.u32 $0x3F0, s22;
	[tilespmem:v3+s11+$0x0] =	vst.idx.msk vm0, v4  }
0xfb: {  	v3 =	vld [tilespmem:s24+$0xC00];
	_ =	sdelay $0x4  }
0xfc: {  	s25 =	sadd.s32 s22, s7;
	vm0 =	vle.f32 v3, $9.999999770e-03  }
0xfd: {  	v3 =	vor.u32 s25, v2;
	v4 =	vsel vm0, $0x1, v1  }
0xfe: {  	v3 =	vnsel vm0, $0xC0000000, v3;
	(xrf0) =	vadd.scan.msk.s32 $0xffff, v4  }
0xff: {  	(xrf0) =	vmin.scan.msk.u32 $0xffff, v3;
	_ =	sdelay $0x4  }
0x100: {  	v3, _, _ =	vpop (xrf0)  }
0x101: {  	v4, _, _ =	vpop (xrf0);
	(v2sf) =	vpush v3, $0xF  }
0x102: {  	(v2sf) =	vpush v4, $0xF  }
0x103: {  	s26 =	spop (v2sf)  }
0x104: {  	s19 =	sadd.s32 s19, s26  }
0x105: {  	v4 =	vmov s19  }
0x106: {  	v4 =	vadd.s32 $0xFFFFFFFF, v4  }
0x107: {  	v4 =	vbroadcast v4, $0x0;
	_ =	sdelay $0x1  }
0x108: {  	v3 =	vadd.s32 v3, v4  }
0x109: {  	vm1 =	vgt.s32 v3, $0x0  }
0x10a: {  	vm2 =	vlt.s32 v3, $0x10;
	v3 =	vnsel vm1, $0x0, v3  }
0x10b: {  	vm0 =	vmand vm0, vm2;
	v3 =	vmin.u32 v3, $0xF  }
0x10c: {  	v3 =	vnsel vm0, $0x0, v3;
	_ =	sdelay $0x1  }
0x10d: {  	s28 =	spop (v2sf)  }
0x10e: {  	s22 =	sxor.u32 $0x80000000, s28;
	s23 =	spop (v2sf)  }
0x10f: {  	p0 =	slt.s32 s21, s22;
	v4 =	vor.u32 s25, v0;
	s29 =	spop (v2sf)  }
0x110: {  	s22 =	smov.u32 @p0 s21;
	[tilespmem:v3+s11+$0x0] =	vst.idx.msk vm0, v4;
	s19 =	sadd.s32 s19, s23;
	s20 =	sxor.u32 $0x80000000, s29  }
0x111: {  	v3 =	vld [tilespmem:$0x2000];
	p1 =	sgt.s32 s19, $0x0;
	p0 =	slt.s32 s22, s20  }
0x112: {  	s19 =	simm.s32 @!p1 $0x0;
	s20 =	smov.u32 @p0 s22  }
0x113: {  	s19 =	smin.u32 s19, $0x10;
	p0 =	sgt.s32 s7, s20  }
0x114: {  	v4 =	vmov s19;
	s20 =	smov.u32 @p0 s7  }
0x115: {  	vm0 =	vgt.u32 v4, v0;
	s30 =	smin.u32 s8, s20  }
0x116: {  	s19 =	simm.s32 $0x0;
	v3 =	vnsel vm0, s30, v3  }
0x117: {  	s31 =	sand.u32 $0x3F0, s19;
	[tilespmem:$0x20B0] =	vst v3  }
0x118: {  	v3 =	vld [tilespmem:s31+$0x1000];
	_ =	sdelay $0x4  }
0x119: {  	vm0 =	vle.f32 v3, $9.999999770e-03  }
0x11a: {  	s20 =	sadd.s32 $0x0, s7;
	v3 =	vsel vm0, $0x1, v1  }
0x11b: {  	(xrf0) =	vadd.scan.msk.s32 $0xffff, v3;
	v3 =	vor.u32 s20, v2  }
0x11c: {  	v3 =	vnsel vm0, $0xC0000000, v3  }
0x11d: {  	(xrf0) =	vmin.scan.msk.u32 $0xffff, v3  }
0x11e: {  	v4 =	vmov s19  }
0x11f: {  	v4 =	vadd.s32 $0xFFFFFFFF, v4;
	_ =	sdelay $0x1  }
0x120: {  	v3 =	vbroadcast v4, $0x0  }
0x121: {  	v4, _, _ =	vpop (xrf0)  }
0x122: {  	v3 =	vadd.s32 v4, v3;
	(v2sf) =	vpush v4, $0xF;
	v5, _, _ =	vpop (xrf0)  }
0x123: {  	vm1 =	vgt.s32 v3, $0x0;
	(v2sf) =	vpush v5, $0xF  }
0x124: {  	vm2 =	vlt.s32 v3, $0x10;
	v3 =	vnsel vm1, $0x0, v3  }
0x125: {  	vm0 =	vmand vm0, vm2;
	v3 =	vmin.u32 v3, $0xF  }
0x126: {  	v3 =	vnsel vm0, $0x0, v3;
	_ =	sdelay $0x1  }
0x127: {  	s21 =	simm.s32 $0x40000000;
	s23 =	simm.s32 $0x20;
	s22 =	simm.s32 $0x10  }
.LBB2_11:
0x128: {  	s24 =	smov.u32 s21  }
0x129: {  	p0 =	sne.s32 s23, $0x3F0;
	v4 =	vor.u32 s20, v0  }
0x12a: {  	s20 =	sand.u32 $0x3F0, s22;
	[tilespmem:v3+s11+$0x0] =	vst.idx.msk vm0, v4  }
0x12b: {  	v3 =	vld [tilespmem:s20+$0x1000];
	_ =	sdelay $0x3  }
0x12c: {  	s20 =	sadd.s32 s22, s7;
	s22 =	smov.u32 s23  }
0x12d: {  	vm0 =	vle.f32 v3, $9.999999770e-03;
	v3 =	vor.u32 s20, v2;
	s21 =	spop (v2sf)  }
0x12e: {  	v4 =	vsel vm0, $0x1, v1;
	v3 =	vnsel vm0, $0xC0000000, v3;
	s19 =	sadd.s32 s19, s21;
	s21 =	spop (v2sf)  }
0x12f: {  	v5 =	vmov s19;
	(xrf0) =	vadd.scan.msk.s32 $0xffff, v4;
	s21 =	sxor.u32 $0x80000000, s21  }
0x130: {  	v4 =	vadd.s32 $0xFFFFFFFF, v5;
	(xrf0) =	vmin.scan.msk.u32 $0xffff, v3;
	p1 =	slt.s32 s24, s21  }
0x131: {  	v3 =	vbroadcast v4, $0x0;
	s21 =	smov.u32 @p1 s24;
	_ =	sdelay $0x3  }
0x132: {  	v4, _, _ =	vpop (xrf0)  }
0x133: {  	v3 =	vadd.s32 v4, v3;
	v5, _, _ =	vpop (xrf0);
	(v2sf) =	vpush v4, $0xF  }
0x134: {  	vm1 =	vlt.s32 v3, $0x10;
	vm2 =	vgt.s32 v3, $0x0;
	(v2sf) =	vpush v5, $0xF  }
0x135: {  	vm0 =	vmand vm0, vm1;
	v3 =	vnsel vm2, $0x0, v3  }
.Ltmp4:
0x136: {  	v3 =	vmin.u32 v3, $0xF;
	(pc) =	sbr.rel @p0 .LBB2_11-.Ltmp4, $2  }
0x137: {  	v3 =	vnsel vm0, $0x0, v3;
	_ =	sdelay $0x2  }
0x138: {  	s23 =	sadd.s32 $0x10, s23  }
0x139: {  	_ =	sdelay $0x3  }
0x13a: {  	v4 =	vor.u32 s20, v0  }
0x13b: {  	s24 =	sand.u32 $0x3F0, s22;
	[tilespmem:v3+s11+$0x0] =	vst.idx.msk vm0, v4  }
0x13c: {  	v3 =	vld [tilespmem:s24+$0x1000];
	_ =	sdelay $0x4  }
0x13d: {  	s25 =	sadd.s32 s22, s7;
	vm0 =	vle.f32 v3, $9.999999770e-03  }
0x13e: {  	v3 =	vor.u32 s25, v2;
	v4 =	vsel vm0, $0x1, v1  }
0x13f: {  	v3 =	vnsel vm0, $0xC0000000, v3;
	(xrf0) =	vadd.scan.msk.s32 $0xffff, v4  }
0x140: {  	(xrf0) =	vmin.scan.msk.u32 $0xffff, v3;
	_ =	sdelay $0x4  }
0x141: {  	v3, _, _ =	vpop (xrf0)  }
0x142: {  	v4, _, _ =	vpop (xrf0);
	(v2sf) =	vpush v3, $0xF  }
0x143: {  	(v2sf) =	vpush v4, $0xF  }
0x144: {  	s26 =	spop (v2sf)  }
0x145: {  	s19 =	sadd.s32 s19, s26  }
0x146: {  	v4 =	vmov s19  }
0x147: {  	v4 =	vadd.s32 $0xFFFFFFFF, v4  }
0x148: {  	v4 =	vbroadcast v4, $0x0;
	_ =	sdelay $0x1  }
0x149: {  	v3 =	vadd.s32 v3, v4  }
0x14a: {  	vm1 =	vgt.s32 v3, $0x0  }
0x14b: {  	vm2 =	vlt.s32 v3, $0x10;
	v3 =	vnsel vm1, $0x0, v3  }
0x14c: {  	vm0 =	vmand vm0, vm2;
	v3 =	vmin.u32 v3, $0xF  }
0x14d: {  	v3 =	vnsel vm0, $0x0, v3;
	_ =	sdelay $0x1  }
0x14e: {  	s28 =	spop (v2sf)  }
0x14f: {  	s22 =	sxor.u32 $0x80000000, s28;
	s23 =	spop (v2sf)  }
0x150: {  	p0 =	slt.s32 s21, s22;
	v4 =	vor.u32 s25, v0;
	s29 =	spop (v2sf)  }
0x151: {  	s22 =	smov.u32 @p0 s21;
	[tilespmem:v3+s11+$0x0] =	vst.idx.msk vm0, v4;
	s19 =	sadd.s32 s19, s23;
	s20 =	sxor.u32 $0x80000000, s29  }
0x152: {  	v3 =	vld [tilespmem:$0x2000];
	p1 =	sgt.s32 s19, $0x0;
	p0 =	slt.s32 s22, s20  }
0x153: {  	s19 =	simm.s32 @!p1 $0x0;
	s20 =	smov.u32 @p0 s22  }
0x154: {  	s19 =	smin.u32 s19, $0x10;
	p0 =	sgt.s32 s7, s20  }
0x155: {  	v4 =	vmov s19;
	s20 =	smov.u32 @p0 s7  }
0x156: {  	vm0 =	vgt.u32 v4, v0;
	s30 =	smin.u32 s8, s20  }
0x157: {  	s19 =	simm.s32 $0x0;
	v3 =	vnsel vm0, s30, v3  }
0x158: {  	s31 =	sand.u32 $0x3F0, s19;
	[tilespmem:$0x20C0] =	vst v3  }
0x159: {  	v3 =	vld [tilespmem:s31+$0x1400];
	_ =	sdelay $0x4  }
0x15a: {  	vm0 =	vle.f32 v3, $9.999999770e-03  }
0x15b: {  	s20 =	sadd.s32 $0x0, s7;
	v3 =	vsel vm0, $0x1, v1  }
0x15c: {  	(xrf0) =	vadd.scan.msk.s32 $0xffff, v3;
	v3 =	vor.u32 s20, v2  }
0x15d: {  	v3 =	vnsel vm0, $0xC0000000, v3  }
0x15e: {  	(xrf0) =	vmin.scan.msk.u32 $0xffff, v3  }
0x15f: {  	v4 =	vmov s19  }
0x160: {  	v4 =	vadd.s32 $0xFFFFFFFF, v4;
	_ =	sdelay $0x1  }
0x161: {  	v3 =	vbroadcast v4, $0x0  }
0x162: {  	v4, _, _ =	vpop (xrf0)  }
0x163: {  	v3 =	vadd.s32 v4, v3;
	(v2sf) =	vpush v4, $0xF;
	v5, _, _ =	vpop (xrf0)  }
0x164: {  	vm1 =	vgt.s32 v3, $0x0;
	(v2sf) =	vpush v5, $0xF  }
0x165: {  	vm2 =	vlt.s32 v3, $0x10;
	v3 =	vnsel vm1, $0x0, v3  }
0x166: {  	vm0 =	vmand vm0, vm2;
	v3 =	vmin.u32 v3, $0xF  }
0x167: {  	v3 =	vnsel vm0, $0x0, v3;
	_ =	sdelay $0x1  }
0x168: {  	s21 =	simm.s32 $0x40000000;
	s23 =	simm.s32 $0x20;
	s22 =	simm.s32 $0x10  }
.LBB2_13:
0x169: {  	s24 =	smov.u32 s21  }
0x16a: {  	p0 =	sne.s32 s23, $0x3F0;
	v4 =	vor.u32 s20, v0  }
0x16b: {  	s20 =	sand.u32 $0x3F0, s22;
	[tilespmem:v3+s11+$0x0] =	vst.idx.msk vm0, v4  }
0x16c: {  	v3 =	vld [tilespmem:s20+$0x1400];
	_ =	sdelay $0x3  }
0x16d: {  	s20 =	sadd.s32 s22, s7;
	s22 =	smov.u32 s23  }
0x16e: {  	vm0 =	vle.f32 v3, $9.999999770e-03;
	v3 =	vor.u32 s20, v2;
	s21 =	spop (v2sf)  }
0x16f: {  	v4 =	vsel vm0, $0x1, v1;
	v3 =	vnsel vm0, $0xC0000000, v3;
	s19 =	sadd.s32 s19, s21;
	s21 =	spop (v2sf)  }
0x170: {  	v5 =	vmov s19;
	(xrf0) =	vadd.scan.msk.s32 $0xffff, v4;
	s21 =	sxor.u32 $0x80000000, s21  }
0x171: {  	v4 =	vadd.s32 $0xFFFFFFFF, v5;
	(xrf0) =	vmin.scan.msk.u32 $0xffff, v3;
	p1 =	slt.s32 s24, s21  }
0x172: {  	v3 =	vbroadcast v4, $0x0;
	s21 =	smov.u32 @p1 s24;
	_ =	sdelay $0x3  }
0x173: {  	v4, _, _ =	vpop (xrf0)  }
0x174: {  	v3 =	vadd.s32 v4, v3;
	v5, _, _ =	vpop (xrf0);
	(v2sf) =	vpush v4, $0xF  }
0x175: {  	vm1 =	vlt.s32 v3, $0x10;
	vm2 =	vgt.s32 v3, $0x0;
	(v2sf) =	vpush v5, $0xF  }
0x176: {  	vm0 =	vmand vm0, vm1;
	v3 =	vnsel vm2, $0x0, v3  }
.Ltmp5:
0x177: {  	v3 =	vmin.u32 v3, $0xF;
	(pc) =	sbr.rel @p0 .LBB2_13-.Ltmp5, $2  }
0x178: {  	v3 =	vnsel vm0, $0x0, v3;
	_ =	sdelay $0x2  }
0x179: {  	s23 =	sadd.s32 $0x10, s23  }
0x17a: {  	_ =	sdelay $0x3  }
0x17b: {  	v4 =	vor.u32 s20, v0  }
0x17c: {  	s24 =	sand.u32 $0x3F0, s22;
	[tilespmem:v3+s11+$0x0] =	vst.idx.msk vm0, v4  }
0x17d: {  	v3 =	vld [tilespmem:s24+$0x1400];
	_ =	sdelay $0x4  }
0x17e: {  	s25 =	sadd.s32 s22, s7;
	vm0 =	vle.f32 v3, $9.999999770e-03  }
0x17f: {  	v3 =	vor.u32 s25, v2;
	v4 =	vsel vm0, $0x1, v1  }
0x180: {  	v3 =	vnsel vm0, $0xC0000000, v3;
	(xrf0) =	vadd.scan.msk.s32 $0xffff, v4  }
0x181: {  	(xrf0) =	vmin.scan.msk.u32 $0xffff, v3;
	_ =	sdelay $0x4  }
0x182: {  	v3, _, _ =	vpop (xrf0)  }
0x183: {  	v4, _, _ =	vpop (xrf0);
	(v2sf) =	vpush v3, $0xF  }
0x184: {  	(v2sf) =	vpush v4, $0xF  }
0x185: {  	s26 =	spop (v2sf)  }
0x186: {  	s19 =	sadd.s32 s19, s26  }
0x187: {  	v4 =	vmov s19  }
0x188: {  	v4 =	vadd.s32 $0xFFFFFFFF, v4  }
0x189: {  	v4 =	vbroadcast v4, $0x0;
	_ =	sdelay $0x1  }
0x18a: {  	v3 =	vadd.s32 v3, v4  }
0x18b: {  	vm1 =	vgt.s32 v3, $0x0  }
0x18c: {  	vm2 =	vlt.s32 v3, $0x10;
	v3 =	vnsel vm1, $0x0, v3  }
0x18d: {  	vm0 =	vmand vm0, vm2;
	v3 =	vmin.u32 v3, $0xF  }
0x18e: {  	v3 =	vnsel vm0, $0x0, v3;
	_ =	sdelay $0x1  }
0x18f: {  	s28 =	spop (v2sf)  }
0x190: {  	s22 =	sxor.u32 $0x80000000, s28;
	s23 =	spop (v2sf)  }
0x191: {  	p0 =	slt.s32 s21, s22;
	v4 =	vor.u32 s25, v0;
	s29 =	spop (v2sf)  }
0x192: {  	s22 =	smov.u32 @p0 s21;
	[tilespmem:v3+s11+$0x0] =	vst.idx.msk vm0, v4;
	s19 =	sadd.s32 s19, s23;
	s20 =	sxor.u32 $0x80000000, s29  }
0x193: {  	v3 =	vld [tilespmem:$0x2000];
	p1 =	sgt.s32 s19, $0x0;
	p0 =	slt.s32 s22, s20  }
0x194: {  	s19 =	simm.s32 @!p1 $0x0;
	s20 =	smov.u32 @p0 s22  }
0x195: {  	s19 =	smin.u32 s19, $0x10;
	p0 =	sgt.s32 s7, s20  }
0x196: {  	v4 =	vmov s19;
	s20 =	smov.u32 @p0 s7  }
0x197: {  	vm0 =	vgt.u32 v4, v0;
	s30 =	smin.u32 s8, s20  }
0x198: {  	s19 =	simm.s32 $0x0;
	v3 =	vnsel vm0, s30, v3  }
0x199: {  	s31 =	sand.u32 $0x3F0, s19;
	[tilespmem:$0x20D0] =	vst v3  }
0x19a: {  	v3 =	vld [tilespmem:s31+$0x1800];
	_ =	sdelay $0x4  }
0x19b: {  	vm0 =	vle.f32 v3, $9.999999770e-03  }
0x19c: {  	s20 =	sadd.s32 $0x0, s7;
	v3 =	vsel vm0, $0x1, v1  }
0x19d: {  	(xrf0) =	vadd.scan.msk.s32 $0xffff, v3;
	v3 =	vor.u32 s20, v2  }
0x19e: {  	v3 =	vnsel vm0, $0xC0000000, v3  }
0x19f: {  	(xrf0) =	vmin.scan.msk.u32 $0xffff, v3  }
0x1a0: {  	v4 =	vmov s19  }
0x1a1: {  	v4 =	vadd.s32 $0xFFFFFFFF, v4;
	_ =	sdelay $0x1  }
0x1a2: {  	v3 =	vbroadcast v4, $0x0  }
0x1a3: {  	v4, _, _ =	vpop (xrf0)  }
0x1a4: {  	v3 =	vadd.s32 v4, v3;
	(v2sf) =	vpush v4, $0xF;
	v5, _, _ =	vpop (xrf0)  }
0x1a5: {  	vm1 =	vgt.s32 v3, $0x0;
	(v2sf) =	vpush v5, $0xF  }
0x1a6: {  	vm2 =	vlt.s32 v3, $0x10;
	v3 =	vnsel vm1, $0x0, v3  }
0x1a7: {  	vm0 =	vmand vm0, vm2;
	v3 =	vmin.u32 v3, $0xF  }
0x1a8: {  	v3 =	vnsel vm0, $0x0, v3;
	_ =	sdelay $0x1  }
0x1a9: {  	s21 =	simm.s32 $0x40000000;
	s23 =	simm.s32 $0x20;
	s22 =	simm.s32 $0x10  }
.LBB2_15:
0x1aa: {  	s24 =	smov.u32 s21  }
0x1ab: {  	p0 =	sne.s32 s23, $0x3F0;
	v4 =	vor.u32 s20, v0  }
0x1ac: {  	s20 =	sand.u32 $0x3F0, s22;
	[tilespmem:v3+s11+$0x0] =	vst.idx.msk vm0, v4  }
0x1ad: {  	v3 =	vld [tilespmem:s20+$0x1800];
	_ =	sdelay $0x3  }
0x1ae: {  	s20 =	sadd.s32 s22, s7;
	s22 =	smov.u32 s23  }
0x1af: {  	vm0 =	vle.f32 v3, $9.999999770e-03;
	v3 =	vor.u32 s20, v2;
	s21 =	spop (v2sf)  }
0x1b0: {  	v4 =	vsel vm0, $0x1, v1;
	v3 =	vnsel vm0, $0xC0000000, v3;
	s19 =	sadd.s32 s19, s21;
	s21 =	spop (v2sf)  }
0x1b1: {  	v5 =	vmov s19;
	(xrf0) =	vadd.scan.msk.s32 $0xffff, v4;
	s21 =	sxor.u32 $0x80000000, s21  }
0x1b2: {  	v4 =	vadd.s32 $0xFFFFFFFF, v5;
	(xrf0) =	vmin.scan.msk.u32 $0xffff, v3;
	p1 =	slt.s32 s24, s21  }
0x1b3: {  	v3 =	vbroadcast v4, $0x0;
	s21 =	smov.u32 @p1 s24;
	_ =	sdelay $0x3  }
0x1b4: {  	v4, _, _ =	vpop (xrf0)  }
0x1b5: {  	v3 =	vadd.s32 v4, v3;
	v5, _, _ =	vpop (xrf0);
	(v2sf) =	vpush v4, $0xF  }
0x1b6: {  	vm1 =	vlt.s32 v3, $0x10;
	vm2 =	vgt.s32 v3, $0x0;
	(v2sf) =	vpush v5, $0xF  }
0x1b7: {  	vm0 =	vmand vm0, vm1;
	v3 =	vnsel vm2, $0x0, v3  }
.Ltmp6:
0x1b8: {  	v3 =	vmin.u32 v3, $0xF;
	(pc) =	sbr.rel @p0 .LBB2_15-.Ltmp6, $2  }
0x1b9: {  	v3 =	vnsel vm0, $0x0, v3;
	_ =	sdelay $0x2  }
0x1ba: {  	s23 =	sadd.s32 $0x10, s23  }
0x1bb: {  	_ =	sdelay $0x3  }
0x1bc: {  	v4 =	vor.u32 s20, v0  }
0x1bd: {  	s24 =	sand.u32 $0x3F0, s22;
	[tilespmem:v3+s11+$0x0] =	vst.idx.msk vm0, v4  }
0x1be: {  	v3 =	vld [tilespmem:s24+$0x1800];
	_ =	sdelay $0x4  }
0x1bf: {  	s25 =	sadd.s32 s22, s7;
	vm0 =	vle.f32 v3, $9.999999770e-03  }
0x1c0: {  	v3 =	vor.u32 s25, v2;
	v4 =	vsel vm0, $0x1, v1  }
0x1c1: {  	v3 =	vnsel vm0, $0xC0000000, v3;
	(xrf0) =	vadd.scan.msk.s32 $0xffff, v4  }
0x1c2: {  	(xrf0) =	vmin.scan.msk.u32 $0xffff, v3;
	_ =	sdelay $0x4  }
0x1c3: {  	v3, _, _ =	vpop (xrf0)  }
0x1c4: {  	v4, _, _ =	vpop (xrf0);
	(v2sf) =	vpush v3, $0xF  }
0x1c5: {  	(v2sf) =	vpush v4, $0xF  }
0x1c6: {  	s26 =	spop (v2sf)  }
0x1c7: {  	s19 =	sadd.s32 s19, s26  }
0x1c8: {  	v4 =	vmov s19  }
0x1c9: {  	v4 =	vadd.s32 $0xFFFFFFFF, v4  }
0x1ca: {  	v4 =	vbroadcast v4, $0x0;
	_ =	sdelay $0x1  }
0x1cb: {  	v3 =	vadd.s32 v3, v4  }
0x1cc: {  	vm1 =	vgt.s32 v3, $0x0  }
0x1cd: {  	vm2 =	vlt.s32 v3, $0x10;
	v3 =	vnsel vm1, $0x0, v3  }
0x1ce: {  	vm0 =	vmand vm0, vm2;
	v3 =	vmin.u32 v3, $0xF  }
0x1cf: {  	v3 =	vnsel vm0, $0x0, v3;
	_ =	sdelay $0x1  }
0x1d0: {  	s28 =	spop (v2sf)  }
0x1d1: {  	s22 =	sxor.u32 $0x80000000, s28;
	s23 =	spop (v2sf)  }
0x1d2: {  	p0 =	slt.s32 s21, s22;
	v4 =	vor.u32 s25, v0;
	s29 =	spop (v2sf)  }
0x1d3: {  	s22 =	smov.u32 @p0 s21;
	[tilespmem:v3+s11+$0x0] =	vst.idx.msk vm0, v4;
	s19 =	sadd.s32 s19, s23;
	s20 =	sxor.u32 $0x80000000, s29  }
0x1d4: {  	v3 =	vld [tilespmem:$0x2000];
	p1 =	sgt.s32 s19, $0x0;
	p0 =	slt.s32 s22, s20  }
0x1d5: {  	s19 =	simm.s32 @!p1 $0x0;
	s20 =	smov.u32 @p0 s22  }
0x1d6: {  	s19 =	smin.u32 s19, $0x10;
	p0 =	sgt.s32 s7, s20  }
0x1d7: {  	v4 =	vmov s19;
	s20 =	smov.u32 @p0 s7  }
0x1d8: {  	vm0 =	vgt.u32 v4, v0;
	s30 =	smin.u32 s8, s20  }
0x1d9: {  	s19 =	simm.s32 $0x0;
	v3 =	vnsel vm0, s30, v3  }
0x1da: {  	s31 =	sand.u32 $0x3F0, s19;
	[tilespmem:$0x20E0] =	vst v3  }
0x1db: {  	v3 =	vld [tilespmem:s31+$0x1C00];
	_ =	sdelay $0x4  }
0x1dc: {  	vm0 =	vle.f32 v3, $9.999999770e-03  }
0x1dd: {  	s20 =	sadd.s32 $0x0, s7;
	v3 =	vsel vm0, $0x1, v1  }
0x1de: {  	(xrf0) =	vadd.scan.msk.s32 $0xffff, v3;
	v3 =	vor.u32 s20, v2  }
0x1df: {  	v3 =	vnsel vm0, $0xC0000000, v3  }
0x1e0: {  	(xrf0) =	vmin.scan.msk.u32 $0xffff, v3  }
0x1e1: {  	v4 =	vmov s19  }
0x1e2: {  	v4 =	vadd.s32 $0xFFFFFFFF, v4;
	_ =	sdelay $0x1  }
0x1e3: {  	v3 =	vbroadcast v4, $0x0  }
0x1e4: {  	v4, _, _ =	vpop (xrf0)  }
0x1e5: {  	v3 =	vadd.s32 v4, v3;
	(v2sf) =	vpush v4, $0xF;
	v5, _, _ =	vpop (xrf0)  }
0x1e6: {  	vm1 =	vgt.s32 v3, $0x0;
	(v2sf) =	vpush v5, $0xF  }
0x1e7: {  	vm2 =	vlt.s32 v3, $0x10;
	v3 =	vnsel vm1, $0x0, v3  }
0x1e8: {  	vm0 =	vmand vm0, vm2;
	v3 =	vmin.u32 v3, $0xF  }
0x1e9: {  	v3 =	vnsel vm0, $0x0, v3;
	_ =	sdelay $0x1  }
0x1ea: {  	s21 =	simm.s32 $0x40000000;
	s23 =	simm.s32 $0x20;
	s22 =	simm.s32 $0x10  }
.LBB2_17:
0x1eb: {  	s24 =	smov.u32 s21  }
0x1ec: {  	p0 =	sne.s32 s23, $0x3F0;
	v4 =	vor.u32 s20, v0  }
0x1ed: {  	s20 =	sand.u32 $0x3F0, s22;
	[tilespmem:v3+s11+$0x0] =	vst.idx.msk vm0, v4  }
0x1ee: {  	v3 =	vld [tilespmem:s20+$0x1C00];
	_ =	sdelay $0x3  }
0x1ef: {  	s20 =	sadd.s32 s22, s7;
	s22 =	smov.u32 s23  }
0x1f0: {  	vm0 =	vle.f32 v3, $9.999999770e-03;
	v3 =	vor.u32 s20, v2;
	s21 =	spop (v2sf)  }
0x1f1: {  	v4 =	vsel vm0, $0x1, v1;
	v3 =	vnsel vm0, $0xC0000000, v3;
	s19 =	sadd.s32 s19, s21;
	s21 =	spop (v2sf)  }
0x1f2: {  	v5 =	vmov s19;
	(xrf0) =	vadd.scan.msk.s32 $0xffff, v4;
	s21 =	sxor.u32 $0x80000000, s21  }
0x1f3: {  	v4 =	vadd.s32 $0xFFFFFFFF, v5;
	(xrf0) =	vmin.scan.msk.u32 $0xffff, v3;
	p1 =	slt.s32 s24, s21  }
0x1f4: {  	v3 =	vbroadcast v4, $0x0;
	s21 =	smov.u32 @p1 s24;
	_ =	sdelay $0x3  }
0x1f5: {  	v4, _, _ =	vpop (xrf0)  }
0x1f6: {  	v3 =	vadd.s32 v4, v3;
	v5, _, _ =	vpop (xrf0);
	(v2sf) =	vpush v4, $0xF  }
0x1f7: {  	vm1 =	vlt.s32 v3, $0x10;
	vm2 =	vgt.s32 v3, $0x0;
	(v2sf) =	vpush v5, $0xF  }
0x1f8: {  	vm0 =	vmand vm0, vm1;
	v3 =	vnsel vm2, $0x0, v3  }
.Ltmp7:
0x1f9: {  	v3 =	vmin.u32 v3, $0xF;
	(pc) =	sbr.rel @p0 .LBB2_17-.Ltmp7, $2  }
0x1fa: {  	v3 =	vnsel vm0, $0x0, v3;
	_ =	sdelay $0x2  }
0x1fb: {  	s23 =	sadd.s32 $0x10, s23  }
0x1fc: {  	_ =	sdelay $0x3  }
0x1fd: {  	v4 =	vor.u32 s20, v0  }
0x1fe: {  	s25 =	sand.u32 $0x3F0, s22;
	[tilespmem:v3+s11+$0x0] =	vst.idx.msk vm0, v4  }
0x1ff: {  	v3 =	vld [tilespmem:s25+$0x1C00];
	_ =	sdelay $0x4  }
0x200: {  	s26 =	sadd.s32 s22, s7;
	vm14 =	vle.f32 v3, $9.999999770e-03  }
0x201: {  	v3 =	vor.u32 s26, v2;
	v59 =	vsel vm14, $0x1, v1  }
0x202: {  	v3 =	vnsel vm14, $0xC0000000, v3;
	(xrf0) =	vadd.scan.msk.s32 $0xffff, v59  }
0x203: {  	(xrf0) =	vmin.scan.msk.u32 $0xffff, v3;
	_ =	sdelay $0x4  }
0x204: {  	v3, _, _ =	vpop (xrf0)  }
0x205: {  	v60, _, _ =	vpop (xrf0);
	(v2sf) =	vpush v3, $0xF  }
0x206: {  	(v2sf) =	vpush v60, $0xF  }
0x207: {  	s28 =	spop (v2sf)  }
0x208: {  	s19 =	sadd.s32 s19, s28  }
0x209: {  	v61 =	vmov s19  }
0x20a: {  	v4 =	vadd.s32 $0xFFFFFFFF, v61  }
0x20b: {  	v4 =	vbroadcast v4, $0x0;
	_ =	sdelay $0x1  }
0x20c: {  	v3 =	vadd.s32 v3, v4  }
0x20d: {  	vm1 =	vgt.s32 v3, $0x0  }
0x20e: {  	vm2 =	vlt.s32 v3, $0x10;
	v3 =	vnsel vm1, $0x0, v3  }
0x20f: {  	vm0 =	vmand vm14, vm2;
	v3 =	vmin.u32 v3, $0xF  }
0x210: {  	v3 =	vnsel vm0, $0x0, v3;
	_ =	sdelay $0x1  }
0x211: {  	s29 =	spop (v2sf)  }
0x212: {  	s22 =	sxor.u32 $0x80000000, s29;
	s23 =	spop (v2sf)  }
0x213: {  	v62 =	vor.u32 s26, v0;
	p0 =	slt.s32 s21, s22;
	s30 =	spop (v2sf)  }
0x214: {  	s22 =	smov.u32 @p0 s21;
	[tilespmem:v3+s11+$0x0] =	vst.idx.msk vm0, v62;
	s19 =	sadd.s32 s19, s23;
	s20 =	sxor.u32 $0x80000000, s30  }
0x215: {  	v3 =	vld [tilespmem:$0x2000];
	p1 =	sgt.s32 s19, $0x0;
	p0 =	slt.s32 s22, s20  }
0x216: {  	s19 =	simm.s32 @!p1 $0x0;
	s20 =	smov.u32 @p0 s22  }
0x217: {  	s19 =	smin.u32 s19, $0x10;
	p0 =	sgt.s32 s7, s20  }
0x218: {  	v63 =	vmov s19;
	s20 =	smov.u32 @p0 s7  }
0x219: {  	vm15 =	vgt.u32 v63, v0;
	s31 =	smin.u32 s8, s20  }
0x21a: {  	v3 =	vnsel vm15, s31, v3  }
0x21b: {  	[tilespmem:$0x20F0] =	vst v3  }
0x21c: {  	[tilespmem:s14], [sflag:$0x1] =	stream.indirect.gather [hbm4b:s4+s12], $0x80, s13, s12, $0xb8;
	[tilespmem:$0x6100] =	vst v63  }
0x21d: {  	s17 =	sadd.s32 $0x1, s17;
	_ =	swait.ge [sflag:s15], $0x4000  }
0x21e: {  	s18 =	sshll.u32 s18, $0xB;
	p0 =	sne.s32 s17, $0x10;
	[sflag:s15] =	ssyncset.done $0x0  }
.Ltmp8:
0x21f: {  	s18 =	sadd.s32 s5, s18;
	[sflag:s15] =	ssyncadd.s32 $0xFFFFC000;
	(pc) =	sbr.rel @p0 .LBB2_2-.Ltmp8, $4  }
0x220: {  	[hbm4b:s18+s1] =	stream.linear.scatter [tilespmem:s14], [sflag:$0x2], $0x4000, $0x38;
	[tilespmem:$0x6100] =	vst v63  }
0x221: {  	_ =	swait.ge [sflag:s10], $0x4000  }
0x222: {  	[sflag:s10] =	ssyncset.done $0x0  }
0x223: {  	[sflag:s10] =	ssyncadd.s32 $0xFFFFC000  }
0x224: {  	s16 =	sadd.s32 $0x1, s16  }
0x225: {  	p0 =	sne.s32 s16, s9  }
.Ltmp9:
0x226: {  	_ = 	snop;
	(pc) =	sbr.rel @p0 .LBB2_1-.Ltmp9, $1  }
0x227: {  	_ =	sdelay $0x3  }
0x228: {  	_ =	sfence.sel $0x180000  }
0x229: {  	[bflag:$0x0] =	sbarrier.arrive $0xFFFF  }
0x22a: {  	p0 =	sne.s32 s2, $0x0;
	_ =	strace $0x90000047  }
0x22b: {  	s0 =	sadd.s32 @!p0 $0x100000, s0;
	[bflag:$0x2] =	sbarrier.arrive $0xFFFF  }
0x22c: {  	[sflag:s0] =	ssyncadd.tile.s32 @!p0 $0x1;
	_ =	shalt  }
.Lfunc_end2:
_tile_overlayer_lowered:
.L_overlay_start_2:
0x22d: {  	(tag) =	ssettag $0x2  }
0x22e: {  	s0 =	rddreg [dreg:$0x0];
	s2 =	stileid.u32  }
0x22f: {  	s1 =	rddreg [dreg:$0x1];
	p0 =	sne.s32 s2, $0x0  }
0x230: {  	s3 =	rddreg [dreg:$0x2];
	[bflag:$0x3] =	sbarrier.arrive $0xFFFF;
	s2 =	simm.s32 @!p0 $0x1C02  }
0x231: {  	[timem:s3], [sflag:s2] =	dma.local @!p0 [hbm:s0], s1  }
0x232: {  	s0 =	simm.s32 @!p0 $0x2  }
0x233: {  	_ =	swait.ge @!p0 [sflag:s0], s1  }
0x234: {  	s1 =	ssub.s32 @!p0 $0x0, s1;
	[sflag:s0] =	ssyncset.done @!p0 $0x0  }
0x235: {  	[sflag:s0] =	ssyncadd.s32 @!p0 s1  }
0x236: {  	[bflag:$0x3] =	sbarrier.arrive $0xFFFF  }
0x237: {  	_ =	shalt  }

// kernel: kernel.25.cloned.1.call-start
scs
__scs_entry_jumppad:
0x0: {  	(pc) =	sbr.rel $0x88, $3  }
0x1: {  	(tag) =	ssettag $0x0;
	lr =	simm.s32 $0x1  }
0x2: {  	[smem:$0x3F12] =	sst lr;
	_ =	strace $0xD0000000  }
0x3: {  	_ = 	snop  }
0x4: {  	_ = 	snop  }
0x5: {  	_ = 	snop  }
0x6: {  	_ = 	snop  }
0x7: {  	_ = 	snop  }
__scs_overlays_trampoline_lowered:
0x8: {  	[smem:$0x3F21] =	sst s0  }
0x9: {  	[smem:$0x3F22] =	sst s1  }
0xa: {  	[smem:$0x3F23] =	sst s2  }
0xb: {  	[smem:$0x3F24] =	sst s3  }
0xc: {  	[smem:$0x3F25] =	sst s4  }
0xd: {  	[smem:$0x3F26] =	sst s5  }
0xe: {  	[smem:$0x3F27] =	sst s6  }
0xf: {  	[smem:$0x3F28] =	sst s7  }
0x10: {  	[smem:$0x3F29] =	sst s8  }
0x11: {  	[smem:$0x3F2A] =	sst s9;
	s0 =	simm.s32 @!p0 $0x0  }
0x12: {  	s1 =	sld [smem:$0x3F10];
	s0 =	simm.s32 @p0 $0x1  }
0x13: {  	[smem:$0x3F2B] =	sst s0;
	s0 =	simm.s32 @!p1 $0x0  }
0x14: {  	s2 =	sld [smem:$0x3F0F];
	s0 =	simm.s32 @p1 $0x1  }
0x15: {  	[smem:$0x3F2C] =	sst s0;
	s0 =	simm.s32 @!p2 $0x0  }
0x16: {  	s3 =	sld [smem:$0x3FDB];
	s0 =	simm.s32 @p2 $0x1  }
0x17: {  	s4 =	simm.s32 $0x1BF5;
	[smem:$0x3F2E] =	sst s0  }
0x18: {  	s0 =	sld [smem:$0x3F11];
	_ =	swait.ge [sflag:s4], $0x0  }
0x19: {  	s7 =	sld [smem:$0x3F12]  }
0x1a: {  	s8 =	sadd.s32 $0xFFFFE003, lr  }
0x1b: {  	s9 =	sadd.s32 $0xFFFFFEF7, lr;
	s5 =	simm.s32 $0xFFFFFFFF;
	p2 =	slt.u32 s8, $0xFFFFF086  }
0x1c: {  	p1 =	slt.u32 s9, $0xF7A;
	s5 =	simm.s32 @!p2 $0x0  }
0x1d: {  	s5 =	simm.s32 @p1 $0x1;
	p0 =	seq.s32 s7, s2  }
0x1e: {  	s7 =	smul.u32 @!p0 $0xF7A, s2;
	p2 =	seq.s32 @!p0 s5, $0x0  }
0x1f: {  	s9 =	smul.u32 $0xF7A, s1;
	s8 =	simm.s32 @!p0 $0x1BF5;
	p2 =	por !p2, p0  }
0x20: {  	[sflag:s8] =	ssyncset.s32 @!p0 $0xFFFFF086;
	s6 =	sadd.s32 @!p0 s3, s7;
	s7 =	simm.s32 @!p0 $0x108  }
0x21: {  	s3 =	sadd.s32 s3, s9;
	s6 =	sadd.s32 @!p0 $0x88, s6;
	s7 =	simm.s32 @p2 $0x1082  }
0x22: {  	[simem:s7], [sflag:s8] =	dma.local @!p0 [hbm:s6], $0xF7A  }
0x23: {  	s9 =	sor.u32 $0xD0000000, s2;
	s6 =	simm.s32 $0x108;
	_ =	swait.ge @!p0 [sflag:s8], $0x0  }
0x24: {  	s3 =	sadd.s32 $0x88, s3;
	s6 =	simm.s32 @!p1 $0x1082;
	[sflag:s4] =	ssyncset.s32 $0xFFFFF086  }
0x25: {  	[simem:s6], [sflag:s4] =	dma.local [hbm:s3], $0xF7A  }
0x26: {  	[smem:$0x3F12] =	sst s1;
	(tag) =	ssettag s2;
	_ =	strace s9  }
0x27: {  	s1 =	sld [smem:$0x3F22]  }
0x28: {  	s2 =	sld [smem:$0x3F23]  }
0x29: {  	s4 =	sld [smem:$0x3F25]  }
0x2a: {  	p0 =	seq.s32 s5, $0x0;
	s5 =	sld [smem:$0x3F26]  }
0x2b: {  	s6 =	sld [smem:$0x3F27]  }
0x2c: {  	s7 =	sld [smem:$0x3F28]  }
0x2d: {  	s3 =	simm.s32 $0x108;
	s8 =	sld [smem:$0x3F29]  }
0x2e: {  	s3 =	simm.s32 @!p0 $0x1082;
	s9 =	sld [smem:$0x3F2A]  }
0x2f: {  	lr =	sadd.s32 s0, s3;
	s0 =	sld [smem:$0x3F21]  }
0x30: {  	s3 =	sld [smem:$0x3F24]  }
0x31: {  	[smem:$0x3F2D] =	sst s10  }
0x32: {  	s10 =	sld [smem:$0x3F2B];
	_ =	sdelay $0x3  }
0x33: {  	p0 =	seq.s32 s10, $0x1;
	s10 =	sld [smem:$0x3F2D];
	_ =	sdelay $0x3  }
0x34: {  	[smem:$0x3F2D] =	sst s10  }
0x35: {  	s10 =	sld [smem:$0x3F2C];
	_ =	sdelay $0x3  }
0x36: {  	p1 =	seq.s32 s10, $0x1;
	s10 =	sld [smem:$0x3F2D];
	_ =	sdelay $0x3  }
0x37: {  	[smem:$0x3F2D] =	sst s10  }
0x38: {  	s10 =	sld [smem:$0x3F2E]  }
0x39: {  	_ = 	snop;
	(pc) =	sbr.ind lr, $3  }
0x3a: {  	_ = 	snop  }
0x3b: {  	_ = 	snop  }
0x3c: {  	p2 =	seq.s32 s10, $0x1;
	s10 =	sld [smem:$0x3F2D]  }
0x3d: {  	_ =	shalt  }
0x3e: {  	_ =	shalt  }
0x3f: {  	_ =	shalt  }
0x40: {  	_ =	shalt  }
0x41: {  	_ =	shalt  }
0x42: {  	_ =	shalt  }
0x43: {  	_ =	shalt  }
0x44: {  	_ =	shalt  }
0x45: {  	_ =	shalt  }
0x46: {  	_ =	shalt  }
0x47: {  	_ =	shalt  }
0x48: {  	_ =	shalt  }
0x49: {  	_ =	shalt  }
0x4a: {  	_ =	shalt  }
0x4b: {  	_ =	shalt  }
0x4c: {  	_ =	shalt  }
0x4d: {  	_ =	shalt  }
0x4e: {  	_ =	shalt  }
0x4f: {  	_ =	shalt  }
0x50: {  	_ =	shalt  }
0x51: {  	_ =	shalt  }
0x52: {  	_ =	shalt  }
0x53: {  	_ =	shalt  }
0x54: {  	_ =	shalt  }
0x55: {  	_ =	shalt  }
0x56: {  	_ =	shalt  }
0x57: {  	_ =	shalt  }
0x58: {  	_ =	shalt  }
0x59: {  	_ =	shalt  }
0x5a: {  	_ =	shalt  }
0x5b: {  	_ =	shalt  }
0x5c: {  	_ =	shalt  }
0x5d: {  	_ =	shalt  }
0x5e: {  	_ =	shalt  }
0x5f: {  	_ =	shalt  }
0x60: {  	_ =	shalt  }
0x61: {  	_ =	shalt  }
0x62: {  	_ =	shalt  }
0x63: {  	_ =	shalt  }
0x64: {  	_ =	shalt  }
0x65: {  	_ =	shalt  }
0x66: {  	_ =	shalt  }
0x67: {  	_ =	shalt  }
0x68: {  	_ =	shalt  }
0x69: {  	_ =	shalt  }
0x6a: {  	_ =	shalt  }
0x6b: {  	_ =	shalt  }
0x6c: {  	_ =	shalt  }
0x6d: {  	_ =	shalt  }
0x6e: {  	_ =	shalt  }
0x6f: {  	_ =	shalt  }
0x70: {  	_ =	shalt  }
0x71: {  	_ =	shalt  }
0x72: {  	_ =	shalt  }
0x73: {  	_ =	shalt  }
0x74: {  	_ =	shalt  }
0x75: {  	_ =	shalt  }
0x76: {  	_ =	shalt  }
0x77: {  	_ =	shalt  }
0x78: {  	_ =	shalt  }
0x79: {  	_ =	shalt  }
0x7a: {  	_ =	shalt  }
0x7b: {  	_ =	shalt  }
0x7c: {  	_ =	shalt  }
0x7d: {  	_ =	shalt  }
0x7e: {  	_ =	shalt  }
0x7f: {  	_ =	shalt  }
0x80: {  	_ =	shalt  }
0x81: {  	_ =	shalt  }
0x82: {  	_ =	shalt  }
0x83: {  	_ =	shalt  }
0x84: {  	_ =	shalt  }
0x85: {  	_ =	shalt  }
0x86: {  	_ =	shalt  }
0x87: {  	_ =	shalt  }
.Lfunc_end0:
.L_simem_size_0:
called_computation.1_lowered:
.L_overlay_start_0:
0x88: {  	s2 =	sld [smem:$0x3FD9]  }
0x89: {  	s3 =	sld [smem:$0x3FFE];
	_ =	sdelay $0x1  }
0x8a: {  	s1 =	srdreg.scid  }
0x8b: {  	s0 =	sand.u32 $0x1, s1  }
0x8c: {  	s17 =	sshll.u32 s0, $0xA;
	s2 =	sadd.s32 s3, s2  }
0x8d: {  	s2 =	sadd.s32 s2, s17  }
0x8e: {  	[smem:$0x3F39] =	sst s2  }
0x8f: {  	_ = 	snop  }
0x90: {  	(tm) =	ssettm $0x1  }
0x91: {  	s18 =	sld [smem:$0x3FFB];
	_ =	sdelay $0x3  }
0x92: {  	_ =	strace s18  }
0x93: {  	s2 =	sld [smem:$0x3FFC];
	_ =	sdelay $0x3  }
0x94: {  	_ =	strace s2  }
0x95: {  	s2 =	sld [smem:$0x3FFD];
	_ =	sdelay $0x3  }
0x96: {  	_ =	strace s2  }
0x97: {  	_ =	strace $0x8FFFFFFF  }
0x98: {  	s19 =	sld [smem:$0x3FDB];
	_ =	sdelay $0x1  }
0x99: {  	s20 =	simm.s32 $_scs_section_size  }
0x9a: {  	s4 =	simm.s32 $_size__tile_overlayer_lowered;
	s5 =	simm.s32 $_tile_overlayer_lowered  }
0x9b: {  	s6 =	simm.s32 $0x1BFF;
	s21 =	sshll.u32 s5, $0x1;
	s3 =	sadd.s32 s20, s19  }
0x9c: {  	s22 =	simm.s32 $0x0;
	s4 =	sshll.u32 s4, $0x1;
	s5 =	sadd.s32 s21, s3  }
0x9d: {  	[timem:s22], [sflag:s6] =	dma.local [hbm:s5], s4  }
0x9e: {  	_ =	swait.ge [sflag:s6], s4  }
0x9f: {  	s4 =	ssub.s32 $0x0, s4;
	[sflag:s6] =	ssyncset.done $0x0  }
0xa0: {  	[sflag:s6] =	ssyncadd.s32 s4;
	_ =	sdelay $0x1  }
0xa1: {  	s23 =	simm.s32 $0x1B8B  }
0xa2: {  	_ =	swait.ge [sflag:s23], $0x1  }
0xa3: {  	[sflag:s23] =	ssyncset.done $0x0  }
0xa4: {  	[sflag:s23] =	ssyncadd.s32 $0xFFFFFFFF  }
0xa5: {  	s4 =	sld [smem:$0x0]  }
0xa6: {  	s5 =	sand.u32 $0xFFFFFFFE, s1  }
0xa7: {  	p0 =	sne.s32 s1, s5  }
0xa8: {  	s5 =	sshll.u32 @p0 s5, $0xE  }
0xa9: {  	s5 =	sadd.s32 @p0 $0x11B8D, s5;
	s6 =	sshll.u32 @p0 s4, $0x11  }
0xaa: {  	s5 =	sor.u32 @p0 s6, s5  }
0xab: {  	[sflag:s5] =	ssyncadd.remote.s32 @p0 $0x1;
	_ =	sdelay $0x1  }
0xac: {  	s5 =	simm.s32 @p0 $0x1B8D  }
0xad: {  	_ =	swait.eq @p0 [sflag:s5], $0x1  }
0xae: {  	[sflag:s5] =	ssyncadd.s32 @p0 $0xFFFFFFFF  }
0xaf: {  	s6 =	sshll.u32 @!p0 s1, $0xE  }
0xb0: {  	s6 =	sor.u32 @!p0 $0x4000, s6;
	s5 =	simm.s32 @!p0 $0x1B8D  }
0xb1: {  	s4 =	sshll.u32 @!p0 s4, $0x11;
	s6 =	sadd.s32 @!p0 $0x11B8D, s6;
	_ =	swait.eq @!p0 [sflag:s5], $0x1  }
0xb2: {  	s4 =	sor.u32 @!p0 s4, s6;
	[sflag:s5] =	ssyncadd.s32 @!p0 $0xFFFFFFFF  }
0xb3: {  	s25 =	simm.s32 $0x1B8E;
	s24 =	sld [smem:$0x3FFE];
	[sflag:s4] =	ssyncadd.remote.s32 @!p0 $0x1  }
0xb4: {  	s26 =	simm.s32 $execute0_lowered;
	[smem:$0x3FD2] =	sst s25  }
0xb5: {  	s5 =	sshll.u32 s26, $0x1;
	_ =	strace $0x80000049;
	[dreg:$0x1] =	wrdreg $0xFFFFFFFF  }
0xb6: {  	s28 =	simm.s32 $_size_execute0_lowered;
	s3 =	sadd.s32 s3, s5;
	[dreg:$0x0] =	wrdreg $0x0  }
0xb7: {  	s5 =	sshll.u32 s28, $0x1;
	[dreg:$0x2] =	wrdreg s3  }
0xb8: {  	[dreg:$0x3] =	wrdreg s5  }
0xb9: {  	[dreg:$0x4] =	wrdreg $0xC0  }
0xba: {  	_ =	task [dreg:s22], $0x5FFFF  }
0xbb: {  	[dreg:$0x1] =	wrdreg $0xFFFFFFFF  }
0xbc: {  	[dreg:$0x0] =	wrdreg $0x60  }
0xbd: {  	[dreg:$0x2] =	wrdreg s24  }
0xbe: {  	[dreg:$0x3] =	wrdreg $0xA  }
0xbf: {  	_ =	task.clear_ibuf [dreg:s22], $0x4FFFF;
	_ =	strace $0x90000049  }
0xc0: {  	s29 =	simm.s32 $0xA;
	_ =	strace $0x8000004B  }
0xc1: {  	_ =	swait.ge [sflag:s29], $0x1  }
0xc2: {  	[sflag:s29] =	ssyncadd.s32 $0xFFFFFFFF  }
0xc3: {  	_ =	strace $0x9000004B  }
0xc4: {  	_ =	sfence  }
0xc5: {  	s30 =	sld [smem:$0x0];
	_ =	sdelay $0x2  }
0xc6: {  	s31 =	sshll.u32 s1, $0xD;
	s1 =	sshrl.u32 s1, $0x2  }
0xc7: {  	s4 =	sand.u32 $0x4000, s31;
	s1 =	sadd.s32 s1, s30  }
0xc8: {  	s0 =	sor.u32 s4, s0;
	s1 =	sshll.u32 s1, $0x11  }
0xc9: {  	s0 =	sor.u32 s1, s0  }
0xca: {  	s0 =	sadd.s32 $0x8F2B, s0  }
0xcb: {  	[sflag:s0] =	ssyncadd.remote.s32 $0x1  }
0xcc: {  	_ =	sfence.sel $0xFFFF  }
0xcd: {  	[dreg:$0x0] =	wrdreg $0xFFFFFFFF;
	(pc) =	sbr.abs _section_cstart, $3  }
0xce: {  	[dreg:$0x1] =	wrdreg $0xFFFFFFFF  }
0xcf: {  	_ =	task.clear_ibuf [dreg:s22], $0x2FFFF;
	_ =	strace $0x9FFFFFFF  }
0xd0: {  	(tm) =	ssettm $0x7FFFFFFF  }
0xd1: {  	_ =	shalt  }
tec
execute0_lowered:
.L_overlay_start_1:
0x0: {  	(tag) =	ssettag $0x1  }
0x1: {  	s2 =	rddreg [dreg:$0x0]  }
0x2: {  	s0 =	rddreg [dreg:$0x1];
	s1 =	simm.s32 $0x0;
	s3 =	srdreg.scid  }
0x3: {  	s12 =	simm.s32 $0x80;
	s13 =	simm.s32 $0x1080;
	s14 =	simm.s32 $0x1100  }
0x4: {  	s15 =	simm.s32 $0x1;
	s16 =	simm.s32 $0x0;
	[smem:$0x7FF] =	sst s1  }
0x5: {  	s6 =	sand.u32 $0x1, s3;
	s3 =	sadd.s32 $0x36E00, s2;
	s4 =	sadd.s32 $0x1F6E00, s2  }
0x6: {  	s5 =	sadd.s32 $0x216E00, s2;
	s2 =	stileid.u32;
	_ =	strace $0x8000004A  }
0x7: {  	s7 =	ssub.s32 $0x2, s6;
	s9 =	sshll.u32 s2, $0x6;
	s6 =	sshll.u32 s6, $0x5  }
0x8: {  	s10 =	sshll.u32 s2, $0x9;
	s8 =	sshrl.u32 s7, $0x1;
	s6 =	sor.u32 s6, s9  }
0x9: {  	v0 =	vlaneseq.u32;
	s11 =	ssub.s32 s7, s8;
	s7 =	sand.u32 $0x1C00, s10;
	s8 =	sor.u32 $0x3FF, s10  }
0xa: {  	v1 =	vimm.s32 $0x0;
	v2 =	vor.u32 $0x80000000, v0;
	v3 =	vor.u32 $0x10, v0;
	s10 =	simm.s32 $0x2;
	s9 =	smax.u32 s11, $0x1;
	s11 =	simm.s32 $0x1000  }
.LBB2_1:
0xb: {  	s17 =	simm.s32 $0x0  }
.LBB2_2:
0xc: {  	s18 =	sadd.s32 s6, s17  }
0xd: {  	s19 =	sshll.u32 s18, $0x9  }
0xe: {  	s20 =	sadd.s32 s3, s19;
	s19 =	simm.s32 $0x0  }
0xf: {  	[tilespmem:s19], [sflag:$0x2] =	stream.linear.gather [hbm4b:s20+s19], $0x1000, $0x38;
	[tilespmem:$0x5100] =	vst v63  }
0x10: {  	_ =	swait.ge [sflag:s10], $0x1000  }
0x11: {  	[sflag:s10] =	ssyncset.done $0x0  }
0x12: {  	s31 =	simm.s32 $0x0;
	[sflag:s10] =	ssyncadd.s32 $0xFFFFF000  }
0x13: {  	v4 =	vld [tilespmem:s31+$0x0];
	_ =	sdelay $0x4  }
0x14: {  	vm0 =	vle.f32 v4, $3.999999910e-02  }
0x15: {  	v4 =	vsel vm0, $0x1, v1  }
0x16: {  	(xrf0) =	vadd.scan.msk.s32 $0xffff, v4;
	v4 =	vor.u32 s7, v2  }
0x17: {  	v4 =	vnsel vm0, $0xC0000000, v4  }
0x18: {  	(xrf0) =	vmin.scan.msk.u32 $0xffff, v4  }
0x19: {  	v5 =	vmov s19  }
0x1a: {  	v5 =	vadd.s32 $0xFFFFFFFF, v5;
	_ =	sdelay $0x1  }
0x1b: {  	v4 =	vbroadcast v5, $0x0  }
0x1c: {  	v5, _, _ =	vpop (xrf0)  }
0x1d: {  	v4 =	vadd.s32 v5, v4;
	(v2sf) =	vpush v5, $0xF;
	v6, _, _ =	vpop (xrf0)  }
0x1e: {  	vm1 =	vgt.s32 v4, $0x0;
	(v2sf) =	vpush v6, $0xF  }
0x1f: {  	vm2 =	vlt.s32 v4, $0x20;
	v4 =	vnsel vm1, $0x0, v4  }
0x20: {  	vm0 =	vmand vm0, vm2;
	v4 =	vmin.u32 v4, $0x1F  }
0x21: {  	v4 =	vnsel vm0, $0x0, v4  }
0x22: {  	s22 =	simm.s32 $0x40  }
0x23: {  	s23 =	simm.s32 $0x80;
	s21 =	smov.u32 s7;
	s20 =	simm.s32 $0x40000000  }
.LBB2_3:
0x24: {  	s24 =	smov.u32 s20  }
0x25: {  	p0 =	sne.s32 s23, $0xFC0;
	v5 =	vor.u32 s21, v0  }
0x26: {  	s20 =	sshra.s32 s22, $0x2;
	s22 =	smov.u32 s23;
	[tilespmem:v4+s11+$0x0] =	vst.idx.msk vm0, v5  }
0x27: {  	v4 =	vld [tilespmem:s20+$0x0];
	_ =	sdelay $0x3  }
0x28: {  	s21 =	sadd.s32 $0x10, s21  }
0x29: {  	vm0 =	vle.f32 v4, $3.999999910e-02;
	v4 =	vor.u32 s21, v2;
	s20 =	spop (v2sf)  }
0x2a: {  	v5 =	vsel vm0, $0x1, v1;
	v4 =	vnsel vm0, $0xC0000000, v4;
	s19 =	sadd.s32 s19, s20;
	s20 =	spop (v2sf)  }
0x2b: {  	v6 =	vmov s19;
	(xrf0) =	vadd.scan.msk.s32 $0xffff, v5;
	s20 =	sxor.u32 $0x80000000, s20  }
0x2c: {  	v5 =	vadd.s32 $0xFFFFFFFF, v6;
	(xrf0) =	vmin.scan.msk.u32 $0xffff, v4;
	p1 =	slt.s32 s24, s20  }
0x2d: {  	v4 =	vbroadcast v5, $0x0;
	s20 =	smov.u32 @p1 s24;
	_ =	sdelay $0x3  }
0x2e: {  	v5, _, _ =	vpop (xrf0)  }
0x2f: {  	v4 =	vadd.s32 v5, v4;
	v6, _, _ =	vpop (xrf0);
	(v2sf) =	vpush v5, $0xF  }
0x30: {  	vm1 =	vlt.s32 v4, $0x20;
	vm2 =	vgt.s32 v4, $0x0;
	(v2sf) =	vpush v6, $0xF  }
0x31: {  	vm0 =	vmand vm0, vm1;
	v4 =	vnsel vm2, $0x0, v4  }
.Ltmp0:
0x32: {  	v4 =	vmin.u32 v4, $0x1F;
	(pc) =	sbr.rel @p0 .LBB2_3-.Ltmp0, $2  }
0x33: {  	v4 =	vnsel vm0, $0x0, v4;
	_ =	sdelay $0x2  }
0x34: {  	s23 =	sadd.s32 $0x40, s23  }
0x35: {  	_ =	sdelay $0x3  }
0x36: {  	v5 =	vor.u32 s21, v0  }
0x37: {  	s22 =	sshra.s32 s22, $0x2;
	[tilespmem:v4+s11+$0x0] =	vst.idx.msk vm0, v5  }
0x38: {  	v4 =	vld [tilespmem:s22+$0x0];
	_ =	sdelay $0x4  }
0x39: {  	s25 =	sadd.s32 $0x10, s21;
	vm0 =	vle.f32 v4, $3.999999910e-02  }
0x3a: {  	v4 =	vor.u32 s25, v2;
	v5 =	vsel vm0, $0x1, v1  }
0x3b: {  	v4 =	vnsel vm0, $0xC0000000, v4;
	(xrf0) =	vadd.scan.msk.s32 $0xffff, v5  }
0x3c: {  	(xrf0) =	vmin.scan.msk.u32 $0xffff, v4;
	_ =	sdelay $0x4  }
0x3d: {  	v4, _, _ =	vpop (xrf0)  }
0x3e: {  	v5, _, _ =	vpop (xrf0);
	(v2sf) =	vpush v4, $0xF  }
0x3f: {  	(v2sf) =	vpush v5, $0xF  }
0x40: {  	s26 =	spop (v2sf)  }
0x41: {  	s19 =	sadd.s32 s19, s26  }
0x42: {  	v5 =	vmov s19  }
0x43: {  	v5 =	vadd.s32 $0xFFFFFFFF, v5  }
0x44: {  	v5 =	vbroadcast v5, $0x0;
	_ =	sdelay $0x1  }
0x45: {  	v4 =	vadd.s32 v4, v5  }
0x46: {  	vm1 =	vgt.s32 v4, $0x0  }
0x47: {  	vm2 =	vlt.s32 v4, $0x20;
	v4 =	vnsel vm1, $0x0, v4  }
0x48: {  	vm0 =	vmand vm0, vm2;
	v4 =	vmin.u32 v4, $0x1F  }
0x49: {  	v4 =	vnsel vm0, $0x0, v4;
	_ =	sdelay $0x1  }
0x4a: {  	s28 =	spop (v2sf)  }
0x4b: {  	s22 =	sxor.u32 $0x80000000, s28;
	s23 =	spop (v2sf)  }
0x4c: {  	p0 =	slt.s32 s20, s22;
	v5 =	vor.u32 s25, v0;
	s29 =	spop (v2sf)  }
0x4d: {  	s22 =	smov.u32 @p0 s20;
	[tilespmem:v4+s11+$0x0] =	vst.idx.msk vm0, v5;
	s19 =	sadd.s32 s19, s23;
	s20 =	sxor.u32 $0x80000000, s29  }
0x4e: {  	v4 =	vld [tilespmem:$0x1000];
	p1 =	sgt.s32 s19, $0x0;
	p0 =	slt.s32 s22, s20  }
0x4f: {  	v5 =	vld [tilespmem:$0x1010];
	s19 =	simm.s32 @!p1 $0x0;
	s20 =	smov.u32 @p0 s22  }
0x50: {  	s19 =	smin.u32 s19, $0x20;
	p0 =	sgt.s32 s7, s20  }
0x51: {  	v6 =	vmov s19;
	s20 =	smov.u32 @p0 s7  }
0x52: {  	vm0 =	vgt.u32 v6, v0;
	s30 =	smin.u32 s8, s20  }
0x53: {  	v4 =	vnsel vm0, s30, v4;
	vm0 =	vgt.u32 v6, v3  }
0x54: {  	s19 =	simm.s32 $0x0;
	[tilespmem:$0x1080] =	vst v4;
	v4 =	vnsel vm0, s30, v5  }
0x55: {  	s31 =	sand.u32 $0x3F0, s19;
	[tilespmem:$0x1090] =	vst v4  }
0x56: {  	v4 =	vld [tilespmem:s31+$0x400];
	_ =	sdelay $0x4  }
0x57: {  	vm0 =	vle.f32 v4, $3.999999910e-02  }
0x58: {  	s20 =	sadd.s32 $0x0, s7;
	v4 =	vsel vm0, $0x1, v1  }
0x59: {  	(xrf0) =	vadd.scan.msk.s32 $0xffff, v4;
	v4 =	vor.u32 s20, v2  }
0x5a: {  	v4 =	vnsel vm0, $0xC0000000, v4  }
0x5b: {  	(xrf0) =	vmin.scan.msk.u32 $0xffff, v4  }
0x5c: {  	v5 =	vmov s19  }
0x5d: {  	v5 =	vadd.s32 $0xFFFFFFFF, v5;
	_ =	sdelay $0x1  }
0x5e: {  	v4 =	vbroadcast v5, $0x0  }
0x5f: {  	v5, _, _ =	vpop (xrf0)  }
0x60: {  	v4 =	vadd.s32 v5, v4;
	(v2sf) =	vpush v5, $0xF;
	v6, _, _ =	vpop (xrf0)  }
0x61: {  	vm1 =	vgt.s32 v4, $0x0;
	(v2sf) =	vpush v6, $0xF  }
0x62: {  	vm2 =	vlt.s32 v4, $0x20;
	v4 =	vnsel vm1, $0x0, v4  }
0x63: {  	vm0 =	vmand vm0, vm2;
	v4 =	vmin.u32 v4, $0x1F  }
0x64: {  	v4 =	vnsel vm0, $0x0, v4;
	_ =	sdelay $0x1  }
0x65: {  	s21 =	simm.s32 $0x40000000;
	s23 =	simm.s32 $0x20;
	s22 =	simm.s32 $0x10  }
.LBB2_5:
0x66: {  	s24 =	smov.u32 s21  }
0x67: {  	p0 =	sne.s32 s23, $0x3F0;
	v5 =	vor.u32 s20, v0  }
0x68: {  	s20 =	sand.u32 $0x3F0, s22;
	[tilespmem:v4+s11+$0x0] =	vst.idx.msk vm0, v5  }
0x69: {  	v4 =	vld [tilespmem:s20+$0x400];
	_ =	sdelay $0x3  }
0x6a: {  	s20 =	sadd.s32 s22, s7;
	s22 =	smov.u32 s23  }
0x6b: {  	vm0 =	vle.f32 v4, $3.999999910e-02;
	v4 =	vor.u32 s20, v2;
	s21 =	spop (v2sf)  }
0x6c: {  	v5 =	vsel vm0, $0x1, v1;
	v4 =	vnsel vm0, $0xC0000000, v4;
	s19 =	sadd.s32 s19, s21;
	s21 =	spop (v2sf)  }
0x6d: {  	v6 =	vmov s19;
	(xrf0) =	vadd.scan.msk.s32 $0xffff, v5;
	s21 =	sxor.u32 $0x80000000, s21  }
0x6e: {  	v5 =	vadd.s32 $0xFFFFFFFF, v6;
	(xrf0) =	vmin.scan.msk.u32 $0xffff, v4;
	p1 =	slt.s32 s24, s21  }
0x6f: {  	v4 =	vbroadcast v5, $0x0;
	s21 =	smov.u32 @p1 s24;
	_ =	sdelay $0x3  }
0x70: {  	v5, _, _ =	vpop (xrf0)  }
0x71: {  	v4 =	vadd.s32 v5, v4;
	v6, _, _ =	vpop (xrf0);
	(v2sf) =	vpush v5, $0xF  }
0x72: {  	vm1 =	vlt.s32 v4, $0x20;
	vm2 =	vgt.s32 v4, $0x0;
	(v2sf) =	vpush v6, $0xF  }
0x73: {  	vm0 =	vmand vm0, vm1;
	v4 =	vnsel vm2, $0x0, v4  }
.Ltmp1:
0x74: {  	v4 =	vmin.u32 v4, $0x1F;
	(pc) =	sbr.rel @p0 .LBB2_5-.Ltmp1, $2  }
0x75: {  	v4 =	vnsel vm0, $0x0, v4;
	_ =	sdelay $0x2  }
0x76: {  	s23 =	sadd.s32 $0x10, s23  }
0x77: {  	_ =	sdelay $0x3  }
0x78: {  	v5 =	vor.u32 s20, v0  }
0x79: {  	s24 =	sand.u32 $0x3F0, s22;
	[tilespmem:v4+s11+$0x0] =	vst.idx.msk vm0, v5  }
0x7a: {  	v4 =	vld [tilespmem:s24+$0x400];
	_ =	sdelay $0x4  }
0x7b: {  	s25 =	sadd.s32 s22, s7;
	vm0 =	vle.f32 v4, $3.999999910e-02  }
0x7c: {  	v4 =	vor.u32 s25, v2;
	v5 =	vsel vm0, $0x1, v1  }
0x7d: {  	v4 =	vnsel vm0, $0xC0000000, v4;
	(xrf0) =	vadd.scan.msk.s32 $0xffff, v5  }
0x7e: {  	(xrf0) =	vmin.scan.msk.u32 $0xffff, v4;
	_ =	sdelay $0x4  }
0x7f: {  	v4, _, _ =	vpop (xrf0)  }
0x80: {  	v5, _, _ =	vpop (xrf0);
	(v2sf) =	vpush v4, $0xF  }
0x81: {  	(v2sf) =	vpush v5, $0xF  }
0x82: {  	s26 =	spop (v2sf)  }
0x83: {  	s19 =	sadd.s32 s19, s26  }
0x84: {  	v5 =	vmov s19  }
0x85: {  	v5 =	vadd.s32 $0xFFFFFFFF, v5  }
0x86: {  	v5 =	vbroadcast v5, $0x0;
	_ =	sdelay $0x1  }
0x87: {  	v4 =	vadd.s32 v4, v5  }
0x88: {  	vm1 =	vgt.s32 v4, $0x0  }
0x89: {  	vm2 =	vlt.s32 v4, $0x20;
	v4 =	vnsel vm1, $0x0, v4  }
0x8a: {  	vm0 =	vmand vm0, vm2;
	v4 =	vmin.u32 v4, $0x1F  }
0x8b: {  	v4 =	vnsel vm0, $0x0, v4;
	_ =	sdelay $0x1  }
0x8c: {  	s28 =	spop (v2sf)  }
0x8d: {  	s22 =	sxor.u32 $0x80000000, s28;
	s23 =	spop (v2sf)  }
0x8e: {  	p0 =	slt.s32 s21, s22;
	v5 =	vor.u32 s25, v0;
	s29 =	spop (v2sf)  }
0x8f: {  	s22 =	smov.u32 @p0 s21;
	[tilespmem:v4+s11+$0x0] =	vst.idx.msk vm0, v5;
	s19 =	sadd.s32 s19, s23;
	s20 =	sxor.u32 $0x80000000, s29  }
0x90: {  	v4 =	vld [tilespmem:$0x1000];
	p1 =	sgt.s32 s19, $0x0;
	p0 =	slt.s32 s22, s20  }
0x91: {  	v5 =	vld [tilespmem:$0x1010];
	s19 =	simm.s32 @!p1 $0x0;
	s20 =	smov.u32 @p0 s22  }
0x92: {  	s19 =	smin.u32 s19, $0x20;
	p0 =	sgt.s32 s7, s20  }
0x93: {  	v6 =	vmov s19;
	s20 =	smov.u32 @p0 s7  }
0x94: {  	vm0 =	vgt.u32 v6, v0;
	s30 =	smin.u32 s8, s20  }
0x95: {  	v4 =	vnsel vm0, s30, v4;
	vm0 =	vgt.u32 v6, v3  }
0x96: {  	s19 =	simm.s32 $0x0;
	[tilespmem:$0x10A0] =	vst v4;
	v4 =	vnsel vm0, s30, v5  }
0x97: {  	s31 =	sand.u32 $0x3F0, s19;
	[tilespmem:$0x10B0] =	vst v4  }
0x98: {  	v4 =	vld [tilespmem:s31+$0x800];
	_ =	sdelay $0x4  }
0x99: {  	vm0 =	vle.f32 v4, $3.999999910e-02  }
0x9a: {  	s20 =	sadd.s32 $0x0, s7;
	v4 =	vsel vm0, $0x1, v1  }
0x9b: {  	(xrf0) =	vadd.scan.msk.s32 $0xffff, v4;
	v4 =	vor.u32 s20, v2  }
0x9c: {  	v4 =	vnsel vm0, $0xC0000000, v4  }
0x9d: {  	(xrf0) =	vmin.scan.msk.u32 $0xffff, v4  }
0x9e: {  	v5 =	vmov s19  }
0x9f: {  	v5 =	vadd.s32 $0xFFFFFFFF, v5;
	_ =	sdelay $0x1  }
0xa0: {  	v4 =	vbroadcast v5, $0x0  }
0xa1: {  	v5, _, _ =	vpop (xrf0)  }
0xa2: {  	v4 =	vadd.s32 v5, v4;
	(v2sf) =	vpush v5, $0xF;
	v6, _, _ =	vpop (xrf0)  }
0xa3: {  	vm1 =	vgt.s32 v4, $0x0;
	(v2sf) =	vpush v6, $0xF  }
0xa4: {  	vm2 =	vlt.s32 v4, $0x20;
	v4 =	vnsel vm1, $0x0, v4  }
0xa5: {  	vm0 =	vmand vm0, vm2;
	v4 =	vmin.u32 v4, $0x1F  }
0xa6: {  	v4 =	vnsel vm0, $0x0, v4;
	_ =	sdelay $0x1  }
0xa7: {  	s21 =	simm.s32 $0x40000000;
	s23 =	simm.s32 $0x20;
	s22 =	simm.s32 $0x10  }
.LBB2_7:
0xa8: {  	s24 =	smov.u32 s21  }
0xa9: {  	p0 =	sne.s32 s23, $0x3F0;
	v5 =	vor.u32 s20, v0  }
0xaa: {  	s20 =	sand.u32 $0x3F0, s22;
	[tilespmem:v4+s11+$0x0] =	vst.idx.msk vm0, v5  }
0xab: {  	v4 =	vld [tilespmem:s20+$0x800];
	_ =	sdelay $0x3  }
0xac: {  	s20 =	sadd.s32 s22, s7;
	s22 =	smov.u32 s23  }
0xad: {  	vm0 =	vle.f32 v4, $3.999999910e-02;
	v4 =	vor.u32 s20, v2;
	s21 =	spop (v2sf)  }
0xae: {  	v5 =	vsel vm0, $0x1, v1;
	v4 =	vnsel vm0, $0xC0000000, v4;
	s19 =	sadd.s32 s19, s21;
	s21 =	spop (v2sf)  }
0xaf: {  	v6 =	vmov s19;
	(xrf0) =	vadd.scan.msk.s32 $0xffff, v5;
	s21 =	sxor.u32 $0x80000000, s21  }
0xb0: {  	v5 =	vadd.s32 $0xFFFFFFFF, v6;
	(xrf0) =	vmin.scan.msk.u32 $0xffff, v4;
	p1 =	slt.s32 s24, s21  }
0xb1: {  	v4 =	vbroadcast v5, $0x0;
	s21 =	smov.u32 @p1 s24;
	_ =	sdelay $0x3  }
0xb2: {  	v5, _, _ =	vpop (xrf0)  }
0xb3: {  	v4 =	vadd.s32 v5, v4;
	v6, _, _ =	vpop (xrf0);
	(v2sf) =	vpush v5, $0xF  }
0xb4: {  	vm1 =	vlt.s32 v4, $0x20;
	vm2 =	vgt.s32 v4, $0x0;
	(v2sf) =	vpush v6, $0xF  }
0xb5: {  	vm0 =	vmand vm0, vm1;
	v4 =	vnsel vm2, $0x0, v4  }
.Ltmp2:
0xb6: {  	v4 =	vmin.u32 v4, $0x1F;
	(pc) =	sbr.rel @p0 .LBB2_7-.Ltmp2, $2  }
0xb7: {  	v4 =	vnsel vm0, $0x0, v4;
	_ =	sdelay $0x2  }
0xb8: {  	s23 =	sadd.s32 $0x10, s23  }
0xb9: {  	_ =	sdelay $0x3  }
0xba: {  	v5 =	vor.u32 s20, v0  }
0xbb: {  	s24 =	sand.u32 $0x3F0, s22;
	[tilespmem:v4+s11+$0x0] =	vst.idx.msk vm0, v5  }
0xbc: {  	v4 =	vld [tilespmem:s24+$0x800];
	_ =	sdelay $0x4  }
0xbd: {  	s25 =	sadd.s32 s22, s7;
	vm0 =	vle.f32 v4, $3.999999910e-02  }
0xbe: {  	v4 =	vor.u32 s25, v2;
	v5 =	vsel vm0, $0x1, v1  }
0xbf: {  	v4 =	vnsel vm0, $0xC0000000, v4;
	(xrf0) =	vadd.scan.msk.s32 $0xffff, v5  }
0xc0: {  	(xrf0) =	vmin.scan.msk.u32 $0xffff, v4;
	_ =	sdelay $0x4  }
0xc1: {  	v4, _, _ =	vpop (xrf0)  }
0xc2: {  	v5, _, _ =	vpop (xrf0);
	(v2sf) =	vpush v4, $0xF  }
0xc3: {  	(v2sf) =	vpush v5, $0xF  }
0xc4: {  	s26 =	spop (v2sf)  }
0xc5: {  	s19 =	sadd.s32 s19, s26  }
0xc6: {  	v5 =	vmov s19  }
0xc7: {  	v5 =	vadd.s32 $0xFFFFFFFF, v5  }
0xc8: {  	v5 =	vbroadcast v5, $0x0;
	_ =	sdelay $0x1  }
0xc9: {  	v4 =	vadd.s32 v4, v5  }
0xca: {  	vm1 =	vgt.s32 v4, $0x0  }
0xcb: {  	vm2 =	vlt.s32 v4, $0x20;
	v4 =	vnsel vm1, $0x0, v4  }
0xcc: {  	vm0 =	vmand vm0, vm2;
	v4 =	vmin.u32 v4, $0x1F  }
0xcd: {  	v4 =	vnsel vm0, $0x0, v4;
	_ =	sdelay $0x1  }
0xce: {  	s28 =	spop (v2sf)  }
0xcf: {  	s22 =	sxor.u32 $0x80000000, s28;
	s23 =	spop (v2sf)  }
0xd0: {  	p0 =	slt.s32 s21, s22;
	v5 =	vor.u32 s25, v0;
	s29 =	spop (v2sf)  }
0xd1: {  	s22 =	smov.u32 @p0 s21;
	[tilespmem:v4+s11+$0x0] =	vst.idx.msk vm0, v5;
	s19 =	sadd.s32 s19, s23;
	s20 =	sxor.u32 $0x80000000, s29  }
0xd2: {  	v4 =	vld [tilespmem:$0x1000];
	p1 =	sgt.s32 s19, $0x0;
	p0 =	slt.s32 s22, s20  }
0xd3: {  	v5 =	vld [tilespmem:$0x1010];
	s19 =	simm.s32 @!p1 $0x0;
	s20 =	smov.u32 @p0 s22  }
0xd4: {  	s19 =	smin.u32 s19, $0x20;
	p0 =	sgt.s32 s7, s20  }
0xd5: {  	v6 =	vmov s19;
	s20 =	smov.u32 @p0 s7  }
0xd6: {  	vm0 =	vgt.u32 v6, v0;
	s30 =	smin.u32 s8, s20  }
0xd7: {  	v4 =	vnsel vm0, s30, v4;
	vm0 =	vgt.u32 v6, v3  }
0xd8: {  	s19 =	simm.s32 $0x0;
	[tilespmem:$0x10C0] =	vst v4;
	v4 =	vnsel vm0, s30, v5  }
0xd9: {  	s31 =	sand.u32 $0x3F0, s19;
	[tilespmem:$0x10D0] =	vst v4  }
0xda: {  	v4 =	vld [tilespmem:s31+$0xC00];
	_ =	sdelay $0x4  }
0xdb: {  	vm0 =	vle.f32 v4, $3.999999910e-02  }
0xdc: {  	s20 =	sadd.s32 $0x0, s7;
	v4 =	vsel vm0, $0x1, v1  }
0xdd: {  	(xrf0) =	vadd.scan.msk.s32 $0xffff, v4;
	v4 =	vor.u32 s20, v2  }
0xde: {  	v4 =	vnsel vm0, $0xC0000000, v4  }
0xdf: {  	(xrf0) =	vmin.scan.msk.u32 $0xffff, v4  }
0xe0: {  	v5 =	vmov s19  }
0xe1: {  	v5 =	vadd.s32 $0xFFFFFFFF, v5;
	_ =	sdelay $0x1  }
0xe2: {  	v4 =	vbroadcast v5, $0x0  }
0xe3: {  	v5, _, _ =	vpop (xrf0)  }
0xe4: {  	v4 =	vadd.s32 v5, v4;
	(v2sf) =	vpush v5, $0xF;
	v6, _, _ =	vpop (xrf0)  }
0xe5: {  	vm1 =	vgt.s32 v4, $0x0;
	(v2sf) =	vpush v6, $0xF  }
0xe6: {  	vm2 =	vlt.s32 v4, $0x20;
	v4 =	vnsel vm1, $0x0, v4  }
0xe7: {  	vm0 =	vmand vm0, vm2;
	v4 =	vmin.u32 v4, $0x1F  }
0xe8: {  	v4 =	vnsel vm0, $0x0, v4;
	_ =	sdelay $0x1  }
0xe9: {  	s21 =	simm.s32 $0x40000000;
	s23 =	simm.s32 $0x20;
	s22 =	simm.s32 $0x10  }
.LBB2_9:
0xea: {  	s24 =	smov.u32 s21  }
0xeb: {  	p0 =	sne.s32 s23, $0x3F0;
	v5 =	vor.u32 s20, v0  }
0xec: {  	s20 =	sand.u32 $0x3F0, s22;
	[tilespmem:v4+s11+$0x0] =	vst.idx.msk vm0, v5  }
0xed: {  	v4 =	vld [tilespmem:s20+$0xC00];
	_ =	sdelay $0x3  }
0xee: {  	s20 =	sadd.s32 s22, s7;
	s22 =	smov.u32 s23  }
0xef: {  	vm0 =	vle.f32 v4, $3.999999910e-02;
	v4 =	vor.u32 s20, v2;
	s21 =	spop (v2sf)  }
0xf0: {  	v5 =	vsel vm0, $0x1, v1;
	v4 =	vnsel vm0, $0xC0000000, v4;
	s19 =	sadd.s32 s19, s21;
	s21 =	spop (v2sf)  }
0xf1: {  	v6 =	vmov s19;
	(xrf0) =	vadd.scan.msk.s32 $0xffff, v5;
	s21 =	sxor.u32 $0x80000000, s21  }
0xf2: {  	v5 =	vadd.s32 $0xFFFFFFFF, v6;
	(xrf0) =	vmin.scan.msk.u32 $0xffff, v4;
	p1 =	slt.s32 s24, s21  }
0xf3: {  	v4 =	vbroadcast v5, $0x0;
	s21 =	smov.u32 @p1 s24;
	_ =	sdelay $0x3  }
0xf4: {  	v5, _, _ =	vpop (xrf0)  }
0xf5: {  	v4 =	vadd.s32 v5, v4;
	v6, _, _ =	vpop (xrf0);
	(v2sf) =	vpush v5, $0xF  }
0xf6: {  	vm1 =	vlt.s32 v4, $0x20;
	vm2 =	vgt.s32 v4, $0x0;
	(v2sf) =	vpush v6, $0xF  }
0xf7: {  	vm0 =	vmand vm0, vm1;
	v4 =	vnsel vm2, $0x0, v4  }
.Ltmp3:
0xf8: {  	v4 =	vmin.u32 v4, $0x1F;
	(pc) =	sbr.rel @p0 .LBB2_9-.Ltmp3, $2  }
0xf9: {  	v4 =	vnsel vm0, $0x0, v4;
	_ =	sdelay $0x2  }
0xfa: {  	s23 =	sadd.s32 $0x10, s23  }
0xfb: {  	_ =	sdelay $0x3  }
0xfc: {  	v5 =	vor.u32 s20, v0  }
0xfd: {  	s25 =	sand.u32 $0x3F0, s22;
	[tilespmem:v4+s11+$0x0] =	vst.idx.msk vm0, v5  }
0xfe: {  	v4 =	vld [tilespmem:s25+$0xC00];
	_ =	sdelay $0x4  }
0xff: {  	s26 =	sadd.s32 s22, s7;
	vm13 =	vle.f32 v4, $3.999999910e-02  }
0x100: {  	v4 =	vor.u32 s26, v2;
	v5 =	vsel vm13, $0x1, v1  }
0x101: {  	v4 =	vnsel vm13, $0xC0000000, v4;
	(xrf0) =	vadd.scan.msk.s32 $0xffff, v5  }
0x102: {  	(xrf0) =	vmin.scan.msk.u32 $0xffff, v4;
	_ =	sdelay $0x4  }
0x103: {  	v4, _, _ =	vpop (xrf0)  }
0x104: {  	v5, _, _ =	vpop (xrf0);
	(v2sf) =	vpush v4, $0xF  }
0x105: {  	(v2sf) =	vpush v5, $0xF  }
0x106: {  	s28 =	spop (v2sf)  }
0x107: {  	s19 =	sadd.s32 s19, s28  }
0x108: {  	v5 =	vmov s19  }
0x109: {  	v5 =	vadd.s32 $0xFFFFFFFF, v5  }
0x10a: {  	v5 =	vbroadcast v5, $0x0;
	_ =	sdelay $0x1  }
0x10b: {  	v4 =	vadd.s32 v4, v5  }
0x10c: {  	vm1 =	vgt.s32 v4, $0x0  }
0x10d: {  	vm2 =	vlt.s32 v4, $0x20;
	v4 =	vnsel vm1, $0x0, v4  }
0x10e: {  	vm0 =	vmand vm13, vm2;
	v4 =	vmin.u32 v4, $0x1F  }
0x10f: {  	v4 =	vnsel vm0, $0x0, v4;
	_ =	sdelay $0x1  }
0x110: {  	s29 =	spop (v2sf)  }
0x111: {  	s22 =	sxor.u32 $0x80000000, s29;
	s23 =	spop (v2sf)  }
0x112: {  	p0 =	slt.s32 s21, s22;
	v5 =	vor.u32 s26, v0;
	s30 =	spop (v2sf)  }
0x113: {  	s22 =	smov.u32 @p0 s21;
	[tilespmem:v4+s11+$0x0] =	vst.idx.msk vm0, v5;
	s19 =	sadd.s32 s19, s23;
	s20 =	sxor.u32 $0x80000000, s30  }
0x114: {  	v4 =	vld [tilespmem:$0x1000];
	p1 =	sgt.s32 s19, $0x0;
	p0 =	slt.s32 s22, s20  }
0x115: {  	v5 =	vld [tilespmem:$0x1010];
	s19 =	simm.s32 @!p1 $0x0;
	s20 =	smov.u32 @p0 s22  }
0x116: {  	s19 =	smin.u32 s19, $0x20;
	p0 =	sgt.s32 s7, s20  }
0x117: {  	v6 =	vmov s19;
	s20 =	smov.u32 @p0 s7  }
0x118: {  	vm14 =	vgt.u32 v6, v0;
	s31 =	smin.u32 s8, s20  }
0x119: {  	vm15 =	vgt.u32 v6, v3;
	v4 =	vnsel vm14, s31, v4  }
0x11a: {  	[tilespmem:$0x10E0] =	vst v4;
	v4 =	vnsel vm15, s31, v5  }
0x11b: {  	[tilespmem:$0x10F0] =	vst v4  }
0x11c: {  	[tilespmem:s14], [sflag:$0x1] =	stream.indirect.gather [hbm4b:s4+s12], $0x80, s13, s12, $0xb8;
	[tilespmem:$0x5100] =	vst v63  }
0x11d: {  	s17 =	sadd.s32 $0x1, s17;
	_ =	swait.ge [sflag:s15], $0x4000  }
0x11e: {  	s18 =	sshll.u32 s18, $0xB;
	p0 =	sne.s32 s17, $0x20;
	[sflag:s15] =	ssyncset.done $0x0  }
.Ltmp4:
0x11f: {  	s18 =	sadd.s32 s5, s18;
	[sflag:s15] =	ssyncadd.s32 $0xFFFFC000;
	(pc) =	sbr.rel @p0 .LBB2_2-.Ltmp4, $4  }
0x120: {  	[hbm4b:s18+s1] =	stream.linear.scatter [tilespmem:s14], [sflag:$0x2], $0x4000, $0x38;
	[tilespmem:$0x5100] =	vst v63  }
0x121: {  	_ =	swait.ge [sflag:s10], $0x4000  }
0x122: {  	[sflag:s10] =	ssyncset.done $0x0  }
0x123: {  	[sflag:s10] =	ssyncadd.s32 $0xFFFFC000  }
0x124: {  	s16 =	sadd.s32 $0x1, s16  }
0x125: {  	p0 =	sne.s32 s16, s9  }
.Ltmp5:
0x126: {  	_ = 	snop;
	(pc) =	sbr.rel @p0 .LBB2_1-.Ltmp5, $1  }
0x127: {  	_ =	sdelay $0x3  }
0x128: {  	_ =	sfence.sel $0x180000  }
0x129: {  	[bflag:$0x0] =	sbarrier.arrive $0xFFFF  }
0x12a: {  	p0 =	sne.s32 s2, $0x0;
	_ =	strace $0x9000004A  }
0x12b: {  	s0 =	sadd.s32 @!p0 $0x100000, s0;
	[bflag:$0x2] =	sbarrier.arrive $0xFFFF  }
0x12c: {  	[sflag:s0] =	ssyncadd.tile.s32 @!p0 $0x1;
	_ =	shalt  }
.Lfunc_end2:
_tile_overlayer_lowered:
.L_overlay_start_2:
0x12d: {  	(tag) =	ssettag $0x2  }
0x12e: {  	s0 =	rddreg [dreg:$0x0];
	s2 =	stileid.u32  }
0x12f: {  	s1 =	rddreg [dreg:$0x1];
	p0 =	sne.s32 s2, $0x0  }
0x130: {  	s3 =	rddreg [dreg:$0x2];
	[bflag:$0x3] =	sbarrier.arrive $0xFFFF;
	s2 =	simm.s32 @!p0 $0x1C02  }
0x131: {  	[timem:s3], [sflag:s2] =	dma.local @!p0 [hbm:s0], s1  }
0x132: {  	s0 =	simm.s32 @!p0 $0x2  }
0x133: {  	_ =	swait.ge @!p0 [sflag:s0], s1  }
0x134: {  	s1 =	ssub.s32 @!p0 $0x0, s1;
	[sflag:s0] =	ssyncset.done @!p0 $0x0  }
0x135: {  	[sflag:s0] =	ssyncadd.s32 @!p0 s1  }
0x136: {  	[bflag:$0x3] =	sbarrier.arrive $0xFFFF  }
0x137: {  	_ =	shalt  }

// kernel: kernel.28.cloned.1.call-start
scs
__scs_entry_jumppad:
0x0: {  	(pc) =	sbr.rel $0x88, $3  }
0x1: {  	(tag) =	ssettag $0x0;
	lr =	simm.s32 $0x1  }
0x2: {  	[smem:$0x3F12] =	sst lr;
	_ =	strace $0xD0000000  }
0x3: {  	_ = 	snop  }
0x4: {  	_ = 	snop  }
0x5: {  	_ = 	snop  }
0x6: {  	_ = 	snop  }
0x7: {  	_ = 	snop  }
__scs_overlays_trampoline_lowered:
0x8: {  	[smem:$0x3F21] =	sst s0  }
0x9: {  	[smem:$0x3F22] =	sst s1  }
0xa: {  	[smem:$0x3F23] =	sst s2  }
0xb: {  	[smem:$0x3F24] =	sst s3  }
0xc: {  	[smem:$0x3F25] =	sst s4  }
0xd: {  	[smem:$0x3F26] =	sst s5  }
0xe: {  	[smem:$0x3F27] =	sst s6  }
0xf: {  	[smem:$0x3F28] =	sst s7  }
0x10: {  	[smem:$0x3F29] =	sst s8  }
0x11: {  	[smem:$0x3F2A] =	sst s9;
	s0 =	simm.s32 @!p0 $0x0  }
0x12: {  	s1 =	sld [smem:$0x3F10];
	s0 =	simm.s32 @p0 $0x1  }
0x13: {  	[smem:$0x3F2B] =	sst s0;
	s0 =	simm.s32 @!p1 $0x0  }
0x14: {  	s2 =	sld [smem:$0x3F0F];
	s0 =	simm.s32 @p1 $0x1  }
0x15: {  	[smem:$0x3F2C] =	sst s0;
	s0 =	simm.s32 @!p2 $0x0  }
0x16: {  	s3 =	sld [smem:$0x3FDB];
	s0 =	simm.s32 @p2 $0x1  }
0x17: {  	s4 =	simm.s32 $0x1BF5;
	[smem:$0x3F2E] =	sst s0  }
0x18: {  	s0 =	sld [smem:$0x3F11];
	_ =	swait.ge [sflag:s4], $0x0  }
0x19: {  	s7 =	sld [smem:$0x3F12]  }
0x1a: {  	s8 =	sadd.s32 $0xFFFFE003, lr  }
0x1b: {  	s9 =	sadd.s32 $0xFFFFFEF7, lr;
	s5 =	simm.s32 $0xFFFFFFFF;
	p2 =	slt.u32 s8, $0xFFFFF086  }
0x1c: {  	p1 =	slt.u32 s9, $0xF7A;
	s5 =	simm.s32 @!p2 $0x0  }
0x1d: {  	s5 =	simm.s32 @p1 $0x1;
	p0 =	seq.s32 s7, s2  }
0x1e: {  	s7 =	smul.u32 @!p0 $0xF7A, s2;
	p2 =	seq.s32 @!p0 s5, $0x0  }
0x1f: {  	s9 =	smul.u32 $0xF7A, s1;
	s8 =	simm.s32 @!p0 $0x1BF5;
	p2 =	por !p2, p0  }
0x20: {  	[sflag:s8] =	ssyncset.s32 @!p0 $0xFFFFF086;
	s6 =	sadd.s32 @!p0 s3, s7;
	s7 =	simm.s32 @!p0 $0x108  }
0x21: {  	s3 =	sadd.s32 s3, s9;
	s6 =	sadd.s32 @!p0 $0x88, s6;
	s7 =	simm.s32 @p2 $0x1082  }
0x22: {  	[simem:s7], [sflag:s8] =	dma.local @!p0 [hbm:s6], $0xF7A  }
0x23: {  	s9 =	sor.u32 $0xD0000000, s2;
	s6 =	simm.s32 $0x108;
	_ =	swait.ge @!p0 [sflag:s8], $0x0  }
0x24: {  	s3 =	sadd.s32 $0x88, s3;
	s6 =	simm.s32 @!p1 $0x1082;
	[sflag:s4] =	ssyncset.s32 $0xFFFFF086  }
0x25: {  	[simem:s6], [sflag:s4] =	dma.local [hbm:s3], $0xF7A  }
0x26: {  	[smem:$0x3F12] =	sst s1;
	(tag) =	ssettag s2;
	_ =	strace s9  }
0x27: {  	s1 =	sld [smem:$0x3F22]  }
0x28: {  	s2 =	sld [smem:$0x3F23]  }
0x29: {  	s4 =	sld [smem:$0x3F25]  }
0x2a: {  	p0 =	seq.s32 s5, $0x0;
	s5 =	sld [smem:$0x3F26]  }
0x2b: {  	s6 =	sld [smem:$0x3F27]  }
0x2c: {  	s7 =	sld [smem:$0x3F28]  }
0x2d: {  	s3 =	simm.s32 $0x108;
	s8 =	sld [smem:$0x3F29]  }
0x2e: {  	s3 =	simm.s32 @!p0 $0x1082;
	s9 =	sld [smem:$0x3F2A]  }
0x2f: {  	lr =	sadd.s32 s0, s3;
	s0 =	sld [smem:$0x3F21]  }
0x30: {  	s3 =	sld [smem:$0x3F24]  }
0x31: {  	[smem:$0x3F2D] =	sst s10  }
0x32: {  	s10 =	sld [smem:$0x3F2B];
	_ =	sdelay $0x3  }
0x33: {  	p0 =	seq.s32 s10, $0x1;
	s10 =	sld [smem:$0x3F2D];
	_ =	sdelay $0x3  }
0x34: {  	[smem:$0x3F2D] =	sst s10  }
0x35: {  	s10 =	sld [smem:$0x3F2C];
	_ =	sdelay $0x3  }
0x36: {  	p1 =	seq.s32 s10, $0x1;
	s10 =	sld [smem:$0x3F2D];
	_ =	sdelay $0x3  }
0x37: {  	[smem:$0x3F2D] =	sst s10  }
0x38: {  	s10 =	sld [smem:$0x3F2E]  }
0x39: {  	_ = 	snop;
	(pc) =	sbr.ind lr, $3  }
0x3a: {  	_ = 	snop  }
0x3b: {  	_ = 	snop  }
0x3c: {  	p2 =	seq.s32 s10, $0x1;
	s10 =	sld [smem:$0x3F2D]  }
0x3d: {  	_ =	shalt  }
0x3e: {  	_ =	shalt  }
0x3f: {  	_ =	shalt  }
0x40: {  	_ =	shalt  }
0x41: {  	_ =	shalt  }
0x42: {  	_ =	shalt  }
0x43: {  	_ =	shalt  }
0x44: {  	_ =	shalt  }
0x45: {  	_ =	shalt  }
0x46: {  	_ =	shalt  }
0x47: {  	_ =	shalt  }
0x48: {  	_ =	shalt  }
0x49: {  	_ =	shalt  }
0x4a: {  	_ =	shalt  }
0x4b: {  	_ =	shalt  }
0x4c: {  	_ =	shalt  }
0x4d: {  	_ =	shalt  }
0x4e: {  	_ =	shalt  }
0x4f: {  	_ =	shalt  }
0x50: {  	_ =	shalt  }
0x51: {  	_ =	shalt  }
0x52: {  	_ =	shalt  }
0x53: {  	_ =	shalt  }
0x54: {  	_ =	shalt  }
0x55: {  	_ =	shalt  }
0x56: {  	_ =	shalt  }
0x57: {  	_ =	shalt  }
0x58: {  	_ =	shalt  }
0x59: {  	_ =	shalt  }
0x5a: {  	_ =	shalt  }
0x5b: {  	_ =	shalt  }
0x5c: {  	_ =	shalt  }
0x5d: {  	_ =	shalt  }
0x5e: {  	_ =	shalt  }
0x5f: {  	_ =	shalt  }
0x60: {  	_ =	shalt  }
0x61: {  	_ =	shalt  }
0x62: {  	_ =	shalt  }
0x63: {  	_ =	shalt  }
0x64: {  	_ =	shalt  }
0x65: {  	_ =	shalt  }
0x66: {  	_ =	shalt  }
0x67: {  	_ =	shalt  }
0x68: {  	_ =	shalt  }
0x69: {  	_ =	shalt  }
0x6a: {  	_ =	shalt  }
0x6b: {  	_ =	shalt  }
0x6c: {  	_ =	shalt  }
0x6d: {  	_ =	shalt  }
0x6e: {  	_ =	shalt  }
0x6f: {  	_ =	shalt  }
0x70: {  	_ =	shalt  }
0x71: {  	_ =	shalt  }
0x72: {  	_ =	shalt  }
0x73: {  	_ =	shalt  }
0x74: {  	_ =	shalt  }
0x75: {  	_ =	shalt  }
0x76: {  	_ =	shalt  }
0x77: {  	_ =	shalt  }
0x78: {  	_ =	shalt  }
0x79: {  	_ =	shalt  }
0x7a: {  	_ =	shalt  }
0x7b: {  	_ =	shalt  }
0x7c: {  	_ =	shalt  }
0x7d: {  	_ =	shalt  }
0x7e: {  	_ =	shalt  }
0x7f: {  	_ =	shalt  }
0x80: {  	_ =	shalt  }
0x81: {  	_ =	shalt  }
0x82: {  	_ =	shalt  }
0x83: {  	_ =	shalt  }
0x84: {  	_ =	shalt  }
0x85: {  	_ =	shalt  }
0x86: {  	_ =	shalt  }
0x87: {  	_ =	shalt  }
.Lfunc_end0:
.L_simem_size_0:
called_computation.2_lowered:
.L_overlay_start_0:
0x88: {  	s2 =	sld [smem:$0x3FD9]  }
0x89: {  	s3 =	sld [smem:$0x3FFE];
	_ =	sdelay $0x1  }
0x8a: {  	s1 =	srdreg.scid  }
0x8b: {  	s0 =	sand.u32 $0x1, s1  }
0x8c: {  	s17 =	sshll.u32 s0, $0xA;
	s2 =	sadd.s32 s3, s2  }
0x8d: {  	s2 =	sadd.s32 s2, s17  }
0x8e: {  	[smem:$0x3F39] =	sst s2  }
0x8f: {  	_ = 	snop  }
0x90: {  	(tm) =	ssettm $0x1  }
0x91: {  	s18 =	sld [smem:$0x3FFB];
	_ =	sdelay $0x3  }
0x92: {  	_ =	strace s18  }
0x93: {  	s2 =	sld [smem:$0x3FFC];
	_ =	sdelay $0x3  }
0x94: {  	_ =	strace s2  }
0x95: {  	s2 =	sld [smem:$0x3FFD];
	_ =	sdelay $0x3  }
0x96: {  	_ =	strace s2  }
0x97: {  	_ =	strace $0x8FFFFFFF  }
0x98: {  	s19 =	sld [smem:$0x3FDB];
	_ =	sdelay $0x1  }
0x99: {  	s20 =	simm.s32 $_scs_section_size  }
0x9a: {  	s4 =	simm.s32 $_size__tile_overlayer_lowered;
	s5 =	simm.s32 $_tile_overlayer_lowered  }
0x9b: {  	s6 =	simm.s32 $0x1BFF;
	s21 =	sshll.u32 s5, $0x1;
	s3 =	sadd.s32 s20, s19  }
0x9c: {  	s22 =	simm.s32 $0x0;
	s4 =	sshll.u32 s4, $0x1;
	s5 =	sadd.s32 s21, s3  }
0x9d: {  	[timem:s22], [sflag:s6] =	dma.local [hbm:s5], s4  }
0x9e: {  	_ =	swait.ge [sflag:s6], s4  }
0x9f: {  	s4 =	ssub.s32 $0x0, s4;
	[sflag:s6] =	ssyncset.done $0x0  }
0xa0: {  	[sflag:s6] =	ssyncadd.s32 s4;
	_ =	sdelay $0x1  }
0xa1: {  	s23 =	simm.s32 $0x1B8B  }
0xa2: {  	_ =	swait.ge [sflag:s23], $0x1  }
0xa3: {  	[sflag:s23] =	ssyncset.done $0x0  }
0xa4: {  	[sflag:s23] =	ssyncadd.s32 $0xFFFFFFFF  }
0xa5: {  	s4 =	sld [smem:$0x0]  }
0xa6: {  	s5 =	sand.u32 $0xFFFFFFFE, s1  }
0xa7: {  	p0 =	sne.s32 s1, s5  }
0xa8: {  	s5 =	sshll.u32 @p0 s5, $0xE  }
0xa9: {  	s5 =	sadd.s32 @p0 $0x11B8D, s5;
	s6 =	sshll.u32 @p0 s4, $0x11  }
0xaa: {  	s5 =	sor.u32 @p0 s6, s5  }
0xab: {  	[sflag:s5] =	ssyncadd.remote.s32 @p0 $0x1;
	_ =	sdelay $0x1  }
0xac: {  	s5 =	simm.s32 @p0 $0x1B8D  }
0xad: {  	_ =	swait.eq @p0 [sflag:s5], $0x1  }
0xae: {  	[sflag:s5] =	ssyncadd.s32 @p0 $0xFFFFFFFF  }
0xaf: {  	s6 =	sshll.u32 @!p0 s1, $0xE  }
0xb0: {  	s6 =	sor.u32 @!p0 $0x4000, s6;
	s5 =	simm.s32 @!p0 $0x1B8D  }
0xb1: {  	s4 =	sshll.u32 @!p0 s4, $0x11;
	s6 =	sadd.s32 @!p0 $0x11B8D, s6;
	_ =	swait.eq @!p0 [sflag:s5], $0x1  }
0xb2: {  	s4 =	sor.u32 @!p0 s4, s6;
	[sflag:s5] =	ssyncadd.s32 @!p0 $0xFFFFFFFF  }
0xb3: {  	s25 =	simm.s32 $0x1B8E;
	s24 =	sld [smem:$0x3FFE];
	[sflag:s4] =	ssyncadd.remote.s32 @!p0 $0x1  }
0xb4: {  	s26 =	simm.s32 $execute0_lowered;
	[smem:$0x3FD2] =	sst s25  }
0xb5: {  	s5 =	sshll.u32 s26, $0x1;
	_ =	strace $0x8000004C;
	[dreg:$0x1] =	wrdreg $0xFFFFFFFF  }
0xb6: {  	s28 =	simm.s32 $_size_execute0_lowered;
	s3 =	sadd.s32 s3, s5;
	[dreg:$0x0] =	wrdreg $0x0  }
0xb7: {  	s5 =	sshll.u32 s28, $0x1;
	[dreg:$0x2] =	wrdreg s3  }
0xb8: {  	[dreg:$0x3] =	wrdreg s5  }
0xb9: {  	[dreg:$0x4] =	wrdreg $0xC0  }
0xba: {  	_ =	task [dreg:s22], $0x5FFFF  }
0xbb: {  	[dreg:$0x1] =	wrdreg $0xFFFFFFFF  }
0xbc: {  	[dreg:$0x0] =	wrdreg $0x60  }
0xbd: {  	[dreg:$0x2] =	wrdreg s24  }
0xbe: {  	[dreg:$0x3] =	wrdreg $0xB  }
0xbf: {  	_ =	task.clear_ibuf [dreg:s22], $0x4FFFF;
	_ =	strace $0x9000004C  }
0xc0: {  	s29 =	simm.s32 $0xB;
	_ =	strace $0x8000004E  }
0xc1: {  	_ =	swait.ge [sflag:s29], $0x1  }
0xc2: {  	[sflag:s29] =	ssyncadd.s32 $0xFFFFFFFF  }
0xc3: {  	_ =	strace $0x9000004E  }
0xc4: {  	_ =	sfence  }
0xc5: {  	s30 =	sld [smem:$0x0];
	_ =	sdelay $0x2  }
0xc6: {  	s31 =	sshll.u32 s1, $0xD;
	s1 =	sshrl.u32 s1, $0x2  }
0xc7: {  	s4 =	sand.u32 $0x4000, s31;
	s1 =	sadd.s32 s1, s30  }
0xc8: {  	s0 =	sor.u32 s4, s0;
	s1 =	sshll.u32 s1, $0x11  }
0xc9: {  	s0 =	sor.u32 s1, s0  }
0xca: {  	s0 =	sadd.s32 $0x8F2B, s0  }
0xcb: {  	[sflag:s0] =	ssyncadd.remote.s32 $0x1  }
0xcc: {  	_ =	sfence.sel $0xFFFF  }
0xcd: {  	[dreg:$0x0] =	wrdreg $0xFFFFFFFF;
	(pc) =	sbr.abs _section_cstart, $3  }
0xce: {  	[dreg:$0x1] =	wrdreg $0xFFFFFFFF  }
0xcf: {  	_ =	task.clear_ibuf [dreg:s22], $0x2FFFF;
	_ =	strace $0x9FFFFFFF  }
0xd0: {  	(tm) =	ssettm $0x7FFFFFFF  }
0xd1: {  	_ =	shalt  }
tec
execute0_lowered:
.L_overlay_start_1:
0x0: {  	(tag) =	ssettag $0x1  }
0x1: {  	s2 =	rddreg [dreg:$0x0]  }
0x2: {  	s0 =	rddreg [dreg:$0x1];
	s1 =	simm.s32 $0x0;
	s3 =	srdreg.scid  }
0x3: {  	s12 =	simm.s32 $0x80;
	s13 =	simm.s32 $0x500;
	s14 =	simm.s32 $0x580  }
0x4: {  	s15 =	simm.s32 $0x1;
	s16 =	simm.s32 $0x0;
	[smem:$0x7FF] =	sst s1  }
0x5: {  	s6 =	sand.u32 $0x1, s3;
	s3 =	sadd.s32 $0x36E00, s2;
	s4 =	sadd.s32 $0x416E00, s2  }
0x6: {  	s5 =	sadd.s32 $0x436E00, s2;
	s2 =	stileid.u32;
	_ =	strace $0x8000004D  }
0x7: {  	v0 =	vlaneseq.u32;
	s7 =	ssub.s32 $0x2, s6;
	s9 =	sshll.u32 s2, $0x8;
	s6 =	sshll.u32 s6, $0x7  }
0x8: {  	v1 =	vimm.s32 $0x0;
	v2 =	vor.u32 $0x80000000, v0;
	v3 =	vor.u32 $0x10, v0;
	s10 =	sshll.u32 s2, $0x9;
	s8 =	sshrl.u32 s7, $0x1;
	s6 =	sor.u32 s6, s9  }
0x9: {  	v4 =	vor.u32 $0x20, v0;
	v5 =	vor.u32 $0x30, v0;
	v6 =	vor.u32 $0x40, v0;
	s11 =	ssub.s32 s7, s8;
	s7 =	sand.u32 $0x1C00, s10;
	s8 =	sor.u32 $0x3FF, s10  }
0xa: {  	v7 =	vor.u32 $0x50, v0;
	v8 =	vor.u32 $0x60, v0;
	v9 =	vor.u32 $0x70, v0;
	s10 =	simm.s32 $0x2;
	s9 =	smax.u32 s11, $0x1;
	s11 =	simm.s32 $0x400  }
.LBB2_1:
0xb: {  	s17 =	simm.s32 $0x0  }
.LBB2_2:
0xc: {  	s18 =	sadd.s32 s6, s17  }
0xd: {  	s19 =	sshll.u32 s18, $0x7  }
0xe: {  	s20 =	sadd.s32 s3, s19;
	s19 =	simm.s32 $0x0  }
0xf: {  	[tilespmem:s19], [sflag:$0x2] =	stream.linear.gather [hbm4b:s20+s19], $0x400, $0x38;
	[tilespmem:$0x4580] =	vst v63  }
0x10: {  	_ =	swait.ge [sflag:s10], $0x400  }
0x11: {  	[sflag:s10] =	ssyncset.done $0x0  }
0x12: {  	s31 =	simm.s32 $0x0;
	[sflag:s10] =	ssyncadd.s32 $0xFFFFFC00  }
0x13: {  	v10 =	vld [tilespmem:s31+$0x0];
	_ =	sdelay $0x4  }
0x14: {  	vm0 =	vle.f32 v10, $1.599999960e-01  }
0x15: {  	v10 =	vsel vm0, $0x1, v1  }
0x16: {  	(xrf0) =	vadd.scan.msk.s32 $0xffff, v10;
	v10 =	vor.u32 s7, v2  }
0x17: {  	v10 =	vnsel vm0, $0xC0000000, v10  }
0x18: {  	(xrf0) =	vmin.scan.msk.u32 $0xffff, v10  }
0x19: {  	v11 =	vmov s19  }
0x1a: {  	v11 =	vadd.s32 $0xFFFFFFFF, v11;
	_ =	sdelay $0x1  }
0x1b: {  	v10 =	vbroadcast v11, $0x0  }
0x1c: {  	v11, _, _ =	vpop (xrf0)  }
0x1d: {  	v10 =	vadd.s32 v11, v10;
	(v2sf) =	vpush v11, $0xF;
	v12, _, _ =	vpop (xrf0)  }
0x1e: {  	vm1 =	vgt.s32 v10, $0x0;
	(v2sf) =	vpush v12, $0xF  }
0x1f: {  	vm2 =	vlt.s32 v10, $0x80;
	v10 =	vnsel vm1, $0x0, v10  }
0x20: {  	vm0 =	vmand vm0, vm2;
	v10 =	vmin.u32 v10, $0x7F  }
0x21: {  	v10 =	vnsel vm0, $0x0, v10  }
0x22: {  	s22 =	simm.s32 $0x40  }
0x23: {  	s23 =	simm.s32 $0x80;
	s21 =	smov.u32 s7;
	s20 =	simm.s32 $0x40000000  }
.LBB2_3:
0x24: {  	s24 =	smov.u32 s20  }
0x25: {  	p0 =	sne.s32 s23, $0xFC0;
	v11 =	vor.u32 s21, v0  }
0x26: {  	s20 =	sshra.s32 s22, $0x2;
	s22 =	smov.u32 s23;
	[tilespmem:v10+s11+$0x0] =	vst.idx.msk vm0, v11  }
0x27: {  	v10 =	vld [tilespmem:s20+$0x0];
	_ =	sdelay $0x3  }
0x28: {  	s21 =	sadd.s32 $0x10, s21  }
0x29: {  	vm0 =	vle.f32 v10, $1.599999960e-01;
	v10 =	vor.u32 s21, v2;
	s20 =	spop (v2sf)  }
0x2a: {  	v11 =	vsel vm0, $0x1, v1;
	v10 =	vnsel vm0, $0xC0000000, v10;
	s19 =	sadd.s32 s19, s20;
	s20 =	spop (v2sf)  }
0x2b: {  	v12 =	vmov s19;
	(xrf0) =	vadd.scan.msk.s32 $0xffff, v11;
	s20 =	sxor.u32 $0x80000000, s20  }
0x2c: {  	v11 =	vadd.s32 $0xFFFFFFFF, v12;
	(xrf0) =	vmin.scan.msk.u32 $0xffff, v10;
	p1 =	slt.s32 s24, s20  }
0x2d: {  	v10 =	vbroadcast v11, $0x0;
	s20 =	smov.u32 @p1 s24;
	_ =	sdelay $0x3  }
0x2e: {  	v11, _, _ =	vpop (xrf0)  }
0x2f: {  	v10 =	vadd.s32 v11, v10;
	v12, _, _ =	vpop (xrf0);
	(v2sf) =	vpush v11, $0xF  }
0x30: {  	vm1 =	vlt.s32 v10, $0x80;
	vm2 =	vgt.s32 v10, $0x0;
	(v2sf) =	vpush v12, $0xF  }
0x31: {  	vm0 =	vmand vm0, vm1;
	v10 =	vnsel vm2, $0x0, v10  }
.Ltmp0:
0x32: {  	v10 =	vmin.u32 v10, $0x7F;
	(pc) =	sbr.rel @p0 .LBB2_3-.Ltmp0, $2  }
0x33: {  	v10 =	vnsel vm0, $0x0, v10;
	_ =	sdelay $0x2  }
0x34: {  	s23 =	sadd.s32 $0x40, s23  }
0x35: {  	_ =	sdelay $0x3  }
0x36: {  	v11 =	vor.u32 s21, v0  }
0x37: {  	s22 =	sshra.s32 s22, $0x2;
	[tilespmem:v10+s11+$0x0] =	vst.idx.msk vm0, v11  }
0x38: {  	v10 =	vld [tilespmem:s22+$0x0];
	_ =	sdelay $0x4  }
0x39: {  	s26 =	sadd.s32 $0x10, s21;
	vm7 =	vle.f32 v10, $1.599999960e-01  }
0x3a: {  	v10 =	vor.u32 s26, v2;
	v11 =	vsel vm7, $0x1, v1  }
0x3b: {  	v10 =	vnsel vm7, $0xC0000000, v10;
	(xrf0) =	vadd.scan.msk.s32 $0xffff, v11  }
0x3c: {  	(xrf0) =	vmin.scan.msk.u32 $0xffff, v10;
	_ =	sdelay $0x4  }
0x3d: {  	v10, _, _ =	vpop (xrf0)  }
0x3e: {  	v11, _, _ =	vpop (xrf0);
	(v2sf) =	vpush v10, $0xF  }
0x3f: {  	(v2sf) =	vpush v11, $0xF  }
0x40: {  	s28 =	spop (v2sf)  }
0x41: {  	s19 =	sadd.s32 s19, s28  }
0x42: {  	v11 =	vmov s19  }
0x43: {  	v11 =	vadd.s32 $0xFFFFFFFF, v11  }
0x44: {  	v11 =	vbroadcast v11, $0x0;
	_ =	sdelay $0x1  }
0x45: {  	v10 =	vadd.s32 v10, v11  }
0x46: {  	vm1 =	vgt.s32 v10, $0x0  }
0x47: {  	vm2 =	vlt.s32 v10, $0x80;
	v10 =	vnsel vm1, $0x0, v10  }
0x48: {  	vm0 =	vmand vm7, vm2;
	v10 =	vmin.u32 v10, $0x7F  }
0x49: {  	v10 =	vnsel vm0, $0x0, v10;
	_ =	sdelay $0x1  }
0x4a: {  	s29 =	spop (v2sf)  }
0x4b: {  	s22 =	sxor.u32 $0x80000000, s29;
	s23 =	spop (v2sf)  }
0x4c: {  	p0 =	slt.s32 s20, s22;
	v11 =	vor.u32 s26, v0;
	s30 =	spop (v2sf)  }
0x4d: {  	s22 =	smov.u32 @p0 s20;
	[tilespmem:v10+s11+$0x0] =	vst.idx.msk vm0, v11;
	s19 =	sadd.s32 s19, s23;
	s20 =	sxor.u32 $0x80000000, s30  }
0x4e: {  	v10 =	vld [tilespmem:$0x400];
	p1 =	sgt.s32 s19, $0x0;
	p0 =	slt.s32 s22, s20  }
0x4f: {  	v11 =	vld [tilespmem:$0x410];
	s19 =	simm.s32 @!p1 $0x0;
	s20 =	smov.u32 @p0 s22  }
0x50: {  	v12 =	vld [tilespmem:$0x420];
	s19 =	smin.u32 s19, $0x80;
	p0 =	sgt.s32 s7, s20  }
0x51: {  	v14 =	vld [tilespmem:$0x430];
	v13 =	vmov s19;
	s20 =	smov.u32 @p0 s7  }
0x52: {  	v15 =	vld [tilespmem:$0x440];
	vm8 =	vgt.u32 v13, v0;
	s31 =	smin.u32 s8, s20  }
0x53: {  	v16 =	vld [tilespmem:$0x450];
	vm9 =	vgt.u32 v13, v3;
	v10 =	vnsel vm8, s31, v10  }
0x54: {  	vm10 =	vgt.u32 v13, v4;
	[tilespmem:$0x500] =	vst v10;
	v10 =	vnsel vm9, s31, v11;
	v11 =	vld [tilespmem:$0x460]  }
0x55: {  	v63 =	vld [tilespmem:$0x470];
	vm11 =	vgt.u32 v13, v5;
	[tilespmem:$0x510] =	vst v10;
	v10 =	vnsel vm10, s31, v12  }
0x56: {  	vm12 =	vgt.u32 v13, v6;
	[tilespmem:$0x520] =	vst v10;
	v10 =	vnsel vm11, s31, v14  }
0x57: {  	vm13 =	vgt.u32 v13, v7;
	[tilespmem:$0x530] =	vst v10;
	v10 =	vnsel vm12, s31, v15  }
0x58: {  	vm14 =	vgt.u32 v13, v8;
	[tilespmem:$0x540] =	vst v10;
	v10 =	vnsel vm13, s31, v16  }
0x59: {  	vm15 =	vgt.u32 v13, v9;
	[tilespmem:$0x550] =	vst v10;
	v10 =	vnsel vm14, s31, v11  }
0x5a: {  	[tilespmem:$0x560] =	vst v10;
	v10 =	vnsel vm15, s31, v63  }
0x5b: {  	[tilespmem:$0x570] =	vst v10  }
0x5c: {  	[tilespmem:s14], [sflag:$0x1] =	stream.indirect.gather [hbm4b:s4+s12], $0x80, s13, s12, $0xb8;
	[tilespmem:$0x4580] =	vst v63  }
0x5d: {  	s17 =	sadd.s32 $0x1, s17;
	_ =	swait.ge [sflag:s15], $0x4000  }
0x5e: {  	s18 =	sshll.u32 s18, $0xB;
	p0 =	sne.s32 s17, $0x80;
	[sflag:s15] =	ssyncset.done $0x0  }
.Ltmp1:
0x5f: {  	s18 =	sadd.s32 s5, s18;
	[sflag:s15] =	ssyncadd.s32 $0xFFFFC000;
	(pc) =	sbr.rel @p0 .LBB2_2-.Ltmp1, $4  }
0x60: {  	[hbm4b:s18+s1] =	stream.linear.scatter [tilespmem:s14], [sflag:$0x2], $0x4000, $0x38;
	[tilespmem:$0x4580] =	vst v63  }
0x61: {  	_ =	swait.ge [sflag:s10], $0x4000  }
0x62: {  	[sflag:s10] =	ssyncset.done $0x0  }
0x63: {  	[sflag:s10] =	ssyncadd.s32 $0xFFFFC000  }
0x64: {  	s16 =	sadd.s32 $0x1, s16  }
0x65: {  	p0 =	sne.s32 s16, s9  }
.Ltmp2:
0x66: {  	_ = 	snop;
	(pc) =	sbr.rel @p0 .LBB2_1-.Ltmp2, $1  }
0x67: {  	_ =	sdelay $0x3  }
0x68: {  	_ =	sfence.sel $0x180000  }
0x69: {  	[bflag:$0x0] =	sbarrier.arrive $0xFFFF  }
0x6a: {  	p0 =	sne.s32 s2, $0x0;
	_ =	strace $0x9000004D  }
0x6b: {  	s0 =	sadd.s32 @!p0 $0x100000, s0;
	[bflag:$0x2] =	sbarrier.arrive $0xFFFF  }
0x6c: {  	[sflag:s0] =	ssyncadd.tile.s32 @!p0 $0x1;
	_ =	shalt  }
.Lfunc_end2:
_tile_overlayer_lowered:
.L_overlay_start_2:
0x6d: {  	(tag) =	ssettag $0x2  }
0x6e: {  	s0 =	rddreg [dreg:$0x0];
	s2 =	stileid.u32  }
0x6f: {  	s1 =	rddreg [dreg:$0x1];
	p0 =	sne.s32 s2, $0x0  }
0x70: {  	s3 =	rddreg [dreg:$0x2];
	[bflag:$0x3] =	sbarrier.arrive $0xFFFF;
	s2 =	simm.s32 @!p0 $0x1C02  }
0x71: {  	[timem:s3], [sflag:s2] =	dma.local @!p0 [hbm:s0], s1  }
0x72: {  	s0 =	simm.s32 @!p0 $0x2  }
0x73: {  	_ =	swait.ge @!p0 [sflag:s0], s1  }
0x74: {  	s1 =	ssub.s32 @!p0 $0x0, s1;
	[sflag:s0] =	ssyncset.done @!p0 $0x0  }
0x75: {  	[sflag:s0] =	ssyncadd.s32 @!p0 s1  }
0x76: {  	[bflag:$0x3] =	sbarrier.arrive $0xFFFF  }
0x77: {  	_ =	shalt  }

// kernel: kernel.31.cloned.1.call-start
scs
__scs_entry_jumppad:
0x0: {  	(pc) =	sbr.rel $0x88, $3  }
0x1: {  	(tag) =	ssettag $0x0;
	lr =	simm.s32 $0x1  }
0x2: {  	[smem:$0x3F12] =	sst lr;
	_ =	strace $0xD0000000  }
0x3: {  	_ = 	snop  }
0x4: {  	_ = 	snop  }
0x5: {  	_ = 	snop  }
0x6: {  	_ = 	snop  }
0x7: {  	_ = 	snop  }
__scs_overlays_trampoline_lowered:
0x8: {  	[smem:$0x3F21] =	sst s0  }
0x9: {  	[smem:$0x3F22] =	sst s1  }
0xa: {  	[smem:$0x3F23] =	sst s2  }
0xb: {  	[smem:$0x3F24] =	sst s3  }
0xc: {  	[smem:$0x3F25] =	sst s4  }
0xd: {  	[smem:$0x3F26] =	sst s5  }
0xe: {  	[smem:$0x3F27] =	sst s6  }
0xf: {  	[smem:$0x3F28] =	sst s7  }
0x10: {  	[smem:$0x3F29] =	sst s8  }
0x11: {  	[smem:$0x3F2A] =	sst s9;
	s0 =	simm.s32 @!p0 $0x0  }
0x12: {  	s1 =	sld [smem:$0x3F10];
	s0 =	simm.s32 @p0 $0x1  }
0x13: {  	[smem:$0x3F2B] =	sst s0;
	s0 =	simm.s32 @!p1 $0x0  }
0x14: {  	s2 =	sld [smem:$0x3F0F];
	s0 =	simm.s32 @p1 $0x1  }
0x15: {  	[smem:$0x3F2C] =	sst s0;
	s0 =	simm.s32 @!p2 $0x0  }
0x16: {  	s3 =	sld [smem:$0x3FDB];
	s0 =	simm.s32 @p2 $0x1  }
0x17: {  	s4 =	simm.s32 $0x1BF5;
	[smem:$0x3F2E] =	sst s0  }
0x18: {  	s0 =	sld [smem:$0x3F11];
	_ =	swait.ge [sflag:s4], $0x0  }
0x19: {  	s7 =	sld [smem:$0x3F12]  }
0x1a: {  	s8 =	sadd.s32 $0xFFFFE003, lr  }
0x1b: {  	s9 =	sadd.s32 $0xFFFFFEF7, lr;
	s5 =	simm.s32 $0xFFFFFFFF;
	p2 =	slt.u32 s8, $0xFFFFF086  }
0x1c: {  	p1 =	slt.u32 s9, $0xF7A;
	s5 =	simm.s32 @!p2 $0x0  }
0x1d: {  	s5 =	simm.s32 @p1 $0x1;
	p0 =	seq.s32 s7, s2  }
0x1e: {  	s7 =	smul.u32 @!p0 $0xF7A, s2;
	p2 =	seq.s32 @!p0 s5, $0x0  }
0x1f: {  	s9 =	smul.u32 $0xF7A, s1;
	s8 =	simm.s32 @!p0 $0x1BF5;
	p2 =	por !p2, p0  }
0x20: {  	[sflag:s8] =	ssyncset.s32 @!p0 $0xFFFFF086;
	s6 =	sadd.s32 @!p0 s3, s7;
	s7 =	simm.s32 @!p0 $0x108  }
0x21: {  	s3 =	sadd.s32 s3, s9;
	s6 =	sadd.s32 @!p0 $0x88, s6;
	s7 =	simm.s32 @p2 $0x1082  }
0x22: {  	[simem:s7], [sflag:s8] =	dma.local @!p0 [hbm:s6], $0xF7A  }
0x23: {  	s9 =	sor.u32 $0xD0000000, s2;
	s6 =	simm.s32 $0x108;
	_ =	swait.ge @!p0 [sflag:s8], $0x0  }
0x24: {  	s3 =	sadd.s32 $0x88, s3;
	s6 =	simm.s32 @!p1 $0x1082;
	[sflag:s4] =	ssyncset.s32 $0xFFFFF086  }
0x25: {  	[simem:s6], [sflag:s4] =	dma.local [hbm:s3], $0xF7A  }
0x26: {  	[smem:$0x3F12] =	sst s1;
	(tag) =	ssettag s2;
	_ =	strace s9  }
0x27: {  	s1 =	sld [smem:$0x3F22]  }
0x28: {  	s2 =	sld [smem:$0x3F23]  }
0x29: {  	s4 =	sld [smem:$0x3F25]  }
0x2a: {  	p0 =	seq.s32 s5, $0x0;
	s5 =	sld [smem:$0x3F26]  }
0x2b: {  	s6 =	sld [smem:$0x3F27]  }
0x2c: {  	s7 =	sld [smem:$0x3F28]  }
0x2d: {  	s3 =	simm.s32 $0x108;
	s8 =	sld [smem:$0x3F29]  }
0x2e: {  	s3 =	simm.s32 @!p0 $0x1082;
	s9 =	sld [smem:$0x3F2A]  }
0x2f: {  	lr =	sadd.s32 s0, s3;
	s0 =	sld [smem:$0x3F21]  }
0x30: {  	s3 =	sld [smem:$0x3F24]  }
0x31: {  	[smem:$0x3F2D] =	sst s10  }
0x32: {  	s10 =	sld [smem:$0x3F2B];
	_ =	sdelay $0x3  }
0x33: {  	p0 =	seq.s32 s10, $0x1;
	s10 =	sld [smem:$0x3F2D];
	_ =	sdelay $0x3  }
0x34: {  	[smem:$0x3F2D] =	sst s10  }
0x35: {  	s10 =	sld [smem:$0x3F2C];
	_ =	sdelay $0x3  }
0x36: {  	p1 =	seq.s32 s10, $0x1;
	s10 =	sld [smem:$0x3F2D];
	_ =	sdelay $0x3  }
0x37: {  	[smem:$0x3F2D] =	sst s10  }
0x38: {  	s10 =	sld [smem:$0x3F2E]  }
0x39: {  	_ = 	snop;
	(pc) =	sbr.ind lr, $3  }
0x3a: {  	_ = 	snop  }
0x3b: {  	_ = 	snop  }
0x3c: {  	p2 =	seq.s32 s10, $0x1;
	s10 =	sld [smem:$0x3F2D]  }
0x3d: {  	_ =	shalt  }
0x3e: {  	_ =	shalt  }
0x3f: {  	_ =	shalt  }
0x40: {  	_ =	shalt  }
0x41: {  	_ =	shalt  }
0x42: {  	_ =	shalt  }
0x43: {  	_ =	shalt  }
0x44: {  	_ =	shalt  }
0x45: {  	_ =	shalt  }
0x46: {  	_ =	shalt  }
0x47: {  	_ =	shalt  }
0x48: {  	_ =	shalt  }
0x49: {  	_ =	shalt  }
0x4a: {  	_ =	shalt  }
0x4b: {  	_ =	shalt  }
0x4c: {  	_ =	shalt  }
0x4d: {  	_ =	shalt  }
0x4e: {  	_ =	shalt  }
0x4f: {  	_ =	shalt  }
0x50: {  	_ =	shalt  }
0x51: {  	_ =	shalt  }
0x52: {  	_ =	shalt  }
0x53: {  	_ =	shalt  }
0x54: {  	_ =	shalt  }
0x55: {  	_ =	shalt  }
0x56: {  	_ =	shalt  }
0x57: {  	_ =	shalt  }
0x58: {  	_ =	shalt  }
0x59: {  	_ =	shalt  }
0x5a: {  	_ =	shalt  }
0x5b: {  	_ =	shalt  }
0x5c: {  	_ =	shalt  }
0x5d: {  	_ =	shalt  }
0x5e: {  	_ =	shalt  }
0x5f: {  	_ =	shalt  }
0x60: {  	_ =	shalt  }
0x61: {  	_ =	shalt  }
0x62: {  	_ =	shalt  }
0x63: {  	_ =	shalt  }
0x64: {  	_ =	shalt  }
0x65: {  	_ =	shalt  }
0x66: {  	_ =	shalt  }
0x67: {  	_ =	shalt  }
0x68: {  	_ =	shalt  }
0x69: {  	_ =	shalt  }
0x6a: {  	_ =	shalt  }
0x6b: {  	_ =	shalt  }
0x6c: {  	_ =	shalt  }
0x6d: {  	_ =	shalt  }
0x6e: {  	_ =	shalt  }
0x6f: {  	_ =	shalt  }
0x70: {  	_ =	shalt  }
0x71: {  	_ =	shalt  }
0x72: {  	_ =	shalt  }
0x73: {  	_ =	shalt  }
0x74: {  	_ =	shalt  }
0x75: {  	_ =	shalt  }
0x76: {  	_ =	shalt  }
0x77: {  	_ =	shalt  }
0x78: {  	_ =	shalt  }
0x79: {  	_ =	shalt  }
0x7a: {  	_ =	shalt  }
0x7b: {  	_ =	shalt  }
0x7c: {  	_ =	shalt  }
0x7d: {  	_ =	shalt  }
0x7e: {  	_ =	shalt  }
0x7f: {  	_ =	shalt  }
0x80: {  	_ =	shalt  }
0x81: {  	_ =	shalt  }
0x82: {  	_ =	shalt  }
0x83: {  	_ =	shalt  }
0x84: {  	_ =	shalt  }
0x85: {  	_ =	shalt  }
0x86: {  	_ =	shalt  }
0x87: {  	_ =	shalt  }
.Lfunc_end0:
.L_simem_size_0:
called_computation.3_lowered:
.L_overlay_start_0:
0x88: {  	s2 =	sld [smem:$0x3FD9]  }
0x89: {  	s3 =	sld [smem:$0x3FFE];
	_ =	sdelay $0x1  }
0x8a: {  	s1 =	srdreg.scid  }
0x8b: {  	s0 =	sand.u32 $0x1, s1  }
0x8c: {  	s16 =	sshll.u32 s0, $0xA;
	s2 =	sadd.s32 s3, s2  }
0x8d: {  	s2 =	sadd.s32 s2, s16  }
0x8e: {  	[smem:$0x3F39] =	sst s2  }
0x8f: {  	_ = 	snop  }
0x90: {  	(tm) =	ssettm $0x1  }
0x91: {  	s17 =	sld [smem:$0x3FFB];
	_ =	sdelay $0x3  }
0x92: {  	_ =	strace s17  }
0x93: {  	s2 =	sld [smem:$0x3FFC];
	_ =	sdelay $0x3  }
0x94: {  	_ =	strace s2  }
0x95: {  	s2 =	sld [smem:$0x3FFD];
	_ =	sdelay $0x3  }
0x96: {  	_ =	strace s2  }
0x97: {  	_ =	strace $0x8FFFFFFF  }
0x98: {  	s18 =	sld [smem:$0x3FDB];
	_ =	sdelay $0x1  }
0x99: {  	s19 =	simm.s32 $_scs_section_size  }
0x9a: {  	s4 =	simm.s32 $_size__tile_overlayer_lowered;
	s5 =	simm.s32 $_tile_overlayer_lowered  }
0x9b: {  	s22 =	simm.s32 $0x1BFF;
	s21 =	sshll.u32 s5, $0x1;
	s2 =	sadd.s32 s19, s18  }
0x9c: {  	s6 =	simm.s32 $0x0;
	s20 =	sshll.u32 s4, $0x1;
	s4 =	sadd.s32 s21, s2  }
0x9d: {  	[timem:s6], [sflag:s22] =	dma.local [hbm:s4], s20  }
0x9e: {  	_ =	swait.ge [sflag:s22], s20  }
0x9f: {  	s3 =	ssub.s32 $0x0, s20;
	[sflag:s22] =	ssyncset.done $0x0  }
0xa0: {  	[sflag:s22] =	ssyncadd.s32 s3;
	_ =	sdelay $0x1  }
0xa1: {  	s23 =	simm.s32 $0x1B8B  }
0xa2: {  	_ =	swait.ge [sflag:s23], $0x1  }
0xa3: {  	[sflag:s23] =	ssyncset.done $0x0  }
0xa4: {  	s25 =	simm.s32 $0x1B8E;
	s24 =	sld [smem:$0x3FFE];
	[sflag:s23] =	ssyncadd.s32 $0xFFFFFFFF  }
0xa5: {  	s26 =	simm.s32 $execute0_lowered;
	[smem:$0x3FD2] =	sst s25  }
0xa6: {  	s4 =	sshll.u32 s26, $0x1;
	_ =	strace $0x8000004F;
	[dreg:$0x1] =	wrdreg $0xFFFFFFFF  }
0xa7: {  	s28 =	simm.s32 $_size_execute0_lowered;
	s2 =	sadd.s32 s2, s4;
	[dreg:$0x0] =	wrdreg $0x0  }
0xa8: {  	s4 =	sshll.u32 s28, $0x1;
	[dreg:$0x2] =	wrdreg s2  }
0xa9: {  	[dreg:$0x3] =	wrdreg s4  }
0xaa: {  	[dreg:$0x4] =	wrdreg $0xC0  }
0xab: {  	_ =	task [dreg:s6], $0x5FFFF  }
0xac: {  	[dreg:$0x1] =	wrdreg $0xFFFFFFFF  }
0xad: {  	[dreg:$0x0] =	wrdreg $0x60  }
0xae: {  	[dreg:$0x2] =	wrdreg s24  }
0xaf: {  	[dreg:$0x3] =	wrdreg $0x9  }
0xb0: {  	_ =	task.clear_ibuf [dreg:s6], $0x4FFFF;
	_ =	strace $0x9000004F  }
0xb1: {  	s29 =	simm.s32 $0x9;
	_ =	strace $0x80000051  }
0xb2: {  	_ =	swait.ge [sflag:s29], $0x1  }
0xb3: {  	[sflag:s29] =	ssyncadd.s32 $0xFFFFFFFF  }
0xb4: {  	_ =	strace $0x90000051  }
0xb5: {  	_ =	sfence  }
0xb6: {  	s30 =	sld [smem:$0x0];
	_ =	sdelay $0x2  }
0xb7: {  	s31 =	sshll.u32 s1, $0xD;
	s1 =	sshrl.u32 s1, $0x2  }
0xb8: {  	s3 =	sand.u32 $0x4000, s31;
	s1 =	sadd.s32 s1, s30  }
0xb9: {  	s0 =	sor.u32 s3, s0;
	s1 =	sshll.u32 s1, $0x11  }
0xba: {  	s0 =	sor.u32 s1, s0  }
0xbb: {  	s0 =	sadd.s32 $0x8F2B, s0  }
0xbc: {  	[sflag:s0] =	ssyncadd.remote.s32 $0x1  }
0xbd: {  	_ =	sfence.sel $0xFFFF  }
0xbe: {  	[dreg:$0x0] =	wrdreg $0xFFFFFFFF;
	(pc) =	sbr.abs _section_cstart, $3  }
0xbf: {  	[dreg:$0x1] =	wrdreg $0xFFFFFFFF  }
0xc0: {  	_ =	task.clear_ibuf [dreg:s6], $0x2FFFF;
	_ =	strace $0x9FFFFFFF  }
0xc1: {  	(tm) =	ssettm $0x7FFFFFFF  }
tec
execute0_lowered:
.L_overlay_start_1:
0x0: {  	(tag) =	ssettag $0x1  }
0x1: {  	s2 =	rddreg [dreg:$0x0]  }
0x2: {  	s0 =	rddreg [dreg:$0x1];
	s1 =	simm.s32 $0x0;
	s3 =	srdreg.scid  }
0x3: {  	s12 =	simm.s32 $0x80;
	s13 =	simm.s32 $0x880;
	s14 =	simm.s32 $0x900  }
0x4: {  	s15 =	simm.s32 $0x1;
	s16 =	simm.s32 $0x0;
	[smem:$0x7FF] =	sst s1  }
0x5: {  	s6 =	sand.u32 $0x1, s3;
	s3 =	sadd.s32 $0xC36E00, s2;
	s4 =	sadd.s32 $0x26E00, s2  }
0x6: {  	s5 =	sadd.s32 $0x56E00, s2;
	s2 =	stileid.u32;
	_ =	strace $0x80000050  }
0x7: {  	s7 =	ssub.s32 $0x2, s6;
	s9 =	sshll.u32 s2, $0x4;
	s6 =	sshll.u32 s6, $0x3  }
0x8: {  	s10 =	sshll.u32 s2, $0x8;
	s8 =	sshrl.u32 s7, $0x1;
	s6 =	sor.u32 s6, s9  }
0x9: {  	v0 =	vlaneseq.u32;
	s11 =	ssub.s32 s7, s8;
	s7 =	sand.u32 $0xE00, s10;
	s8 =	sor.u32 $0x1FF, s10  }
0xa: {  	v1 =	vimm.s32 $0x0;
	v2 =	vor.u32 $0x80000000, v0;
	v3 =	vor.u32 $0x10, v0;
	s10 =	simm.s32 $0x2;
	s9 =	smax.u32 s11, $0x1;
	s11 =	simm.s32 $0x800  }
.LBB2_1:
0xb: {  	s17 =	simm.s32 $0x0  }
.LBB2_2:
0xc: {  	s18 =	sadd.s32 s6, s17  }
0xd: {  	s19 =	sshll.u32 s18, $0x8  }
0xe: {  	s20 =	sadd.s32 s3, s19;
	s19 =	simm.s32 $0x0  }
0xf: {  	[tilespmem:s19], [sflag:$0x2] =	stream.linear.gather [hbm4b:s20+s19], $0x800, $0x38;
	[tilespmem:$0x4900] =	vst v63  }
0x10: {  	_ =	swait.ge [sflag:s10], $0x800  }
0x11: {  	[sflag:s10] =	ssyncset.done $0x0  }
0x12: {  	s31 =	simm.s32 $0x0;
	[sflag:s10] =	ssyncadd.s32 $0xFFFFF800  }
0x13: {  	v4 =	vld [tilespmem:s31+$0x0];
	_ =	sdelay $0x4  }
0x14: {  	vm0 =	vle.f32 v4, $3.999999910e-02  }
0x15: {  	v4 =	vsel vm0, $0x1, v1  }
0x16: {  	(xrf0) =	vadd.scan.msk.s32 $0xffff, v4;
	v4 =	vor.u32 s7, v2  }
0x17: {  	v4 =	vnsel vm0, $0xC0000000, v4  }
0x18: {  	(xrf0) =	vmin.scan.msk.u32 $0xffff, v4  }
0x19: {  	v5 =	vmov s19  }
0x1a: {  	v5 =	vadd.s32 $0xFFFFFFFF, v5;
	_ =	sdelay $0x1  }
0x1b: {  	v4 =	vbroadcast v5, $0x0  }
0x1c: {  	v5, _, _ =	vpop (xrf0)  }
0x1d: {  	v4 =	vadd.s32 v5, v4;
	(v2sf) =	vpush v5, $0xF;
	v6, _, _ =	vpop (xrf0)  }
0x1e: {  	vm1 =	vgt.s32 v4, $0x0;
	(v2sf) =	vpush v6, $0xF  }
0x1f: {  	vm2 =	vlt.s32 v4, $0x20;
	v4 =	vnsel vm1, $0x0, v4  }
0x20: {  	vm0 =	vmand vm0, vm2;
	v4 =	vmin.u32 v4, $0x1F  }
0x21: {  	v4 =	vnsel vm0, $0x0, v4  }
0x22: {  	s22 =	simm.s32 $0x40  }
0x23: {  	s23 =	simm.s32 $0x80;
	s21 =	smov.u32 s7;
	s20 =	simm.s32 $0x40000000  }
.LBB2_3:
0x24: {  	s24 =	smov.u32 s20  }
0x25: {  	p0 =	sne.s32 s23, $0x7C0;
	v5 =	vor.u32 s21, v0  }
0x26: {  	s20 =	sshra.s32 s22, $0x2;
	s22 =	smov.u32 s23;
	[tilespmem:v4+s11+$0x0] =	vst.idx.msk vm0, v5  }
0x27: {  	v4 =	vld [tilespmem:s20+$0x0];
	_ =	sdelay $0x3  }
0x28: {  	s21 =	sadd.s32 $0x10, s21  }
0x29: {  	vm0 =	vle.f32 v4, $3.999999910e-02;
	v4 =	vor.u32 s21, v2;
	s20 =	spop (v2sf)  }
0x2a: {  	v5 =	vsel vm0, $0x1, v1;
	v4 =	vnsel vm0, $0xC0000000, v4;
	s19 =	sadd.s32 s19, s20;
	s20 =	spop (v2sf)  }
0x2b: {  	v6 =	vmov s19;
	(xrf0) =	vadd.scan.msk.s32 $0xffff, v5;
	s20 =	sxor.u32 $0x80000000, s20  }
0x2c: {  	v5 =	vadd.s32 $0xFFFFFFFF, v6;
	(xrf0) =	vmin.scan.msk.u32 $0xffff, v4;
	p1 =	slt.s32 s24, s20  }
0x2d: {  	v4 =	vbroadcast v5, $0x0;
	s20 =	smov.u32 @p1 s24;
	_ =	sdelay $0x3  }
0x2e: {  	v5, _, _ =	vpop (xrf0)  }
0x2f: {  	v4 =	vadd.s32 v5, v4;
	v6, _, _ =	vpop (xrf0);
	(v2sf) =	vpush v5, $0xF  }
0x30: {  	vm1 =	vlt.s32 v4, $0x20;
	vm2 =	vgt.s32 v4, $0x0;
	(v2sf) =	vpush v6, $0xF  }
0x31: {  	vm0 =	vmand vm0, vm1;
	v4 =	vnsel vm2, $0x0, v4  }
.Ltmp0:
0x32: {  	v4 =	vmin.u32 v4, $0x1F;
	(pc) =	sbr.rel @p0 .LBB2_3-.Ltmp0, $2  }
0x33: {  	v4 =	vnsel vm0, $0x0, v4;
	_ =	sdelay $0x2  }
0x34: {  	s23 =	sadd.s32 $0x40, s23  }
0x35: {  	_ =	sdelay $0x3  }
0x36: {  	v5 =	vor.u32 s21, v0  }
0x37: {  	s22 =	sshra.s32 s22, $0x2;
	[tilespmem:v4+s11+$0x0] =	vst.idx.msk vm0, v5  }
0x38: {  	v4 =	vld [tilespmem:s22+$0x0];
	_ =	sdelay $0x4  }
0x39: {  	s25 =	sadd.s32 $0x10, s21;
	vm0 =	vle.f32 v4, $3.999999910e-02  }
0x3a: {  	v4 =	vor.u32 s25, v2;
	v5 =	vsel vm0, $0x1, v1  }
0x3b: {  	v4 =	vnsel vm0, $0xC0000000, v4;
	(xrf0) =	vadd.scan.msk.s32 $0xffff, v5  }
0x3c: {  	(xrf0) =	vmin.scan.msk.u32 $0xffff, v4;
	_ =	sdelay $0x4  }
0x3d: {  	v4, _, _ =	vpop (xrf0)  }
0x3e: {  	v5, _, _ =	vpop (xrf0);
	(v2sf) =	vpush v4, $0xF  }
0x3f: {  	(v2sf) =	vpush v5, $0xF  }
0x40: {  	s26 =	spop (v2sf)  }
0x41: {  	s19 =	sadd.s32 s19, s26  }
0x42: {  	v5 =	vmov s19  }
0x43: {  	v5 =	vadd.s32 $0xFFFFFFFF, v5  }
0x44: {  	v5 =	vbroadcast v5, $0x0;
	_ =	sdelay $0x1  }
0x45: {  	v4 =	vadd.s32 v4, v5  }
0x46: {  	vm1 =	vgt.s32 v4, $0x0  }
0x47: {  	vm2 =	vlt.s32 v4, $0x20;
	v4 =	vnsel vm1, $0x0, v4  }
0x48: {  	vm0 =	vmand vm0, vm2;
	v4 =	vmin.u32 v4, $0x1F  }
0x49: {  	v4 =	vnsel vm0, $0x0, v4;
	_ =	sdelay $0x1  }
0x4a: {  	s28 =	spop (v2sf)  }
0x4b: {  	s22 =	sxor.u32 $0x80000000, s28;
	s23 =	spop (v2sf)  }
0x4c: {  	p0 =	slt.s32 s20, s22;
	v5 =	vor.u32 s25, v0;
	s29 =	spop (v2sf)  }
0x4d: {  	s22 =	smov.u32 @p0 s20;
	[tilespmem:v4+s11+$0x0] =	vst.idx.msk vm0, v5;
	s19 =	sadd.s32 s19, s23;
	s20 =	sxor.u32 $0x80000000, s29  }
0x4e: {  	v4 =	vld [tilespmem:$0x800];
	p1 =	sgt.s32 s19, $0x0;
	p0 =	slt.s32 s22, s20  }
0x4f: {  	v5 =	vld [tilespmem:$0x810];
	s19 =	simm.s32 @!p1 $0x0;
	s20 =	smov.u32 @p0 s22  }
0x50: {  	s19 =	smin.u32 s19, $0x20;
	p0 =	sgt.s32 s7, s20  }
0x51: {  	v6 =	vmov s19;
	s20 =	smov.u32 @p0 s7  }
0x52: {  	vm0 =	vgt.u32 v6, v0;
	s30 =	smin.u32 s8, s20  }
0x53: {  	v4 =	vnsel vm0, s30, v4;
	vm0 =	vgt.u32 v6, v3  }
0x54: {  	s19 =	simm.s32 $0x0;
	[tilespmem:$0x880] =	vst v4;
	v4 =	vnsel vm0, s30, v5  }
0x55: {  	s31 =	sand.u32 $0x1F0, s19;
	[tilespmem:$0x890] =	vst v4  }
0x56: {  	v4 =	vld [tilespmem:s31+$0x200];
	_ =	sdelay $0x4  }
0x57: {  	vm0 =	vle.f32 v4, $3.999999910e-02  }
0x58: {  	s20 =	sadd.s32 $0x0, s7;
	v4 =	vsel vm0, $0x1, v1  }
0x59: {  	(xrf0) =	vadd.scan.msk.s32 $0xffff, v4;
	v4 =	vor.u32 s20, v2  }
0x5a: {  	v4 =	vnsel vm0, $0xC0000000, v4  }
0x5b: {  	(xrf0) =	vmin.scan.msk.u32 $0xffff, v4  }
0x5c: {  	v5 =	vmov s19  }
0x5d: {  	v5 =	vadd.s32 $0xFFFFFFFF, v5;
	_ =	sdelay $0x1  }
0x5e: {  	v4 =	vbroadcast v5, $0x0  }
0x5f: {  	v5, _, _ =	vpop (xrf0)  }
0x60: {  	v4 =	vadd.s32 v5, v4;
	(v2sf) =	vpush v5, $0xF;
	v6, _, _ =	vpop (xrf0)  }
0x61: {  	vm1 =	vgt.s32 v4, $0x0;
	(v2sf) =	vpush v6, $0xF  }
0x62: {  	vm2 =	vlt.s32 v4, $0x20;
	v4 =	vnsel vm1, $0x0, v4  }
0x63: {  	vm0 =	vmand vm0, vm2;
	v4 =	vmin.u32 v4, $0x1F  }
0x64: {  	v4 =	vnsel vm0, $0x0, v4;
	_ =	sdelay $0x1  }
0x65: {  	s21 =	simm.s32 $0x40000000;
	s23 =	simm.s32 $0x20;
	s22 =	simm.s32 $0x10  }
.LBB2_5:
0x66: {  	s24 =	smov.u32 s21  }
0x67: {  	p0 =	sne.s32 s23, $0x1F0;
	v5 =	vor.u32 s20, v0  }
0x68: {  	s20 =	sand.u32 $0x1F0, s22;
	[tilespmem:v4+s11+$0x0] =	vst.idx.msk vm0, v5  }
0x69: {  	v4 =	vld [tilespmem:s20+$0x200];
	_ =	sdelay $0x3  }
0x6a: {  	s20 =	sadd.s32 s22, s7;
	s22 =	smov.u32 s23  }
0x6b: {  	vm0 =	vle.f32 v4, $3.999999910e-02;
	v4 =	vor.u32 s20, v2;
	s21 =	spop (v2sf)  }
0x6c: {  	v5 =	vsel vm0, $0x1, v1;
	v4 =	vnsel vm0, $0xC0000000, v4;
	s19 =	sadd.s32 s19, s21;
	s21 =	spop (v2sf)  }
0x6d: {  	v6 =	vmov s19;
	(xrf0) =	vadd.scan.msk.s32 $0xffff, v5;
	s21 =	sxor.u32 $0x80000000, s21  }
0x6e: {  	v5 =	vadd.s32 $0xFFFFFFFF, v6;
	(xrf0) =	vmin.scan.msk.u32 $0xffff, v4;
	p1 =	slt.s32 s24, s21  }
0x6f: {  	v4 =	vbroadcast v5, $0x0;
	s21 =	smov.u32 @p1 s24;
	_ =	sdelay $0x3  }
0x70: {  	v5, _, _ =	vpop (xrf0)  }
0x71: {  	v4 =	vadd.s32 v5, v4;
	v6, _, _ =	vpop (xrf0);
	(v2sf) =	vpush v5, $0xF  }
0x72: {  	vm1 =	vlt.s32 v4, $0x20;
	vm2 =	vgt.s32 v4, $0x0;
	(v2sf) =	vpush v6, $0xF  }
0x73: {  	vm0 =	vmand vm0, vm1;
	v4 =	vnsel vm2, $0x0, v4  }
.Ltmp1:
0x74: {  	v4 =	vmin.u32 v4, $0x1F;
	(pc) =	sbr.rel @p0 .LBB2_5-.Ltmp1, $2  }
0x75: {  	v4 =	vnsel vm0, $0x0, v4;
	_ =	sdelay $0x2  }
0x76: {  	s23 =	sadd.s32 $0x10, s23  }
0x77: {  	_ =	sdelay $0x3  }
0x78: {  	v5 =	vor.u32 s20, v0  }
0x79: {  	s24 =	sand.u32 $0x1F0, s22;
	[tilespmem:v4+s11+$0x0] =	vst.idx.msk vm0, v5  }
0x7a: {  	v4 =	vld [tilespmem:s24+$0x200];
	_ =	sdelay $0x4  }
0x7b: {  	s25 =	sadd.s32 s22, s7;
	vm0 =	vle.f32 v4, $3.999999910e-02  }
0x7c: {  	v4 =	vor.u32 s25, v2;
	v5 =	vsel vm0, $0x1, v1  }
0x7d: {  	v4 =	vnsel vm0, $0xC0000000, v4;
	(xrf0) =	vadd.scan.msk.s32 $0xffff, v5  }
0x7e: {  	(xrf0) =	vmin.scan.msk.u32 $0xffff, v4;
	_ =	sdelay $0x4  }
0x7f: {  	v4, _, _ =	vpop (xrf0)  }
0x80: {  	v5, _, _ =	vpop (xrf0);
	(v2sf) =	vpush v4, $0xF  }
0x81: {  	(v2sf) =	vpush v5, $0xF  }
0x82: {  	s26 =	spop (v2sf)  }
0x83: {  	s19 =	sadd.s32 s19, s26  }
0x84: {  	v5 =	vmov s19  }
0x85: {  	v5 =	vadd.s32 $0xFFFFFFFF, v5  }
0x86: {  	v5 =	vbroadcast v5, $0x0;
	_ =	sdelay $0x1  }
0x87: {  	v4 =	vadd.s32 v4, v5  }
0x88: {  	vm1 =	vgt.s32 v4, $0x0  }
0x89: {  	vm2 =	vlt.s32 v4, $0x20;
	v4 =	vnsel vm1, $0x0, v4  }
0x8a: {  	vm0 =	vmand vm0, vm2;
	v4 =	vmin.u32 v4, $0x1F  }
0x8b: {  	v4 =	vnsel vm0, $0x0, v4;
	_ =	sdelay $0x1  }
0x8c: {  	s28 =	spop (v2sf)  }
0x8d: {  	s22 =	sxor.u32 $0x80000000, s28;
	s23 =	spop (v2sf)  }
0x8e: {  	p0 =	slt.s32 s21, s22;
	v5 =	vor.u32 s25, v0;
	s29 =	spop (v2sf)  }
0x8f: {  	s22 =	smov.u32 @p0 s21;
	[tilespmem:v4+s11+$0x0] =	vst.idx.msk vm0, v5;
	s19 =	sadd.s32 s19, s23;
	s20 =	sxor.u32 $0x80000000, s29  }
0x90: {  	v4 =	vld [tilespmem:$0x800];
	p1 =	sgt.s32 s19, $0x0;
	p0 =	slt.s32 s22, s20  }
0x91: {  	v5 =	vld [tilespmem:$0x810];
	s19 =	simm.s32 @!p1 $0x0;
	s20 =	smov.u32 @p0 s22  }
0x92: {  	s19 =	smin.u32 s19, $0x20;
	p0 =	sgt.s32 s7, s20  }
0x93: {  	v6 =	vmov s19;
	s20 =	smov.u32 @p0 s7  }
0x94: {  	vm0 =	vgt.u32 v6, v0;
	s30 =	smin.u32 s8, s20  }
0x95: {  	v4 =	vnsel vm0, s30, v4;
	vm0 =	vgt.u32 v6, v3  }
0x96: {  	s19 =	simm.s32 $0x0;
	[tilespmem:$0x8A0] =	vst v4;
	v4 =	vnsel vm0, s30, v5  }
0x97: {  	s31 =	sand.u32 $0x1F0, s19;
	[tilespmem:$0x8B0] =	vst v4  }
0x98: {  	v4 =	vld [tilespmem:s31+$0x400];
	_ =	sdelay $0x4  }
0x99: {  	vm0 =	vle.f32 v4, $3.999999910e-02  }
0x9a: {  	s20 =	sadd.s32 $0x0, s7;
	v4 =	vsel vm0, $0x1, v1  }
0x9b: {  	(xrf0) =	vadd.scan.msk.s32 $0xffff, v4;
	v4 =	vor.u32 s20, v2  }
0x9c: {  	v4 =	vnsel vm0, $0xC0000000, v4  }
0x9d: {  	(xrf0) =	vmin.scan.msk.u32 $0xffff, v4  }
0x9e: {  	v5 =	vmov s19  }
0x9f: {  	v5 =	vadd.s32 $0xFFFFFFFF, v5;
	_ =	sdelay $0x1  }
0xa0: {  	v4 =	vbroadcast v5, $0x0  }
0xa1: {  	v5, _, _ =	vpop (xrf0)  }
0xa2: {  	v4 =	vadd.s32 v5, v4;
	(v2sf) =	vpush v5, $0xF;
	v6, _, _ =	vpop (xrf0)  }
0xa3: {  	vm1 =	vgt.s32 v4, $0x0;
	(v2sf) =	vpush v6, $0xF  }
0xa4: {  	vm2 =	vlt.s32 v4, $0x20;
	v4 =	vnsel vm1, $0x0, v4  }
0xa5: {  	vm0 =	vmand vm0, vm2;
	v4 =	vmin.u32 v4, $0x1F  }
0xa6: {  	v4 =	vnsel vm0, $0x0, v4;
	_ =	sdelay $0x1  }
0xa7: {  	s21 =	simm.s32 $0x40000000;
	s23 =	simm.s32 $0x20;
	s22 =	simm.s32 $0x10  }
.LBB2_7:
0xa8: {  	s24 =	smov.u32 s21  }
0xa9: {  	p0 =	sne.s32 s23, $0x1F0;
	v5 =	vor.u32 s20, v0  }
0xaa: {  	s20 =	sand.u32 $0x1F0, s22;
	[tilespmem:v4+s11+$0x0] =	vst.idx.msk vm0, v5  }
0xab: {  	v4 =	vld [tilespmem:s20+$0x400];
	_ =	sdelay $0x3  }
0xac: {  	s20 =	sadd.s32 s22, s7;
	s22 =	smov.u32 s23  }
0xad: {  	vm0 =	vle.f32 v4, $3.999999910e-02;
	v4 =	vor.u32 s20, v2;
	s21 =	spop (v2sf)  }
0xae: {  	v5 =	vsel vm0, $0x1, v1;
	v4 =	vnsel vm0, $0xC0000000, v4;
	s19 =	sadd.s32 s19, s21;
	s21 =	spop (v2sf)  }
0xaf: {  	v6 =	vmov s19;
	(xrf0) =	vadd.scan.msk.s32 $0xffff, v5;
	s21 =	sxor.u32 $0x80000000, s21  }
0xb0: {  	v5 =	vadd.s32 $0xFFFFFFFF, v6;
	(xrf0) =	vmin.scan.msk.u32 $0xffff, v4;
	p1 =	slt.s32 s24, s21  }
0xb1: {  	v4 =	vbroadcast v5, $0x0;
	s21 =	smov.u32 @p1 s24;
	_ =	sdelay $0x3  }
0xb2: {  	v5, _, _ =	vpop (xrf0)  }
0xb3: {  	v4 =	vadd.s32 v5, v4;
	v6, _, _ =	vpop (xrf0);
	(v2sf) =	vpush v5, $0xF  }
0xb4: {  	vm1 =	vlt.s32 v4, $0x20;
	vm2 =	vgt.s32 v4, $0x0;
	(v2sf) =	vpush v6, $0xF  }
0xb5: {  	vm0 =	vmand vm0, vm1;
	v4 =	vnsel vm2, $0x0, v4  }
.Ltmp2:
0xb6: {  	v4 =	vmin.u32 v4, $0x1F;
	(pc) =	sbr.rel @p0 .LBB2_7-.Ltmp2, $2  }
0xb7: {  	v4 =	vnsel vm0, $0x0, v4;
	_ =	sdelay $0x2  }
0xb8: {  	s23 =	sadd.s32 $0x10, s23  }
0xb9: {  	_ =	sdelay $0x3  }
0xba: {  	v5 =	vor.u32 s20, v0  }
0xbb: {  	s24 =	sand.u32 $0x1F0, s22;
	[tilespmem:v4+s11+$0x0] =	vst.idx.msk vm0, v5  }
0xbc: {  	v4 =	vld [tilespmem:s24+$0x400];
	_ =	sdelay $0x4  }
0xbd: {  	s25 =	sadd.s32 s22, s7;
	vm0 =	vle.f32 v4, $3.999999910e-02  }
0xbe: {  	v4 =	vor.u32 s25, v2;
	v5 =	vsel vm0, $0x1, v1  }
0xbf: {  	v4 =	vnsel vm0, $0xC0000000, v4;
	(xrf0) =	vadd.scan.msk.s32 $0xffff, v5  }
0xc0: {  	(xrf0) =	vmin.scan.msk.u32 $0xffff, v4;
	_ =	sdelay $0x4  }
0xc1: {  	v4, _, _ =	vpop (xrf0)  }
0xc2: {  	v5, _, _ =	vpop (xrf0);
	(v2sf) =	vpush v4, $0xF  }
0xc3: {  	(v2sf) =	vpush v5, $0xF  }
0xc4: {  	s26 =	spop (v2sf)  }
0xc5: {  	s19 =	sadd.s32 s19, s26  }
0xc6: {  	v5 =	vmov s19  }
0xc7: {  	v5 =	vadd.s32 $0xFFFFFFFF, v5  }
0xc8: {  	v5 =	vbroadcast v5, $0x0;
	_ =	sdelay $0x1  }
0xc9: {  	v4 =	vadd.s32 v4, v5  }
0xca: {  	vm1 =	vgt.s32 v4, $0x0  }
0xcb: {  	vm2 =	vlt.s32 v4, $0x20;
	v4 =	vnsel vm1, $0x0, v4  }
0xcc: {  	vm0 =	vmand vm0, vm2;
	v4 =	vmin.u32 v4, $0x1F  }
0xcd: {  	v4 =	vnsel vm0, $0x0, v4;
	_ =	sdelay $0x1  }
0xce: {  	s28 =	spop (v2sf)  }
0xcf: {  	s22 =	sxor.u32 $0x80000000, s28;
	s23 =	spop (v2sf)  }
0xd0: {  	p0 =	slt.s32 s21, s22;
	v5 =	vor.u32 s25, v0;
	s29 =	spop (v2sf)  }
0xd1: {  	s22 =	smov.u32 @p0 s21;
	[tilespmem:v4+s11+$0x0] =	vst.idx.msk vm0, v5;
	s19 =	sadd.s32 s19, s23;
	s20 =	sxor.u32 $0x80000000, s29  }
0xd2: {  	v4 =	vld [tilespmem:$0x800];
	p1 =	sgt.s32 s19, $0x0;
	p0 =	slt.s32 s22, s20  }
0xd3: {  	v5 =	vld [tilespmem:$0x810];
	s19 =	simm.s32 @!p1 $0x0;
	s20 =	smov.u32 @p0 s22  }
0xd4: {  	s19 =	smin.u32 s19, $0x20;
	p0 =	sgt.s32 s7, s20  }
0xd5: {  	v6 =	vmov s19;
	s20 =	smov.u32 @p0 s7  }
0xd6: {  	vm0 =	vgt.u32 v6, v0;
	s30 =	smin.u32 s8, s20  }
0xd7: {  	v4 =	vnsel vm0, s30, v4;
	vm0 =	vgt.u32 v6, v3  }
0xd8: {  	s19 =	simm.s32 $0x0;
	[tilespmem:$0x8C0] =	vst v4;
	v4 =	vnsel vm0, s30, v5  }
0xd9: {  	s31 =	sand.u32 $0x1F0, s19;
	[tilespmem:$0x8D0] =	vst v4  }
0xda: {  	v4 =	vld [tilespmem:s31+$0x600];
	_ =	sdelay $0x4  }
0xdb: {  	vm0 =	vle.f32 v4, $3.999999910e-02  }
0xdc: {  	s20 =	sadd.s32 $0x0, s7;
	v4 =	vsel vm0, $0x1, v1  }
0xdd: {  	(xrf0) =	vadd.scan.msk.s32 $0xffff, v4;
	v4 =	vor.u32 s20, v2  }
0xde: {  	v4 =	vnsel vm0, $0xC0000000, v4  }
0xdf: {  	(xrf0) =	vmin.scan.msk.u32 $0xffff, v4  }
0xe0: {  	v5 =	vmov s19  }
0xe1: {  	v5 =	vadd.s32 $0xFFFFFFFF, v5;
	_ =	sdelay $0x1  }
0xe2: {  	v4 =	vbroadcast v5, $0x0  }
0xe3: {  	v5, _, _ =	vpop (xrf0)  }
0xe4: {  	v4 =	vadd.s32 v5, v4;
	(v2sf) =	vpush v5, $0xF;
	v6, _, _ =	vpop (xrf0)  }
0xe5: {  	vm1 =	vgt.s32 v4, $0x0;
	(v2sf) =	vpush v6, $0xF  }
0xe6: {  	vm2 =	vlt.s32 v4, $0x20;
	v4 =	vnsel vm1, $0x0, v4  }
0xe7: {  	vm0 =	vmand vm0, vm2;
	v4 =	vmin.u32 v4, $0x1F  }
0xe8: {  	v4 =	vnsel vm0, $0x0, v4;
	_ =	sdelay $0x1  }
0xe9: {  	s21 =	simm.s32 $0x40000000;
	s23 =	simm.s32 $0x20;
	s22 =	simm.s32 $0x10  }
.LBB2_9:
0xea: {  	s24 =	smov.u32 s21  }
0xeb: {  	p0 =	sne.s32 s23, $0x1F0;
	v5 =	vor.u32 s20, v0  }
0xec: {  	s20 =	sand.u32 $0x1F0, s22;
	[tilespmem:v4+s11+$0x0] =	vst.idx.msk vm0, v5  }
0xed: {  	v4 =	vld [tilespmem:s20+$0x600];
	_ =	sdelay $0x3  }
0xee: {  	s20 =	sadd.s32 s22, s7;
	s22 =	smov.u32 s23  }
0xef: {  	vm0 =	vle.f32 v4, $3.999999910e-02;
	v4 =	vor.u32 s20, v2;
	s21 =	spop (v2sf)  }
0xf0: {  	v5 =	vsel vm0, $0x1, v1;
	v4 =	vnsel vm0, $0xC0000000, v4;
	s19 =	sadd.s32 s19, s21;
	s21 =	spop (v2sf)  }
0xf1: {  	v6 =	vmov s19;
	(xrf0) =	vadd.scan.msk.s32 $0xffff, v5;
	s21 =	sxor.u32 $0x80000000, s21  }
0xf2: {  	v5 =	vadd.s32 $0xFFFFFFFF, v6;
	(xrf0) =	vmin.scan.msk.u32 $0xffff, v4;
	p1 =	slt.s32 s24, s21  }
0xf3: {  	v4 =	vbroadcast v5, $0x0;
	s21 =	smov.u32 @p1 s24;
	_ =	sdelay $0x3  }
0xf4: {  	v5, _, _ =	vpop (xrf0)  }
0xf5: {  	v4 =	vadd.s32 v5, v4;
	v6, _, _ =	vpop (xrf0);
	(v2sf) =	vpush v5, $0xF  }
0xf6: {  	vm1 =	vlt.s32 v4, $0x20;
	vm2 =	vgt.s32 v4, $0x0;
	(v2sf) =	vpush v6, $0xF  }
0xf7: {  	vm0 =	vmand vm0, vm1;
	v4 =	vnsel vm2, $0x0, v4  }
.Ltmp3:
0xf8: {  	v4 =	vmin.u32 v4, $0x1F;
	(pc) =	sbr.rel @p0 .LBB2_9-.Ltmp3, $2  }
0xf9: {  	v4 =	vnsel vm0, $0x0, v4;
	_ =	sdelay $0x2  }
0xfa: {  	s23 =	sadd.s32 $0x10, s23  }
0xfb: {  	_ =	sdelay $0x3  }
0xfc: {  	v5 =	vor.u32 s20, v0  }
0xfd: {  	s25 =	sand.u32 $0x1F0, s22;
	[tilespmem:v4+s11+$0x0] =	vst.idx.msk vm0, v5  }
0xfe: {  	v4 =	vld [tilespmem:s25+$0x600];
	_ =	sdelay $0x4  }
0xff: {  	s26 =	sadd.s32 s22, s7;
	vm13 =	vle.f32 v4, $3.999999910e-02  }
0x100: {  	v4 =	vor.u32 s26, v2;
	v5 =	vsel vm13, $0x1, v1  }
0x101: {  	v4 =	vnsel vm13, $0xC0000000, v4;
	(xrf0) =	vadd.scan.msk.s32 $0xffff, v5  }
0x102: {  	(xrf0) =	vmin.scan.msk.u32 $0xffff, v4;
	_ =	sdelay $0x4  }
0x103: {  	v4, _, _ =	vpop (xrf0)  }
0x104: {  	v5, _, _ =	vpop (xrf0);
	(v2sf) =	vpush v4, $0xF  }
0x105: {  	(v2sf) =	vpush v5, $0xF  }
0x106: {  	s28 =	spop (v2sf)  }
0x107: {  	s19 =	sadd.s32 s19, s28  }
0x108: {  	v5 =	vmov s19  }
0x109: {  	v5 =	vadd.s32 $0xFFFFFFFF, v5  }
0x10a: {  	v5 =	vbroadcast v5, $0x0;
	_ =	sdelay $0x1  }
0x10b: {  	v4 =	vadd.s32 v4, v5  }
0x10c: {  	vm1 =	vgt.s32 v4, $0x0  }
0x10d: {  	vm2 =	vlt.s32 v4, $0x20;
	v4 =	vnsel vm1, $0x0, v4  }
0x10e: {  	vm0 =	vmand vm13, vm2;
	v4 =	vmin.u32 v4, $0x1F  }
0x10f: {  	v4 =	vnsel vm0, $0x0, v4;
	_ =	sdelay $0x1  }
0x110: {  	s29 =	spop (v2sf)  }
0x111: {  	s22 =	sxor.u32 $0x80000000, s29;
	s23 =	spop (v2sf)  }
0x112: {  	p0 =	slt.s32 s21, s22;
	v5 =	vor.u32 s26, v0;
	s30 =	spop (v2sf)  }
0x113: {  	s22 =	smov.u32 @p0 s21;
	[tilespmem:v4+s11+$0x0] =	vst.idx.msk vm0, v5;
	s19 =	sadd.s32 s19, s23;
	s20 =	sxor.u32 $0x80000000, s30  }
0x114: {  	v4 =	vld [tilespmem:$0x800];
	p1 =	sgt.s32 s19, $0x0;
	p0 =	slt.s32 s22, s20  }
0x115: {  	v5 =	vld [tilespmem:$0x810];
	s19 =	simm.s32 @!p1 $0x0;
	s20 =	smov.u32 @p0 s22  }
0x116: {  	s19 =	smin.u32 s19, $0x20;
	p0 =	sgt.s32 s7, s20  }
0x117: {  	v6 =	vmov s19;
	s20 =	smov.u32 @p0 s7  }
0x118: {  	vm14 =	vgt.u32 v6, v0;
	s31 =	smin.u32 s8, s20  }
0x119: {  	vm15 =	vgt.u32 v6, v3;
	v4 =	vnsel vm14, s31, v4  }
0x11a: {  	[tilespmem:$0x8E0] =	vst v4;
	v4 =	vnsel vm15, s31, v5  }
0x11b: {  	[tilespmem:$0x8F0] =	vst v4  }
0x11c: {  	[tilespmem:s14], [sflag:$0x1] =	stream.indirect.gather [hbm4b:s4+s12], $0x80, s13, s12, $0xb8;
	[tilespmem:$0x4900] =	vst v63  }
0x11d: {  	s17 =	sadd.s32 $0x1, s17;
	_ =	swait.ge [sflag:s15], $0x4000  }
0x11e: {  	s18 =	sshll.u32 s18, $0xB;
	p0 =	sne.s32 s17, $0x8;
	[sflag:s15] =	ssyncset.done $0x0  }
.Ltmp4:
0x11f: {  	s18 =	sadd.s32 s5, s18;
	[sflag:s15] =	ssyncadd.s32 $0xFFFFC000;
	(pc) =	sbr.rel @p0 .LBB2_2-.Ltmp4, $4  }
0x120: {  	[hbm4b:s18+s1] =	stream.linear.scatter [tilespmem:s14], [sflag:$0x2], $0x4000, $0x38;
	[tilespmem:$0x4900] =	vst v63  }
0x121: {  	_ =	swait.ge [sflag:s10], $0x4000  }
0x122: {  	[sflag:s10] =	ssyncset.done $0x0  }
0x123: {  	[sflag:s10] =	ssyncadd.s32 $0xFFFFC000  }
0x124: {  	s16 =	sadd.s32 $0x1, s16  }
0x125: {  	p0 =	sne.s32 s16, s9  }
.Ltmp5:
0x126: {  	_ = 	snop;
	(pc) =	sbr.rel @p0 .LBB2_1-.Ltmp5, $1  }
0x127: {  	_ =	sdelay $0x3  }
0x128: {  	_ =	sfence.sel $0x180000  }
0x129: {  	[bflag:$0x0] =	sbarrier.arrive $0xFFFF  }
0x12a: {  	p0 =	sne.s32 s2, $0x0;
	_ =	strace $0x90000050  }
0x12b: {  	s0 =	sadd.s32 @!p0 $0x100000, s0;
	[bflag:$0x2] =	sbarrier.arrive $0xFFFF  }
0x12c: {  	[sflag:s0] =	ssyncadd.tile.s32 @!p0 $0x1;
	_ =	shalt  }
.Lfunc_end2:
_tile_overlayer_lowered:
.L_overlay_start_2:
0x12d: {  	(tag) =	ssettag $0x2  }
0x12e: {  	s0 =	rddreg [dreg:$0x0];
	s2 =	stileid.u32  }
0x12f: {  	s1 =	rddreg [dreg:$0x1];
	p0 =	sne.s32 s2, $0x0  }
0x130: {  	s3 =	rddreg [dreg:$0x2];
	[bflag:$0x3] =	sbarrier.arrive $0xFFFF;
	s2 =	simm.s32 @!p0 $0x1C02  }
0x131: {  	[timem:s3], [sflag:s2] =	dma.local @!p0 [hbm:s0], s1  }
0x132: {  	s0 =	simm.s32 @!p0 $0x2  }
0x133: {  	_ =	swait.ge @!p0 [sflag:s0], s1  }
0x134: {  	s1 =	ssub.s32 @!p0 $0x0, s1;
	[sflag:s0] =	ssyncset.done @!p0 $0x0  }
0x135: {  	[sflag:s0] =	ssyncadd.s32 @!p0 s1  }
0x136: {  	[bflag:$0x3] =	sbarrier.arrive $0xFFFF  }
0x137: {  	_ =	shalt  }

// kernel: kernel.34.cloned.1.call-start
scs
__scs_entry_jumppad:
0x0: {  	(pc) =	sbr.rel $0x88, $3  }
0x1: {  	(tag) =	ssettag $0x0;
	lr =	simm.s32 $0x1  }
0x2: {  	[smem:$0x3F12] =	sst lr;
	_ =	strace $0xD0000000  }
0x3: {  	_ = 	snop  }
0x4: {  	_ = 	snop  }
0x5: {  	_ = 	snop  }
0x6: {  	_ = 	snop  }
0x7: {  	_ = 	snop  }
__scs_overlays_trampoline_lowered:
0x8: {  	[smem:$0x3F21] =	sst s0  }
0x9: {  	[smem:$0x3F22] =	sst s1  }
0xa: {  	[smem:$0x3F23] =	sst s2  }
0xb: {  	[smem:$0x3F24] =	sst s3  }
0xc: {  	[smem:$0x3F25] =	sst s4  }
0xd: {  	[smem:$0x3F26] =	sst s5  }
0xe: {  	[smem:$0x3F27] =	sst s6  }
0xf: {  	[smem:$0x3F28] =	sst s7  }
0x10: {  	[smem:$0x3F29] =	sst s8  }
0x11: {  	[smem:$0x3F2A] =	sst s9;
	s0 =	simm.s32 @!p0 $0x0  }
0x12: {  	s1 =	sld [smem:$0x3F10];
	s0 =	simm.s32 @p0 $0x1  }
0x13: {  	[smem:$0x3F2B] =	sst s0;
	s0 =	simm.s32 @!p1 $0x0  }
0x14: {  	s2 =	sld [smem:$0x3F0F];
	s0 =	simm.s32 @p1 $0x1  }
0x15: {  	[smem:$0x3F2C] =	sst s0;
	s0 =	simm.s32 @!p2 $0x0  }
0x16: {  	s3 =	sld [smem:$0x3FDB];
	s0 =	simm.s32 @p2 $0x1  }
0x17: {  	s4 =	simm.s32 $0x1BF5;
	[smem:$0x3F2E] =	sst s0  }
0x18: {  	s0 =	sld [smem:$0x3F11];
	_ =	swait.ge [sflag:s4], $0x0  }
0x19: {  	s7 =	sld [smem:$0x3F12]  }
0x1a: {  	s8 =	sadd.s32 $0xFFFFE003, lr  }
0x1b: {  	s9 =	sadd.s32 $0xFFFFFEF7, lr;
	s5 =	simm.s32 $0xFFFFFFFF;
	p2 =	slt.u32 s8, $0xFFFFF086  }
0x1c: {  	p1 =	slt.u32 s9, $0xF7A;
	s5 =	simm.s32 @!p2 $0x0  }
0x1d: {  	s5 =	simm.s32 @p1 $0x1;
	p0 =	seq.s32 s7, s2  }
0x1e: {  	s7 =	smul.u32 @!p0 $0xF7A, s2;
	p2 =	seq.s32 @!p0 s5, $0x0  }
0x1f: {  	s9 =	smul.u32 $0xF7A, s1;
	s8 =	simm.s32 @!p0 $0x1BF5;
	p2 =	por !p2, p0  }
0x20: {  	[sflag:s8] =	ssyncset.s32 @!p0 $0xFFFFF086;
	s6 =	sadd.s32 @!p0 s3, s7;
	s7 =	simm.s32 @!p0 $0x108  }
0x21: {  	s3 =	sadd.s32 s3, s9;
	s6 =	sadd.s32 @!p0 $0x88, s6;
	s7 =	simm.s32 @p2 $0x1082  }
0x22: {  	[simem:s7], [sflag:s8] =	dma.local @!p0 [hbm:s6], $0xF7A  }
0x23: {  	s9 =	sor.u32 $0xD0000000, s2;
	s6 =	simm.s32 $0x108;
	_ =	swait.ge @!p0 [sflag:s8], $0x0  }
0x24: {  	s3 =	sadd.s32 $0x88, s3;
	s6 =	simm.s32 @!p1 $0x1082;
	[sflag:s4] =	ssyncset.s32 $0xFFFFF086  }
0x25: {  	[simem:s6], [sflag:s4] =	dma.local [hbm:s3], $0xF7A  }
0x26: {  	[smem:$0x3F12] =	sst s1;
	(tag) =	ssettag s2;
	_ =	strace s9  }
0x27: {  	s1 =	sld [smem:$0x3F22]  }
0x28: {  	s2 =	sld [smem:$0x3F23]  }
0x29: {  	s4 =	sld [smem:$0x3F25]  }
0x2a: {  	p0 =	seq.s32 s5, $0x0;
	s5 =	sld [smem:$0x3F26]  }
0x2b: {  	s6 =	sld [smem:$0x3F27]  }
0x2c: {  	s7 =	sld [smem:$0x3F28]  }
0x2d: {  	s3 =	simm.s32 $0x108;
	s8 =	sld [smem:$0x3F29]  }
0x2e: {  	s3 =	simm.s32 @!p0 $0x1082;
	s9 =	sld [smem:$0x3F2A]  }
0x2f: {  	lr =	sadd.s32 s0, s3;
	s0 =	sld [smem:$0x3F21]  }
0x30: {  	s3 =	sld [smem:$0x3F24]  }
0x31: {  	[smem:$0x3F2D] =	sst s10  }
0x32: {  	s10 =	sld [smem:$0x3F2B];
	_ =	sdelay $0x3  }
0x33: {  	p0 =	seq.s32 s10, $0x1;
	s10 =	sld [smem:$0x3F2D];
	_ =	sdelay $0x3  }
0x34: {  	[smem:$0x3F2D] =	sst s10  }
0x35: {  	s10 =	sld [smem:$0x3F2C];
	_ =	sdelay $0x3  }
0x36: {  	p1 =	seq.s32 s10, $0x1;
	s10 =	sld [smem:$0x3F2D];
	_ =	sdelay $0x3  }
0x37: {  	[smem:$0x3F2D] =	sst s10  }
0x38: {  	s10 =	sld [smem:$0x3F2E]  }
0x39: {  	_ = 	snop;
	(pc) =	sbr.ind lr, $3  }
0x3a: {  	_ = 	snop  }
0x3b: {  	_ = 	snop  }
0x3c: {  	p2 =	seq.s32 s10, $0x1;
	s10 =	sld [smem:$0x3F2D]  }
0x3d: {  	_ =	shalt  }
0x3e: {  	_ =	shalt  }
0x3f: {  	_ =	shalt  }
0x40: {  	_ =	shalt  }
0x41: {  	_ =	shalt  }
0x42: {  	_ =	shalt  }
0x43: {  	_ =	shalt  }
0x44: {  	_ =	shalt  }
0x45: {  	_ =	shalt  }
0x46: {  	_ =	shalt  }
0x47: {  	_ =	shalt  }
0x48: {  	_ =	shalt  }
0x49: {  	_ =	shalt  }
0x4a: {  	_ =	shalt  }
0x4b: {  	_ =	shalt  }
0x4c: {  	_ =	shalt  }
0x4d: {  	_ =	shalt  }
0x4e: {  	_ =	shalt  }
0x4f: {  	_ =	shalt  }
0x50: {  	_ =	shalt  }
0x51: {  	_ =	shalt  }
0x52: {  	_ =	shalt  }
0x53: {  	_ =	shalt  }
0x54: {  	_ =	shalt  }
0x55: {  	_ =	shalt  }
0x56: {  	_ =	shalt  }
0x57: {  	_ =	shalt  }
0x58: {  	_ =	shalt  }
0x59: {  	_ =	shalt  }
0x5a: {  	_ =	shalt  }
0x5b: {  	_ =	shalt  }
0x5c: {  	_ =	shalt  }
0x5d: {  	_ =	shalt  }
0x5e: {  	_ =	shalt  }
0x5f: {  	_ =	shalt  }
0x60: {  	_ =	shalt  }
0x61: {  	_ =	shalt  }
0x62: {  	_ =	shalt  }
0x63: {  	_ =	shalt  }
0x64: {  	_ =	shalt  }
0x65: {  	_ =	shalt  }
0x66: {  	_ =	shalt  }
0x67: {  	_ =	shalt  }
0x68: {  	_ =	shalt  }
0x69: {  	_ =	shalt  }
0x6a: {  	_ =	shalt  }
0x6b: {  	_ =	shalt  }
0x6c: {  	_ =	shalt  }
0x6d: {  	_ =	shalt  }
0x6e: {  	_ =	shalt  }
0x6f: {  	_ =	shalt  }
0x70: {  	_ =	shalt  }
0x71: {  	_ =	shalt  }
0x72: {  	_ =	shalt  }
0x73: {  	_ =	shalt  }
0x74: {  	_ =	shalt  }
0x75: {  	_ =	shalt  }
0x76: {  	_ =	shalt  }
0x77: {  	_ =	shalt  }
0x78: {  	_ =	shalt  }
0x79: {  	_ =	shalt  }
0x7a: {  	_ =	shalt  }
0x7b: {  	_ =	shalt  }
0x7c: {  	_ =	shalt  }
0x7d: {  	_ =	shalt  }
0x7e: {  	_ =	shalt  }
0x7f: {  	_ =	shalt  }
0x80: {  	_ =	shalt  }
0x81: {  	_ =	shalt  }
0x82: {  	_ =	shalt  }
0x83: {  	_ =	shalt  }
0x84: {  	_ =	shalt  }
0x85: {  	_ =	shalt  }
0x86: {  	_ =	shalt  }
0x87: {  	_ =	shalt  }
.Lfunc_end0:
.L_simem_size_0:
called_computation.4_lowered:
.L_overlay_start_0:
0x88: {  	s2 =	sld [smem:$0x3FD9]  }
0x89: {  	s3 =	sld [smem:$0x3FFE];
	_ =	sdelay $0x1  }
0x8a: {  	s1 =	srdreg.scid  }
0x8b: {  	s0 =	sand.u32 $0x1, s1  }
0x8c: {  	s17 =	sshll.u32 s0, $0xA;
	s2 =	sadd.s32 s3, s2  }
0x8d: {  	s2 =	sadd.s32 s2, s17  }
0x8e: {  	[smem:$0x3F39] =	sst s2  }
0x8f: {  	_ = 	snop  }
0x90: {  	(tm) =	ssettm $0x1  }
0x91: {  	s18 =	sld [smem:$0x3FFB];
	_ =	sdelay $0x3  }
0x92: {  	_ =	strace s18  }
0x93: {  	s2 =	sld [smem:$0x3FFC];
	_ =	sdelay $0x3  }
0x94: {  	_ =	strace s2  }
0x95: {  	s2 =	sld [smem:$0x3FFD];
	_ =	sdelay $0x3  }
0x96: {  	_ =	strace s2  }
0x97: {  	_ =	strace $0x8FFFFFFF  }
0x98: {  	s19 =	sld [smem:$0x3FDB];
	_ =	sdelay $0x1  }
0x99: {  	s20 =	simm.s32 $_scs_section_size  }
0x9a: {  	s4 =	simm.s32 $_size__tile_overlayer_lowered;
	s5 =	simm.s32 $_tile_overlayer_lowered  }
0x9b: {  	s6 =	simm.s32 $0x1BFF;
	s21 =	sshll.u32 s5, $0x1;
	s3 =	sadd.s32 s20, s19  }
0x9c: {  	s22 =	simm.s32 $0x0;
	s4 =	sshll.u32 s4, $0x1;
	s5 =	sadd.s32 s21, s3  }
0x9d: {  	[timem:s22], [sflag:s6] =	dma.local [hbm:s5], s4  }
0x9e: {  	_ =	swait.ge [sflag:s6], s4  }
0x9f: {  	s4 =	ssub.s32 $0x0, s4;
	[sflag:s6] =	ssyncset.done $0x0  }
0xa0: {  	[sflag:s6] =	ssyncadd.s32 s4;
	_ =	sdelay $0x1  }
0xa1: {  	s23 =	simm.s32 $0x1B8B  }
0xa2: {  	_ =	swait.ge [sflag:s23], $0x1  }
0xa3: {  	[sflag:s23] =	ssyncset.done $0x0  }
0xa4: {  	[sflag:s23] =	ssyncadd.s32 $0xFFFFFFFF  }
0xa5: {  	s4 =	sld [smem:$0x0]  }
0xa6: {  	s5 =	sand.u32 $0xFFFFFFFE, s1  }
0xa7: {  	p0 =	sne.s32 s1, s5  }
0xa8: {  	s5 =	sshll.u32 @p0 s5, $0xE  }
0xa9: {  	s5 =	sadd.s32 @p0 $0x11B8D, s5;
	s6 =	sshll.u32 @p0 s4, $0x11  }
0xaa: {  	s5 =	sor.u32 @p0 s6, s5  }
0xab: {  	[sflag:s5] =	ssyncadd.remote.s32 @p0 $0x1;
	_ =	sdelay $0x1  }
0xac: {  	s5 =	simm.s32 @p0 $0x1B8D  }
0xad: {  	_ =	swait.eq @p0 [sflag:s5], $0x1  }
0xae: {  	[sflag:s5] =	ssyncadd.s32 @p0 $0xFFFFFFFF  }
0xaf: {  	s6 =	sshll.u32 @!p0 s1, $0xE  }
0xb0: {  	s6 =	sor.u32 @!p0 $0x4000, s6;
	s5 =	simm.s32 @!p0 $0x1B8D  }
0xb1: {  	s4 =	sshll.u32 @!p0 s4, $0x11;
	s6 =	sadd.s32 @!p0 $0x11B8D, s6;
	_ =	swait.eq @!p0 [sflag:s5], $0x1  }
0xb2: {  	s4 =	sor.u32 @!p0 s4, s6;
	[sflag:s5] =	ssyncadd.s32 @!p0 $0xFFFFFFFF  }
0xb3: {  	s25 =	simm.s32 $0x1B8E;
	s24 =	sld [smem:$0x3FFE];
	[sflag:s4] =	ssyncadd.remote.s32 @!p0 $0x1  }
0xb4: {  	s26 =	simm.s32 $execute0_lowered;
	[smem:$0x3FD2] =	sst s25  }
0xb5: {  	s5 =	sshll.u32 s26, $0x1;
	_ =	strace $0x80000052;
	[dreg:$0x1] =	wrdreg $0xFFFFFFFF  }
0xb6: {  	s28 =	simm.s32 $_size_execute0_lowered;
	s3 =	sadd.s32 s3, s5;
	[dreg:$0x0] =	wrdreg $0x0  }
0xb7: {  	s5 =	sshll.u32 s28, $0x1;
	[dreg:$0x2] =	wrdreg s3  }
0xb8: {  	[dreg:$0x3] =	wrdreg s5  }
0xb9: {  	[dreg:$0x4] =	wrdreg $0xC0  }
0xba: {  	_ =	task [dreg:s22], $0x5FFFF  }
0xbb: {  	[dreg:$0x1] =	wrdreg $0xFFFFFFFF  }
0xbc: {  	[dreg:$0x0] =	wrdreg $0x60  }
0xbd: {  	[dreg:$0x2] =	wrdreg s24  }
0xbe: {  	[dreg:$0x3] =	wrdreg $0xA  }
0xbf: {  	_ =	task.clear_ibuf [dreg:s22], $0x4FFFF;
	_ =	strace $0x90000052  }
0xc0: {  	s29 =	simm.s32 $0xA;
	_ =	strace $0x80000054  }
0xc1: {  	_ =	swait.ge [sflag:s29], $0x1  }
0xc2: {  	[sflag:s29] =	ssyncadd.s32 $0xFFFFFFFF  }
0xc3: {  	_ =	strace $0x90000054  }
0xc4: {  	_ =	sfence  }
0xc5: {  	s30 =	sld [smem:$0x0];
	_ =	sdelay $0x2  }
0xc6: {  	s31 =	sshll.u32 s1, $0xD;
	s1 =	sshrl.u32 s1, $0x2  }
0xc7: {  	s4 =	sand.u32 $0x4000, s31;
	s1 =	sadd.s32 s1, s30  }
0xc8: {  	s0 =	sor.u32 s4, s0;
	s1 =	sshll.u32 s1, $0x11  }
0xc9: {  	s0 =	sor.u32 s1, s0  }
0xca: {  	s0 =	sadd.s32 $0x8F2B, s0  }
0xcb: {  	[sflag:s0] =	ssyncadd.remote.s32 $0x1  }
0xcc: {  	_ =	sfence.sel $0xFFFF  }
0xcd: {  	[dreg:$0x0] =	wrdreg $0xFFFFFFFF;
	(pc) =	sbr.abs _section_cstart, $3  }
0xce: {  	[dreg:$0x1] =	wrdreg $0xFFFFFFFF  }
0xcf: {  	_ =	task.clear_ibuf [dreg:s22], $0x2FFFF;
	_ =	strace $0x9FFFFFFF  }
0xd0: {  	(tm) =	ssettm $0x7FFFFFFF  }
0xd1: {  	_ =	shalt  }
tec
execute0_lowered:
.L_overlay_start_1:
0x0: {  	(tag) =	ssettag $0x1  }
0x1: {  	s2 =	rddreg [dreg:$0x0]  }
0x2: {  	s0 =	rddreg [dreg:$0x1];
	s1 =	simm.s32 $0x0;
	s3 =	srdreg.scid  }
0x3: {  	s12 =	simm.s32 $0x80;
	s13 =	simm.s32 $0x480;
	s14 =	simm.s32 $0x500  }
0x4: {  	s15 =	simm.s32 $0x1;
	s16 =	simm.s32 $0x0;
	[smem:$0x7FF] =	sst s1  }
0x5: {  	s6 =	sand.u32 $0x1, s3;
	s3 =	sadd.s32 $0xC36E00, s2;
	s4 =	sadd.s32 $0x36E00, s2  }
0x6: {  	s5 =	sadd.s32 $0xD6E00, s2;
	s2 =	stileid.u32;
	_ =	strace $0x80000053  }
0x7: {  	s7 =	ssub.s32 $0x2, s6;
	s9 =	sshll.u32 s2, $0x5;
	s6 =	sshll.u32 s6, $0x4  }
0x8: {  	v0 =	vlaneseq.u32;
	s10 =	sshll.u32 s2, $0x8;
	s8 =	sshrl.u32 s7, $0x1;
	s6 =	sor.u32 s6, s9  }
0x9: {  	v1 =	vimm.s32 $0x0;
	v2 =	vor.u32 $0x80000000, v0;
	s11 =	ssub.s32 s7, s8;
	s7 =	sand.u32 $0xE00, s10;
	s8 =	sor.u32 $0x1FF, s10  }
0xa: {  	v3 =	vor.u32 $0x10, v0;
	v4 =	vor.u32 $0x20, v0;
	v5 =	vor.u32 $0x30, v0;
	s10 =	simm.s32 $0x2;
	s9 =	smax.u32 s11, $0x1;
	s11 =	simm.s32 $0x400  }
.LBB2_1:
0xb: {  	s17 =	simm.s32 $0x0  }
.LBB2_2:
0xc: {  	s18 =	sadd.s32 s6, s17  }
0xd: {  	s19 =	sshll.u32 s18, $0x7  }
0xe: {  	s20 =	sadd.s32 s3, s19;
	s19 =	simm.s32 $0x0  }
0xf: {  	[tilespmem:s19], [sflag:$0x2] =	stream.linear.gather [hbm4b:s20+s19], $0x400, $0x38;
	[tilespmem:$0x4500] =	vst v63  }
0x10: {  	_ =	swait.ge [sflag:s10], $0x400  }
0x11: {  	[sflag:s10] =	ssyncset.done $0x0  }
0x12: {  	s31 =	simm.s32 $0x0;
	[sflag:s10] =	ssyncadd.s32 $0xFFFFFC00  }
0x13: {  	v6 =	vld [tilespmem:s31+$0x0];
	_ =	sdelay $0x4  }
0x14: {  	vm0 =	vle.f32 v6, $1.599999960e-01  }
0x15: {  	v6 =	vsel vm0, $0x1, v1  }
0x16: {  	(xrf0) =	vadd.scan.msk.s32 $0xffff, v6;
	v6 =	vor.u32 s7, v2  }
0x17: {  	v6 =	vnsel vm0, $0xC0000000, v6  }
0x18: {  	(xrf0) =	vmin.scan.msk.u32 $0xffff, v6  }
0x19: {  	v7 =	vmov s19  }
0x1a: {  	v7 =	vadd.s32 $0xFFFFFFFF, v7;
	_ =	sdelay $0x1  }
0x1b: {  	v6 =	vbroadcast v7, $0x0  }
0x1c: {  	v7, _, _ =	vpop (xrf0)  }
0x1d: {  	v6 =	vadd.s32 v7, v6;
	(v2sf) =	vpush v7, $0xF;
	v8, _, _ =	vpop (xrf0)  }
0x1e: {  	vm1 =	vgt.s32 v6, $0x0;
	(v2sf) =	vpush v8, $0xF  }
0x1f: {  	vm2 =	vlt.s32 v6, $0x40;
	v6 =	vnsel vm1, $0x0, v6  }
0x20: {  	vm0 =	vmand vm0, vm2;
	v6 =	vmin.u32 v6, $0x3F  }
0x21: {  	v6 =	vnsel vm0, $0x0, v6  }
0x22: {  	s22 =	simm.s32 $0x40  }
0x23: {  	s23 =	simm.s32 $0x80;
	s21 =	smov.u32 s7;
	s20 =	simm.s32 $0x40000000  }
.LBB2_3:
0x24: {  	s24 =	smov.u32 s20  }
0x25: {  	p0 =	sne.s32 s23, $0x7C0;
	v7 =	vor.u32 s21, v0  }
0x26: {  	s20 =	sshra.s32 s22, $0x2;
	s22 =	smov.u32 s23;
	[tilespmem:v6+s11+$0x0] =	vst.idx.msk vm0, v7  }
0x27: {  	v6 =	vld [tilespmem:s20+$0x0];
	_ =	sdelay $0x3  }
0x28: {  	s21 =	sadd.s32 $0x10, s21  }
0x29: {  	vm0 =	vle.f32 v6, $1.599999960e-01;
	v6 =	vor.u32 s21, v2;
	s20 =	spop (v2sf)  }
0x2a: {  	v7 =	vsel vm0, $0x1, v1;
	v6 =	vnsel vm0, $0xC0000000, v6;
	s19 =	sadd.s32 s19, s20;
	s20 =	spop (v2sf)  }
0x2b: {  	v8 =	vmov s19;
	(xrf0) =	vadd.scan.msk.s32 $0xffff, v7;
	s20 =	sxor.u32 $0x80000000, s20  }
0x2c: {  	v7 =	vadd.s32 $0xFFFFFFFF, v8;
	(xrf0) =	vmin.scan.msk.u32 $0xffff, v6;
	p1 =	slt.s32 s24, s20  }
0x2d: {  	v6 =	vbroadcast v7, $0x0;
	s20 =	smov.u32 @p1 s24;
	_ =	sdelay $0x3  }
0x2e: {  	v7, _, _ =	vpop (xrf0)  }
0x2f: {  	v6 =	vadd.s32 v7, v6;
	v8, _, _ =	vpop (xrf0);
	(v2sf) =	vpush v7, $0xF  }
0x30: {  	vm1 =	vlt.s32 v6, $0x40;
	vm2 =	vgt.s32 v6, $0x0;
	(v2sf) =	vpush v8, $0xF  }
0x31: {  	vm0 =	vmand vm0, vm1;
	v6 =	vnsel vm2, $0x0, v6  }
.Ltmp0:
0x32: {  	v6 =	vmin.u32 v6, $0x3F;
	(pc) =	sbr.rel @p0 .LBB2_3-.Ltmp0, $2  }
0x33: {  	v6 =	vnsel vm0, $0x0, v6;
	_ =	sdelay $0x2  }
0x34: {  	s23 =	sadd.s32 $0x40, s23  }
0x35: {  	_ =	sdelay $0x3  }
0x36: {  	v7 =	vor.u32 s21, v0  }
0x37: {  	s22 =	sshra.s32 s22, $0x2;
	[tilespmem:v6+s11+$0x0] =	vst.idx.msk vm0, v7  }
0x38: {  	v6 =	vld [tilespmem:s22+$0x0];
	_ =	sdelay $0x4  }
0x39: {  	s25 =	sadd.s32 $0x10, s21;
	vm0 =	vle.f32 v6, $1.599999960e-01  }
0x3a: {  	v6 =	vor.u32 s25, v2;
	v7 =	vsel vm0, $0x1, v1  }
0x3b: {  	v6 =	vnsel vm0, $0xC0000000, v6;
	(xrf0) =	vadd.scan.msk.s32 $0xffff, v7  }
0x3c: {  	(xrf0) =	vmin.scan.msk.u32 $0xffff, v6;
	_ =	sdelay $0x4  }
0x3d: {  	v6, _, _ =	vpop (xrf0)  }
0x3e: {  	v7, _, _ =	vpop (xrf0);
	(v2sf) =	vpush v6, $0xF  }
0x3f: {  	(v2sf) =	vpush v7, $0xF  }
0x40: {  	s26 =	spop (v2sf)  }
0x41: {  	s19 =	sadd.s32 s19, s26  }
0x42: {  	v7 =	vmov s19  }
0x43: {  	v7 =	vadd.s32 $0xFFFFFFFF, v7  }
0x44: {  	v7 =	vbroadcast v7, $0x0;
	_ =	sdelay $0x1  }
0x45: {  	v6 =	vadd.s32 v6, v7  }
0x46: {  	vm1 =	vgt.s32 v6, $0x0  }
0x47: {  	vm2 =	vlt.s32 v6, $0x40;
	v6 =	vnsel vm1, $0x0, v6  }
0x48: {  	vm0 =	vmand vm0, vm2;
	v6 =	vmin.u32 v6, $0x3F  }
0x49: {  	v6 =	vnsel vm0, $0x0, v6;
	_ =	sdelay $0x1  }
0x4a: {  	s28 =	spop (v2sf)  }
0x4b: {  	s22 =	sxor.u32 $0x80000000, s28;
	s23 =	spop (v2sf)  }
0x4c: {  	p0 =	slt.s32 s20, s22;
	v7 =	vor.u32 s25, v0;
	s29 =	spop (v2sf)  }
0x4d: {  	s22 =	smov.u32 @p0 s20;
	[tilespmem:v6+s11+$0x0] =	vst.idx.msk vm0, v7;
	s19 =	sadd.s32 s19, s23;
	s20 =	sxor.u32 $0x80000000, s29  }
0x4e: {  	v6 =	vld [tilespmem:$0x400];
	p1 =	sgt.s32 s19, $0x0;
	p0 =	slt.s32 s22, s20  }
0x4f: {  	v7 =	vld [tilespmem:$0x410];
	s19 =	simm.s32 @!p1 $0x0;
	s20 =	smov.u32 @p0 s22  }
0x50: {  	v8 =	vld [tilespmem:$0x420];
	s19 =	smin.u32 s19, $0x40;
	p0 =	sgt.s32 s7, s20  }
0x51: {  	v10 =	vld [tilespmem:$0x430];
	v9 =	vmov s19;
	s20 =	smov.u32 @p0 s7  }
0x52: {  	vm0 =	vgt.u32 v9, v0;
	s30 =	smin.u32 s8, s20  }
0x53: {  	v6 =	vnsel vm0, s30, v6;
	vm0 =	vgt.u32 v9, v3  }
0x54: {  	[tilespmem:$0x480] =	vst v6;
	v6 =	vnsel vm0, s30, v7;
	vm0 =	vgt.u32 v9, v4  }
0x55: {  	[tilespmem:$0x490] =	vst v6;
	v6 =	vnsel vm0, s30, v8;
	vm0 =	vgt.u32 v9, v5  }
0x56: {  	s19 =	simm.s32 $0x0;
	[tilespmem:$0x4A0] =	vst v6;
	v6 =	vnsel vm0, s30, v10  }
0x57: {  	s31 =	sand.u32 $0x1F0, s19;
	[tilespmem:$0x4B0] =	vst v6  }
0x58: {  	v6 =	vld [tilespmem:s31+$0x200];
	_ =	sdelay $0x4  }
0x59: {  	vm0 =	vle.f32 v6, $1.599999960e-01  }
0x5a: {  	s20 =	sadd.s32 $0x0, s7;
	v6 =	vsel vm0, $0x1, v1  }
0x5b: {  	(xrf0) =	vadd.scan.msk.s32 $0xffff, v6;
	v6 =	vor.u32 s20, v2  }
0x5c: {  	v6 =	vnsel vm0, $0xC0000000, v6  }
0x5d: {  	(xrf0) =	vmin.scan.msk.u32 $0xffff, v6  }
0x5e: {  	v7 =	vmov s19  }
0x5f: {  	v7 =	vadd.s32 $0xFFFFFFFF, v7;
	_ =	sdelay $0x1  }
0x60: {  	v6 =	vbroadcast v7, $0x0  }
0x61: {  	v7, _, _ =	vpop (xrf0)  }
0x62: {  	v6 =	vadd.s32 v7, v6;
	(v2sf) =	vpush v7, $0xF;
	v8, _, _ =	vpop (xrf0)  }
0x63: {  	vm1 =	vgt.s32 v6, $0x0;
	(v2sf) =	vpush v8, $0xF  }
0x64: {  	vm2 =	vlt.s32 v6, $0x40;
	v6 =	vnsel vm1, $0x0, v6  }
0x65: {  	vm0 =	vmand vm0, vm2;
	v6 =	vmin.u32 v6, $0x3F  }
0x66: {  	v6 =	vnsel vm0, $0x0, v6;
	_ =	sdelay $0x1  }
0x67: {  	s21 =	simm.s32 $0x40000000;
	s23 =	simm.s32 $0x20;
	s22 =	simm.s32 $0x10  }
.LBB2_5:
0x68: {  	s24 =	smov.u32 s21  }
0x69: {  	p0 =	sne.s32 s23, $0x1F0;
	v7 =	vor.u32 s20, v0  }
0x6a: {  	s20 =	sand.u32 $0x1F0, s22;
	[tilespmem:v6+s11+$0x0] =	vst.idx.msk vm0, v7  }
0x6b: {  	v6 =	vld [tilespmem:s20+$0x200];
	_ =	sdelay $0x3  }
0x6c: {  	s20 =	sadd.s32 s22, s7;
	s22 =	smov.u32 s23  }
0x6d: {  	vm0 =	vle.f32 v6, $1.599999960e-01;
	v6 =	vor.u32 s20, v2;
	s21 =	spop (v2sf)  }
0x6e: {  	v7 =	vsel vm0, $0x1, v1;
	v6 =	vnsel vm0, $0xC0000000, v6;
	s19 =	sadd.s32 s19, s21;
	s21 =	spop (v2sf)  }
0x6f: {  	v8 =	vmov s19;
	(xrf0) =	vadd.scan.msk.s32 $0xffff, v7;
	s21 =	sxor.u32 $0x80000000, s21  }
0x70: {  	v7 =	vadd.s32 $0xFFFFFFFF, v8;
	(xrf0) =	vmin.scan.msk.u32 $0xffff, v6;
	p1 =	slt.s32 s24, s21  }
0x71: {  	v6 =	vbroadcast v7, $0x0;
	s21 =	smov.u32 @p1 s24;
	_ =	sdelay $0x3  }
0x72: {  	v7, _, _ =	vpop (xrf0)  }
0x73: {  	v6 =	vadd.s32 v7, v6;
	v8, _, _ =	vpop (xrf0);
	(v2sf) =	vpush v7, $0xF  }
0x74: {  	vm1 =	vlt.s32 v6, $0x40;
	vm2 =	vgt.s32 v6, $0x0;
	(v2sf) =	vpush v8, $0xF  }
0x75: {  	vm0 =	vmand vm0, vm1;
	v6 =	vnsel vm2, $0x0, v6  }
.Ltmp1:
0x76: {  	v6 =	vmin.u32 v6, $0x3F;
	(pc) =	sbr.rel @p0 .LBB2_5-.Ltmp1, $2  }
0x77: {  	v6 =	vnsel vm0, $0x0, v6;
	_ =	sdelay $0x2  }
0x78: {  	s23 =	sadd.s32 $0x10, s23  }
0x79: {  	_ =	sdelay $0x3  }
0x7a: {  	v7 =	vor.u32 s20, v0  }
0x7b: {  	s25 =	sand.u32 $0x1F0, s22;
	[tilespmem:v6+s11+$0x0] =	vst.idx.msk vm0, v7  }
0x7c: {  	v6 =	vld [tilespmem:s25+$0x200];
	_ =	sdelay $0x4  }
0x7d: {  	s26 =	sadd.s32 s22, s7;
	vm11 =	vle.f32 v6, $1.599999960e-01  }
0x7e: {  	v6 =	vor.u32 s26, v2;
	v7 =	vsel vm11, $0x1, v1  }
0x7f: {  	v6 =	vnsel vm11, $0xC0000000, v6;
	(xrf0) =	vadd.scan.msk.s32 $0xffff, v7  }
0x80: {  	(xrf0) =	vmin.scan.msk.u32 $0xffff, v6;
	_ =	sdelay $0x4  }
0x81: {  	v6, _, _ =	vpop (xrf0)  }
0x82: {  	v7, _, _ =	vpop (xrf0);
	(v2sf) =	vpush v6, $0xF  }
0x83: {  	(v2sf) =	vpush v7, $0xF  }
0x84: {  	s28 =	spop (v2sf)  }
0x85: {  	s19 =	sadd.s32 s19, s28  }
0x86: {  	v7 =	vmov s19  }
0x87: {  	v7 =	vadd.s32 $0xFFFFFFFF, v7  }
0x88: {  	v7 =	vbroadcast v7, $0x0;
	_ =	sdelay $0x1  }
0x89: {  	v6 =	vadd.s32 v6, v7  }
0x8a: {  	vm1 =	vgt.s32 v6, $0x0  }
0x8b: {  	vm2 =	vlt.s32 v6, $0x40;
	v6 =	vnsel vm1, $0x0, v6  }
0x8c: {  	vm0 =	vmand vm11, vm2;
	v6 =	vmin.u32 v6, $0x3F  }
0x8d: {  	v6 =	vnsel vm0, $0x0, v6;
	_ =	sdelay $0x1  }
0x8e: {  	s29 =	spop (v2sf)  }
0x8f: {  	s22 =	sxor.u32 $0x80000000, s29;
	s23 =	spop (v2sf)  }
0x90: {  	p0 =	slt.s32 s21, s22;
	v7 =	vor.u32 s26, v0;
	s30 =	spop (v2sf)  }
0x91: {  	s22 =	smov.u32 @p0 s21;
	[tilespmem:v6+s11+$0x0] =	vst.idx.msk vm0, v7;
	s19 =	sadd.s32 s19, s23;
	s20 =	sxor.u32 $0x80000000, s30  }
0x92: {  	v6 =	vld [tilespmem:$0x400];
	p1 =	sgt.s32 s19, $0x0;
	p0 =	slt.s32 s22, s20  }
0x93: {  	v7 =	vld [tilespmem:$0x410];
	s19 =	simm.s32 @!p1 $0x0;
	s20 =	smov.u32 @p0 s22  }
0x94: {  	v8 =	vld [tilespmem:$0x420];
	s19 =	smin.u32 s19, $0x40;
	p0 =	sgt.s32 s7, s20  }
0x95: {  	v10 =	vld [tilespmem:$0x430];
	v9 =	vmov s19;
	s20 =	smov.u32 @p0 s7  }
0x96: {  	vm12 =	vgt.u32 v9, v0;
	s31 =	smin.u32 s8, s20  }
0x97: {  	vm13 =	vgt.u32 v9, v3;
	v6 =	vnsel vm12, s31, v6  }
0x98: {  	vm14 =	vgt.u32 v9, v4;
	[tilespmem:$0x4C0] =	vst v6;
	v6 =	vnsel vm13, s31, v7  }
0x99: {  	vm15 =	vgt.u32 v9, v5;
	[tilespmem:$0x4D0] =	vst v6;
	v6 =	vnsel vm14, s31, v8  }
0x9a: {  	[tilespmem:$0x4E0] =	vst v6;
	v6 =	vnsel vm15, s31, v10  }
0x9b: {  	[tilespmem:$0x4F0] =	vst v6  }
0x9c: {  	[tilespmem:s14], [sflag:$0x1] =	stream.indirect.gather [hbm4b:s4+s12], $0x80, s13, s12, $0xb8;
	[tilespmem:$0x4500] =	vst v63  }
0x9d: {  	s17 =	sadd.s32 $0x1, s17;
	_ =	swait.ge [sflag:s15], $0x4000  }
0x9e: {  	s18 =	sshll.u32 s18, $0xB;
	p0 =	sne.s32 s17, $0x10;
	[sflag:s15] =	ssyncset.done $0x0  }
.Ltmp2:
0x9f: {  	s18 =	sadd.s32 s5, s18;
	[sflag:s15] =	ssyncadd.s32 $0xFFFFC000;
	(pc) =	sbr.rel @p0 .LBB2_2-.Ltmp2, $4  }
0xa0: {  	[hbm4b:s18+s1] =	stream.linear.scatter [tilespmem:s14], [sflag:$0x2], $0x4000, $0x38;
	[tilespmem:$0x4500] =	vst v63  }
0xa1: {  	_ =	swait.ge [sflag:s10], $0x4000  }
0xa2: {  	[sflag:s10] =	ssyncset.done $0x0  }
0xa3: {  	[sflag:s10] =	ssyncadd.s32 $0xFFFFC000  }
0xa4: {  	s16 =	sadd.s32 $0x1, s16  }
0xa5: {  	p0 =	sne.s32 s16, s9  }
.Ltmp3:
0xa6: {  	_ = 	snop;
	(pc) =	sbr.rel @p0 .LBB2_1-.Ltmp3, $1  }
0xa7: {  	_ =	sdelay $0x3  }
0xa8: {  	_ =	sfence.sel $0x180000  }
0xa9: {  	[bflag:$0x0] =	sbarrier.arrive $0xFFFF  }
0xaa: {  	p0 =	sne.s32 s2, $0x0;
	_ =	strace $0x90000053  }
0xab: {  	s0 =	sadd.s32 @!p0 $0x100000, s0;
	[bflag:$0x2] =	sbarrier.arrive $0xFFFF  }
0xac: {  	[sflag:s0] =	ssyncadd.tile.s32 @!p0 $0x1;
	_ =	shalt  }
.Lfunc_end2:
_tile_overlayer_lowered:
.L_overlay_start_2:
0xad: {  	(tag) =	ssettag $0x2  }
0xae: {  	s0 =	rddreg [dreg:$0x0];
	s2 =	stileid.u32  }
0xaf: {  	s1 =	rddreg [dreg:$0x1];
	p0 =	sne.s32 s2, $0x0  }
0xb0: {  	s3 =	rddreg [dreg:$0x2];
	[bflag:$0x3] =	sbarrier.arrive $0xFFFF;
	s2 =	simm.s32 @!p0 $0x1C02  }
0xb1: {  	[timem:s3], [sflag:s2] =	dma.local @!p0 [hbm:s0], s1  }
0xb2: {  	s0 =	simm.s32 @!p0 $0x2  }
0xb3: {  	_ =	swait.ge @!p0 [sflag:s0], s1  }
0xb4: {  	s1 =	ssub.s32 @!p0 $0x0, s1;
	[sflag:s0] =	ssyncset.done @!p0 $0x0  }
0xb5: {  	[sflag:s0] =	ssyncadd.s32 @!p0 s1  }
0xb6: {  	[bflag:$0x3] =	sbarrier.arrive $0xFFFF  }
0xb7: {  	_ =	shalt  }

// kernel: kernel.37.cloned.1.call-start
scs
__scs_entry_jumppad:
0x0: {  	(pc) =	sbr.rel $0x88, $3  }
0x1: {  	(tag) =	ssettag $0x0;
	lr =	simm.s32 $0x1  }
0x2: {  	[smem:$0x3F12] =	sst lr;
	_ =	strace $0xD0000000  }
0x3: {  	_ = 	snop  }
0x4: {  	_ = 	snop  }
0x5: {  	_ = 	snop  }
0x6: {  	_ = 	snop  }
0x7: {  	_ = 	snop  }
__scs_overlays_trampoline_lowered:
0x8: {  	[smem:$0x3F21] =	sst s0  }
0x9: {  	[smem:$0x3F22] =	sst s1  }
0xa: {  	[smem:$0x3F23] =	sst s2  }
0xb: {  	[smem:$0x3F24] =	sst s3  }
0xc: {  	[smem:$0x3F25] =	sst s4  }
0xd: {  	[smem:$0x3F26] =	sst s5  }
0xe: {  	[smem:$0x3F27] =	sst s6  }
0xf: {  	[smem:$0x3F28] =	sst s7  }
0x10: {  	[smem:$0x3F29] =	sst s8  }
0x11: {  	[smem:$0x3F2A] =	sst s9;
	s0 =	simm.s32 @!p0 $0x0  }
0x12: {  	s1 =	sld [smem:$0x3F10];
	s0 =	simm.s32 @p0 $0x1  }
0x13: {  	[smem:$0x3F2B] =	sst s0;
	s0 =	simm.s32 @!p1 $0x0  }
0x14: {  	s2 =	sld [smem:$0x3F0F];
	s0 =	simm.s32 @p1 $0x1  }
0x15: {  	[smem:$0x3F2C] =	sst s0;
	s0 =	simm.s32 @!p2 $0x0  }
0x16: {  	s3 =	sld [smem:$0x3FDB];
	s0 =	simm.s32 @p2 $0x1  }
0x17: {  	s4 =	simm.s32 $0x1BF5;
	[smem:$0x3F2E] =	sst s0  }
0x18: {  	s0 =	sld [smem:$0x3F11];
	_ =	swait.ge [sflag:s4], $0x0  }
0x19: {  	s7 =	sld [smem:$0x3F12]  }
0x1a: {  	s8 =	sadd.s32 $0xFFFFE003, lr  }
0x1b: {  	s9 =	sadd.s32 $0xFFFFFEF7, lr;
	s5 =	simm.s32 $0xFFFFFFFF;
	p2 =	slt.u32 s8, $0xFFFFF086  }
0x1c: {  	p1 =	slt.u32 s9, $0xF7A;
	s5 =	simm.s32 @!p2 $0x0  }
0x1d: {  	s5 =	simm.s32 @p1 $0x1;
	p0 =	seq.s32 s7, s2  }
0x1e: {  	s7 =	smul.u32 @!p0 $0xF7A, s2;
	p2 =	seq.s32 @!p0 s5, $0x0  }
0x1f: {  	s9 =	smul.u32 $0xF7A, s1;
	s8 =	simm.s32 @!p0 $0x1BF5;
	p2 =	por !p2, p0  }
0x20: {  	[sflag:s8] =	ssyncset.s32 @!p0 $0xFFFFF086;
	s6 =	sadd.s32 @!p0 s3, s7;
	s7 =	simm.s32 @!p0 $0x108  }
0x21: {  	s3 =	sadd.s32 s3, s9;
	s6 =	sadd.s32 @!p0 $0x88, s6;
	s7 =	simm.s32 @p2 $0x1082  }
0x22: {  	[simem:s7], [sflag:s8] =	dma.local @!p0 [hbm:s6], $0xF7A  }
0x23: {  	s9 =	sor.u32 $0xD0000000, s2;
	s6 =	simm.s32 $0x108;
	_ =	swait.ge @!p0 [sflag:s8], $0x0  }
0x24: {  	s3 =	sadd.s32 $0x88, s3;
	s6 =	simm.s32 @!p1 $0x1082;
	[sflag:s4] =	ssyncset.s32 $0xFFFFF086  }
0x25: {  	[simem:s6], [sflag:s4] =	dma.local [hbm:s3], $0xF7A  }
0x26: {  	[smem:$0x3F12] =	sst s1;
	(tag) =	ssettag s2;
	_ =	strace s9  }
0x27: {  	s1 =	sld [smem:$0x3F22]  }
0x28: {  	s2 =	sld [smem:$0x3F23]  }
0x29: {  	s4 =	sld [smem:$0x3F25]  }
0x2a: {  	p0 =	seq.s32 s5, $0x0;
	s5 =	sld [smem:$0x3F26]  }
0x2b: {  	s6 =	sld [smem:$0x3F27]  }
0x2c: {  	s7 =	sld [smem:$0x3F28]  }
0x2d: {  	s3 =	simm.s32 $0x108;
	s8 =	sld [smem:$0x3F29]  }
0x2e: {  	s3 =	simm.s32 @!p0 $0x1082;
	s9 =	sld [smem:$0x3F2A]  }
0x2f: {  	lr =	sadd.s32 s0, s3;
	s0 =	sld [smem:$0x3F21]  }
0x30: {  	s3 =	sld [smem:$0x3F24]  }
0x31: {  	[smem:$0x3F2D] =	sst s10  }
0x32: {  	s10 =	sld [smem:$0x3F2B];
	_ =	sdelay $0x3  }
0x33: {  	p0 =	seq.s32 s10, $0x1;
	s10 =	sld [smem:$0x3F2D];
	_ =	sdelay $0x3  }
0x34: {  	[smem:$0x3F2D] =	sst s10  }
0x35: {  	s10 =	sld [smem:$0x3F2C];
	_ =	sdelay $0x3  }
0x36: {  	p1 =	seq.s32 s10, $0x1;
	s10 =	sld [smem:$0x3F2D];
	_ =	sdelay $0x3  }
0x37: {  	[smem:$0x3F2D] =	sst s10  }
0x38: {  	s10 =	sld [smem:$0x3F2E]  }
0x39: {  	_ = 	snop;
	(pc) =	sbr.ind lr, $3  }
0x3a: {  	_ = 	snop  }
0x3b: {  	_ = 	snop  }
0x3c: {  	p2 =	seq.s32 s10, $0x1;
	s10 =	sld [smem:$0x3F2D]  }
0x3d: {  	_ =	shalt  }
0x3e: {  	_ =	shalt  }
0x3f: {  	_ =	shalt  }
0x40: {  	_ =	shalt  }
0x41: {  	_ =	shalt  }
0x42: {  	_ =	shalt  }
0x43: {  	_ =	shalt  }
0x44: {  	_ =	shalt  }
0x45: {  	_ =	shalt  }
0x46: {  	_ =	shalt  }
0x47: {  	_ =	shalt  }
0x48: {  	_ =	shalt  }
0x49: {  	_ =	shalt  }
0x4a: {  	_ =	shalt  }
0x4b: {  	_ =	shalt  }
0x4c: {  	_ =	shalt  }
0x4d: {  	_ =	shalt  }
0x4e: {  	_ =	shalt  }
0x4f: {  	_ =	shalt  }
0x50: {  	_ =	shalt  }
0x51: {  	_ =	shalt  }
0x52: {  	_ =	shalt  }
0x53: {  	_ =	shalt  }
0x54: {  	_ =	shalt  }
0x55: {  	_ =	shalt  }
0x56: {  	_ =	shalt  }
0x57: {  	_ =	shalt  }
0x58: {  	_ =	shalt  }
0x59: {  	_ =	shalt  }
0x5a: {  	_ =	shalt  }
0x5b: {  	_ =	shalt  }
0x5c: {  	_ =	shalt  }
0x5d: {  	_ =	shalt  }
0x5e: {  	_ =	shalt  }
0x5f: {  	_ =	shalt  }
0x60: {  	_ =	shalt  }
0x61: {  	_ =	shalt  }
0x62: {  	_ =	shalt  }
0x63: {  	_ =	shalt  }
0x64: {  	_ =	shalt  }
0x65: {  	_ =	shalt  }
0x66: {  	_ =	shalt  }
0x67: {  	_ =	shalt  }
0x68: {  	_ =	shalt  }
0x69: {  	_ =	shalt  }
0x6a: {  	_ =	shalt  }
0x6b: {  	_ =	shalt  }
0x6c: {  	_ =	shalt  }
0x6d: {  	_ =	shalt  }
0x6e: {  	_ =	shalt  }
0x6f: {  	_ =	shalt  }
0x70: {  	_ =	shalt  }
0x71: {  	_ =	shalt  }
0x72: {  	_ =	shalt  }
0x73: {  	_ =	shalt  }
0x74: {  	_ =	shalt  }
0x75: {  	_ =	shalt  }
0x76: {  	_ =	shalt  }
0x77: {  	_ =	shalt  }
0x78: {  	_ =	shalt  }
0x79: {  	_ =	shalt  }
0x7a: {  	_ =	shalt  }
0x7b: {  	_ =	shalt  }
0x7c: {  	_ =	shalt  }
0x7d: {  	_ =	shalt  }
0x7e: {  	_ =	shalt  }
0x7f: {  	_ =	shalt  }
0x80: {  	_ =	shalt  }
0x81: {  	_ =	shalt  }
0x82: {  	_ =	shalt  }
0x83: {  	_ =	shalt  }
0x84: {  	_ =	shalt  }
0x85: {  	_ =	shalt  }
0x86: {  	_ =	shalt  }
0x87: {  	_ =	shalt  }
.Lfunc_end0:
.L_simem_size_0:
called_computation.5_lowered:
.L_overlay_start_0:
0x88: {  	s2 =	sld [smem:$0x3FD9]  }
0x89: {  	s3 =	sld [smem:$0x3FFE];
	_ =	sdelay $0x1  }
0x8a: {  	s1 =	srdreg.scid  }
0x8b: {  	s0 =	sand.u32 $0x1, s1  }
0x8c: {  	s17 =	sshll.u32 s0, $0xA;
	s2 =	sadd.s32 s3, s2  }
0x8d: {  	s2 =	sadd.s32 s2, s17  }
0x8e: {  	[smem:$0x3F39] =	sst s2  }
0x8f: {  	_ = 	snop  }
0x90: {  	(tm) =	ssettm $0x1  }
0x91: {  	s18 =	sld [smem:$0x3FFB];
	_ =	sdelay $0x3  }
0x92: {  	_ =	strace s18  }
0x93: {  	s2 =	sld [smem:$0x3FFC];
	_ =	sdelay $0x3  }
0x94: {  	_ =	strace s2  }
0x95: {  	s2 =	sld [smem:$0x3FFD];
	_ =	sdelay $0x3  }
0x96: {  	_ =	strace s2  }
0x97: {  	_ =	strace $0x8FFFFFFF  }
0x98: {  	s19 =	sld [smem:$0x3FDB];
	_ =	sdelay $0x1  }
0x99: {  	s20 =	simm.s32 $_scs_section_size  }
0x9a: {  	s4 =	simm.s32 $_size__tile_overlayer_lowered;
	s5 =	simm.s32 $_tile_overlayer_lowered  }
0x9b: {  	s6 =	simm.s32 $0x1BFF;
	s21 =	sshll.u32 s5, $0x1;
	s3 =	sadd.s32 s20, s19  }
0x9c: {  	s22 =	simm.s32 $0x0;
	s4 =	sshll.u32 s4, $0x1;
	s5 =	sadd.s32 s21, s3  }
0x9d: {  	[timem:s22], [sflag:s6] =	dma.local [hbm:s5], s4  }
0x9e: {  	_ =	swait.ge [sflag:s6], s4  }
0x9f: {  	s4 =	ssub.s32 $0x0, s4;
	[sflag:s6] =	ssyncset.done $0x0  }
0xa0: {  	[sflag:s6] =	ssyncadd.s32 s4;
	_ =	sdelay $0x1  }
0xa1: {  	s23 =	simm.s32 $0x1B8B  }
0xa2: {  	_ =	swait.ge [sflag:s23], $0x1  }
0xa3: {  	[sflag:s23] =	ssyncset.done $0x0  }
0xa4: {  	[sflag:s23] =	ssyncadd.s32 $0xFFFFFFFF  }
0xa5: {  	s4 =	sld [smem:$0x0]  }
0xa6: {  	s5 =	sand.u32 $0xFFFFFFFE, s1  }
0xa7: {  	p0 =	sne.s32 s1, s5  }
0xa8: {  	s5 =	sshll.u32 @p0 s5, $0xE  }
0xa9: {  	s5 =	sadd.s32 @p0 $0x11B8D, s5;
	s6 =	sshll.u32 @p0 s4, $0x11  }
0xaa: {  	s5 =	sor.u32 @p0 s6, s5  }
0xab: {  	[sflag:s5] =	ssyncadd.remote.s32 @p0 $0x1;
	_ =	sdelay $0x1  }
0xac: {  	s5 =	simm.s32 @p0 $0x1B8D  }
0xad: {  	_ =	swait.eq @p0 [sflag:s5], $0x1  }
0xae: {  	[sflag:s5] =	ssyncadd.s32 @p0 $0xFFFFFFFF  }
0xaf: {  	s6 =	sshll.u32 @!p0 s1, $0xE  }
0xb0: {  	s6 =	sor.u32 @!p0 $0x4000, s6;
	s5 =	simm.s32 @!p0 $0x1B8D  }
0xb1: {  	s4 =	sshll.u32 @!p0 s4, $0x11;
	s6 =	sadd.s32 @!p0 $0x11B8D, s6;
	_ =	swait.eq @!p0 [sflag:s5], $0x1  }
0xb2: {  	s4 =	sor.u32 @!p0 s4, s6;
	[sflag:s5] =	ssyncadd.s32 @!p0 $0xFFFFFFFF  }
0xb3: {  	s25 =	simm.s32 $0x1B8E;
	s24 =	sld [smem:$0x3FFE];
	[sflag:s4] =	ssyncadd.remote.s32 @!p0 $0x1  }
0xb4: {  	s26 =	simm.s32 $execute0_lowered;
	[smem:$0x3FD2] =	sst s25  }
0xb5: {  	s5 =	sshll.u32 s26, $0x1;
	_ =	strace $0x80000055;
	[dreg:$0x1] =	wrdreg $0xFFFFFFFF  }
0xb6: {  	s28 =	simm.s32 $_size_execute0_lowered;
	s3 =	sadd.s32 s3, s5;
	[dreg:$0x0] =	wrdreg $0x0  }
0xb7: {  	s5 =	sshll.u32 s28, $0x1;
	[dreg:$0x2] =	wrdreg s3  }
0xb8: {  	[dreg:$0x3] =	wrdreg s5  }
0xb9: {  	[dreg:$0x4] =	wrdreg $0xC0  }
0xba: {  	_ =	task [dreg:s22], $0x5FFFF  }
0xbb: {  	[dreg:$0x1] =	wrdreg $0xFFFFFFFF  }
0xbc: {  	[dreg:$0x0] =	wrdreg $0x60  }
0xbd: {  	[dreg:$0x2] =	wrdreg s24  }
0xbe: {  	[dreg:$0x3] =	wrdreg $0xB  }
0xbf: {  	_ =	task.clear_ibuf [dreg:s22], $0x4FFFF;
	_ =	strace $0x90000055  }
0xc0: {  	s29 =	simm.s32 $0xB;
	_ =	strace $0x80000057  }
0xc1: {  	_ =	swait.ge [sflag:s29], $0x1  }
0xc2: {  	[sflag:s29] =	ssyncadd.s32 $0xFFFFFFFF  }
0xc3: {  	_ =	strace $0x90000057  }
0xc4: {  	_ =	sfence  }
0xc5: {  	s30 =	sld [smem:$0x0];
	_ =	sdelay $0x2  }
0xc6: {  	s31 =	sshll.u32 s1, $0xD;
	s1 =	sshrl.u32 s1, $0x2  }
0xc7: {  	s4 =	sand.u32 $0x4000, s31;
	s1 =	sadd.s32 s1, s30  }
0xc8: {  	s0 =	sor.u32 s4, s0;
	s1 =	sshll.u32 s1, $0x11  }
0xc9: {  	s0 =	sor.u32 s1, s0  }
0xca: {  	s0 =	sadd.s32 $0x8F2B, s0  }
0xcb: {  	[sflag:s0] =	ssyncadd.remote.s32 $0x1  }
0xcc: {  	_ =	sfence.sel $0xFFFF  }
0xcd: {  	[dreg:$0x0] =	wrdreg $0xFFFFFFFF;
	(pc) =	sbr.abs _section_cstart, $3  }
0xce: {  	[dreg:$0x1] =	wrdreg $0xFFFFFFFF  }
0xcf: {  	_ =	task.clear_ibuf [dreg:s22], $0x2FFFF;
	_ =	strace $0x9FFFFFFF  }
0xd0: {  	(tm) =	ssettm $0x7FFFFFFF  }
0xd1: {  	_ =	shalt  }
tec
execute0_lowered:
.L_overlay_start_1:
0x0: {  	(tag) =	ssettag $0x1  }
0x1: {  	s2 =	rddreg [dreg:$0x0]  }
0x2: {  	s0 =	rddreg [dreg:$0x1];
	s1 =	simm.s32 $0x0;
	s3 =	srdreg.scid  }
0x3: {  	s12 =	simm.s32 $0x80;
	s13 =	simm.s32 $0x300;
	s14 =	simm.s32 $0x380  }
0x4: {  	s15 =	simm.s32 $0x1;
	s16 =	simm.s32 $0x0;
	[smem:$0x7FF] =	sst s1  }
0x5: {  	s6 =	sand.u32 $0x1, s3;
	s3 =	sadd.s32 $0xC36E00, s2;
	s4 =	sadd.s32 $0x46E00, s2  }
0x6: {  	s5 =	sadd.s32 $0x1D6E00, s2;
	s2 =	stileid.u32;
	_ =	strace $0x80000056  }
0x7: {  	v0 =	vlaneseq.u32;
	s7 =	ssub.s32 $0x2, s6;
	s9 =	sshll.u32 s2, $0x6;
	s6 =	sshll.u32 s6, $0x5  }
0x8: {  	v1 =	vimm.s32 $0x0;
	v2 =	vor.u32 $0x80000000, v0;
	v3 =	vor.u32 $0x10, v0;
	s10 =	sshll.u32 s2, $0x8;
	s8 =	sshrl.u32 s7, $0x1;
	s6 =	sor.u32 s6, s9  }
0x9: {  	v4 =	vor.u32 $0x20, v0;
	v5 =	vor.u32 $0x30, v0;
	v6 =	vor.u32 $0x40, v0;
	s11 =	ssub.s32 s7, s8;
	s7 =	sand.u32 $0xE00, s10;
	s8 =	sor.u32 $0x1FF, s10  }
0xa: {  	v7 =	vor.u32 $0x50, v0;
	v8 =	vor.u32 $0x60, v0;
	v9 =	vor.u32 $0x70, v0;
	s10 =	simm.s32 $0x2;
	s9 =	smax.u32 s11, $0x1;
	s11 =	simm.s32 $0x200  }
.LBB2_1:
0xb: {  	s17 =	simm.s32 $0x0  }
.LBB2_2:
0xc: {  	s18 =	sadd.s32 s6, s17  }
0xd: {  	s19 =	sshll.u32 s18, $0x6  }
0xe: {  	s20 =	sadd.s32 s3, s19;
	s19 =	simm.s32 $0x0  }
0xf: {  	[tilespmem:s19], [sflag:$0x2] =	stream.linear.gather [hbm4b:s20+s19], $0x200, $0x38;
	[tilespmem:$0x4380] =	vst v63  }
0x10: {  	_ =	swait.ge [sflag:s10], $0x200  }
0x11: {  	[sflag:s10] =	ssyncset.done $0x0  }
0x12: {  	s31 =	simm.s32 $0x0;
	[sflag:s10] =	ssyncadd.s32 $0xFFFFFE00  }
0x13: {  	v10 =	vld [tilespmem:s31+$0x0];
	_ =	sdelay $0x4  }
0x14: {  	vm0 =	vle.f32 v10, $6.399999860e-01  }
0x15: {  	v10 =	vsel vm0, $0x1, v1  }
0x16: {  	(xrf0) =	vadd.scan.msk.s32 $0xffff, v10;
	v10 =	vor.u32 s7, v2  }
0x17: {  	v10 =	vnsel vm0, $0xC0000000, v10  }
0x18: {  	(xrf0) =	vmin.scan.msk.u32 $0xffff, v10  }
0x19: {  	v11 =	vmov s19  }
0x1a: {  	v11 =	vadd.s32 $0xFFFFFFFF, v11;
	_ =	sdelay $0x1  }
0x1b: {  	v10 =	vbroadcast v11, $0x0  }
0x1c: {  	v11, _, _ =	vpop (xrf0)  }
0x1d: {  	v10 =	vadd.s32 v11, v10;
	(v2sf) =	vpush v11, $0xF;
	v12, _, _ =	vpop (xrf0)  }
0x1e: {  	vm1 =	vgt.s32 v10, $0x0;
	(v2sf) =	vpush v12, $0xF  }
0x1f: {  	vm2 =	vlt.s32 v10, $0x80;
	v10 =	vnsel vm1, $0x0, v10  }
0x20: {  	vm0 =	vmand vm0, vm2;
	v10 =	vmin.u32 v10, $0x7F  }
0x21: {  	v10 =	vnsel vm0, $0x0, v10  }
0x22: {  	s22 =	simm.s32 $0x40  }
0x23: {  	s23 =	simm.s32 $0x80;
	s21 =	smov.u32 s7;
	s20 =	simm.s32 $0x40000000  }
.LBB2_3:
0x24: {  	s24 =	smov.u32 s20  }
0x25: {  	p0 =	sne.s32 s23, $0x7C0;
	v11 =	vor.u32 s21, v0  }
0x26: {  	s20 =	sshra.s32 s22, $0x2;
	s22 =	smov.u32 s23;
	[tilespmem:v10+s11+$0x0] =	vst.idx.msk vm0, v11  }
0x27: {  	v10 =	vld [tilespmem:s20+$0x0];
	_ =	sdelay $0x3  }
0x28: {  	s21 =	sadd.s32 $0x10, s21  }
0x29: {  	vm0 =	vle.f32 v10, $6.399999860e-01;
	v10 =	vor.u32 s21, v2;
	s20 =	spop (v2sf)  }
0x2a: {  	v11 =	vsel vm0, $0x1, v1;
	v10 =	vnsel vm0, $0xC0000000, v10;
	s19 =	sadd.s32 s19, s20;
	s20 =	spop (v2sf)  }
0x2b: {  	v12 =	vmov s19;
	(xrf0) =	vadd.scan.msk.s32 $0xffff, v11;
	s20 =	sxor.u32 $0x80000000, s20  }
0x2c: {  	v11 =	vadd.s32 $0xFFFFFFFF, v12;
	(xrf0) =	vmin.scan.msk.u32 $0xffff, v10;
	p1 =	slt.s32 s24, s20  }
0x2d: {  	v10 =	vbroadcast v11, $0x0;
	s20 =	smov.u32 @p1 s24;
	_ =	sdelay $0x3  }
0x2e: {  	v11, _, _ =	vpop (xrf0)  }
0x2f: {  	v10 =	vadd.s32 v11, v10;
	v12, _, _ =	vpop (xrf0);
	(v2sf) =	vpush v11, $0xF  }
0x30: {  	vm1 =	vlt.s32 v10, $0x80;
	vm2 =	vgt.s32 v10, $0x0;
	(v2sf) =	vpush v12, $0xF  }
0x31: {  	vm0 =	vmand vm0, vm1;
	v10 =	vnsel vm2, $0x0, v10  }
.Ltmp0:
0x32: {  	v10 =	vmin.u32 v10, $0x7F;
	(pc) =	sbr.rel @p0 .LBB2_3-.Ltmp0, $2  }
0x33: {  	v10 =	vnsel vm0, $0x0, v10;
	_ =	sdelay $0x2  }
0x34: {  	s23 =	sadd.s32 $0x40, s23  }
0x35: {  	_ =	sdelay $0x3  }
0x36: {  	v11 =	vor.u32 s21, v0  }
0x37: {  	s22 =	sshra.s32 s22, $0x2;
	[tilespmem:v10+s11+$0x0] =	vst.idx.msk vm0, v11  }
0x38: {  	v10 =	vld [tilespmem:s22+$0x0];
	_ =	sdelay $0x4  }
0x39: {  	s26 =	sadd.s32 $0x10, s21;
	vm7 =	vle.f32 v10, $6.399999860e-01  }
0x3a: {  	v10 =	vor.u32 s26, v2;
	v11 =	vsel vm7, $0x1, v1  }
0x3b: {  	v10 =	vnsel vm7, $0xC0000000, v10;
	(xrf0) =	vadd.scan.msk.s32 $0xffff, v11  }
0x3c: {  	(xrf0) =	vmin.scan.msk.u32 $0xffff, v10;
	_ =	sdelay $0x4  }
0x3d: {  	v10, _, _ =	vpop (xrf0)  }
0x3e: {  	v11, _, _ =	vpop (xrf0);
	(v2sf) =	vpush v10, $0xF  }
0x3f: {  	(v2sf) =	vpush v11, $0xF  }
0x40: {  	s28 =	spop (v2sf)  }
0x41: {  	s19 =	sadd.s32 s19, s28  }
0x42: {  	v11 =	vmov s19  }
0x43: {  	v11 =	vadd.s32 $0xFFFFFFFF, v11  }
0x44: {  	v11 =	vbroadcast v11, $0x0;
	_ =	sdelay $0x1  }
0x45: {  	v10 =	vadd.s32 v10, v11  }
0x46: {  	vm1 =	vgt.s32 v10, $0x0  }
0x47: {  	vm2 =	vlt.s32 v10, $0x80;
	v10 =	vnsel vm1, $0x0, v10  }
0x48: {  	vm0 =	vmand vm7, vm2;
	v10 =	vmin.u32 v10, $0x7F  }
0x49: {  	v10 =	vnsel vm0, $0x0, v10;
	_ =	sdelay $0x1  }
0x4a: {  	s29 =	spop (v2sf)  }
0x4b: {  	s22 =	sxor.u32 $0x80000000, s29;
	s23 =	spop (v2sf)  }
0x4c: {  	p0 =	slt.s32 s20, s22;
	v11 =	vor.u32 s26, v0;
	s30 =	spop (v2sf)  }
0x4d: {  	s22 =	smov.u32 @p0 s20;
	[tilespmem:v10+s11+$0x0] =	vst.idx.msk vm0, v11;
	s19 =	sadd.s32 s19, s23;
	s20 =	sxor.u32 $0x80000000, s30  }
0x4e: {  	v10 =	vld [tilespmem:$0x200];
	p1 =	sgt.s32 s19, $0x0;
	p0 =	slt.s32 s22, s20  }
0x4f: {  	v11 =	vld [tilespmem:$0x210];
	s19 =	simm.s32 @!p1 $0x0;
	s20 =	smov.u32 @p0 s22  }
0x50: {  	v12 =	vld [tilespmem:$0x220];
	s19 =	smin.u32 s19, $0x80;
	p0 =	sgt.s32 s7, s20  }
0x51: {  	v14 =	vld [tilespmem:$0x230];
	v13 =	vmov s19;
	s20 =	smov.u32 @p0 s7  }
0x52: {  	v15 =	vld [tilespmem:$0x240];
	vm8 =	vgt.u32 v13, v0;
	s31 =	smin.u32 s8, s20  }
0x53: {  	v16 =	vld [tilespmem:$0x250];
	vm9 =	vgt.u32 v13, v3;
	v10 =	vnsel vm8, s31, v10  }
0x54: {  	vm10 =	vgt.u32 v13, v4;
	[tilespmem:$0x300] =	vst v10;
	v10 =	vnsel vm9, s31, v11;
	v11 =	vld [tilespmem:$0x260]  }
0x55: {  	v63 =	vld [tilespmem:$0x270];
	vm11 =	vgt.u32 v13, v5;
	[tilespmem:$0x310] =	vst v10;
	v10 =	vnsel vm10, s31, v12  }
0x56: {  	vm12 =	vgt.u32 v13, v6;
	[tilespmem:$0x320] =	vst v10;
	v10 =	vnsel vm11, s31, v14  }
0x57: {  	vm13 =	vgt.u32 v13, v7;
	[tilespmem:$0x330] =	vst v10;
	v10 =	vnsel vm12, s31, v15  }
0x58: {  	vm14 =	vgt.u32 v13, v8;
	[tilespmem:$0x340] =	vst v10;
	v10 =	vnsel vm13, s31, v16  }
0x59: {  	vm15 =	vgt.u32 v13, v9;
	[tilespmem:$0x350] =	vst v10;
	v10 =	vnsel vm14, s31, v11  }
0x5a: {  	[tilespmem:$0x360] =	vst v10;
	v10 =	vnsel vm15, s31, v63  }
0x5b: {  	[tilespmem:$0x370] =	vst v10  }
0x5c: {  	[tilespmem:s14], [sflag:$0x1] =	stream.indirect.gather [hbm4b:s4+s12], $0x80, s13, s12, $0xb8;
	[tilespmem:$0x4380] =	vst v63  }
0x5d: {  	s17 =	sadd.s32 $0x1, s17;
	_ =	swait.ge [sflag:s15], $0x4000  }
0x5e: {  	s18 =	sshll.u32 s18, $0xB;
	p0 =	sne.s32 s17, $0x20;
	[sflag:s15] =	ssyncset.done $0x0  }
.Ltmp1:
0x5f: {  	s18 =	sadd.s32 s5, s18;
	[sflag:s15] =	ssyncadd.s32 $0xFFFFC000;
	(pc) =	sbr.rel @p0 .LBB2_2-.Ltmp1, $4  }
0x60: {  	[hbm4b:s18+s1] =	stream.linear.scatter [tilespmem:s14], [sflag:$0x2], $0x4000, $0x38;
	[tilespmem:$0x4380] =	vst v63  }
0x61: {  	_ =	swait.ge [sflag:s10], $0x4000  }
0x62: {  	[sflag:s10] =	ssyncset.done $0x0  }
0x63: {  	[sflag:s10] =	ssyncadd.s32 $0xFFFFC000  }
0x64: {  	s16 =	sadd.s32 $0x1, s16  }
0x65: {  	p0 =	sne.s32 s16, s9  }
.Ltmp2:
0x66: {  	_ = 	snop;
	(pc) =	sbr.rel @p0 .LBB2_1-.Ltmp2, $1  }
0x67: {  	_ =	sdelay $0x3  }
0x68: {  	_ =	sfence.sel $0x180000  }
0x69: {  	[bflag:$0x0] =	sbarrier.arrive $0xFFFF  }
0x6a: {  	p0 =	sne.s32 s2, $0x0;
	_ =	strace $0x90000056  }
0x6b: {  	s0 =	sadd.s32 @!p0 $0x100000, s0;
	[bflag:$0x2] =	sbarrier.arrive $0xFFFF  }
0x6c: {  	[sflag:s0] =	ssyncadd.tile.s32 @!p0 $0x1;
	_ =	shalt  }
.Lfunc_end2:
_tile_overlayer_lowered:
.L_overlay_start_2:
0x6d: {  	(tag) =	ssettag $0x2  }
0x6e: {  	s0 =	rddreg [dreg:$0x0];
	s2 =	stileid.u32  }
0x6f: {  	s1 =	rddreg [dreg:$0x1];
	p0 =	sne.s32 s2, $0x0  }
0x70: {  	s3 =	rddreg [dreg:$0x2];
	[bflag:$0x3] =	sbarrier.arrive $0xFFFF;
	s2 =	simm.s32 @!p0 $0x1C02  }
0x71: {  	[timem:s3], [sflag:s2] =	dma.local @!p0 [hbm:s0], s1  }
0x72: {  	s0 =	simm.s32 @!p0 $0x2  }
0x73: {  	_ =	swait.ge @!p0 [sflag:s0], s1  }
0x74: {  	s1 =	ssub.s32 @!p0 $0x0, s1;
	[sflag:s0] =	ssyncset.done @!p0 $0x0  }
0x75: {  	[sflag:s0] =	ssyncadd.s32 @!p0 s1  }
0x76: {  	[bflag:$0x3] =	sbarrier.arrive $0xFFFF  }
0x77: {  	_ =	shalt  }

</sc_bundles>
